<compile_context>
chip_gen: v7x
topology: tpu7x:2x2x1
jax: 0.10.2.dev20260603
libtpu: 0.0.44.dev20260713+nightly
codegen_flags: <defaults>
</compile_context>

<pallas_src>
import functools

import jax
import jax.numpy as jnp
from jax.experimental import pallas as pl
from jax.experimental.pallas import tpu as pltpu
from jax.experimental.pallas import tpu_sc as plsc

B, T, D = 4, 128, 512
BS = 16
NBLK = T // BS
_F32 = jnp.float32
_NEG_INF = float("-inf")
_CONTRACT_LAST = (((1,), (1,)), ((), ()))
_CONTRACT_NATIVE = (((1,), (0,)), ((), ()))


def _dot(a, b, dims):
    return jax.lax.dot_general(a, b, dims, preferred_element_type=_F32)



_SC_CACHE = {}


def _lstar_sc(miT3):
    key = miT3.shape
    if key not in _SC_CACHE:
        info = plsc.get_sparse_core_info()
        nw = info.num_cores * info.num_subcores
        lanes = info.num_lanes
        rpw = (T * B) // nw
        assert rpw == lanes and miT3.shape == (nw, rpw * T)
        mesh = plsc.VectorSubcoreMesh(core_axis_name="c", subcore_axis_name="s")

        @functools.partial(
            pl.kernel, mesh=mesh,
            out_type=jax.ShapeDtypeStruct((T * B,), _F32),
            scratch_types=[
                pltpu.VMEM((rpw * T,), jnp.int32),
                pltpu.VMEM((rpw,), jnp.int32),
                pltpu.VMEM((rpw,), _F32),
            ],
        )
        def lstar_kernel(mi_hbm, tv_hbm, out_hbm, buf_v, tv_v, res_v):
            wid = jax.lax.axis_index("s") * info.num_cores \
                + jax.lax.axis_index("c")
            base = wid * rpw
            pltpu.sync_copy(mi_hbm.at[wid], buf_v)
            pltpu.sync_copy(tv_hbm.at[pl.ds(base, rpw)], tv_v)
            tvec = tv_v[:]
            one = jax.lax.broadcasted_iota(jnp.int32, (lanes,), 0) * 0 + 1
            neg1 = one * 0 - 1

            def body(g, carry):
                acc, pv = carry
                for u in range(4):
                    v = buf_v[pl.ds((g * 4 + u) * lanes, lanes)]
                    cond = (v == one) & (tvec > pv)
                    acc = jnp.maximum(acc, jnp.where(cond, pv, neg1))
                    pv = pv + one
                return (acc, pv)

            acc, _ = jax.lax.fori_loop(0, T // 4, body, (neg1, one * 0))
            res_v[:] = acc.astype(_F32)
            pltpu.sync_copy(res_v, out_hbm.at[pl.ds(base, rpw)])

        _SC_CACHE[key] = lstar_kernel

    tvall = (jnp.arange(T * B, dtype=jnp.int32) // B)
    return _SC_CACHE[key](miT3, tvall)



def _sse_body(x_ref, ls_ref, mi0_ref, um_ref, wit_ref, bit_ref, wq_ref,
              bq_ref, wa_ref, wo_ref, bo_ref, out_ref,
              v_ref, ft_in_ref, qw_in_ref, upre_ref, stat_ref):
    x = x_ref[:]
    feat = jnp.maximum(_dot(x, wit_ref[:], _CONTRACT_LAST) + bit_ref[:], 0.0)
    ft_in_ref[:] = feat
    q = _dot(feat, wq_ref[:], _CONTRACT_LAST) + bq_ref[:]
    qw_in_ref[:] = q * wa_ref[:]

    lane = jax.lax.broadcasted_iota(jnp.int32, (1, T), 1)
    sub = jax.lax.broadcasted_iota(jnp.int32, (T * B, 1), 0)
    tid = sub // B
    bcol = sub % B

    mi4 = mi0_ref[0:B, :]
    c = (mi4 != mi4[:, 0:1]) & (lane >= 1)
    kidx4 = jnp.min(jnp.where(c, lane, 2 * T), axis=1, keepdims=True)
    sel = tid < 0
    for b in range(B):
        sel = sel | ((bcol == b) & ((tid == 0) | (tid == kidx4[b:b + 1])))
    v_ref[:] = jnp.where(sel, feat, 0.0)

    alive = jnp.ones((B, 1), _F32)
    lane_blk = jax.lax.broadcasted_iota(jnp.int32, (1, BS * B), 1)
    brow4 = jax.lax.broadcasted_iota(jnp.int32, (B, 1), 0)

    def cat4(ref, base):
        return jnp.concatenate(
            [ref[pl.ds(base + i, 1), :] for i in range(B)], axis=0)

    vprev = cat4(v_ref, 0)

    for k in range(NBLK):
        j0 = k * BS
        r0 = j0 * B
        lo = max(j0, 1)

        lstar = ls_ref[r0:r0 + BS * B, :]
        if j0 == 0:
            stat_ref[:] = jnp.concatenate(
                [lstar, jnp.full((BS * B, 1), _NEG_INF),
                 jnp.zeros((BS * B, 1), _F32)], axis=1)
            upre_ref[:] = jnp.zeros((BS * B, D), _F32)
        else:
            vpre = v_ref[0:r0, :]
            qw_blk = qw_in_ref[r0:r0 + BS * B, :]
            s_pre = _dot(qw_blk, vpre, _CONTRACT_LAST)
            lane_pre = jax.lax.broadcasted_iota(jnp.int32, (1, r0), 1)
            wpre = ((lane_pre % B == bcol[r0:r0 + BS * B, :])
                    & ((lane_pre // B).astype(_F32) >= lstar))
            m_pre = jnp.max(jnp.where(wpre, s_pre, _NEG_INF), axis=1,
                            keepdims=True)
            e_pre = jnp.where(wpre, jnp.exp(s_pre - m_pre), 0.0)
            stat_ref[:] = jnp.concatenate(
                [lstar, m_pre,
                 jnp.sum(e_pre, axis=1, keepdims=True)], axis=1)
            upre_ref[:] = _dot(e_pre, vpre, _CONTRACT_NATIVE)

        tc = lane_blk // B + j0
        tc_f = tc.astype(_F32)
        bc = lane_blk % B

        def step(j, carry):
            alive, vprev, m_ip, d_ip, e_ip, stats_cur, qw_cur = carry
            rp = (j - j0) * B
            v_blk = v_ref[r0:r0 + BS * B, :]
            u_ip = _dot(e_ip, v_blk, _CONTRACT_NATIVE)
            jn = jnp.minimum(j + 1, T - 1)
            qw_next = cat4(qw_in_ref, B * jn)
            s_next = _dot(qw_next, v_blk, _CONTRACT_LAST)

            u_pre = cat4(upre_ref, rp)
            fr = cat4(ft_in_ref, B * j)
            umv = cat4(um_ref, B * j)
            rpn = jnp.minimum(rp + B, (BS - 1) * B)
            stats_next = cat4(stat_ref, rpn)
            lstar4 = stats_cur[:, 0:1]
            m_pre = stats_cur[:, 1:2]
            d_pre = stats_cur[:, 2:3]

            corr_s = jnp.sum(qw_cur * vprev, axis=1, keepdims=True)
            corr_m = jnp.where(j > j0, corr_s, _NEG_INF)
            m_all = jnp.maximum(jnp.maximum(m_ip, corr_m), m_pre)
            c_pre = jnp.exp(m_pre - m_all)
            c_ip = jnp.exp(m_ip - m_all)
            e_c = jnp.exp(corr_m - m_all)
            num = c_pre * u_pre + c_ip * u_ip + e_c * vprev
            den = c_pre * d_pre + c_ip * d_ip + e_c
            v_att = jnp.tanh(num / den)
            alive = alive * umv
            vj = jnp.where(lstar4 >= 0.0, v_att, fr)
            vj = jnp.where(alive > 0, vj, jnp.where(kidx4 == j, fr, 0.0))
            for i in range(B):
                v_ref[pl.ds(B * j + i, 1), :] = vj[i:i + 1, :]

            lstar_n = stats_next[:, 0:1]
            wip = (bc == brow4) & (tc_f >= lstar_n) & (tc < j)
            m_ip_n = jnp.max(jnp.where(wip, s_next, _NEG_INF), axis=1,
                             keepdims=True)
            e_ip_n = jnp.where(wip, jnp.exp(s_next - m_ip_n), 0.0)
            d_ip_n = jnp.sum(e_ip_n, axis=1, keepdims=True)
            return (alive, vj, m_ip_n, d_ip_n, e_ip_n, stats_next, qw_next)

        carry = (alive, vprev,
                 jnp.full((B, 1), _NEG_INF, _F32),
                 jnp.zeros((B, 1), _F32),
                 jnp.zeros((B, BS * B), _F32),
                 cat4(stat_ref, (lo - j0) * B),
                 cat4(qw_in_ref, B * lo))
        carry = jax.lax.fori_loop(lo, j0 + BS, step, carry)
        alive, vprev = carry[0], carry[1]

    o = _dot(ft_in_ref[:], wo_ref[:], _CONTRACT_LAST) + bo_ref[:]
    out_ref[:] = jnp.maximum(o * v_ref[:], 0.0) + ft_in_ref[:]


def kernel(feature, mask_intra, umask, W_init_trans, b_init_trans,
           W_qinter, b_qinter, W_attn, b_attn, W_out, b_out):
    del b_attn
    x2 = feature.transpose(1, 0, 2).reshape(T * B, D)
    mi2 = mask_intra.astype(jnp.int32).transpose(1, 0, 2).reshape(T * B, T)
    nw = (T * B) // 16
    miT3 = mi2.reshape(nw, 16, T).transpose(0, 2, 1).reshape(nw, T * 16)
    mi0 = mask_intra.astype(jnp.int32)[:, 0, :]
    umr = umask.astype(_F32).T.reshape(T * B, 1)
    bit = b_init_trans.reshape(1, D)
    bq = b_qinter.reshape(1, D)
    bo = b_out.reshape(1, D)

    ls2 = _lstar_sc(miT3).reshape(T * B, 1)

    out2 = pl.pallas_call(
        _sse_body,
        out_shape=jax.ShapeDtypeStruct((T * B, D), _F32),
        scratch_shapes=[
            pltpu.VMEM((T * B, D), _F32),
            pltpu.VMEM((T * B, D), _F32),
            pltpu.VMEM((T * B, D), _F32),
            pltpu.VMEM((BS * B, D), _F32),
            pltpu.VMEM((BS * B, 3), _F32),
        ],
    )(x2, ls2, mi0, umr, W_init_trans, bit, W_qinter, bq, W_attn, W_out, bo)
    return out2.reshape(T, B, D).transpose(1, 0, 2)

# --- scband reference (transcript-rebuilt; emitter-appended) ---
"""Pipeline reference for scband-sse-44126493999141 (READ-ONLY COPY).

The authoritative reference and input builder live on the scoring server;
editing this copy changes nothing except your own understanding.
"""

import jax, jax.numpy as jnp
import numpy as np

B, T, D = 4, 128, 512


def setup_inputs(seed: int = 0):
    key = jax.random.key(seed)
    ks = jax.random.split(key, 8)
    feature = jax.random.normal(ks[0], (B, T, D), dtype=jnp.float32)
    mask_intra = jax.random.randint(ks[1], (B, T, T), 0, 2, dtype=jnp.int32)
    umask = jnp.ones((B, T), dtype=jnp.int32)
    s = 0.02
    W_init_trans = jax.random.normal(ks[2], (D, D), dtype=jnp.float32) * s
    b_init_trans = jnp.zeros((D,), jnp.float32)
    W_qinter = jax.random.normal(ks[3], (D, D), dtype=jnp.float32) * s
    b_qinter = jnp.zeros((D,), jnp.float32)
    W_attn = jax.random.normal(ks[4], (1, D), dtype=jnp.float32) * s
    b_attn = jnp.zeros((1,), jnp.float32)
    W_out = jax.random.normal(ks[5], (D, D), dtype=jnp.float32) * s
    b_out = jnp.zeros((D,), jnp.float32)
    return {"feature": feature, "mask_intra": mask_intra, "umask": umask,
            "W_init_trans": W_init_trans, "b_init_trans": b_init_trans,
            "W_qinter": W_qinter, "b_qinter": b_qinter,
            "W_attn": W_attn, "b_attn": b_attn,
            "W_out": W_out, "b_out": b_out}


def _forward(feature, W_init_trans, b_init_trans, W_qinter, b_qinter, W_attn, b_attn, W_out, b_out, mi, um):
    Bn, Tn, Dn = feature.shape
    # dropout is identity in eval mode
    feat = jax.nn.relu(feature @ W_init_trans.T + b_init_trans)
    pos = jnp.arange(Tn)

    def per_batch(feat_i, mi_i, um_i):
        V0 = jnp.zeros((Tn, Dn), jnp.float32)
        cond = mi_i[0, 1:] != mi_i[0, 0]
        exists_k = jnp.any(cond)
        kidx = jnp.where(exists_k, jnp.argmax(cond) + 1, 0)
        V0 = V0.at[kidx].set(feat_i[kidx])
        V0 = V0.at[0].set(feat_i[0])

        def body(j, carry):
            V, alive = carry
            alive = jnp.logical_and(alive, um_i[j] != 0)
            l_mask = jnp.logical_and(pos < j, mi_i[j] == 1)
            lstar = jnp.max(jnp.where(l_mask, pos, -1))
            has_l = lstar >= 0
            q = feat_i[j] @ W_qinter.T + b_qinter  # [D]
            scores = (V * q) @ W_attn[0] + b_attn[0]  # [T]
            wmask = jnp.logical_and(pos >= lstar, pos < j)
            alpha = jax.nn.softmax(jnp.where(wmask, scores, -jnp.inf))  # [T]
            v_att = jnp.tanh(alpha @ V)  # [D]
            vj = jnp.where(has_l, v_att, feat_i[j])
            vj = jnp.where(alive, vj, V[j])
            return (V.at[j].set(vj), alive)

        V, _ = jax.lax.fori_loop(1, Tn, body, (V0, jnp.array(True)))
        return V

    v_inter = jax.vmap(per_batch)(feat, mi, um)
    return jax.nn.relu((feat @ W_out.T + b_out) * v_inter) + feat


def reference(feature, mask_intra, umask, W_init_trans, b_init_trans, W_qinter, b_qinter, W_attn, b_attn, W_out, b_out):
    mi = jnp.asarray(mask_intra)
    um = jnp.asarray(umask)
    return _forward(feature, W_init_trans, b_init_trans, W_qinter, b_qinter, W_attn, b_attn, W_out, b_out, mi, um)

if __name__ == "__main__":
    import jax
    _d = setup_inputs()
    print(jax.jit(kernel)(*tuple(_d.values())))

</pallas_src>

<mosaic_0001>
#map = affine_map<(d0, d1) -> (0, 0)>
#map1 = affine_map<(d0, d1) -> (0)>
module attributes {stable_mosaic.version = 14 : i64} {
  func.func @lstar_kernel(%arg0: i32, %arg1: i32, %arg2: memref<32x2048xi32, #tpu.memory_space<hbm>>, %arg3: memref<512xi32, #tpu.memory_space<hbm>>, %arg4: memref<512xf32, #tpu.memory_space<hbm>>, %arg5: memref<2048xi32, #tpu.memory_space<vmem>>, %arg6: memref<16xi32, #tpu.memory_space<vmem>>, %arg7: memref<16xf32, #tpu.memory_space<vmem>>) attributes {dimension_semantics = [#tpu.dimension_semantics<core_parallel>, #tpu.dimension_semantics<subcore_parallel>], iteration_bounds = array<i64: 2, 16>, scalar_prefetch = 0 : i64, scratch_operands = 3 : i64, tpu.core_type = #tpu.core_type<sc_vector_subcore>, window_params = [{transform_indices = #map}, {transform_indices = #map1}, {transform_indices = #map1}]} {
    %mul3A = arith.constant 2 : i32
    %mul3A_0 = arith.muli %arg1, %mul3A : i32
    %add3A = arith.addi %mul3A_0, %arg0 : i32
    %mul3A_1 = arith.constant 16 : i32
    %mul3A_2 = arith.muli %add3A, %mul3A_1 : i32
    "tpu.region"() ({
      %run_scoped3A = tpu.sem_alloc : memref<!tpu.dma_semaphore, #tpu.memory_space<semaphore_mem>>
      %dma_start3A = arith.constant 0 : i32
      %dma_start3A_27 = tpu.memref_slice %arg2[%add3A, %dma_start3A] : memref<32x2048xi32, #tpu.memory_space<hbm>> -> memref<1x2048xi32, #tpu.memory_space<hbm>>
      %dma_start3A_28 = tpu.memref_squeeze %dma_start3A_27 : memref<1x2048xi32, #tpu.memory_space<hbm>> -> memref<2048xi32, #tpu.memory_space<hbm>>
      %dma_start3A_29 = arith.constant 0 : i32
      %dma_start3A_30 = tpu.memref_slice %arg2[%add3A, %dma_start3A_29] : memref<32x2048xi32, #tpu.memory_space<hbm>> -> memref<1x2048xi32, #tpu.memory_space<hbm>>
      %dma_start3A_31 = tpu.memref_squeeze %dma_start3A_30 : memref<1x2048xi32, #tpu.memory_space<hbm>> -> memref<2048xi32, #tpu.memory_space<hbm>>
      tpu.enqueue_dma source(%dma_start3A_31 : memref<2048xi32, #tpu.memory_space<hbm>>) target(%arg5 : memref<2048xi32, #tpu.memory_space<vmem>>) target_semaphore(%run_scoped3A : memref<!tpu.dma_semaphore, #tpu.memory_space<semaphore_mem>>)
      %dma_wait3A = arith.constant 0 : i32
      %dma_wait3A_32 = tpu.memref_slice %arg2[%add3A, %dma_wait3A] : memref<32x2048xi32, #tpu.memory_space<hbm>> -> memref<1x2048xi32, #tpu.memory_space<hbm>>
      %dma_wait3A_33 = tpu.memref_squeeze %dma_wait3A_32 : memref<1x2048xi32, #tpu.memory_space<hbm>> -> memref<2048xi32, #tpu.memory_space<hbm>>
      %dma_wait3A_34 = arith.constant 0 : i32
      %dma_wait3A_35 = tpu.memref_slice %arg2[%add3A, %dma_wait3A_34] : memref<32x2048xi32, #tpu.memory_space<hbm>> -> memref<1x2048xi32, #tpu.memory_space<hbm>>
      %dma_wait3A_36 = tpu.memref_squeeze %dma_wait3A_35 : memref<1x2048xi32, #tpu.memory_space<hbm>> -> memref<2048xi32, #tpu.memory_space<hbm>>
      tpu.wait_dma2 semaphore(%run_scoped3A : memref<!tpu.dma_semaphore, #tpu.memory_space<semaphore_mem>>) src(%dma_wait3A_36 : memref<2048xi32, #tpu.memory_space<hbm>>) dst(%arg5 : memref<2048xi32, #tpu.memory_space<vmem>>)
      tpu.yield
    }) : () -> ()
    "tpu.region"() ({
      %run_scoped3A = tpu.sem_alloc : memref<!tpu.dma_semaphore, #tpu.memory_space<semaphore_mem>>
      %dma_start3A = tpu.memref_slice %arg3[%mul3A_2] : memref<512xi32, #tpu.memory_space<hbm>> -> memref<16xi32, #tpu.memory_space<hbm>>
      %dma_start3A_27 = tpu.memref_slice %arg3[%mul3A_2] : memref<512xi32, #tpu.memory_space<hbm>> -> memref<16xi32, #tpu.memory_space<hbm>>
      tpu.enqueue_dma source(%dma_start3A_27 : memref<16xi32, #tpu.memory_space<hbm>>) target(%arg6 : memref<16xi32, #tpu.memory_space<vmem>>) target_semaphore(%run_scoped3A : memref<!tpu.dma_semaphore, #tpu.memory_space<semaphore_mem>>)
      %dma_wait3A = tpu.memref_slice %arg3[%mul3A_2] : memref<512xi32, #tpu.memory_space<hbm>> -> memref<16xi32, #tpu.memory_space<hbm>>
      %dma_wait3A_28 = tpu.memref_slice %arg3[%mul3A_2] : memref<512xi32, #tpu.memory_space<hbm>> -> memref<16xi32, #tpu.memory_space<hbm>>
      tpu.wait_dma2 semaphore(%run_scoped3A : memref<!tpu.dma_semaphore, #tpu.memory_space<semaphore_mem>>) src(%dma_wait3A_28 : memref<16xi32, #tpu.memory_space<hbm>>) dst(%arg6 : memref<16xi32, #tpu.memory_space<vmem>>)
      tpu.yield
    }) : () -> ()
    %get3A = arith.constant 0 : index
    %get3A_3 = tpu.vector_load %arg6[%get3A] {strides = array<i32>} : memref<16xi32, #tpu.memory_space<vmem>>, vector<16xi32>,
    %get3A_4 = vector.shape_cast %get3A_3 : vector<16xi32> to vector<16xi32>
    %iota3A = tpu.iota {dimensions = array<i32: 0>} : vector<16xi32>
    %mul3A_5 = arith.constant 0 : i32
    %mul3A_6 = vector.broadcast %mul3A_5 : i32 to vector<16xi32>
    %mul3A_7 = arith.muli %iota3A, %mul3A_6 : vector<16xi32>
    %add3A_8 = arith.constant 1 : i32
    %add3A_9 = vector.broadcast %add3A_8 : i32 to vector<16xi32>
    %add3A_10 = arith.addi %mul3A_7, %add3A_9 : vector<16xi32>
    %mul3A_11 = arith.constant 0 : i32
    %mul3A_12 = vector.broadcast %mul3A_11 : i32 to vector<16xi32>
    %mul3A_13 = arith.muli %add3A_10, %mul3A_12 : vector<16xi32>
    %sub3A = arith.constant 1 : i32
    %sub3A_14 = vector.broadcast %sub3A : i32 to vector<16xi32>
    %sub3A_15 = arith.subi %mul3A_13, %sub3A_14 : vector<16xi32>
    %mul3A_16 = arith.constant 0 : i32
    %mul3A_17 = vector.broadcast %mul3A_16 : i32 to vector<16xi32>
    %mul3A_18 = arith.muli %add3A_10, %mul3A_17 : vector<16xi32>
    %scan3A = arith.constant 0 : i32
    %scan3A_19 = arith.constant 32 : i32
    %scan3A_20 = arith.addi %scan3A, %scan3A_19 : i32
    %scan3A_21 = arith.constant 1 : i32
    %scan3A_22:2 = scf.for %scan3A_27 = %scan3A to %scan3A_20 step %scan3A_21 iter_args(%scan3A_28 = %sub3A_15, %scan3A_29 = %mul3A_18) -> (vector<16xi32>, vector<16xi32>)  : i32 {
      %mul3A_30 = arith.constant 4 : i32
      %mul3A_31 = arith.muli %scan3A_27, %mul3A_30 : i32
      %add3A_32 = arith.constant 0 : i32
      %add3A_33 = arith.addi %mul3A_31, %add3A_32 : i32
      %mul3A_34 = arith.constant 16 : i32
      %mul3A_35 = arith.muli %add3A_33, %mul3A_34 : i32
      %get3A_36 = arith.index_cast %mul3A_35 : i32 to index
      %get3A_37 = tpu.vector_load %arg5[%get3A_36] {strides = array<i32>} : memref<2048xi32, #tpu.memory_space<vmem>>, vector<16xi32>,
      %get3A_38 = vector.shape_cast %get3A_37 : vector<16xi32> to vector<16xi32>
      %eq3A = arith.cmpi eq, %get3A_38, %add3A_10 : vector<16xi32>
      %gt3A = arith.cmpi sgt, %get3A_4, %scan3A_29 : vector<16xi32>
      %and3A = arith.andi %eq3A, %gt3A : vector<16xi1>
      %select_n3A = arith.select %and3A, %scan3A_29, %sub3A_15 : vector<16xi1>, vector<16xi32>
      %max3A = arith.maxsi %scan3A_28, %select_n3A : vector<16xi32>
      %add3A_39 = arith.addi %scan3A_29, %add3A_10 : vector<16xi32>
      %mul3A_40 = arith.constant 4 : i32
      %mul3A_41 = arith.muli %scan3A_27, %mul3A_40 : i32
      %add3A_42 = arith.constant 1 : i32
      %add3A_43 = arith.addi %mul3A_41, %add3A_42 : i32
      %mul3A_44 = arith.constant 16 : i32
      %mul3A_45 = arith.muli %add3A_43, %mul3A_44 : i32
      %get3A_46 = arith.index_cast %mul3A_45 : i32 to index
      %get3A_47 = tpu.vector_load %arg5[%get3A_46] {strides = array<i32>} : memref<2048xi32, #tpu.memory_space<vmem>>, vector<16xi32>,
      %get3A_48 = vector.shape_cast %get3A_47 : vector<16xi32> to vector<16xi32>
      %eq3A_49 = arith.cmpi eq, %get3A_48, %add3A_10 : vector<16xi32>
      %gt3A_50 = arith.cmpi sgt, %get3A_4, %add3A_39 : vector<16xi32>
      %and3A_51 = arith.andi %eq3A_49, %gt3A_50 : vector<16xi1>
      %select_n3A_52 = arith.select %and3A_51, %add3A_39, %sub3A_15 : vector<16xi1>, vector<16xi32>
      %max3A_53 = arith.maxsi %max3A, %select_n3A_52 : vector<16xi32>
      %add3A_54 = arith.addi %add3A_39, %add3A_10 : vector<16xi32>
      %mul3A_55 = arith.constant 4 : i32
      %mul3A_56 = arith.muli %scan3A_27, %mul3A_55 : i32
      %add3A_57 = arith.constant 2 : i32
      %add3A_58 = arith.addi %mul3A_56, %add3A_57 : i32
      %mul3A_59 = arith.constant 16 : i32
      %mul3A_60 = arith.muli %add3A_58, %mul3A_59 : i32
      %get3A_61 = arith.index_cast %mul3A_60 : i32 to index
      %get3A_62 = tpu.vector_load %arg5[%get3A_61] {strides = array<i32>} : memref<2048xi32, #tpu.memory_space<vmem>>, vector<16xi32>,
      %get3A_63 = vector.shape_cast %get3A_62 : vector<16xi32> to vector<16xi32>
      %eq3A_64 = arith.cmpi eq, %get3A_63, %add3A_10 : vector<16xi32>
      %gt3A_65 = arith.cmpi sgt, %get3A_4, %add3A_54 : vector<16xi32>
      %and3A_66 = arith.andi %eq3A_64, %gt3A_65 : vector<16xi1>
      %select_n3A_67 = arith.select %and3A_66, %add3A_54, %sub3A_15 : vector<16xi1>, vector<16xi32>
      %max3A_68 = arith.maxsi %max3A_53, %select_n3A_67 : vector<16xi32>
      %add3A_69 = arith.addi %add3A_54, %add3A_10 : vector<16xi32>
      %mul3A_70 = arith.constant 4 : i32
      %mul3A_71 = arith.muli %scan3A_27, %mul3A_70 : i32
      %add3A_72 = arith.constant 3 : i32
      %add3A_73 = arith.addi %mul3A_71, %add3A_72 : i32
      %mul3A_74 = arith.constant 16 : i32
      %mul3A_75 = arith.muli %add3A_73, %mul3A_74 : i32
      %get3A_76 = arith.index_cast %mul3A_75 : i32 to index
      %get3A_77 = tpu.vector_load %arg5[%get3A_76] {strides = array<i32>} : memref<2048xi32, #tpu.memory_space<vmem>>, vector<16xi32>,
      %get3A_78 = vector.shape_cast %get3A_77 : vector<16xi32> to vector<16xi32>
      %eq3A_79 = arith.cmpi eq, %get3A_78, %add3A_10 : vector<16xi32>
      %gt3A_80 = arith.cmpi sgt, %get3A_4, %add3A_69 : vector<16xi32>
      %and3A_81 = arith.andi %eq3A_79, %gt3A_80 : vector<16xi1>
      %select_n3A_82 = arith.select %and3A_81, %add3A_69, %sub3A_15 : vector<16xi1>, vector<16xi32>
      %max3A_83 = arith.maxsi %max3A_68, %select_n3A_82 : vector<16xi32>
      %add3A_84 = arith.addi %add3A_69, %add3A_10 : vector<16xi32>
      scf.yield %max3A_83, %add3A_84 : vector<16xi32>, vector<16xi32>
    }
    %scan3A_23 = arith.constant 32 : i32
    %convert_element_type3A = arith.sitofp %scan3A_22#0 : vector<16xi32> to vector<16xf32>
    %swap3A = arith.constant 0 : index
    %swap3A_24 = tpu.vector_load %arg7[%swap3A] {strides = array<i32>} : memref<16xf32, #tpu.memory_space<vmem>>, vector<16xf32>,
    %swap3A_25 = vector.shape_cast %swap3A_24 : vector<16xf32> to vector<16xf32>
    %swap3A_26 = vector.shape_cast %convert_element_type3A : vector<16xf32> to vector<16xf32>
    tpu.vector_store %arg7[%swap3A], %swap3A_26 {strides = array<i32>} : memref<16xf32, #tpu.memory_space<vmem>>, vector<16xf32>,
    "tpu.region"() ({
      %run_scoped3A = tpu.sem_alloc : memref<!tpu.dma_semaphore, #tpu.memory_space<semaphore_mem>>
      %dma_start3A = tpu.memref_slice %arg4[%mul3A_2] : memref<512xf32, #tpu.memory_space<hbm>> -> memref<16xf32, #tpu.memory_space<hbm>>
      %dma_start3A_27 = tpu.memref_slice %arg4[%mul3A_2] : memref<512xf32, #tpu.memory_space<hbm>> -> memref<16xf32, #tpu.memory_space<hbm>>
      tpu.enqueue_dma source(%arg7 : memref<16xf32, #tpu.memory_space<vmem>>) target(%dma_start3A_27 : memref<16xf32, #tpu.memory_space<hbm>>) target_semaphore(%run_scoped3A : memref<!tpu.dma_semaphore, #tpu.memory_space<semaphore_mem>>)
      %dma_wait3A = tpu.memref_slice %arg4[%mul3A_2] : memref<512xf32, #tpu.memory_space<hbm>> -> memref<16xf32, #tpu.memory_space<hbm>>
      %dma_wait3A_28 = tpu.memref_slice %arg4[%mul3A_2] : memref<512xf32, #tpu.memory_space<hbm>> -> memref<16xf32, #tpu.memory_space<hbm>>
      tpu.wait_dma2 semaphore(%run_scoped3A : memref<!tpu.dma_semaphore, #tpu.memory_space<semaphore_mem>>) src(%arg7 : memref<16xf32, #tpu.memory_space<vmem>>) dst(%dma_wait3A_28 : memref<16xf32, #tpu.memory_space<hbm>>)
      tpu.yield
    }) : () -> ()
    return
  }
}

module attributes {stable_mosaic.version = 14 : i64} {
  func.func @_sse_body(%arg0: memref<512x512xf32, #tpu.memory_space<vmem>>, %arg1: memref<512x1xf32, #tpu.memory_space<vmem>>, %arg2: memref<4x128xi32, #tpu.memory_space<vmem>>, %arg3: memref<512x1xf32, #tpu.memory_space<vmem>>, %arg4: memref<512x512xf32, #tpu.memory_space<vmem>>, %arg5: memref<1x512xf32, #tpu.memory_space<vmem>>, %arg6: memref<512x512xf32, #tpu.memory_space<vmem>>, %arg7: memref<1x512xf32, #tpu.memory_space<vmem>>, %arg8: memref<1x512xf32, #tpu.memory_space<vmem>>, %arg9: memref<512x512xf32, #tpu.memory_space<vmem>>, %arg10: memref<1x512xf32, #tpu.memory_space<vmem>>, %arg11: memref<512x512xf32, #tpu.memory_space<vmem>>, %arg12: memref<512x512xf32, #tpu.memory_space<vmem>>, %arg13: memref<512x512xf32, #tpu.memory_space<vmem>>, %arg14: memref<512x512xf32, #tpu.memory_space<vmem>>, %arg15: memref<64x512xf32, #tpu.memory_space<vmem>>, %arg16: memref<64x3xf32, #tpu.memory_space<vmem>>) attributes {dimension_semantics = [], scalar_prefetch = 0 : i64, scratch_operands = 5 : i64, tpu.core_type = #tpu.core_type<tc>} {
    %get3A = arith.constant 0 : index
    %get3A_0 = arith.constant 0 : index
    %get3A_1 = vector.load %arg0[%get3A, %get3A_0] : memref<512x512xf32, #tpu.memory_space<vmem>>, vector<512x512xf32>
    %get3A_2 = arith.constant 0 : index
    %get3A_3 = arith.constant 0 : index
    %get3A_4 = vector.load %arg4[%get3A_2, %get3A_3] : memref<512x512xf32, #tpu.memory_space<vmem>>, vector<512x512xf32>
    %dot_general3A = arith.constant dense<0.000000e+00> : vector<512x512xf32>
    %dot_general3A_5 = tpu.matmul %get3A_1, %get3A_4, %dot_general3A {dimension_numbers = #tpu.dot_dimension_numbers<[1], [1], [0], [0], [0, 0, 1, 0], [], []>, transpose_lhs_hint = false} : vector<512x512xf32>, vector<512x512xf32>, vector<512x512xf32> -> vector<512x512xf32>
    %get3A_6 = arith.constant 0 : index
    %get3A_7 = arith.constant 0 : index
    %get3A_8 = vector.load %arg5[%get3A_6, %get3A_7] : memref<1x512xf32, #tpu.memory_space<vmem>>, vector<1x512xf32>
    %add3A = vector.broadcast %get3A_8 : vector<1x512xf32> to vector<512x512xf32>
    %add3A_9 = arith.addf %dot_general3A_5, %add3A : vector<512x512xf32>
    %max3A = arith.constant 0.000000e+00 : f32
    %max3A_10 = vector.broadcast %max3A : f32 to vector<512x512xf32>
    %max3A_11 = arith.maximumf %add3A_9, %max3A_10 : vector<512x512xf32>
    %swap3A = arith.constant 0 : index
    %swap3A_12 = arith.constant 0 : index
    %swap3A_13 = vector.load %arg13[%swap3A, %swap3A_12] : memref<512x512xf32, #tpu.memory_space<vmem>>, vector<512x512xf32>
    tpu.vector_store %arg13[%swap3A, %swap3A_12], %max3A_11 {strides = array<i32>} : memref<512x512xf32, #tpu.memory_space<vmem>>, vector<512x512xf32>,
    %get3A_14 = arith.constant 0 : index
    %get3A_15 = arith.constant 0 : index
    %get3A_16 = vector.load %arg6[%get3A_14, %get3A_15] : memref<512x512xf32, #tpu.memory_space<vmem>>, vector<512x512xf32>
    %dot_general3A_17 = arith.constant dense<0.000000e+00> : vector<512x512xf32>
    %dot_general3A_18 = tpu.matmul %max3A_11, %get3A_16, %dot_general3A_17 {dimension_numbers = #tpu.dot_dimension_numbers<[1], [1], [0], [0], [0, 0, 1, 0], [], []>, transpose_lhs_hint = false} : vector<512x512xf32>, vector<512x512xf32>, vector<512x512xf32> -> vector<512x512xf32>
    %get3A_19 = arith.constant 0 : index
    %get3A_20 = arith.constant 0 : index
    %get3A_21 = vector.load %arg7[%get3A_19, %get3A_20] : memref<1x512xf32, #tpu.memory_space<vmem>>, vector<1x512xf32>
    %add3A_22 = vector.broadcast %get3A_21 : vector<1x512xf32> to vector<512x512xf32>
    %add3A_23 = arith.addf %dot_general3A_18, %add3A_22 : vector<512x512xf32>
    %get3A_24 = arith.constant 0 : index
    %get3A_25 = arith.constant 0 : index
    %get3A_26 = vector.load %arg8[%get3A_24, %get3A_25] : memref<1x512xf32, #tpu.memory_space<vmem>>, vector<1x512xf32>
    %mul3A = vector.broadcast %get3A_26 : vector<1x512xf32> to vector<512x512xf32>
    %mul3A_27 = arith.mulf %add3A_23, %mul3A : vector<512x512xf32>
    %swap3A_28 = arith.constant 0 : index
    %swap3A_29 = arith.constant 0 : index
    %swap3A_30 = vector.load %arg14[%swap3A_28, %swap3A_29] : memref<512x512xf32, #tpu.memory_space<vmem>>, vector<512x512xf32>
    tpu.vector_store %arg14[%swap3A_28, %swap3A_29], %mul3A_27 {strides = array<i32>} : memref<512x512xf32, #tpu.memory_space<vmem>>, vector<512x512xf32>,
    %iota3A = tpu.iota {dimensions = array<i32: 1>} : vector<1x128xi32>
    %iota3A_31 = tpu.iota {dimensions = array<i32: 0>} : vector<512x1xi32>
    %jit3A = arith.constant 4 : i32
    %div3A = vector.broadcast %jit3A : i32 to vector<512x1xi32>
    %div3A_32 = arith.divsi %iota3A_31, %div3A : vector<512x1xi32>
    %sign3A = arith.constant 0 : i32
    %sign3A_33 = vector.broadcast %sign3A : i32 to vector<512x1xi32>
    %sign3A_34 = arith.cmpi sgt, %iota3A_31, %sign3A_33 : vector<512x1xi32>
    %sign3A_35 = arith.extui %sign3A_34 : vector<512x1xi1> to vector<512x1xi32>
    %sign3A_36 = arith.constant 0 : i32
    %sign3A_37 = vector.broadcast %sign3A_36 : i32 to vector<512x1xi32>
    %sign3A_38 = arith.cmpi slt, %iota3A_31, %sign3A_37 : vector<512x1xi32>
    %sign3A_39 = arith.extui %sign3A_38 : vector<512x1xi1> to vector<512x1xi32>
    %sign3A_40 = arith.subi %sign3A_35, %sign3A_39 : vector<512x1xi32>
    %sign3A_41 = arith.constant 0 : i32
    %sign3A_42 = arith.cmpi sgt, %jit3A, %sign3A_41 : i32
    %sign3A_43 = arith.extui %sign3A_42 : i1 to i32
    %sign3A_44 = arith.constant 0 : i32
    %sign3A_45 = arith.cmpi slt, %jit3A, %sign3A_44 : i32
    %sign3A_46 = arith.extui %sign3A_45 : i1 to i32
    %sign3A_47 = arith.subi %sign3A_43, %sign3A_46 : i32
    %ne3A = vector.broadcast %sign3A_47 : i32 to vector<512x1xi32>
    %ne3A_48 = arith.cmpi ne, %sign3A_40, %ne3A : vector<512x1xi32>
    %rem3A = vector.broadcast %jit3A : i32 to vector<512x1xi32>
    %rem3A_49 = arith.remsi %iota3A_31, %rem3A : vector<512x1xi32>
    %ne3A_50 = arith.constant 0 : i32
    %ne3A_51 = vector.broadcast %ne3A_50 : i32 to vector<512x1xi32>
    %ne3A_52 = arith.cmpi ne, %rem3A_49, %ne3A_51 : vector<512x1xi32>
    %and3A = arith.andi %ne3A_48, %ne3A_52 : vector<512x1xi1>
    %sub3A = arith.constant 1 : i32
    %sub3A_53 = vector.broadcast %sub3A : i32 to vector<512x1xi32>
    %sub3A_54 = arith.subi %div3A_32, %sub3A_53 : vector<512x1xi32>
    %select_n3A = arith.select %and3A, %sub3A_54, %div3A_32 : vector<512x1xi1>, vector<512x1xi32>
    %jit3A_55 = arith.constant 4 : i32
    %eq3A = arith.constant 0 : i32
    %eq3A_56 = arith.cmpi eq, %jit3A_55, %eq3A : i32
    %jit3A_57 = arith.constant 1 : i32
    %select_n3A_58 = arith.select %eq3A_56, %jit3A_57, %jit3A_55 : i32
    %rem3A_59 = vector.broadcast %select_n3A_58 : i32 to vector<512x1xi32>
    %rem3A_60 = arith.remsi %iota3A_31, %rem3A_59 : vector<512x1xi32>
    %ne3A_61 = arith.constant 0 : i32
    %ne3A_62 = vector.broadcast %ne3A_61 : i32 to vector<512x1xi32>
    %ne3A_63 = arith.cmpi ne, %rem3A_60, %ne3A_62 : vector<512x1xi32>
    %lt3A = arith.constant 0 : i32
    %lt3A_64 = vector.broadcast %lt3A : i32 to vector<512x1xi32>
    %lt3A_65 = arith.cmpi slt, %rem3A_60, %lt3A_64 : vector<512x1xi32>
    %lt3A_66 = arith.constant 0 : i32
    %lt3A_67 = arith.cmpi slt, %select_n3A_58, %lt3A_66 : i32
    %ne3A_68 = vector.broadcast %lt3A_67 : i1 to vector<512x1xi1>
    %ne3A_69 = vector.broadcast %ne3A_68 : vector<512x1xi1> to vector<512x1xi1>
    %ne3A_70 = arith.xori %lt3A_65, %ne3A_69 : vector<512x1xi1>
    %and3A_71 = arith.andi %ne3A_70, %ne3A_63 : vector<512x1xi1>
    %add3A_72 = vector.broadcast %select_n3A_58 : i32 to vector<512x1xi32>
    %add3A_73 = arith.addi %rem3A_60, %add3A_72 : vector<512x1xi32>
    %select_n3A_74 = arith.select %and3A_71, %add3A_73, %rem3A_60 : vector<512x1xi1>, vector<512x1xi32>
    %get3A_75 = arith.constant 0 : index
    %get3A_76 = arith.constant 0 : index
    %get3A_77 = vector.load %arg2[%get3A_75, %get3A_76] : memref<4x128xi32, #tpu.memory_space<vmem>>, vector<4x128xi32>
    %slice3A = vector.extract_strided_slice %get3A_77 {offsets = [0, 0], sizes = [4, 1], strides = [1, 1]} : vector<4x128xi32> to vector<4x1xi32>
    %ne3A_78 = vector.broadcast %slice3A : vector<4x1xi32> to vector<4x128xi32>
    %ne3A_79 = arith.cmpi ne, %get3A_77, %ne3A_78 : vector<4x128xi32>
    %ge3A = arith.constant 1 : i32
    %ge3A_80 = vector.broadcast %ge3A : i32 to vector<1x128xi32>
    %ge3A_81 = arith.cmpi sge, %iota3A, %ge3A_80 : vector<1x128xi32>
    %and3A_82 = vector.broadcast %ge3A_81 : vector<1x128xi1> to vector<4x128xi1>
    %and3A_83 = arith.andi %ne3A_79, %and3A_82 : vector<4x128xi1>
    %jit3A_84 = arith.constant 256 : i32
    %broadcast_in_dim3A = vector.shape_cast %iota3A : vector<1x128xi32> to vector<1x128xi32>
    %broadcast_in_dim3A_85 = vector.broadcast %broadcast_in_dim3A : vector<1x128xi32> to vector<4x128xi32>
    %broadcast_in_dim3A_86 = vector.broadcast %jit3A_84 : i32 to vector<4x128xi32>
    %select_n3A_87 = arith.select %and3A_83, %broadcast_in_dim3A_85, %broadcast_in_dim3A_86 : vector<4x128xi1>, vector<4x128xi32>
    %reduce_min3A = arith.constant dense<2147483647> : vector<4xi32>
    %reduce_min3A_88 = vector.multi_reduction <minsi>, %select_n3A_87, %reduce_min3A [1] : vector<4x128xi32> to vector<4xi32>
    %broadcast_in_dim3A_89 = vector.shape_cast %reduce_min3A_88 : vector<4xi32> to vector<4x1xi32>
    %lt3A_90 = arith.constant 0 : i32
    %lt3A_91 = vector.broadcast %lt3A_90 : i32 to vector<512x1xi32>
    %lt3A_92 = arith.cmpi slt, %select_n3A, %lt3A_91 : vector<512x1xi32>
    %eq3A_93 = arith.constant 0 : i32
    %eq3A_94 = vector.broadcast %eq3A_93 : i32 to vector<512x1xi32>
    %eq3A_95 = arith.cmpi eq, %select_n3A_74, %eq3A_94 : vector<512x1xi32>
    %eq3A_96 = arith.constant 0 : i32
    %eq3A_97 = vector.broadcast %eq3A_96 : i32 to vector<512x1xi32>
    %eq3A_98 = arith.cmpi eq, %select_n3A, %eq3A_97 : vector<512x1xi32>
    %slice3A_99 = vector.extract_strided_slice %broadcast_in_dim3A_89 {offsets = [0, 0], sizes = [1, 1], strides = [1, 1]} : vector<4x1xi32> to vector<1x1xi32>
    %eq3A_100 = vector.broadcast %slice3A_99 : vector<1x1xi32> to vector<512x1xi32>
    %eq3A_101 = arith.cmpi eq, %select_n3A, %eq3A_100 : vector<512x1xi32>
    %or3A = arith.ori %eq3A_98, %eq3A_101 : vector<512x1xi1>
    %and3A_102 = arith.andi %eq3A_95, %or3A : vector<512x1xi1>
    %or3A_103 = arith.ori %lt3A_92, %and3A_102 : vector<512x1xi1>
    %eq3A_104 = arith.constant 1 : i32
    %eq3A_105 = vector.broadcast %eq3A_104 : i32 to vector<512x1xi32>
    %eq3A_106 = arith.cmpi eq, %select_n3A_74, %eq3A_105 : vector<512x1xi32>
    %eq3A_107 = arith.constant 0 : i32
    %eq3A_108 = vector.broadcast %eq3A_107 : i32 to vector<512x1xi32>
    %eq3A_109 = arith.cmpi eq, %select_n3A, %eq3A_108 : vector<512x1xi32>
    %slice3A_110 = vector.extract_strided_slice %broadcast_in_dim3A_89 {offsets = [1, 0], sizes = [1, 1], strides = [1, 1]} : vector<4x1xi32> to vector<1x1xi32>
    %eq3A_111 = vector.broadcast %slice3A_110 : vector<1x1xi32> to vector<512x1xi32>
    %eq3A_112 = arith.cmpi eq, %select_n3A, %eq3A_111 : vector<512x1xi32>
    %or3A_113 = arith.ori %eq3A_109, %eq3A_112 : vector<512x1xi1>
    %and3A_114 = arith.andi %eq3A_106, %or3A_113 : vector<512x1xi1>
    %or3A_115 = arith.ori %or3A_103, %and3A_114 : vector<512x1xi1>
    %eq3A_116 = arith.constant 2 : i32
    %eq3A_117 = vector.broadcast %eq3A_116 : i32 to vector<512x1xi32>
    %eq3A_118 = arith.cmpi eq, %select_n3A_74, %eq3A_117 : vector<512x1xi32>
    %eq3A_119 = arith.constant 0 : i32
    %eq3A_120 = vector.broadcast %eq3A_119 : i32 to vector<512x1xi32>
    %eq3A_121 = arith.cmpi eq, %select_n3A, %eq3A_120 : vector<512x1xi32>
    %slice3A_122 = vector.extract_strided_slice %broadcast_in_dim3A_89 {offsets = [2, 0], sizes = [1, 1], strides = [1, 1]} : vector<4x1xi32> to vector<1x1xi32>
    %eq3A_123 = vector.broadcast %slice3A_122 : vector<1x1xi32> to vector<512x1xi32>
    %eq3A_124 = arith.cmpi eq, %select_n3A, %eq3A_123 : vector<512x1xi32>
    %or3A_125 = arith.ori %eq3A_121, %eq3A_124 : vector<512x1xi1>
    %and3A_126 = arith.andi %eq3A_118, %or3A_125 : vector<512x1xi1>
    %or3A_127 = arith.ori %or3A_115, %and3A_126 : vector<512x1xi1>
    %eq3A_128 = arith.constant 3 : i32
    %eq3A_129 = vector.broadcast %eq3A_128 : i32 to vector<512x1xi32>
    %eq3A_130 = arith.cmpi eq, %select_n3A_74, %eq3A_129 : vector<512x1xi32>
    %eq3A_131 = arith.constant 0 : i32
    %eq3A_132 = vector.broadcast %eq3A_131 : i32 to vector<512x1xi32>
    %eq3A_133 = arith.cmpi eq, %select_n3A, %eq3A_132 : vector<512x1xi32>
    %slice3A_134 = vector.extract_strided_slice %broadcast_in_dim3A_89 {offsets = [3, 0], sizes = [1, 1], strides = [1, 1]} : vector<4x1xi32> to vector<1x1xi32>
    %eq3A_135 = vector.broadcast %slice3A_134 : vector<1x1xi32> to vector<512x1xi32>
    %eq3A_136 = arith.cmpi eq, %select_n3A, %eq3A_135 : vector<512x1xi32>
    %or3A_137 = arith.ori %eq3A_133, %eq3A_136 : vector<512x1xi1>
    %and3A_138 = arith.andi %eq3A_130, %or3A_137 : vector<512x1xi1>
    %or3A_139 = arith.ori %or3A_127, %and3A_138 : vector<512x1xi1>
    %jit3A_140 = arith.constant 0.000000e+00 : f32
    %broadcast_in_dim3A_141 = vector.shape_cast %or3A_139 : vector<512x1xi1> to vector<512x1xi1>
    %broadcast_in_dim3A_142 = vector.broadcast %broadcast_in_dim3A_141 : vector<512x1xi1> to vector<512x512xi1>
    %broadcast_in_dim3A_143 = vector.broadcast %jit3A_140 : f32 to vector<512x512xf32>
    %select_n3A_144 = arith.select %broadcast_in_dim3A_142, %max3A_11, %broadcast_in_dim3A_143 : vector<512x512xi1>, vector<512x512xf32>
    %swap3A_145 = arith.constant 0 : index
    %swap3A_146 = arith.constant 0 : index
    %swap3A_147 = vector.load %arg12[%swap3A_145, %swap3A_146] : memref<512x512xf32, #tpu.memory_space<vmem>>, vector<512x512xf32>
    tpu.vector_store %arg12[%swap3A_145, %swap3A_146], %select_n3A_144 {strides = array<i32>} : memref<512x512xf32, #tpu.memory_space<vmem>>, vector<512x512xf32>,
    %broadcast_in_dim3A_148 = arith.constant 1.000000e+00 : f32
    %broadcast_in_dim3A_149 = vector.broadcast %broadcast_in_dim3A_148 : f32 to vector<4x1xf32>
    %iota3A_150 = tpu.iota {dimensions = array<i32: 1>} : vector<1x64xi32>
    %iota3A_151 = tpu.iota {dimensions = array<i32: 0>} : vector<4x1xi32>
    %get3A_152 = arith.constant 0 : index
    %get3A_153 = arith.constant 0 : index
    %get3A_154 = vector.load %arg12[%get3A_152, %get3A_153] : memref<512x512xf32, #tpu.memory_space<vmem>>, vector<1x512xf32>
    %get3A_155 = arith.constant 1 : index
    %get3A_156 = arith.constant 0 : index
    %get3A_157 = vector.load %arg12[%get3A_155, %get3A_156] : memref<512x512xf32, #tpu.memory_space<vmem>>, vector<1x512xf32>
    %get3A_158 = arith.constant 2 : index
    %get3A_159 = arith.constant 0 : index
    %get3A_160 = vector.load %arg12[%get3A_158, %get3A_159] : memref<512x512xf32, #tpu.memory_space<vmem>>, vector<1x512xf32>
    %get3A_161 = arith.constant 3 : index
    %get3A_162 = arith.constant 0 : index
    %get3A_163 = vector.load %arg12[%get3A_161, %get3A_162] : memref<512x512xf32, #tpu.memory_space<vmem>>, vector<1x512xf32>
    %concatenate3A = tpu.concatenate %get3A_154, %get3A_157, %get3A_160, %get3A_163 in 0 : vector<1x512xf32>, vector<1x512xf32>, vector<1x512xf32>, vector<1x512xf32> -> vector<4x512xf32>
    %get3A_164 = arith.constant 0 : index
    %get3A_165 = arith.constant 0 : index
    %get3A_166 = vector.load %arg1[%get3A_164, %get3A_165] : memref<512x1xf32, #tpu.memory_space<vmem>>, vector<64x1xf32>
    %broadcast_in_dim3A_167 = arith.constant 0xFF800000 : f32
    %broadcast_in_dim3A_168 = vector.broadcast %broadcast_in_dim3A_167 : f32 to vector<64x1xf32>
    %broadcast_in_dim3A_169 = arith.constant 0.000000e+00 : f32
    %broadcast_in_dim3A_170 = vector.broadcast %broadcast_in_dim3A_169 : f32 to vector<64x1xf32>
    %concatenate3A_171 = tpu.concatenate %get3A_166, %broadcast_in_dim3A_168, %broadcast_in_dim3A_170 in 1 : vector<64x1xf32>, vector<64x1xf32>, vector<64x1xf32> -> vector<64x3xf32>
    %swap3A_172 = arith.constant 0 : index
    %swap3A_173 = arith.constant 0 : index
    %swap3A_174 = vector.load %arg16[%swap3A_172, %swap3A_173] : memref<64x3xf32, #tpu.memory_space<vmem>>, vector<64x3xf32>
    tpu.vector_store %arg16[%swap3A_172, %swap3A_173], %concatenate3A_171 {strides = array<i32>} : memref<64x3xf32, #tpu.memory_space<vmem>>, vector<64x3xf32>,
    %broadcast_in_dim3A_175 = arith.constant 0.000000e+00 : f32
    %broadcast_in_dim3A_176 = vector.broadcast %broadcast_in_dim3A_175 : f32 to vector<64x512xf32>
    %swap3A_177 = arith.constant 0 : index
    %swap3A_178 = arith.constant 0 : index
    %swap3A_179 = vector.load %arg15[%swap3A_177, %swap3A_178] : memref<64x512xf32, #tpu.memory_space<vmem>>, vector<64x512xf32>
    tpu.vector_store %arg15[%swap3A_177, %swap3A_178], %broadcast_in_dim3A_176 {strides = array<i32>} : memref<64x512xf32, #tpu.memory_space<vmem>>, vector<64x512xf32>,
    %jit3A_180 = arith.constant 4 : i32
    %div3A_181 = vector.broadcast %jit3A_180 : i32 to vector<1x64xi32>
    %div3A_182 = arith.divsi %iota3A_150, %div3A_181 : vector<1x64xi32>
    %sign3A_183 = arith.constant 0 : i32
    %sign3A_184 = vector.broadcast %sign3A_183 : i32 to vector<1x64xi32>
    %sign3A_185 = arith.cmpi sgt, %iota3A_150, %sign3A_184 : vector<1x64xi32>
    %sign3A_186 = arith.extui %sign3A_185 : vector<1x64xi1> to vector<1x64xi32>
    %sign3A_187 = arith.constant 0 : i32
    %sign3A_188 = vector.broadcast %sign3A_187 : i32 to vector<1x64xi32>
    %sign3A_189 = arith.cmpi slt, %iota3A_150, %sign3A_188 : vector<1x64xi32>
    %sign3A_190 = arith.extui %sign3A_189 : vector<1x64xi1> to vector<1x64xi32>
    %sign3A_191 = arith.subi %sign3A_186, %sign3A_190 : vector<1x64xi32>
    %sign3A_192 = arith.constant 0 : i32
    %sign3A_193 = arith.cmpi sgt, %jit3A_180, %sign3A_192 : i32
    %sign3A_194 = arith.extui %sign3A_193 : i1 to i32
    %sign3A_195 = arith.constant 0 : i32
    %sign3A_196 = arith.cmpi slt, %jit3A_180, %sign3A_195 : i32
    %sign3A_197 = arith.extui %sign3A_196 : i1 to i32
    %sign3A_198 = arith.subi %sign3A_194, %sign3A_197 : i32
    %ne3A_199 = vector.broadcast %sign3A_198 : i32 to vector<1x64xi32>
    %ne3A_200 = arith.cmpi ne, %sign3A_191, %ne3A_199 : vector<1x64xi32>
    %rem3A_201 = vector.broadcast %jit3A_180 : i32 to vector<1x64xi32>
    %rem3A_202 = arith.remsi %iota3A_150, %rem3A_201 : vector<1x64xi32>
    %ne3A_203 = arith.constant 0 : i32
    %ne3A_204 = vector.broadcast %ne3A_203 : i32 to vector<1x64xi32>
    %ne3A_205 = arith.cmpi ne, %rem3A_202, %ne3A_204 : vector<1x64xi32>
    %and3A_206 = arith.andi %ne3A_200, %ne3A_205 : vector<1x64xi1>
    %sub3A_207 = arith.constant 1 : i32
    %sub3A_208 = vector.broadcast %sub3A_207 : i32 to vector<1x64xi32>
    %sub3A_209 = arith.subi %div3A_182, %sub3A_208 : vector<1x64xi32>
    %select_n3A_210 = arith.select %and3A_206, %sub3A_209, %div3A_182 : vector<1x64xi1>, vector<1x64xi32>
    %add3A_211 = arith.constant 0 : i32
    %add3A_212 = vector.broadcast %add3A_211 : i32 to vector<1x64xi32>
    %add3A_213 = arith.addi %select_n3A_210, %add3A_212 : vector<1x64xi32>
    %convert_element_type3A = arith.sitofp %add3A_213 : vector<1x64xi32> to vector<1x64xf32>
    %jit3A_214 = arith.constant 4 : i32
    %eq3A_215 = arith.constant 0 : i32
    %eq3A_216 = arith.cmpi eq, %jit3A_214, %eq3A_215 : i32
    %jit3A_217 = arith.constant 1 : i32
    %select_n3A_218 = arith.select %eq3A_216, %jit3A_217, %jit3A_214 : i32
    %rem3A_219 = vector.broadcast %select_n3A_218 : i32 to vector<1x64xi32>
    %rem3A_220 = arith.remsi %iota3A_150, %rem3A_219 : vector<1x64xi32>
    %ne3A_221 = arith.constant 0 : i32
    %ne3A_222 = vector.broadcast %ne3A_221 : i32 to vector<1x64xi32>
    %ne3A_223 = arith.cmpi ne, %rem3A_220, %ne3A_222 : vector<1x64xi32>
    %lt3A_224 = arith.constant 0 : i32
    %lt3A_225 = vector.broadcast %lt3A_224 : i32 to vector<1x64xi32>
    %lt3A_226 = arith.cmpi slt, %rem3A_220, %lt3A_225 : vector<1x64xi32>
    %lt3A_227 = arith.constant 0 : i32
    %lt3A_228 = arith.cmpi slt, %select_n3A_218, %lt3A_227 : i32
    %ne3A_229 = vector.broadcast %lt3A_228 : i1 to vector<1x64xi1>
    %ne3A_230 = vector.broadcast %ne3A_229 : vector<1x64xi1> to vector<1x64xi1>
    %ne3A_231 = arith.xori %lt3A_226, %ne3A_230 : vector<1x64xi1>
    %and3A_232 = arith.andi %ne3A_231, %ne3A_223 : vector<1x64xi1>
    %add3A_233 = vector.broadcast %select_n3A_218 : i32 to vector<1x64xi32>
    %add3A_234 = arith.addi %rem3A_220, %add3A_233 : vector<1x64xi32>
    %select_n3A_235 = arith.select %and3A_232, %add3A_234, %rem3A_220 : vector<1x64xi1>, vector<1x64xi32>
    %broadcast_in_dim3A_236 = arith.constant 0xFF800000 : f32
    %broadcast_in_dim3A_237 = vector.broadcast %broadcast_in_dim3A_236 : f32 to vector<4x1xf32>
    %broadcast_in_dim3A_238 = arith.constant 0.000000e+00 : f32
    %broadcast_in_dim3A_239 = vector.broadcast %broadcast_in_dim3A_238 : f32 to vector<4x1xf32>
    %broadcast_in_dim3A_240 = arith.constant 0.000000e+00 : f32
    %broadcast_in_dim3A_241 = vector.broadcast %broadcast_in_dim3A_240 : f32 to vector<4x64xf32>
    %get3A_242 = arith.constant 4 : index
    %get3A_243 = arith.constant 0 : index
    %get3A_244 = vector.load %arg16[%get3A_242, %get3A_243] : memref<64x3xf32, #tpu.memory_space<vmem>>, vector<1x3xf32>
    %get3A_245 = arith.constant 5 : index
    %get3A_246 = arith.constant 0 : index
    %get3A_247 = vector.load %arg16[%get3A_245, %get3A_246] : memref<64x3xf32, #tpu.memory_space<vmem>>, vector<1x3xf32>
    %get3A_248 = arith.constant 6 : index
    %get3A_249 = arith.constant 0 : index
    %get3A_250 = vector.load %arg16[%get3A_248, %get3A_249] : memref<64x3xf32, #tpu.memory_space<vmem>>, vector<1x3xf32>
    %get3A_251 = arith.constant 7 : index
    %get3A_252 = arith.constant 0 : index
    %get3A_253 = vector.load %arg16[%get3A_251, %get3A_252] : memref<64x3xf32, #tpu.memory_space<vmem>>, vector<1x3xf32>
    %concatenate3A_254 = tpu.concatenate %get3A_244, %get3A_247, %get3A_250, %get3A_253 in 0 : vector<1x3xf32>, vector<1x3xf32>, vector<1x3xf32>, vector<1x3xf32> -> vector<4x3xf32>
    %get3A_255 = arith.constant 4 : index
    %get3A_256 = arith.constant 0 : index
    %get3A_257 = vector.load %arg14[%get3A_255, %get3A_256] : memref<512x512xf32, #tpu.memory_space<vmem>>, vector<1x512xf32>
    %get3A_258 = arith.constant 5 : index
    %get3A_259 = arith.constant 0 : index
    %get3A_260 = vector.load %arg14[%get3A_258, %get3A_259] : memref<512x512xf32, #tpu.memory_space<vmem>>, vector<1x512xf32>
    %get3A_261 = arith.constant 6 : index
    %get3A_262 = arith.constant 0 : index
    %get3A_263 = vector.load %arg14[%get3A_261, %get3A_262] : memref<512x512xf32, #tpu.memory_space<vmem>>, vector<1x512xf32>
    %get3A_264 = arith.constant 7 : index
    %get3A_265 = arith.constant 0 : index
    %get3A_266 = vector.load %arg14[%get3A_264, %get3A_265] : memref<512x512xf32, #tpu.memory_space<vmem>>, vector<1x512xf32>
    %concatenate3A_267 = tpu.concatenate %get3A_257, %get3A_260, %get3A_263, %get3A_266 in 0 : vector<1x512xf32>, vector<1x512xf32>, vector<1x512xf32>, vector<1x512xf32> -> vector<4x512xf32>
    %scan3A = arith.constant 1 : i32
    %scan3A_268 = arith.constant 15 : i32
    %scan3A_269 = arith.addi %scan3A, %scan3A_268 : i32
    %scan3A_270 = arith.constant 1 : i32
    %scan3A_271:7 = scf.for %scan3A_1648 = %scan3A to %scan3A_269 step %scan3A_270 iter_args(%scan3A_1649 = %broadcast_in_dim3A_149, %scan3A_1650 = %concatenate3A, %scan3A_1651 = %broadcast_in_dim3A_237, %scan3A_1652 = %broadcast_in_dim3A_239, %scan3A_1653 = %broadcast_in_dim3A_241, %scan3A_1654 = %concatenate3A_254, %scan3A_1655 = %concatenate3A_267) -> (vector<4x1xf32>, vector<4x512xf32>, vector<4x1xf32>, vector<4x1xf32>, vector<4x64xf32>, vector<4x3xf32>, vector<4x512xf32>)  : i32 {
      %sub3A_1656 = arith.constant 0 : i32
      %sub3A_1657 = arith.subi %scan3A_1648, %sub3A_1656 : i32
      %mul3A_1658 = arith.constant 4 : i32
      %mul3A_1659 = arith.muli %sub3A_1657, %mul3A_1658 : i32
      %get3A_1660 = arith.constant 0 : index
      %get3A_1661 = arith.constant 0 : index
      %get3A_1662 = vector.load %arg12[%get3A_1660, %get3A_1661] : memref<512x512xf32, #tpu.memory_space<vmem>>, vector<64x512xf32>
      %dot_general3A_1663 = arith.constant dense<0.000000e+00> : vector<4x512xf32>
      %dot_general3A_1664 = tpu.matmul %scan3A_1653, %get3A_1662, %dot_general3A_1663 {dimension_numbers = #tpu.dot_dimension_numbers<[1], [0], [0], [1], [0, 0, 1, 1], [], []>, transpose_lhs_hint = false} : vector<4x64xf32>, vector<64x512xf32>, vector<4x512xf32> -> vector<4x512xf32>
      %add3A_1665 = arith.constant 1 : i32
      %add3A_1666 = arith.addi %scan3A_1648, %add3A_1665 : i32
      %min3A = arith.constant 127 : i32
      %min3A_1667 = arith.minsi %add3A_1666, %min3A : i32
      %mul3A_1668 = arith.constant 4 : i32
      %mul3A_1669 = arith.muli %mul3A_1668, %min3A_1667 : i32
      %add3A_1670 = arith.constant 0 : i32
      %add3A_1671 = arith.addi %mul3A_1669, %add3A_1670 : i32
      %get3A_1672 = arith.index_cast %add3A_1671 : i32 to index
      %get3A_1673 = arith.constant 0 : index
      %get3A_1674 = vector.load %arg14[%get3A_1672, %get3A_1673] : memref<512x512xf32, #tpu.memory_space<vmem>>, vector<1x512xf32>
      %add3A_1675 = arith.constant 1 : i32
      %add3A_1676 = arith.addi %mul3A_1669, %add3A_1675 : i32
      %get3A_1677 = arith.index_cast %add3A_1676 : i32 to index
      %get3A_1678 = arith.constant 0 : index
      %get3A_1679 = vector.load %arg14[%get3A_1677, %get3A_1678] : memref<512x512xf32, #tpu.memory_space<vmem>>, vector<1x512xf32>
      %add3A_1680 = arith.constant 2 : i32
      %add3A_1681 = arith.addi %mul3A_1669, %add3A_1680 : i32
      %get3A_1682 = arith.index_cast %add3A_1681 : i32 to index
      %get3A_1683 = arith.constant 0 : index
      %get3A_1684 = vector.load %arg14[%get3A_1682, %get3A_1683] : memref<512x512xf32, #tpu.memory_space<vmem>>, vector<1x512xf32>
      %add3A_1685 = arith.constant 3 : i32
      %add3A_1686 = arith.addi %mul3A_1669, %add3A_1685 : i32
      %get3A_1687 = arith.index_cast %add3A_1686 : i32 to index
      %get3A_1688 = arith.constant 0 : index
      %get3A_1689 = vector.load %arg14[%get3A_1687, %get3A_1688] : memref<512x512xf32, #tpu.memory_space<vmem>>, vector<1x512xf32>
      %concatenate3A_1690 = tpu.concatenate %get3A_1674, %get3A_1679, %get3A_1684, %get3A_1689 in 0 : vector<1x512xf32>, vector<1x512xf32>, vector<1x512xf32>, vector<1x512xf32> -> vector<4x512xf32>
      %dot_general3A_1691 = arith.constant dense<0.000000e+00> : vector<4x64xf32>
      %dot_general3A_1692 = tpu.matmul %concatenate3A_1690, %get3A_1662, %dot_general3A_1691 {dimension_numbers = #tpu.dot_dimension_numbers<[1], [1], [0], [0], [0, 0, 1, 0], [], []>, transpose_lhs_hint = false} : vector<4x512xf32>, vector<64x512xf32>, vector<4x64xf32> -> vector<4x64xf32>
      %add3A_1693 = arith.constant 0 : i32
      %add3A_1694 = arith.addi %mul3A_1659, %add3A_1693 : i32
      %get3A_1695 = arith.index_cast %add3A_1694 : i32 to index
      %get3A_1696 = arith.constant 0 : index
      %get3A_1697 = vector.load %arg15[%get3A_1695, %get3A_1696] : memref<64x512xf32, #tpu.memory_space<vmem>>, vector<1x512xf32>
      %add3A_1698 = arith.constant 1 : i32
      %add3A_1699 = arith.addi %mul3A_1659, %add3A_1698 : i32
      %get3A_1700 = arith.index_cast %add3A_1699 : i32 to index
      %get3A_1701 = arith.constant 0 : index
      %get3A_1702 = vector.load %arg15[%get3A_1700, %get3A_1701] : memref<64x512xf32, #tpu.memory_space<vmem>>, vector<1x512xf32>
      %add3A_1703 = arith.constant 2 : i32
      %add3A_1704 = arith.addi %mul3A_1659, %add3A_1703 : i32
      %get3A_1705 = arith.index_cast %add3A_1704 : i32 to index
      %get3A_1706 = arith.constant 0 : index
      %get3A_1707 = vector.load %arg15[%get3A_1705, %get3A_1706] : memref<64x512xf32, #tpu.memory_space<vmem>>, vector<1x512xf32>
      %add3A_1708 = arith.constant 3 : i32
      %add3A_1709 = arith.addi %mul3A_1659, %add3A_1708 : i32
      %get3A_1710 = arith.index_cast %add3A_1709 : i32 to index
      %get3A_1711 = arith.constant 0 : index
      %get3A_1712 = vector.load %arg15[%get3A_1710, %get3A_1711] : memref<64x512xf32, #tpu.memory_space<vmem>>, vector<1x512xf32>
      %concatenate3A_1713 = tpu.concatenate %get3A_1697, %get3A_1702, %get3A_1707, %get3A_1712 in 0 : vector<1x512xf32>, vector<1x512xf32>, vector<1x512xf32>, vector<1x512xf32> -> vector<4x512xf32>
      %mul3A_1714 = arith.constant 4 : i32
      %mul3A_1715 = arith.muli %mul3A_1714, %scan3A_1648 : i32
      %add3A_1716 = arith.constant 0 : i32
      %add3A_1717 = arith.addi %mul3A_1715, %add3A_1716 : i32
      %get3A_1718 = arith.index_cast %add3A_1717 : i32 to index
      %get3A_1719 = arith.constant 0 : index
      %get3A_1720 = vector.load %arg13[%get3A_1718, %get3A_1719] : memref<512x512xf32, #tpu.memory_space<vmem>>, vector<1x512xf32>
      %add3A_1721 = arith.constant 1 : i32
      %add3A_1722 = arith.addi %mul3A_1715, %add3A_1721 : i32
      %get3A_1723 = arith.index_cast %add3A_1722 : i32 to index
      %get3A_1724 = arith.constant 0 : index
      %get3A_1725 = vector.load %arg13[%get3A_1723, %get3A_1724] : memref<512x512xf32, #tpu.memory_space<vmem>>, vector<1x512xf32>
      %add3A_1726 = arith.constant 2 : i32
      %add3A_1727 = arith.addi %mul3A_1715, %add3A_1726 : i32
      %get3A_1728 = arith.index_cast %add3A_1727 : i32 to index
      %get3A_1729 = arith.constant 0 : index
      %get3A_1730 = vector.load %arg13[%get3A_1728, %get3A_1729] : memref<512x512xf32, #tpu.memory_space<vmem>>, vector<1x512xf32>
      %add3A_1731 = arith.constant 3 : i32
      %add3A_1732 = arith.addi %mul3A_1715, %add3A_1731 : i32
      %get3A_1733 = arith.index_cast %add3A_1732 : i32 to index
      %get3A_1734 = arith.constant 0 : index
      %get3A_1735 = vector.load %arg13[%get3A_1733, %get3A_1734] : memref<512x512xf32, #tpu.memory_space<vmem>>, vector<1x512xf32>
      %concatenate3A_1736 = tpu.concatenate %get3A_1720, %get3A_1725, %get3A_1730, %get3A_1735 in 0 : vector<1x512xf32>, vector<1x512xf32>, vector<1x512xf32>, vector<1x512xf32> -> vector<4x512xf32>
      %mul3A_1737 = arith.constant 4 : i32
      %mul3A_1738 = arith.muli %mul3A_1737, %scan3A_1648 : i32
      %add3A_1739 = arith.constant 0 : i32
      %add3A_1740 = arith.addi %mul3A_1738, %add3A_1739 : i32
      %get3A_1741 = arith.index_cast %add3A_1740 : i32 to index
      %get3A_1742 = arith.constant 0 : index
      %get3A_1743 = vector.load %arg3[%get3A_1741, %get3A_1742] : memref<512x1xf32, #tpu.memory_space<vmem>>, vector<1x1xf32>
      %add3A_1744 = arith.constant 1 : i32
      %add3A_1745 = arith.addi %mul3A_1738, %add3A_1744 : i32
      %get3A_1746 = arith.index_cast %add3A_1745 : i32 to index
      %get3A_1747 = arith.constant 0 : index
      %get3A_1748 = vector.load %arg3[%get3A_1746, %get3A_1747] : memref<512x1xf32, #tpu.memory_space<vmem>>, vector<1x1xf32>
      %add3A_1749 = arith.constant 2 : i32
      %add3A_1750 = arith.addi %mul3A_1738, %add3A_1749 : i32
      %get3A_1751 = arith.index_cast %add3A_1750 : i32 to index
      %get3A_1752 = arith.constant 0 : index
      %get3A_1753 = vector.load %arg3[%get3A_1751, %get3A_1752] : memref<512x1xf32, #tpu.memory_space<vmem>>, vector<1x1xf32>
      %add3A_1754 = arith.constant 3 : i32
      %add3A_1755 = arith.addi %mul3A_1738, %add3A_1754 : i32
      %get3A_1756 = arith.index_cast %add3A_1755 : i32 to index
      %get3A_1757 = arith.constant 0 : index
      %get3A_1758 = vector.load %arg3[%get3A_1756, %get3A_1757] : memref<512x1xf32, #tpu.memory_space<vmem>>, vector<1x1xf32>
      %concatenate3A_1759 = tpu.concatenate %get3A_1743, %get3A_1748, %get3A_1753, %get3A_1758 in 0 : vector<1x1xf32>, vector<1x1xf32>, vector<1x1xf32>, vector<1x1xf32> -> vector<4x1xf32>
      %add3A_1760 = arith.constant 4 : i32
      %add3A_1761 = arith.addi %mul3A_1659, %add3A_1760 : i32
      %min3A_1762 = arith.constant 60 : i32
      %min3A_1763 = arith.minsi %add3A_1761, %min3A_1762 : i32
      %add3A_1764 = arith.constant 0 : i32
      %add3A_1765 = arith.addi %min3A_1763, %add3A_1764 : i32
      %get3A_1766 = arith.index_cast %add3A_1765 : i32 to index
      %get3A_1767 = arith.constant 0 : index
      %get3A_1768 = vector.load %arg16[%get3A_1766, %get3A_1767] : memref<64x3xf32, #tpu.memory_space<vmem>>, vector<1x3xf32>
      %add3A_1769 = arith.constant 1 : i32
      %add3A_1770 = arith.addi %min3A_1763, %add3A_1769 : i32
      %get3A_1771 = arith.index_cast %add3A_1770 : i32 to index
      %get3A_1772 = arith.constant 0 : index
      %get3A_1773 = vector.load %arg16[%get3A_1771, %get3A_1772] : memref<64x3xf32, #tpu.memory_space<vmem>>, vector<1x3xf32>
      %add3A_1774 = arith.constant 2 : i32
      %add3A_1775 = arith.addi %min3A_1763, %add3A_1774 : i32
      %get3A_1776 = arith.index_cast %add3A_1775 : i32 to index
      %get3A_1777 = arith.constant 0 : index
      %get3A_1778 = vector.load %arg16[%get3A_1776, %get3A_1777] : memref<64x3xf32, #tpu.memory_space<vmem>>, vector<1x3xf32>
      %add3A_1779 = arith.constant 3 : i32
      %add3A_1780 = arith.addi %min3A_1763, %add3A_1779 : i32
      %get3A_1781 = arith.index_cast %add3A_1780 : i32 to index
      %get3A_1782 = arith.constant 0 : index
      %get3A_1783 = vector.load %arg16[%get3A_1781, %get3A_1782] : memref<64x3xf32, #tpu.memory_space<vmem>>, vector<1x3xf32>
      %concatenate3A_1784 = tpu.concatenate %get3A_1768, %get3A_1773, %get3A_1778, %get3A_1783 in 0 : vector<1x3xf32>, vector<1x3xf32>, vector<1x3xf32>, vector<1x3xf32> -> vector<4x3xf32>
      %slice3A_1785 = vector.extract_strided_slice %scan3A_1654 {offsets = [0, 0], sizes = [4, 1], strides = [1, 1]} : vector<4x3xf32> to vector<4x1xf32>
      %slice3A_1786 = vector.extract_strided_slice %scan3A_1654 {offsets = [0, 1], sizes = [4, 1], strides = [1, 1]} : vector<4x3xf32> to vector<4x1xf32>
      %slice3A_1787 = vector.extract_strided_slice %scan3A_1654 {offsets = [0, 2], sizes = [4, 1], strides = [1, 1]} : vector<4x3xf32> to vector<4x1xf32>
      %mul3A_1788 = arith.mulf %scan3A_1655, %scan3A_1650 : vector<4x512xf32>
      %reduce_sum3A_1789 = arith.constant dense<0.000000e+00> : vector<4xf32>
      %reduce_sum3A_1790 = vector.multi_reduction <add>, %mul3A_1788, %reduce_sum3A_1789 [1] : vector<4x512xf32> to vector<4xf32>
      %broadcast_in_dim3A_1791 = vector.shape_cast %reduce_sum3A_1790 : vector<4xf32> to vector<4x1xf32>
      %gt3A = arith.constant 0 : i32
      %gt3A_1792 = arith.cmpi sgt, %scan3A_1648, %gt3A : i32
      %jit3A_1793 = arith.constant 0xFF800000 : f32
      %broadcast_in_dim3A_1794 = vector.broadcast %jit3A_1793 : f32 to vector<4x1xf32>
      %select_n3A_1795 = arith.select %gt3A_1792, %broadcast_in_dim3A_1791, %broadcast_in_dim3A_1794 : vector<4x1xf32>
      %max3A_1796 = arith.maximumf %scan3A_1651, %select_n3A_1795 : vector<4x1xf32>
      %max3A_1797 = arith.maximumf %max3A_1796, %slice3A_1786 : vector<4x1xf32>
      %sub3A_1798 = arith.subf %slice3A_1786, %max3A_1797 : vector<4x1xf32>
      %exp3A_1799 = math.exp %sub3A_1798 : vector<4x1xf32>
      %sub3A_1800 = arith.subf %scan3A_1651, %max3A_1797 : vector<4x1xf32>
      %exp3A_1801 = math.exp %sub3A_1800 : vector<4x1xf32>
      %sub3A_1802 = arith.subf %select_n3A_1795, %max3A_1797 : vector<4x1xf32>
      %exp3A_1803 = math.exp %sub3A_1802 : vector<4x1xf32>
      %mul3A_1804 = vector.broadcast %exp3A_1799 : vector<4x1xf32> to vector<4x512xf32>
      %mul3A_1805 = arith.mulf %mul3A_1804, %concatenate3A_1713 : vector<4x512xf32>
      %mul3A_1806 = vector.broadcast %exp3A_1801 : vector<4x1xf32> to vector<4x512xf32>
      %mul3A_1807 = arith.mulf %mul3A_1806, %dot_general3A_1664 : vector<4x512xf32>
      %add3A_1808 = arith.addf %mul3A_1805, %mul3A_1807 : vector<4x512xf32>
      %mul3A_1809 = vector.broadcast %exp3A_1803 : vector<4x1xf32> to vector<4x512xf32>
      %mul3A_1810 = arith.mulf %mul3A_1809, %scan3A_1650 : vector<4x512xf32>
      %add3A_1811 = arith.addf %add3A_1808, %mul3A_1810 : vector<4x512xf32>
      %mul3A_1812 = arith.mulf %exp3A_1799, %slice3A_1787 : vector<4x1xf32>
      %mul3A_1813 = arith.mulf %exp3A_1801, %scan3A_1652 : vector<4x1xf32>
      %add3A_1814 = arith.addf %mul3A_1812, %mul3A_1813 : vector<4x1xf32>
      %add3A_1815 = arith.addf %add3A_1814, %exp3A_1803 : vector<4x1xf32>
      %div3A_1816 = vector.broadcast %add3A_1815 : vector<4x1xf32> to vector<4x512xf32>
      %div3A_1817 = arith.divf %add3A_1811, %div3A_1816 : vector<4x512xf32>
      %tanh3A = math.tanh %div3A_1817 : vector<4x512xf32>
      %mul3A_1818 = arith.mulf %scan3A_1649, %concatenate3A_1759 : vector<4x1xf32>
      %ge3A_1819 = arith.constant 0.000000e+00 : f32
      %ge3A_1820 = vector.broadcast %ge3A_1819 : f32 to vector<4x1xf32>
      %ge3A_1821 = arith.cmpf oge, %slice3A_1785, %ge3A_1820 : vector<4x1xf32>
      %broadcast_in_dim3A_1822 = vector.shape_cast %ge3A_1821 : vector<4x1xi1> to vector<4x1xi1>
      %broadcast_in_dim3A_1823 = vector.broadcast %broadcast_in_dim3A_1822 : vector<4x1xi1> to vector<4x512xi1>
      %select_n3A_1824 = arith.select %broadcast_in_dim3A_1823, %tanh3A, %concatenate3A_1736 : vector<4x512xi1>, vector<4x512xf32>
      %gt3A_1825 = arith.constant 0.000000e+00 : f32
      %gt3A_1826 = vector.broadcast %gt3A_1825 : f32 to vector<4x1xf32>
      %gt3A_1827 = arith.cmpf ogt, %mul3A_1818, %gt3A_1826 : vector<4x1xf32>
      %eq3A_1828 = vector.broadcast %scan3A_1648 : i32 to vector<4x1xi32>
      %eq3A_1829 = arith.cmpi eq, %broadcast_in_dim3A_89, %eq3A_1828 : vector<4x1xi32>
      %jit3A_1830 = arith.constant 0.000000e+00 : f32
      %broadcast_in_dim3A_1831 = vector.shape_cast %eq3A_1829 : vector<4x1xi1> to vector<4x1xi1>
      %broadcast_in_dim3A_1832 = vector.broadcast %broadcast_in_dim3A_1831 : vector<4x1xi1> to vector<4x512xi1>
      %broadcast_in_dim3A_1833 = vector.broadcast %jit3A_1830 : f32 to vector<4x512xf32>
      %select_n3A_1834 = arith.select %broadcast_in_dim3A_1832, %concatenate3A_1736, %broadcast_in_dim3A_1833 : vector<4x512xi1>, vector<4x512xf32>
      %broadcast_in_dim3A_1835 = vector.shape_cast %gt3A_1827 : vector<4x1xi1> to vector<4x1xi1>
      %broadcast_in_dim3A_1836 = vector.broadcast %broadcast_in_dim3A_1835 : vector<4x1xi1> to vector<4x512xi1>
      %select_n3A_1837 = arith.select %broadcast_in_dim3A_1836, %select_n3A_1824, %select_n3A_1834 : vector<4x512xi1>, vector<4x512xf32>
      %slice3A_1838 = vector.extract_strided_slice %select_n3A_1837 {offsets = [0, 0], sizes = [1, 512], strides = [1, 1]} : vector<4x512xf32> to vector<1x512xf32>
      %mul3A_1839 = arith.constant 4 : i32
      %mul3A_1840 = arith.muli %mul3A_1839, %scan3A_1648 : i32
      %add3A_1841 = arith.constant 0 : i32
      %add3A_1842 = arith.addi %mul3A_1840, %add3A_1841 : i32
      %swap3A_1843 = arith.index_cast %add3A_1842 : i32 to index
      %swap3A_1844 = arith.constant 0 : index
      %swap3A_1845 = vector.load %arg12[%swap3A_1843, %swap3A_1844] : memref<512x512xf32, #tpu.memory_space<vmem>>, vector<1x512xf32>
      tpu.vector_store %arg12[%swap3A_1843, %swap3A_1844], %slice3A_1838 {strides = array<i32>} : memref<512x512xf32, #tpu.memory_space<vmem>>, vector<1x512xf32>,
      %slice3A_1846 = vector.extract_strided_slice %select_n3A_1837 {offsets = [1, 0], sizes = [1, 512], strides = [1, 1]} : vector<4x512xf32> to vector<1x512xf32>
      %mul3A_1847 = arith.constant 4 : i32
      %mul3A_1848 = arith.muli %mul3A_1847, %scan3A_1648 : i32
      %add3A_1849 = arith.constant 1 : i32
      %add3A_1850 = arith.addi %mul3A_1848, %add3A_1849 : i32
      %swap3A_1851 = arith.index_cast %add3A_1850 : i32 to index
      %swap3A_1852 = arith.constant 0 : index
      %swap3A_1853 = vector.load %arg12[%swap3A_1851, %swap3A_1852] : memref<512x512xf32, #tpu.memory_space<vmem>>, vector<1x512xf32>
      tpu.vector_store %arg12[%swap3A_1851, %swap3A_1852], %slice3A_1846 {strides = array<i32>} : memref<512x512xf32, #tpu.memory_space<vmem>>, vector<1x512xf32>,
      %slice3A_1854 = vector.extract_strided_slice %select_n3A_1837 {offsets = [2, 0], sizes = [1, 512], strides = [1, 1]} : vector<4x512xf32> to vector<1x512xf32>
      %mul3A_1855 = arith.constant 4 : i32
      %mul3A_1856 = arith.muli %mul3A_1855, %scan3A_1648 : i32
      %add3A_1857 = arith.constant 2 : i32
      %add3A_1858 = arith.addi %mul3A_1856, %add3A_1857 : i32
      %swap3A_1859 = arith.index_cast %add3A_1858 : i32 to index
      %swap3A_1860 = arith.constant 0 : index
      %swap3A_1861 = vector.load %arg12[%swap3A_1859, %swap3A_1860] : memref<512x512xf32, #tpu.memory_space<vmem>>, vector<1x512xf32>
      tpu.vector_store %arg12[%swap3A_1859, %swap3A_1860], %slice3A_1854 {strides = array<i32>} : memref<512x512xf32, #tpu.memory_space<vmem>>, vector<1x512xf32>,
      %slice3A_1862 = vector.extract_strided_slice %select_n3A_1837 {offsets = [3, 0], sizes = [1, 512], strides = [1, 1]} : vector<4x512xf32> to vector<1x512xf32>
      %mul3A_1863 = arith.constant 4 : i32
      %mul3A_1864 = arith.muli %mul3A_1863, %scan3A_1648 : i32
      %add3A_1865 = arith.constant 3 : i32
      %add3A_1866 = arith.addi %mul3A_1864, %add3A_1865 : i32
      %swap3A_1867 = arith.index_cast %add3A_1866 : i32 to index
      %swap3A_1868 = arith.constant 0 : index
      %swap3A_1869 = vector.load %arg12[%swap3A_1867, %swap3A_1868] : memref<512x512xf32, #tpu.memory_space<vmem>>, vector<1x512xf32>
      tpu.vector_store %arg12[%swap3A_1867, %swap3A_1868], %slice3A_1862 {strides = array<i32>} : memref<512x512xf32, #tpu.memory_space<vmem>>, vector<1x512xf32>,
      %slice3A_1870 = vector.extract_strided_slice %concatenate3A_1784 {offsets = [0, 0], sizes = [4, 1], strides = [1, 1]} : vector<4x3xf32> to vector<4x1xf32>
      %eq3A_1871 = vector.broadcast %select_n3A_235 : vector<1x64xi32> to vector<4x64xi32>
      %eq3A_1872 = vector.broadcast %iota3A_151 : vector<4x1xi32> to vector<4x64xi32>
      %eq3A_1873 = arith.cmpi eq, %eq3A_1871, %eq3A_1872 : vector<4x64xi32>
      %ge3A_1874 = vector.broadcast %convert_element_type3A : vector<1x64xf32> to vector<4x64xf32>
      %ge3A_1875 = vector.broadcast %slice3A_1870 : vector<4x1xf32> to vector<4x64xf32>
      %ge3A_1876 = arith.cmpf oge, %ge3A_1874, %ge3A_1875 : vector<4x64xf32>
      %and3A_1877 = arith.andi %eq3A_1873, %ge3A_1876 : vector<4x64xi1>
      %lt3A_1878 = vector.broadcast %scan3A_1648 : i32 to vector<1x64xi32>
      %lt3A_1879 = arith.cmpi slt, %add3A_213, %lt3A_1878 : vector<1x64xi32>
      %and3A_1880 = vector.broadcast %lt3A_1879 : vector<1x64xi1> to vector<4x64xi1>
      %and3A_1881 = arith.andi %and3A_1877, %and3A_1880 : vector<4x64xi1>
      %jit3A_1882 = arith.constant 0xFF800000 : f32
      %broadcast_in_dim3A_1883 = vector.broadcast %jit3A_1882 : f32 to vector<4x64xf32>
      %select_n3A_1884 = arith.select %and3A_1881, %dot_general3A_1692, %broadcast_in_dim3A_1883 : vector<4x64xi1>, vector<4x64xf32>
      %reduce_max3A_1885 = arith.constant dense<0xFF800000> : vector<4xf32>
      %reduce_max3A_1886 = vector.multi_reduction <maximumf>, %select_n3A_1884, %reduce_max3A_1885 [1] : vector<4x64xf32> to vector<4xf32>
      %broadcast_in_dim3A_1887 = vector.shape_cast %reduce_max3A_1886 : vector<4xf32> to vector<4x1xf32>
      %sub3A_1888 = vector.broadcast %broadcast_in_dim3A_1887 : vector<4x1xf32> to vector<4x64xf32>
      %sub3A_1889 = arith.subf %dot_general3A_1692, %sub3A_1888 : vector<4x64xf32>
      %exp3A_1890 = math.exp %sub3A_1889 : vector<4x64xf32>
      %jit3A_1891 = arith.constant 0.000000e+00 : f32
      %broadcast_in_dim3A_1892 = vector.broadcast %jit3A_1891 : f32 to vector<4x64xf32>
      %select_n3A_1893 = arith.select %and3A_1881, %exp3A_1890, %broadcast_in_dim3A_1892 : vector<4x64xi1>, vector<4x64xf32>
      %reduce_sum3A_1894 = arith.constant dense<0.000000e+00> : vector<4xf32>
      %reduce_sum3A_1895 = vector.multi_reduction <add>, %select_n3A_1893, %reduce_sum3A_1894 [1] : vector<4x64xf32> to vector<4xf32>
      %broadcast_in_dim3A_1896 = vector.shape_cast %reduce_sum3A_1895 : vector<4xf32> to vector<4x1xf32>
      scf.yield %mul3A_1818, %select_n3A_1837, %broadcast_in_dim3A_1887, %broadcast_in_dim3A_1896, %select_n3A_1893, %concatenate3A_1784, %concatenate3A_1690 : vector<4x1xf32>, vector<4x512xf32>, vector<4x1xf32>, vector<4x1xf32>, vector<4x64xf32>, vector<4x3xf32>, vector<4x512xf32>
    }
    %scan3A_272 = arith.constant 15 : i32
    %get3A_273 = arith.constant 64 : index
    %get3A_274 = arith.constant 0 : index
    %get3A_275 = vector.load %arg1[%get3A_273, %get3A_274] : memref<512x1xf32, #tpu.memory_space<vmem>>, vector<64x1xf32>
    %get3A_276 = arith.constant 0 : index
    %get3A_277 = arith.constant 0 : index
    %get3A_278 = vector.load %arg12[%get3A_276, %get3A_277] : memref<512x512xf32, #tpu.memory_space<vmem>>, vector<64x512xf32>
    %get3A_279 = arith.constant 64 : index
    %get3A_280 = arith.constant 0 : index
    %get3A_281 = vector.load %arg14[%get3A_279, %get3A_280] : memref<512x512xf32, #tpu.memory_space<vmem>>, vector<64x512xf32>
    %dot_general3A_282 = arith.constant dense<0.000000e+00> : vector<64x64xf32>
    %dot_general3A_283 = tpu.matmul %get3A_281, %get3A_278, %dot_general3A_282 {dimension_numbers = #tpu.dot_dimension_numbers<[1], [1], [0], [0], [0, 0, 1, 0], [], []>, transpose_lhs_hint = false} : vector<64x512xf32>, vector<64x512xf32>, vector<64x64xf32> -> vector<64x64xf32>
    %iota3A_284 = tpu.iota {dimensions = array<i32: 1>} : vector<1x64xi32>
    %jit3A_285 = arith.constant 4 : i32
    %eq3A_286 = arith.constant 0 : i32
    %eq3A_287 = arith.cmpi eq, %jit3A_285, %eq3A_286 : i32
    %jit3A_288 = arith.constant 1 : i32
    %select_n3A_289 = arith.select %eq3A_287, %jit3A_288, %jit3A_285 : i32
    %rem3A_290 = vector.broadcast %select_n3A_289 : i32 to vector<1x64xi32>
    %rem3A_291 = arith.remsi %iota3A_284, %rem3A_290 : vector<1x64xi32>
    %ne3A_292 = arith.constant 0 : i32
    %ne3A_293 = vector.broadcast %ne3A_292 : i32 to vector<1x64xi32>
    %ne3A_294 = arith.cmpi ne, %rem3A_291, %ne3A_293 : vector<1x64xi32>
    %lt3A_295 = arith.constant 0 : i32
    %lt3A_296 = vector.broadcast %lt3A_295 : i32 to vector<1x64xi32>
    %lt3A_297 = arith.cmpi slt, %rem3A_291, %lt3A_296 : vector<1x64xi32>
    %lt3A_298 = arith.constant 0 : i32
    %lt3A_299 = arith.cmpi slt, %select_n3A_289, %lt3A_298 : i32
    %ne3A_300 = vector.broadcast %lt3A_299 : i1 to vector<1x64xi1>
    %ne3A_301 = vector.broadcast %ne3A_300 : vector<1x64xi1> to vector<1x64xi1>
    %ne3A_302 = arith.xori %lt3A_297, %ne3A_301 : vector<1x64xi1>
    %and3A_303 = arith.andi %ne3A_302, %ne3A_294 : vector<1x64xi1>
    %add3A_304 = vector.broadcast %select_n3A_289 : i32 to vector<1x64xi32>
    %add3A_305 = arith.addi %rem3A_291, %add3A_304 : vector<1x64xi32>
    %select_n3A_306 = arith.select %and3A_303, %add3A_305, %rem3A_291 : vector<1x64xi1>, vector<1x64xi32>
    %slice3A_307 = vector.extract_strided_slice %select_n3A_74 {offsets = [64, 0], sizes = [64, 1], strides = [1, 1]} : vector<512x1xi32> to vector<64x1xi32>
    %eq3A_308 = vector.broadcast %select_n3A_306 : vector<1x64xi32> to vector<64x64xi32>
    %eq3A_309 = vector.broadcast %slice3A_307 : vector<64x1xi32> to vector<64x64xi32>
    %eq3A_310 = arith.cmpi eq, %eq3A_308, %eq3A_309 : vector<64x64xi32>
    %jit3A_311 = arith.constant 4 : i32
    %div3A_312 = vector.broadcast %jit3A_311 : i32 to vector<1x64xi32>
    %div3A_313 = arith.divsi %iota3A_284, %div3A_312 : vector<1x64xi32>
    %sign3A_314 = arith.constant 0 : i32
    %sign3A_315 = vector.broadcast %sign3A_314 : i32 to vector<1x64xi32>
    %sign3A_316 = arith.cmpi sgt, %iota3A_284, %sign3A_315 : vector<1x64xi32>
    %sign3A_317 = arith.extui %sign3A_316 : vector<1x64xi1> to vector<1x64xi32>
    %sign3A_318 = arith.constant 0 : i32
    %sign3A_319 = vector.broadcast %sign3A_318 : i32 to vector<1x64xi32>
    %sign3A_320 = arith.cmpi slt, %iota3A_284, %sign3A_319 : vector<1x64xi32>
    %sign3A_321 = arith.extui %sign3A_320 : vector<1x64xi1> to vector<1x64xi32>
    %sign3A_322 = arith.subi %sign3A_317, %sign3A_321 : vector<1x64xi32>
    %sign3A_323 = arith.constant 0 : i32
    %sign3A_324 = arith.cmpi sgt, %jit3A_311, %sign3A_323 : i32
    %sign3A_325 = arith.extui %sign3A_324 : i1 to i32
    %sign3A_326 = arith.constant 0 : i32
    %sign3A_327 = arith.cmpi slt, %jit3A_311, %sign3A_326 : i32
    %sign3A_328 = arith.extui %sign3A_327 : i1 to i32
    %sign3A_329 = arith.subi %sign3A_325, %sign3A_328 : i32
    %ne3A_330 = vector.broadcast %sign3A_329 : i32 to vector<1x64xi32>
    %ne3A_331 = arith.cmpi ne, %sign3A_322, %ne3A_330 : vector<1x64xi32>
    %rem3A_332 = vector.broadcast %jit3A_311 : i32 to vector<1x64xi32>
    %rem3A_333 = arith.remsi %iota3A_284, %rem3A_332 : vector<1x64xi32>
    %ne3A_334 = arith.constant 0 : i32
    %ne3A_335 = vector.broadcast %ne3A_334 : i32 to vector<1x64xi32>
    %ne3A_336 = arith.cmpi ne, %rem3A_333, %ne3A_335 : vector<1x64xi32>
    %and3A_337 = arith.andi %ne3A_331, %ne3A_336 : vector<1x64xi1>
    %sub3A_338 = arith.constant 1 : i32
    %sub3A_339 = vector.broadcast %sub3A_338 : i32 to vector<1x64xi32>
    %sub3A_340 = arith.subi %div3A_313, %sub3A_339 : vector<1x64xi32>
    %select_n3A_341 = arith.select %and3A_337, %sub3A_340, %div3A_313 : vector<1x64xi1>, vector<1x64xi32>
    %convert_element_type3A_342 = arith.sitofp %select_n3A_341 : vector<1x64xi32> to vector<1x64xf32>
    %ge3A_343 = vector.broadcast %convert_element_type3A_342 : vector<1x64xf32> to vector<64x64xf32>
    %ge3A_344 = vector.broadcast %get3A_275 : vector<64x1xf32> to vector<64x64xf32>
    %ge3A_345 = arith.cmpf oge, %ge3A_343, %ge3A_344 : vector<64x64xf32>
    %and3A_346 = arith.andi %eq3A_310, %ge3A_345 : vector<64x64xi1>
    %jit3A_347 = arith.constant 0xFF800000 : f32
    %broadcast_in_dim3A_348 = vector.broadcast %jit3A_347 : f32 to vector<64x64xf32>
    %select_n3A_349 = arith.select %and3A_346, %dot_general3A_283, %broadcast_in_dim3A_348 : vector<64x64xi1>, vector<64x64xf32>
    %reduce_max3A = arith.constant dense<0xFF800000> : vector<64xf32>
    %reduce_max3A_350 = vector.multi_reduction <maximumf>, %select_n3A_349, %reduce_max3A [1] : vector<64x64xf32> to vector<64xf32>
    %broadcast_in_dim3A_351 = vector.shape_cast %reduce_max3A_350 : vector<64xf32> to vector<64x1xf32>
    %sub3A_352 = vector.broadcast %broadcast_in_dim3A_351 : vector<64x1xf32> to vector<64x64xf32>
    %sub3A_353 = arith.subf %dot_general3A_283, %sub3A_352 : vector<64x64xf32>
    %exp3A = math.exp %sub3A_353 : vector<64x64xf32>
    %jit3A_354 = arith.constant 0.000000e+00 : f32
    %broadcast_in_dim3A_355 = vector.broadcast %jit3A_354 : f32 to vector<64x64xf32>
    %select_n3A_356 = arith.select %and3A_346, %exp3A, %broadcast_in_dim3A_355 : vector<64x64xi1>, vector<64x64xf32>
    %reduce_sum3A = arith.constant dense<0.000000e+00> : vector<64xf32>
    %reduce_sum3A_357 = vector.multi_reduction <add>, %select_n3A_356, %reduce_sum3A [1] : vector<64x64xf32> to vector<64xf32>
    %broadcast_in_dim3A_358 = vector.shape_cast %reduce_sum3A_357 : vector<64xf32> to vector<64x1xf32>
    %concatenate3A_359 = tpu.concatenate %get3A_275, %broadcast_in_dim3A_351, %broadcast_in_dim3A_358 in 1 : vector<64x1xf32>, vector<64x1xf32>, vector<64x1xf32> -> vector<64x3xf32>
    %swap3A_360 = arith.constant 0 : index
    %swap3A_361 = arith.constant 0 : index
    %swap3A_362 = vector.load %arg16[%swap3A_360, %swap3A_361] : memref<64x3xf32, #tpu.memory_space<vmem>>, vector<64x3xf32>
    tpu.vector_store %arg16[%swap3A_360, %swap3A_361], %concatenate3A_359 {strides = array<i32>} : memref<64x3xf32, #tpu.memory_space<vmem>>, vector<64x3xf32>,
    %dot_general3A_363 = arith.constant dense<0.000000e+00> : vector<64x512xf32>
    %dot_general3A_364 = tpu.matmul %select_n3A_356, %get3A_278, %dot_general3A_363 {dimension_numbers = #tpu.dot_dimension_numbers<[1], [0], [0], [1], [0, 0, 1, 1], [], []>, transpose_lhs_hint = false} : vector<64x64xf32>, vector<64x512xf32>, vector<64x512xf32> -> vector<64x512xf32>
    %swap3A_365 = arith.constant 0 : index
    %swap3A_366 = arith.constant 0 : index
    %swap3A_367 = vector.load %arg15[%swap3A_365, %swap3A_366] : memref<64x512xf32, #tpu.memory_space<vmem>>, vector<64x512xf32>
    tpu.vector_store %arg15[%swap3A_365, %swap3A_366], %dot_general3A_364 {strides = array<i32>} : memref<64x512xf32, #tpu.memory_space<vmem>>, vector<64x512xf32>,
    %jit3A_368 = arith.constant 4 : i32
    %div3A_369 = vector.broadcast %jit3A_368 : i32 to vector<1x64xi32>
    %div3A_370 = arith.divsi %iota3A_150, %div3A_369 : vector<1x64xi32>
    %sign3A_371 = arith.constant 0 : i32
    %sign3A_372 = vector.broadcast %sign3A_371 : i32 to vector<1x64xi32>
    %sign3A_373 = arith.cmpi sgt, %iota3A_150, %sign3A_372 : vector<1x64xi32>
    %sign3A_374 = arith.extui %sign3A_373 : vector<1x64xi1> to vector<1x64xi32>
    %sign3A_375 = arith.constant 0 : i32
    %sign3A_376 = vector.broadcast %sign3A_375 : i32 to vector<1x64xi32>
    %sign3A_377 = arith.cmpi slt, %iota3A_150, %sign3A_376 : vector<1x64xi32>
    %sign3A_378 = arith.extui %sign3A_377 : vector<1x64xi1> to vector<1x64xi32>
    %sign3A_379 = arith.subi %sign3A_374, %sign3A_378 : vector<1x64xi32>
    %sign3A_380 = arith.constant 0 : i32
    %sign3A_381 = arith.cmpi sgt, %jit3A_368, %sign3A_380 : i32
    %sign3A_382 = arith.extui %sign3A_381 : i1 to i32
    %sign3A_383 = arith.constant 0 : i32
    %sign3A_384 = arith.cmpi slt, %jit3A_368, %sign3A_383 : i32
    %sign3A_385 = arith.extui %sign3A_384 : i1 to i32
    %sign3A_386 = arith.subi %sign3A_382, %sign3A_385 : i32
    %ne3A_387 = vector.broadcast %sign3A_386 : i32 to vector<1x64xi32>
    %ne3A_388 = arith.cmpi ne, %sign3A_379, %ne3A_387 : vector<1x64xi32>
    %rem3A_389 = vector.broadcast %jit3A_368 : i32 to vector<1x64xi32>
    %rem3A_390 = arith.remsi %iota3A_150, %rem3A_389 : vector<1x64xi32>
    %ne3A_391 = arith.constant 0 : i32
    %ne3A_392 = vector.broadcast %ne3A_391 : i32 to vector<1x64xi32>
    %ne3A_393 = arith.cmpi ne, %rem3A_390, %ne3A_392 : vector<1x64xi32>
    %and3A_394 = arith.andi %ne3A_388, %ne3A_393 : vector<1x64xi1>
    %sub3A_395 = arith.constant 1 : i32
    %sub3A_396 = vector.broadcast %sub3A_395 : i32 to vector<1x64xi32>
    %sub3A_397 = arith.subi %div3A_370, %sub3A_396 : vector<1x64xi32>
    %select_n3A_398 = arith.select %and3A_394, %sub3A_397, %div3A_370 : vector<1x64xi1>, vector<1x64xi32>
    %add3A_399 = arith.constant 16 : i32
    %add3A_400 = vector.broadcast %add3A_399 : i32 to vector<1x64xi32>
    %add3A_401 = arith.addi %select_n3A_398, %add3A_400 : vector<1x64xi32>
    %convert_element_type3A_402 = arith.sitofp %add3A_401 : vector<1x64xi32> to vector<1x64xf32>
    %jit3A_403 = arith.constant 4 : i32
    %eq3A_404 = arith.constant 0 : i32
    %eq3A_405 = arith.cmpi eq, %jit3A_403, %eq3A_404 : i32
    %jit3A_406 = arith.constant 1 : i32
    %select_n3A_407 = arith.select %eq3A_405, %jit3A_406, %jit3A_403 : i32
    %rem3A_408 = vector.broadcast %select_n3A_407 : i32 to vector<1x64xi32>
    %rem3A_409 = arith.remsi %iota3A_150, %rem3A_408 : vector<1x64xi32>
    %ne3A_410 = arith.constant 0 : i32
    %ne3A_411 = vector.broadcast %ne3A_410 : i32 to vector<1x64xi32>
    %ne3A_412 = arith.cmpi ne, %rem3A_409, %ne3A_411 : vector<1x64xi32>
    %lt3A_413 = arith.constant 0 : i32
    %lt3A_414 = vector.broadcast %lt3A_413 : i32 to vector<1x64xi32>
    %lt3A_415 = arith.cmpi slt, %rem3A_409, %lt3A_414 : vector<1x64xi32>
    %lt3A_416 = arith.constant 0 : i32
    %lt3A_417 = arith.cmpi slt, %select_n3A_407, %lt3A_416 : i32
    %ne3A_418 = vector.broadcast %lt3A_417 : i1 to vector<1x64xi1>
    %ne3A_419 = vector.broadcast %ne3A_418 : vector<1x64xi1> to vector<1x64xi1>
    %ne3A_420 = arith.xori %lt3A_415, %ne3A_419 : vector<1x64xi1>
    %and3A_421 = arith.andi %ne3A_420, %ne3A_412 : vector<1x64xi1>
    %add3A_422 = vector.broadcast %select_n3A_407 : i32 to vector<1x64xi32>
    %add3A_423 = arith.addi %rem3A_409, %add3A_422 : vector<1x64xi32>
    %select_n3A_424 = arith.select %and3A_421, %add3A_423, %rem3A_409 : vector<1x64xi1>, vector<1x64xi32>
    %broadcast_in_dim3A_425 = arith.constant 0xFF800000 : f32
    %broadcast_in_dim3A_426 = vector.broadcast %broadcast_in_dim3A_425 : f32 to vector<4x1xf32>
    %broadcast_in_dim3A_427 = arith.constant 0.000000e+00 : f32
    %broadcast_in_dim3A_428 = vector.broadcast %broadcast_in_dim3A_427 : f32 to vector<4x1xf32>
    %broadcast_in_dim3A_429 = arith.constant 0.000000e+00 : f32
    %broadcast_in_dim3A_430 = vector.broadcast %broadcast_in_dim3A_429 : f32 to vector<4x64xf32>
    %get3A_431 = arith.constant 0 : index
    %get3A_432 = arith.constant 0 : index
    %get3A_433 = vector.load %arg16[%get3A_431, %get3A_432] : memref<64x3xf32, #tpu.memory_space<vmem>>, vector<1x3xf32>
    %get3A_434 = arith.constant 1 : index
    %get3A_435 = arith.constant 0 : index
    %get3A_436 = vector.load %arg16[%get3A_434, %get3A_435] : memref<64x3xf32, #tpu.memory_space<vmem>>, vector<1x3xf32>
    %get3A_437 = arith.constant 2 : index
    %get3A_438 = arith.constant 0 : index
    %get3A_439 = vector.load %arg16[%get3A_437, %get3A_438] : memref<64x3xf32, #tpu.memory_space<vmem>>, vector<1x3xf32>
    %get3A_440 = arith.constant 3 : index
    %get3A_441 = arith.constant 0 : index
    %get3A_442 = vector.load %arg16[%get3A_440, %get3A_441] : memref<64x3xf32, #tpu.memory_space<vmem>>, vector<1x3xf32>
    %concatenate3A_443 = tpu.concatenate %get3A_433, %get3A_436, %get3A_439, %get3A_442 in 0 : vector<1x3xf32>, vector<1x3xf32>, vector<1x3xf32>, vector<1x3xf32> -> vector<4x3xf32>
    %get3A_444 = arith.constant 64 : index
    %get3A_445 = arith.constant 0 : index
    %get3A_446 = vector.load %arg14[%get3A_444, %get3A_445] : memref<512x512xf32, #tpu.memory_space<vmem>>, vector<1x512xf32>
    %get3A_447 = arith.constant 65 : index
    %get3A_448 = arith.constant 0 : index
    %get3A_449 = vector.load %arg14[%get3A_447, %get3A_448] : memref<512x512xf32, #tpu.memory_space<vmem>>, vector<1x512xf32>
    %get3A_450 = arith.constant 66 : index
    %get3A_451 = arith.constant 0 : index
    %get3A_452 = vector.load %arg14[%get3A_450, %get3A_451] : memref<512x512xf32, #tpu.memory_space<vmem>>, vector<1x512xf32>
    %get3A_453 = arith.constant 67 : index
    %get3A_454 = arith.constant 0 : index
    %get3A_455 = vector.load %arg14[%get3A_453, %get3A_454] : memref<512x512xf32, #tpu.memory_space<vmem>>, vector<1x512xf32>
    %concatenate3A_456 = tpu.concatenate %get3A_446, %get3A_449, %get3A_452, %get3A_455 in 0 : vector<1x512xf32>, vector<1x512xf32>, vector<1x512xf32>, vector<1x512xf32> -> vector<4x512xf32>
    %scan3A_457 = arith.constant 16 : i32
    %scan3A_458 = arith.constant 16 : i32
    %scan3A_459 = arith.addi %scan3A_457, %scan3A_458 : i32
    %scan3A_460 = arith.constant 1 : i32
    %scan3A_461:7 = scf.for %scan3A_1648 = %scan3A_457 to %scan3A_459 step %scan3A_460 iter_args(%scan3A_1649 = %scan3A_271#0, %scan3A_1650 = %scan3A_271#1, %scan3A_1651 = %broadcast_in_dim3A_426, %scan3A_1652 = %broadcast_in_dim3A_428, %scan3A_1653 = %broadcast_in_dim3A_430, %scan3A_1654 = %concatenate3A_443, %scan3A_1655 = %concatenate3A_456) -> (vector<4x1xf32>, vector<4x512xf32>, vector<4x1xf32>, vector<4x1xf32>, vector<4x64xf32>, vector<4x3xf32>, vector<4x512xf32>)  : i32 {
      %sub3A_1656 = arith.constant 16 : i32
      %sub3A_1657 = arith.subi %scan3A_1648, %sub3A_1656 : i32
      %mul3A_1658 = arith.constant 4 : i32
      %mul3A_1659 = arith.muli %sub3A_1657, %mul3A_1658 : i32
      %get3A_1660 = arith.constant 64 : index
      %get3A_1661 = arith.constant 0 : index
      %get3A_1662 = vector.load %arg12[%get3A_1660, %get3A_1661] : memref<512x512xf32, #tpu.memory_space<vmem>>, vector<64x512xf32>
      %dot_general3A_1663 = arith.constant dense<0.000000e+00> : vector<4x512xf32>
      %dot_general3A_1664 = tpu.matmul %scan3A_1653, %get3A_1662, %dot_general3A_1663 {dimension_numbers = #tpu.dot_dimension_numbers<[1], [0], [0], [1], [0, 0, 1, 1], [], []>, transpose_lhs_hint = false} : vector<4x64xf32>, vector<64x512xf32>, vector<4x512xf32> -> vector<4x512xf32>
      %add3A_1665 = arith.constant 1 : i32
      %add3A_1666 = arith.addi %scan3A_1648, %add3A_1665 : i32
      %min3A = arith.constant 127 : i32
      %min3A_1667 = arith.minsi %add3A_1666, %min3A : i32
      %mul3A_1668 = arith.constant 4 : i32
      %mul3A_1669 = arith.muli %mul3A_1668, %min3A_1667 : i32
      %add3A_1670 = arith.constant 0 : i32
      %add3A_1671 = arith.addi %mul3A_1669, %add3A_1670 : i32
      %get3A_1672 = arith.index_cast %add3A_1671 : i32 to index
      %get3A_1673 = arith.constant 0 : index
      %get3A_1674 = vector.load %arg14[%get3A_1672, %get3A_1673] : memref<512x512xf32, #tpu.memory_space<vmem>>, vector<1x512xf32>
      %add3A_1675 = arith.constant 1 : i32
      %add3A_1676 = arith.addi %mul3A_1669, %add3A_1675 : i32
      %get3A_1677 = arith.index_cast %add3A_1676 : i32 to index
      %get3A_1678 = arith.constant 0 : index
      %get3A_1679 = vector.load %arg14[%get3A_1677, %get3A_1678] : memref<512x512xf32, #tpu.memory_space<vmem>>, vector<1x512xf32>
      %add3A_1680 = arith.constant 2 : i32
      %add3A_1681 = arith.addi %mul3A_1669, %add3A_1680 : i32
      %get3A_1682 = arith.index_cast %add3A_1681 : i32 to index
      %get3A_1683 = arith.constant 0 : index
      %get3A_1684 = vector.load %arg14[%get3A_1682, %get3A_1683] : memref<512x512xf32, #tpu.memory_space<vmem>>, vector<1x512xf32>
      %add3A_1685 = arith.constant 3 : i32
      %add3A_1686 = arith.addi %mul3A_1669, %add3A_1685 : i32
      %get3A_1687 = arith.index_cast %add3A_1686 : i32 to index
      %get3A_1688 = arith.constant 0 : index
      %get3A_1689 = vector.load %arg14[%get3A_1687, %get3A_1688] : memref<512x512xf32, #tpu.memory_space<vmem>>, vector<1x512xf32>
      %concatenate3A_1690 = tpu.concatenate %get3A_1674, %get3A_1679, %get3A_1684, %get3A_1689 in 0 : vector<1x512xf32>, vector<1x512xf32>, vector<1x512xf32>, vector<1x512xf32> -> vector<4x512xf32>
      %dot_general3A_1691 = arith.constant dense<0.000000e+00> : vector<4x64xf32>
      %dot_general3A_1692 = tpu.matmul %concatenate3A_1690, %get3A_1662, %dot_general3A_1691 {dimension_numbers = #tpu.dot_dimension_numbers<[1], [1], [0], [0], [0, 0, 1, 0], [], []>, transpose_lhs_hint = false} : vector<4x512xf32>, vector<64x512xf32>, vector<4x64xf32> -> vector<4x64xf32>
      %add3A_1693 = arith.constant 0 : i32
      %add3A_1694 = arith.addi %mul3A_1659, %add3A_1693 : i32
      %get3A_1695 = arith.index_cast %add3A_1694 : i32 to index
      %get3A_1696 = arith.constant 0 : index
      %get3A_1697 = vector.load %arg15[%get3A_1695, %get3A_1696] : memref<64x512xf32, #tpu.memory_space<vmem>>, vector<1x512xf32>
      %add3A_1698 = arith.constant 1 : i32
      %add3A_1699 = arith.addi %mul3A_1659, %add3A_1698 : i32
      %get3A_1700 = arith.index_cast %add3A_1699 : i32 to index
      %get3A_1701 = arith.constant 0 : index
      %get3A_1702 = vector.load %arg15[%get3A_1700, %get3A_1701] : memref<64x512xf32, #tpu.memory_space<vmem>>, vector<1x512xf32>
      %add3A_1703 = arith.constant 2 : i32
      %add3A_1704 = arith.addi %mul3A_1659, %add3A_1703 : i32
      %get3A_1705 = arith.index_cast %add3A_1704 : i32 to index
      %get3A_1706 = arith.constant 0 : index
      %get3A_1707 = vector.load %arg15[%get3A_1705, %get3A_1706] : memref<64x512xf32, #tpu.memory_space<vmem>>, vector<1x512xf32>
      %add3A_1708 = arith.constant 3 : i32
      %add3A_1709 = arith.addi %mul3A_1659, %add3A_1708 : i32
      %get3A_1710 = arith.index_cast %add3A_1709 : i32 to index
      %get3A_1711 = arith.constant 0 : index
      %get3A_1712 = vector.load %arg15[%get3A_1710, %get3A_1711] : memref<64x512xf32, #tpu.memory_space<vmem>>, vector<1x512xf32>
      %concatenate3A_1713 = tpu.concatenate %get3A_1697, %get3A_1702, %get3A_1707, %get3A_1712 in 0 : vector<1x512xf32>, vector<1x512xf32>, vector<1x512xf32>, vector<1x512xf32> -> vector<4x512xf32>
      %mul3A_1714 = arith.constant 4 : i32
      %mul3A_1715 = arith.muli %mul3A_1714, %scan3A_1648 : i32
      %add3A_1716 = arith.constant 0 : i32
      %add3A_1717 = arith.addi %mul3A_1715, %add3A_1716 : i32
      %get3A_1718 = arith.index_cast %add3A_1717 : i32 to index
      %get3A_1719 = arith.constant 0 : index
      %get3A_1720 = vector.load %arg13[%get3A_1718, %get3A_1719] : memref<512x512xf32, #tpu.memory_space<vmem>>, vector<1x512xf32>
      %add3A_1721 = arith.constant 1 : i32
      %add3A_1722 = arith.addi %mul3A_1715, %add3A_1721 : i32
      %get3A_1723 = arith.index_cast %add3A_1722 : i32 to index
      %get3A_1724 = arith.constant 0 : index
      %get3A_1725 = vector.load %arg13[%get3A_1723, %get3A_1724] : memref<512x512xf32, #tpu.memory_space<vmem>>, vector<1x512xf32>
      %add3A_1726 = arith.constant 2 : i32
      %add3A_1727 = arith.addi %mul3A_1715, %add3A_1726 : i32
      %get3A_1728 = arith.index_cast %add3A_1727 : i32 to index
      %get3A_1729 = arith.constant 0 : index
      %get3A_1730 = vector.load %arg13[%get3A_1728, %get3A_1729] : memref<512x512xf32, #tpu.memory_space<vmem>>, vector<1x512xf32>
      %add3A_1731 = arith.constant 3 : i32
      %add3A_1732 = arith.addi %mul3A_1715, %add3A_1731 : i32
      %get3A_1733 = arith.index_cast %add3A_1732 : i32 to index
      %get3A_1734 = arith.constant 0 : index
      %get3A_1735 = vector.load %arg13[%get3A_1733, %get3A_1734] : memref<512x512xf32, #tpu.memory_space<vmem>>, vector<1x512xf32>
      %concatenate3A_1736 = tpu.concatenate %get3A_1720, %get3A_1725, %get3A_1730, %get3A_1735 in 0 : vector<1x512xf32>, vector<1x512xf32>, vector<1x512xf32>, vector<1x512xf32> -> vector<4x512xf32>
      %mul3A_1737 = arith.constant 4 : i32
      %mul3A_1738 = arith.muli %mul3A_1737, %scan3A_1648 : i32
      %add3A_1739 = arith.constant 0 : i32
      %add3A_1740 = arith.addi %mul3A_1738, %add3A_1739 : i32
      %get3A_1741 = arith.index_cast %add3A_1740 : i32 to index
      %get3A_1742 = arith.constant 0 : index
      %get3A_1743 = vector.load %arg3[%get3A_1741, %get3A_1742] : memref<512x1xf32, #tpu.memory_space<vmem>>, vector<1x1xf32>
      %add3A_1744 = arith.constant 1 : i32
      %add3A_1745 = arith.addi %mul3A_1738, %add3A_1744 : i32
      %get3A_1746 = arith.index_cast %add3A_1745 : i32 to index
      %get3A_1747 = arith.constant 0 : index
      %get3A_1748 = vector.load %arg3[%get3A_1746, %get3A_1747] : memref<512x1xf32, #tpu.memory_space<vmem>>, vector<1x1xf32>
      %add3A_1749 = arith.constant 2 : i32
      %add3A_1750 = arith.addi %mul3A_1738, %add3A_1749 : i32
      %get3A_1751 = arith.index_cast %add3A_1750 : i32 to index
      %get3A_1752 = arith.constant 0 : index
      %get3A_1753 = vector.load %arg3[%get3A_1751, %get3A_1752] : memref<512x1xf32, #tpu.memory_space<vmem>>, vector<1x1xf32>
      %add3A_1754 = arith.constant 3 : i32
      %add3A_1755 = arith.addi %mul3A_1738, %add3A_1754 : i32
      %get3A_1756 = arith.index_cast %add3A_1755 : i32 to index
      %get3A_1757 = arith.constant 0 : index
      %get3A_1758 = vector.load %arg3[%get3A_1756, %get3A_1757] : memref<512x1xf32, #tpu.memory_space<vmem>>, vector<1x1xf32>
      %concatenate3A_1759 = tpu.concatenate %get3A_1743, %get3A_1748, %get3A_1753, %get3A_1758 in 0 : vector<1x1xf32>, vector<1x1xf32>, vector<1x1xf32>, vector<1x1xf32> -> vector<4x1xf32>
      %add3A_1760 = arith.constant 4 : i32
      %add3A_1761 = arith.addi %mul3A_1659, %add3A_1760 : i32
      %min3A_1762 = arith.constant 60 : i32
      %min3A_1763 = arith.minsi %add3A_1761, %min3A_1762 : i32
      %add3A_1764 = arith.constant 0 : i32
      %add3A_1765 = arith.addi %min3A_1763, %add3A_1764 : i32
      %get3A_1766 = arith.index_cast %add3A_1765 : i32 to index
      %get3A_1767 = arith.constant 0 : index
      %get3A_1768 = vector.load %arg16[%get3A_1766, %get3A_1767] : memref<64x3xf32, #tpu.memory_space<vmem>>, vector<1x3xf32>
      %add3A_1769 = arith.constant 1 : i32
      %add3A_1770 = arith.addi %min3A_1763, %add3A_1769 : i32
      %get3A_1771 = arith.index_cast %add3A_1770 : i32 to index
      %get3A_1772 = arith.constant 0 : index
      %get3A_1773 = vector.load %arg16[%get3A_1771, %get3A_1772] : memref<64x3xf32, #tpu.memory_space<vmem>>, vector<1x3xf32>
      %add3A_1774 = arith.constant 2 : i32
      %add3A_1775 = arith.addi %min3A_1763, %add3A_1774 : i32
      %get3A_1776 = arith.index_cast %add3A_1775 : i32 to index
      %get3A_1777 = arith.constant 0 : index
      %get3A_1778 = vector.load %arg16[%get3A_1776, %get3A_1777] : memref<64x3xf32, #tpu.memory_space<vmem>>, vector<1x3xf32>
      %add3A_1779 = arith.constant 3 : i32
      %add3A_1780 = arith.addi %min3A_1763, %add3A_1779 : i32
      %get3A_1781 = arith.index_cast %add3A_1780 : i32 to index
      %get3A_1782 = arith.constant 0 : index
      %get3A_1783 = vector.load %arg16[%get3A_1781, %get3A_1782] : memref<64x3xf32, #tpu.memory_space<vmem>>, vector<1x3xf32>
      %concatenate3A_1784 = tpu.concatenate %get3A_1768, %get3A_1773, %get3A_1778, %get3A_1783 in 0 : vector<1x3xf32>, vector<1x3xf32>, vector<1x3xf32>, vector<1x3xf32> -> vector<4x3xf32>
      %slice3A_1785 = vector.extract_strided_slice %scan3A_1654 {offsets = [0, 0], sizes = [4, 1], strides = [1, 1]} : vector<4x3xf32> to vector<4x1xf32>
      %slice3A_1786 = vector.extract_strided_slice %scan3A_1654 {offsets = [0, 1], sizes = [4, 1], strides = [1, 1]} : vector<4x3xf32> to vector<4x1xf32>
      %slice3A_1787 = vector.extract_strided_slice %scan3A_1654 {offsets = [0, 2], sizes = [4, 1], strides = [1, 1]} : vector<4x3xf32> to vector<4x1xf32>
      %mul3A_1788 = arith.mulf %scan3A_1655, %scan3A_1650 : vector<4x512xf32>
      %reduce_sum3A_1789 = arith.constant dense<0.000000e+00> : vector<4xf32>
      %reduce_sum3A_1790 = vector.multi_reduction <add>, %mul3A_1788, %reduce_sum3A_1789 [1] : vector<4x512xf32> to vector<4xf32>
      %broadcast_in_dim3A_1791 = vector.shape_cast %reduce_sum3A_1790 : vector<4xf32> to vector<4x1xf32>
      %gt3A = arith.constant 16 : i32
      %gt3A_1792 = arith.cmpi sgt, %scan3A_1648, %gt3A : i32
      %jit3A_1793 = arith.constant 0xFF800000 : f32
      %broadcast_in_dim3A_1794 = vector.broadcast %jit3A_1793 : f32 to vector<4x1xf32>
      %select_n3A_1795 = arith.select %gt3A_1792, %broadcast_in_dim3A_1791, %broadcast_in_dim3A_1794 : vector<4x1xf32>
      %max3A_1796 = arith.maximumf %scan3A_1651, %select_n3A_1795 : vector<4x1xf32>
      %max3A_1797 = arith.maximumf %max3A_1796, %slice3A_1786 : vector<4x1xf32>
      %sub3A_1798 = arith.subf %slice3A_1786, %max3A_1797 : vector<4x1xf32>
      %exp3A_1799 = math.exp %sub3A_1798 : vector<4x1xf32>
      %sub3A_1800 = arith.subf %scan3A_1651, %max3A_1797 : vector<4x1xf32>
      %exp3A_1801 = math.exp %sub3A_1800 : vector<4x1xf32>
      %sub3A_1802 = arith.subf %select_n3A_1795, %max3A_1797 : vector<4x1xf32>
      %exp3A_1803 = math.exp %sub3A_1802 : vector<4x1xf32>
      %mul3A_1804 = vector.broadcast %exp3A_1799 : vector<4x1xf32> to vector<4x512xf32>
      %mul3A_1805 = arith.mulf %mul3A_1804, %concatenate3A_1713 : vector<4x512xf32>
      %mul3A_1806 = vector.broadcast %exp3A_1801 : vector<4x1xf32> to vector<4x512xf32>
      %mul3A_1807 = arith.mulf %mul3A_1806, %dot_general3A_1664 : vector<4x512xf32>
      %add3A_1808 = arith.addf %mul3A_1805, %mul3A_1807 : vector<4x512xf32>
      %mul3A_1809 = vector.broadcast %exp3A_1803 : vector<4x1xf32> to vector<4x512xf32>
      %mul3A_1810 = arith.mulf %mul3A_1809, %scan3A_1650 : vector<4x512xf32>
      %add3A_1811 = arith.addf %add3A_1808, %mul3A_1810 : vector<4x512xf32>
      %mul3A_1812 = arith.mulf %exp3A_1799, %slice3A_1787 : vector<4x1xf32>
      %mul3A_1813 = arith.mulf %exp3A_1801, %scan3A_1652 : vector<4x1xf32>
      %add3A_1814 = arith.addf %mul3A_1812, %mul3A_1813 : vector<4x1xf32>
      %add3A_1815 = arith.addf %add3A_1814, %exp3A_1803 : vector<4x1xf32>
      %div3A_1816 = vector.broadcast %add3A_1815 : vector<4x1xf32> to vector<4x512xf32>
      %div3A_1817 = arith.divf %add3A_1811, %div3A_1816 : vector<4x512xf32>
      %tanh3A = math.tanh %div3A_1817 : vector<4x512xf32>
      %mul3A_1818 = arith.mulf %scan3A_1649, %concatenate3A_1759 : vector<4x1xf32>
      %ge3A_1819 = arith.constant 0.000000e+00 : f32
      %ge3A_1820 = vector.broadcast %ge3A_1819 : f32 to vector<4x1xf32>
      %ge3A_1821 = arith.cmpf oge, %slice3A_1785, %ge3A_1820 : vector<4x1xf32>
      %broadcast_in_dim3A_1822 = vector.shape_cast %ge3A_1821 : vector<4x1xi1> to vector<4x1xi1>
      %broadcast_in_dim3A_1823 = vector.broadcast %broadcast_in_dim3A_1822 : vector<4x1xi1> to vector<4x512xi1>
      %select_n3A_1824 = arith.select %broadcast_in_dim3A_1823, %tanh3A, %concatenate3A_1736 : vector<4x512xi1>, vector<4x512xf32>
      %gt3A_1825 = arith.constant 0.000000e+00 : f32
      %gt3A_1826 = vector.broadcast %gt3A_1825 : f32 to vector<4x1xf32>
      %gt3A_1827 = arith.cmpf ogt, %mul3A_1818, %gt3A_1826 : vector<4x1xf32>
      %eq3A_1828 = vector.broadcast %scan3A_1648 : i32 to vector<4x1xi32>
      %eq3A_1829 = arith.cmpi eq, %broadcast_in_dim3A_89, %eq3A_1828 : vector<4x1xi32>
      %jit3A_1830 = arith.constant 0.000000e+00 : f32
      %broadcast_in_dim3A_1831 = vector.shape_cast %eq3A_1829 : vector<4x1xi1> to vector<4x1xi1>
      %broadcast_in_dim3A_1832 = vector.broadcast %broadcast_in_dim3A_1831 : vector<4x1xi1> to vector<4x512xi1>
      %broadcast_in_dim3A_1833 = vector.broadcast %jit3A_1830 : f32 to vector<4x512xf32>
      %select_n3A_1834 = arith.select %broadcast_in_dim3A_1832, %concatenate3A_1736, %broadcast_in_dim3A_1833 : vector<4x512xi1>, vector<4x512xf32>
      %broadcast_in_dim3A_1835 = vector.shape_cast %gt3A_1827 : vector<4x1xi1> to vector<4x1xi1>
      %broadcast_in_dim3A_1836 = vector.broadcast %broadcast_in_dim3A_1835 : vector<4x1xi1> to vector<4x512xi1>
      %select_n3A_1837 = arith.select %broadcast_in_dim3A_1836, %select_n3A_1824, %select_n3A_1834 : vector<4x512xi1>, vector<4x512xf32>
      %slice3A_1838 = vector.extract_strided_slice %select_n3A_1837 {offsets = [0, 0], sizes = [1, 512], strides = [1, 1]} : vector<4x512xf32> to vector<1x512xf32>
      %mul3A_1839 = arith.constant 4 : i32
      %mul3A_1840 = arith.muli %mul3A_1839, %scan3A_1648 : i32
      %add3A_1841 = arith.constant 0 : i32
      %add3A_1842 = arith.addi %mul3A_1840, %add3A_1841 : i32
      %swap3A_1843 = arith.index_cast %add3A_1842 : i32 to index
      %swap3A_1844 = arith.constant 0 : index
      %swap3A_1845 = vector.load %arg12[%swap3A_1843, %swap3A_1844] : memref<512x512xf32, #tpu.memory_space<vmem>>, vector<1x512xf32>
      tpu.vector_store %arg12[%swap3A_1843, %swap3A_1844], %slice3A_1838 {strides = array<i32>} : memref<512x512xf32, #tpu.memory_space<vmem>>, vector<1x512xf32>,
      %slice3A_1846 = vector.extract_strided_slice %select_n3A_1837 {offsets = [1, 0], sizes = [1, 512], strides = [1, 1]} : vector<4x512xf32> to vector<1x512xf32>
      %mul3A_1847 = arith.constant 4 : i32
      %mul3A_1848 = arith.muli %mul3A_1847, %scan3A_1648 : i32
      %add3A_1849 = arith.constant 1 : i32
      %add3A_1850 = arith.addi %mul3A_1848, %add3A_1849 : i32
      %swap3A_1851 = arith.index_cast %add3A_1850 : i32 to index
      %swap3A_1852 = arith.constant 0 : index
      %swap3A_1853 = vector.load %arg12[%swap3A_1851, %swap3A_1852] : memref<512x512xf32, #tpu.memory_space<vmem>>, vector<1x512xf32>
      tpu.vector_store %arg12[%swap3A_1851, %swap3A_1852], %slice3A_1846 {strides = array<i32>} : memref<512x512xf32, #tpu.memory_space<vmem>>, vector<1x512xf32>,
      %slice3A_1854 = vector.extract_strided_slice %select_n3A_1837 {offsets = [2, 0], sizes = [1, 512], strides = [1, 1]} : vector<4x512xf32> to vector<1x512xf32>
      %mul3A_1855 = arith.constant 4 : i32
      %mul3A_1856 = arith.muli %mul3A_1855, %scan3A_1648 : i32
      %add3A_1857 = arith.constant 2 : i32
      %add3A_1858 = arith.addi %mul3A_1856, %add3A_1857 : i32
      %swap3A_1859 = arith.index_cast %add3A_1858 : i32 to index
      %swap3A_1860 = arith.constant 0 : index
      %swap3A_1861 = vector.load %arg12[%swap3A_1859, %swap3A_1860] : memref<512x512xf32, #tpu.memory_space<vmem>>, vector<1x512xf32>
      tpu.vector_store %arg12[%swap3A_1859, %swap3A_1860], %slice3A_1854 {strides = array<i32>} : memref<512x512xf32, #tpu.memory_space<vmem>>, vector<1x512xf32>,
      %slice3A_1862 = vector.extract_strided_slice %select_n3A_1837 {offsets = [3, 0], sizes = [1, 512], strides = [1, 1]} : vector<4x512xf32> to vector<1x512xf32>
      %mul3A_1863 = arith.constant 4 : i32
      %mul3A_1864 = arith.muli %mul3A_1863, %scan3A_1648 : i32
      %add3A_1865 = arith.constant 3 : i32
      %add3A_1866 = arith.addi %mul3A_1864, %add3A_1865 : i32
      %swap3A_1867 = arith.index_cast %add3A_1866 : i32 to index
      %swap3A_1868 = arith.constant 0 : index
      %swap3A_1869 = vector.load %arg12[%swap3A_1867, %swap3A_1868] : memref<512x512xf32, #tpu.memory_space<vmem>>, vector<1x512xf32>
      tpu.vector_store %arg12[%swap3A_1867, %swap3A_1868], %slice3A_1862 {strides = array<i32>} : memref<512x512xf32, #tpu.memory_space<vmem>>, vector<1x512xf32>,
      %slice3A_1870 = vector.extract_strided_slice %concatenate3A_1784 {offsets = [0, 0], sizes = [4, 1], strides = [1, 1]} : vector<4x3xf32> to vector<4x1xf32>
      %eq3A_1871 = vector.broadcast %select_n3A_424 : vector<1x64xi32> to vector<4x64xi32>
      %eq3A_1872 = vector.broadcast %iota3A_151 : vector<4x1xi32> to vector<4x64xi32>
      %eq3A_1873 = arith.cmpi eq, %eq3A_1871, %eq3A_1872 : vector<4x64xi32>
      %ge3A_1874 = vector.broadcast %convert_element_type3A_402 : vector<1x64xf32> to vector<4x64xf32>
      %ge3A_1875 = vector.broadcast %slice3A_1870 : vector<4x1xf32> to vector<4x64xf32>
      %ge3A_1876 = arith.cmpf oge, %ge3A_1874, %ge3A_1875 : vector<4x64xf32>
      %and3A_1877 = arith.andi %eq3A_1873, %ge3A_1876 : vector<4x64xi1>
      %lt3A_1878 = vector.broadcast %scan3A_1648 : i32 to vector<1x64xi32>
      %lt3A_1879 = arith.cmpi slt, %add3A_401, %lt3A_1878 : vector<1x64xi32>
      %and3A_1880 = vector.broadcast %lt3A_1879 : vector<1x64xi1> to vector<4x64xi1>
      %and3A_1881 = arith.andi %and3A_1877, %and3A_1880 : vector<4x64xi1>
      %jit3A_1882 = arith.constant 0xFF800000 : f32
      %broadcast_in_dim3A_1883 = vector.broadcast %jit3A_1882 : f32 to vector<4x64xf32>
      %select_n3A_1884 = arith.select %and3A_1881, %dot_general3A_1692, %broadcast_in_dim3A_1883 : vector<4x64xi1>, vector<4x64xf32>
      %reduce_max3A_1885 = arith.constant dense<0xFF800000> : vector<4xf32>
      %reduce_max3A_1886 = vector.multi_reduction <maximumf>, %select_n3A_1884, %reduce_max3A_1885 [1] : vector<4x64xf32> to vector<4xf32>
      %broadcast_in_dim3A_1887 = vector.shape_cast %reduce_max3A_1886 : vector<4xf32> to vector<4x1xf32>
      %sub3A_1888 = vector.broadcast %broadcast_in_dim3A_1887 : vector<4x1xf32> to vector<4x64xf32>
      %sub3A_1889 = arith.subf %dot_general3A_1692, %sub3A_1888 : vector<4x64xf32>
      %exp3A_1890 = math.exp %sub3A_1889 : vector<4x64xf32>
      %jit3A_1891 = arith.constant 0.000000e+00 : f32
      %broadcast_in_dim3A_1892 = vector.broadcast %jit3A_1891 : f32 to vector<4x64xf32>
      %select_n3A_1893 = arith.select %and3A_1881, %exp3A_1890, %broadcast_in_dim3A_1892 : vector<4x64xi1>, vector<4x64xf32>
      %reduce_sum3A_1894 = arith.constant dense<0.000000e+00> : vector<4xf32>
      %reduce_sum3A_1895 = vector.multi_reduction <add>, %select_n3A_1893, %reduce_sum3A_1894 [1] : vector<4x64xf32> to vector<4xf32>
      %broadcast_in_dim3A_1896 = vector.shape_cast %reduce_sum3A_1895 : vector<4xf32> to vector<4x1xf32>
      scf.yield %mul3A_1818, %select_n3A_1837, %broadcast_in_dim3A_1887, %broadcast_in_dim3A_1896, %select_n3A_1893, %concatenate3A_1784, %concatenate3A_1690 : vector<4x1xf32>, vector<4x512xf32>, vector<4x1xf32>, vector<4x1xf32>, vector<4x64xf32>, vector<4x3xf32>, vector<4x512xf32>
    }
    %scan3A_462 = arith.constant 16 : i32
    %get3A_463 = arith.constant 128 : index
    %get3A_464 = arith.constant 0 : index
    %get3A_465 = vector.load %arg1[%get3A_463, %get3A_464] : memref<512x1xf32, #tpu.memory_space<vmem>>, vector<64x1xf32>
    %get3A_466 = arith.constant 0 : index
    %get3A_467 = arith.constant 0 : index
    %get3A_468 = vector.load %arg12[%get3A_466, %get3A_467] : memref<512x512xf32, #tpu.memory_space<vmem>>, vector<128x512xf32>
    %get3A_469 = arith.constant 128 : index
    %get3A_470 = arith.constant 0 : index
    %get3A_471 = vector.load %arg14[%get3A_469, %get3A_470] : memref<512x512xf32, #tpu.memory_space<vmem>>, vector<64x512xf32>
    %dot_general3A_472 = arith.constant dense<0.000000e+00> : vector<64x128xf32>
    %dot_general3A_473 = tpu.matmul %get3A_471, %get3A_468, %dot_general3A_472 {dimension_numbers = #tpu.dot_dimension_numbers<[1], [1], [0], [0], [0, 0, 1, 0], [], []>, transpose_lhs_hint = false} : vector<64x512xf32>, vector<128x512xf32>, vector<64x128xf32> -> vector<64x128xf32>
    %iota3A_474 = tpu.iota {dimensions = array<i32: 1>} : vector<1x128xi32>
    %jit3A_475 = arith.constant 4 : i32
    %eq3A_476 = arith.constant 0 : i32
    %eq3A_477 = arith.cmpi eq, %jit3A_475, %eq3A_476 : i32
    %jit3A_478 = arith.constant 1 : i32
    %select_n3A_479 = arith.select %eq3A_477, %jit3A_478, %jit3A_475 : i32
    %rem3A_480 = vector.broadcast %select_n3A_479 : i32 to vector<1x128xi32>
    %rem3A_481 = arith.remsi %iota3A_474, %rem3A_480 : vector<1x128xi32>
    %ne3A_482 = arith.constant 0 : i32
    %ne3A_483 = vector.broadcast %ne3A_482 : i32 to vector<1x128xi32>
    %ne3A_484 = arith.cmpi ne, %rem3A_481, %ne3A_483 : vector<1x128xi32>
    %lt3A_485 = arith.constant 0 : i32
    %lt3A_486 = vector.broadcast %lt3A_485 : i32 to vector<1x128xi32>
    %lt3A_487 = arith.cmpi slt, %rem3A_481, %lt3A_486 : vector<1x128xi32>
    %lt3A_488 = arith.constant 0 : i32
    %lt3A_489 = arith.cmpi slt, %select_n3A_479, %lt3A_488 : i32
    %ne3A_490 = vector.broadcast %lt3A_489 : i1 to vector<1x128xi1>
    %ne3A_491 = vector.broadcast %ne3A_490 : vector<1x128xi1> to vector<1x128xi1>
    %ne3A_492 = arith.xori %lt3A_487, %ne3A_491 : vector<1x128xi1>
    %and3A_493 = arith.andi %ne3A_492, %ne3A_484 : vector<1x128xi1>
    %add3A_494 = vector.broadcast %select_n3A_479 : i32 to vector<1x128xi32>
    %add3A_495 = arith.addi %rem3A_481, %add3A_494 : vector<1x128xi32>
    %select_n3A_496 = arith.select %and3A_493, %add3A_495, %rem3A_481 : vector<1x128xi1>, vector<1x128xi32>
    %slice3A_497 = vector.extract_strided_slice %select_n3A_74 {offsets = [128, 0], sizes = [64, 1], strides = [1, 1]} : vector<512x1xi32> to vector<64x1xi32>
    %eq3A_498 = vector.broadcast %select_n3A_496 : vector<1x128xi32> to vector<64x128xi32>
    %eq3A_499 = vector.broadcast %slice3A_497 : vector<64x1xi32> to vector<64x128xi32>
    %eq3A_500 = arith.cmpi eq, %eq3A_498, %eq3A_499 : vector<64x128xi32>
    %jit3A_501 = arith.constant 4 : i32
    %div3A_502 = vector.broadcast %jit3A_501 : i32 to vector<1x128xi32>
    %div3A_503 = arith.divsi %iota3A_474, %div3A_502 : vector<1x128xi32>
    %sign3A_504 = arith.constant 0 : i32
    %sign3A_505 = vector.broadcast %sign3A_504 : i32 to vector<1x128xi32>
    %sign3A_506 = arith.cmpi sgt, %iota3A_474, %sign3A_505 : vector<1x128xi32>
    %sign3A_507 = arith.extui %sign3A_506 : vector<1x128xi1> to vector<1x128xi32>
    %sign3A_508 = arith.constant 0 : i32
    %sign3A_509 = vector.broadcast %sign3A_508 : i32 to vector<1x128xi32>
    %sign3A_510 = arith.cmpi slt, %iota3A_474, %sign3A_509 : vector<1x128xi32>
    %sign3A_511 = arith.extui %sign3A_510 : vector<1x128xi1> to vector<1x128xi32>
    %sign3A_512 = arith.subi %sign3A_507, %sign3A_511 : vector<1x128xi32>
    %sign3A_513 = arith.constant 0 : i32
    %sign3A_514 = arith.cmpi sgt, %jit3A_501, %sign3A_513 : i32
    %sign3A_515 = arith.extui %sign3A_514 : i1 to i32
    %sign3A_516 = arith.constant 0 : i32
    %sign3A_517 = arith.cmpi slt, %jit3A_501, %sign3A_516 : i32
    %sign3A_518 = arith.extui %sign3A_517 : i1 to i32
    %sign3A_519 = arith.subi %sign3A_515, %sign3A_518 : i32
    %ne3A_520 = vector.broadcast %sign3A_519 : i32 to vector<1x128xi32>
    %ne3A_521 = arith.cmpi ne, %sign3A_512, %ne3A_520 : vector<1x128xi32>
    %rem3A_522 = vector.broadcast %jit3A_501 : i32 to vector<1x128xi32>
    %rem3A_523 = arith.remsi %iota3A_474, %rem3A_522 : vector<1x128xi32>
    %ne3A_524 = arith.constant 0 : i32
    %ne3A_525 = vector.broadcast %ne3A_524 : i32 to vector<1x128xi32>
    %ne3A_526 = arith.cmpi ne, %rem3A_523, %ne3A_525 : vector<1x128xi32>
    %and3A_527 = arith.andi %ne3A_521, %ne3A_526 : vector<1x128xi1>
    %sub3A_528 = arith.constant 1 : i32
    %sub3A_529 = vector.broadcast %sub3A_528 : i32 to vector<1x128xi32>
    %sub3A_530 = arith.subi %div3A_503, %sub3A_529 : vector<1x128xi32>
    %select_n3A_531 = arith.select %and3A_527, %sub3A_530, %div3A_503 : vector<1x128xi1>, vector<1x128xi32>
    %convert_element_type3A_532 = arith.sitofp %select_n3A_531 : vector<1x128xi32> to vector<1x128xf32>
    %ge3A_533 = vector.broadcast %convert_element_type3A_532 : vector<1x128xf32> to vector<64x128xf32>
    %ge3A_534 = vector.broadcast %get3A_465 : vector<64x1xf32> to vector<64x128xf32>
    %ge3A_535 = arith.cmpf oge, %ge3A_533, %ge3A_534 : vector<64x128xf32>
    %and3A_536 = arith.andi %eq3A_500, %ge3A_535 : vector<64x128xi1>
    %jit3A_537 = arith.constant 0xFF800000 : f32
    %broadcast_in_dim3A_538 = vector.broadcast %jit3A_537 : f32 to vector<64x128xf32>
    %select_n3A_539 = arith.select %and3A_536, %dot_general3A_473, %broadcast_in_dim3A_538 : vector<64x128xi1>, vector<64x128xf32>
    %reduce_max3A_540 = arith.constant dense<0xFF800000> : vector<64xf32>
    %reduce_max3A_541 = vector.multi_reduction <maximumf>, %select_n3A_539, %reduce_max3A_540 [1] : vector<64x128xf32> to vector<64xf32>
    %broadcast_in_dim3A_542 = vector.shape_cast %reduce_max3A_541 : vector<64xf32> to vector<64x1xf32>
    %sub3A_543 = vector.broadcast %broadcast_in_dim3A_542 : vector<64x1xf32> to vector<64x128xf32>
    %sub3A_544 = arith.subf %dot_general3A_473, %sub3A_543 : vector<64x128xf32>
    %exp3A_545 = math.exp %sub3A_544 : vector<64x128xf32>
    %jit3A_546 = arith.constant 0.000000e+00 : f32
    %broadcast_in_dim3A_547 = vector.broadcast %jit3A_546 : f32 to vector<64x128xf32>
    %select_n3A_548 = arith.select %and3A_536, %exp3A_545, %broadcast_in_dim3A_547 : vector<64x128xi1>, vector<64x128xf32>
    %reduce_sum3A_549 = arith.constant dense<0.000000e+00> : vector<64xf32>
    %reduce_sum3A_550 = vector.multi_reduction <add>, %select_n3A_548, %reduce_sum3A_549 [1] : vector<64x128xf32> to vector<64xf32>
    %broadcast_in_dim3A_551 = vector.shape_cast %reduce_sum3A_550 : vector<64xf32> to vector<64x1xf32>
    %concatenate3A_552 = tpu.concatenate %get3A_465, %broadcast_in_dim3A_542, %broadcast_in_dim3A_551 in 1 : vector<64x1xf32>, vector<64x1xf32>, vector<64x1xf32> -> vector<64x3xf32>
    %swap3A_553 = arith.constant 0 : index
    %swap3A_554 = arith.constant 0 : index
    %swap3A_555 = vector.load %arg16[%swap3A_553, %swap3A_554] : memref<64x3xf32, #tpu.memory_space<vmem>>, vector<64x3xf32>
    tpu.vector_store %arg16[%swap3A_553, %swap3A_554], %concatenate3A_552 {strides = array<i32>} : memref<64x3xf32, #tpu.memory_space<vmem>>, vector<64x3xf32>,
    %dot_general3A_556 = arith.constant dense<0.000000e+00> : vector<64x512xf32>
    %dot_general3A_557 = tpu.matmul %select_n3A_548, %get3A_468, %dot_general3A_556 {dimension_numbers = #tpu.dot_dimension_numbers<[1], [0], [0], [1], [0, 0, 1, 1], [], []>, transpose_lhs_hint = false} : vector<64x128xf32>, vector<128x512xf32>, vector<64x512xf32> -> vector<64x512xf32>
    %swap3A_558 = arith.constant 0 : index
    %swap3A_559 = arith.constant 0 : index
    %swap3A_560 = vector.load %arg15[%swap3A_558, %swap3A_559] : memref<64x512xf32, #tpu.memory_space<vmem>>, vector<64x512xf32>
    tpu.vector_store %arg15[%swap3A_558, %swap3A_559], %dot_general3A_557 {strides = array<i32>} : memref<64x512xf32, #tpu.memory_space<vmem>>, vector<64x512xf32>,
    %jit3A_561 = arith.constant 4 : i32
    %div3A_562 = vector.broadcast %jit3A_561 : i32 to vector<1x64xi32>
    %div3A_563 = arith.divsi %iota3A_150, %div3A_562 : vector<1x64xi32>
    %sign3A_564 = arith.constant 0 : i32
    %sign3A_565 = vector.broadcast %sign3A_564 : i32 to vector<1x64xi32>
    %sign3A_566 = arith.cmpi sgt, %iota3A_150, %sign3A_565 : vector<1x64xi32>
    %sign3A_567 = arith.extui %sign3A_566 : vector<1x64xi1> to vector<1x64xi32>
    %sign3A_568 = arith.constant 0 : i32
    %sign3A_569 = vector.broadcast %sign3A_568 : i32 to vector<1x64xi32>
    %sign3A_570 = arith.cmpi slt, %iota3A_150, %sign3A_569 : vector<1x64xi32>
    %sign3A_571 = arith.extui %sign3A_570 : vector<1x64xi1> to vector<1x64xi32>
    %sign3A_572 = arith.subi %sign3A_567, %sign3A_571 : vector<1x64xi32>
    %sign3A_573 = arith.constant 0 : i32
    %sign3A_574 = arith.cmpi sgt, %jit3A_561, %sign3A_573 : i32
    %sign3A_575 = arith.extui %sign3A_574 : i1 to i32
    %sign3A_576 = arith.constant 0 : i32
    %sign3A_577 = arith.cmpi slt, %jit3A_561, %sign3A_576 : i32
    %sign3A_578 = arith.extui %sign3A_577 : i1 to i32
    %sign3A_579 = arith.subi %sign3A_575, %sign3A_578 : i32
    %ne3A_580 = vector.broadcast %sign3A_579 : i32 to vector<1x64xi32>
    %ne3A_581 = arith.cmpi ne, %sign3A_572, %ne3A_580 : vector<1x64xi32>
    %rem3A_582 = vector.broadcast %jit3A_561 : i32 to vector<1x64xi32>
    %rem3A_583 = arith.remsi %iota3A_150, %rem3A_582 : vector<1x64xi32>
    %ne3A_584 = arith.constant 0 : i32
    %ne3A_585 = vector.broadcast %ne3A_584 : i32 to vector<1x64xi32>
    %ne3A_586 = arith.cmpi ne, %rem3A_583, %ne3A_585 : vector<1x64xi32>
    %and3A_587 = arith.andi %ne3A_581, %ne3A_586 : vector<1x64xi1>
    %sub3A_588 = arith.constant 1 : i32
    %sub3A_589 = vector.broadcast %sub3A_588 : i32 to vector<1x64xi32>
    %sub3A_590 = arith.subi %div3A_563, %sub3A_589 : vector<1x64xi32>
    %select_n3A_591 = arith.select %and3A_587, %sub3A_590, %div3A_563 : vector<1x64xi1>, vector<1x64xi32>
    %add3A_592 = arith.constant 32 : i32
    %add3A_593 = vector.broadcast %add3A_592 : i32 to vector<1x64xi32>
    %add3A_594 = arith.addi %select_n3A_591, %add3A_593 : vector<1x64xi32>
    %convert_element_type3A_595 = arith.sitofp %add3A_594 : vector<1x64xi32> to vector<1x64xf32>
    %jit3A_596 = arith.constant 4 : i32
    %eq3A_597 = arith.constant 0 : i32
    %eq3A_598 = arith.cmpi eq, %jit3A_596, %eq3A_597 : i32
    %jit3A_599 = arith.constant 1 : i32
    %select_n3A_600 = arith.select %eq3A_598, %jit3A_599, %jit3A_596 : i32
    %rem3A_601 = vector.broadcast %select_n3A_600 : i32 to vector<1x64xi32>
    %rem3A_602 = arith.remsi %iota3A_150, %rem3A_601 : vector<1x64xi32>
    %ne3A_603 = arith.constant 0 : i32
    %ne3A_604 = vector.broadcast %ne3A_603 : i32 to vector<1x64xi32>
    %ne3A_605 = arith.cmpi ne, %rem3A_602, %ne3A_604 : vector<1x64xi32>
    %lt3A_606 = arith.constant 0 : i32
    %lt3A_607 = vector.broadcast %lt3A_606 : i32 to vector<1x64xi32>
    %lt3A_608 = arith.cmpi slt, %rem3A_602, %lt3A_607 : vector<1x64xi32>
    %lt3A_609 = arith.constant 0 : i32
    %lt3A_610 = arith.cmpi slt, %select_n3A_600, %lt3A_609 : i32
    %ne3A_611 = vector.broadcast %lt3A_610 : i1 to vector<1x64xi1>
    %ne3A_612 = vector.broadcast %ne3A_611 : vector<1x64xi1> to vector<1x64xi1>
    %ne3A_613 = arith.xori %lt3A_608, %ne3A_612 : vector<1x64xi1>
    %and3A_614 = arith.andi %ne3A_613, %ne3A_605 : vector<1x64xi1>
    %add3A_615 = vector.broadcast %select_n3A_600 : i32 to vector<1x64xi32>
    %add3A_616 = arith.addi %rem3A_602, %add3A_615 : vector<1x64xi32>
    %select_n3A_617 = arith.select %and3A_614, %add3A_616, %rem3A_602 : vector<1x64xi1>, vector<1x64xi32>
    %broadcast_in_dim3A_618 = arith.constant 0xFF800000 : f32
    %broadcast_in_dim3A_619 = vector.broadcast %broadcast_in_dim3A_618 : f32 to vector<4x1xf32>
    %broadcast_in_dim3A_620 = arith.constant 0.000000e+00 : f32
    %broadcast_in_dim3A_621 = vector.broadcast %broadcast_in_dim3A_620 : f32 to vector<4x1xf32>
    %broadcast_in_dim3A_622 = arith.constant 0.000000e+00 : f32
    %broadcast_in_dim3A_623 = vector.broadcast %broadcast_in_dim3A_622 : f32 to vector<4x64xf32>
    %get3A_624 = arith.constant 0 : index
    %get3A_625 = arith.constant 0 : index
    %get3A_626 = vector.load %arg16[%get3A_624, %get3A_625] : memref<64x3xf32, #tpu.memory_space<vmem>>, vector<1x3xf32>
    %get3A_627 = arith.constant 1 : index
    %get3A_628 = arith.constant 0 : index
    %get3A_629 = vector.load %arg16[%get3A_627, %get3A_628] : memref<64x3xf32, #tpu.memory_space<vmem>>, vector<1x3xf32>
    %get3A_630 = arith.constant 2 : index
    %get3A_631 = arith.constant 0 : index
    %get3A_632 = vector.load %arg16[%get3A_630, %get3A_631] : memref<64x3xf32, #tpu.memory_space<vmem>>, vector<1x3xf32>
    %get3A_633 = arith.constant 3 : index
    %get3A_634 = arith.constant 0 : index
    %get3A_635 = vector.load %arg16[%get3A_633, %get3A_634] : memref<64x3xf32, #tpu.memory_space<vmem>>, vector<1x3xf32>
    %concatenate3A_636 = tpu.concatenate %get3A_626, %get3A_629, %get3A_632, %get3A_635 in 0 : vector<1x3xf32>, vector<1x3xf32>, vector<1x3xf32>, vector<1x3xf32> -> vector<4x3xf32>
    %get3A_637 = arith.constant 128 : index
    %get3A_638 = arith.constant 0 : index
    %get3A_639 = vector.load %arg14[%get3A_637, %get3A_638] : memref<512x512xf32, #tpu.memory_space<vmem>>, vector<1x512xf32>
    %get3A_640 = arith.constant 129 : index
    %get3A_641 = arith.constant 0 : index
    %get3A_642 = vector.load %arg14[%get3A_640, %get3A_641] : memref<512x512xf32, #tpu.memory_space<vmem>>, vector<1x512xf32>
    %get3A_643 = arith.constant 130 : index
    %get3A_644 = arith.constant 0 : index
    %get3A_645 = vector.load %arg14[%get3A_643, %get3A_644] : memref<512x512xf32, #tpu.memory_space<vmem>>, vector<1x512xf32>
    %get3A_646 = arith.constant 131 : index
    %get3A_647 = arith.constant 0 : index
    %get3A_648 = vector.load %arg14[%get3A_646, %get3A_647] : memref<512x512xf32, #tpu.memory_space<vmem>>, vector<1x512xf32>
    %concatenate3A_649 = tpu.concatenate %get3A_639, %get3A_642, %get3A_645, %get3A_648 in 0 : vector<1x512xf32>, vector<1x512xf32>, vector<1x512xf32>, vector<1x512xf32> -> vector<4x512xf32>
    %scan3A_650 = arith.constant 32 : i32
    %scan3A_651 = arith.constant 16 : i32
    %scan3A_652 = arith.addi %scan3A_650, %scan3A_651 : i32
    %scan3A_653 = arith.constant 1 : i32
    %scan3A_654:7 = scf.for %scan3A_1648 = %scan3A_650 to %scan3A_652 step %scan3A_653 iter_args(%scan3A_1649 = %scan3A_461#0, %scan3A_1650 = %scan3A_461#1, %scan3A_1651 = %broadcast_in_dim3A_619, %scan3A_1652 = %broadcast_in_dim3A_621, %scan3A_1653 = %broadcast_in_dim3A_623, %scan3A_1654 = %concatenate3A_636, %scan3A_1655 = %concatenate3A_649) -> (vector<4x1xf32>, vector<4x512xf32>, vector<4x1xf32>, vector<4x1xf32>, vector<4x64xf32>, vector<4x3xf32>, vector<4x512xf32>)  : i32 {
      %sub3A_1656 = arith.constant 32 : i32
      %sub3A_1657 = arith.subi %scan3A_1648, %sub3A_1656 : i32
      %mul3A_1658 = arith.constant 4 : i32
      %mul3A_1659 = arith.muli %sub3A_1657, %mul3A_1658 : i32
      %get3A_1660 = arith.constant 128 : index
      %get3A_1661 = arith.constant 0 : index
      %get3A_1662 = vector.load %arg12[%get3A_1660, %get3A_1661] : memref<512x512xf32, #tpu.memory_space<vmem>>, vector<64x512xf32>
      %dot_general3A_1663 = arith.constant dense<0.000000e+00> : vector<4x512xf32>
      %dot_general3A_1664 = tpu.matmul %scan3A_1653, %get3A_1662, %dot_general3A_1663 {dimension_numbers = #tpu.dot_dimension_numbers<[1], [0], [0], [1], [0, 0, 1, 1], [], []>, transpose_lhs_hint = false} : vector<4x64xf32>, vector<64x512xf32>, vector<4x512xf32> -> vector<4x512xf32>
      %add3A_1665 = arith.constant 1 : i32
      %add3A_1666 = arith.addi %scan3A_1648, %add3A_1665 : i32
      %min3A = arith.constant 127 : i32
      %min3A_1667 = arith.minsi %add3A_1666, %min3A : i32
      %mul3A_1668 = arith.constant 4 : i32
      %mul3A_1669 = arith.muli %mul3A_1668, %min3A_1667 : i32
      %add3A_1670 = arith.constant 0 : i32
      %add3A_1671 = arith.addi %mul3A_1669, %add3A_1670 : i32
      %get3A_1672 = arith.index_cast %add3A_1671 : i32 to index
      %get3A_1673 = arith.constant 0 : index
      %get3A_1674 = vector.load %arg14[%get3A_1672, %get3A_1673] : memref<512x512xf32, #tpu.memory_space<vmem>>, vector<1x512xf32>
      %add3A_1675 = arith.constant 1 : i32
      %add3A_1676 = arith.addi %mul3A_1669, %add3A_1675 : i32
      %get3A_1677 = arith.index_cast %add3A_1676 : i32 to index
      %get3A_1678 = arith.constant 0 : index
      %get3A_1679 = vector.load %arg14[%get3A_1677, %get3A_1678] : memref<512x512xf32, #tpu.memory_space<vmem>>, vector<1x512xf32>
      %add3A_1680 = arith.constant 2 : i32
      %add3A_1681 = arith.addi %mul3A_1669, %add3A_1680 : i32
      %get3A_1682 = arith.index_cast %add3A_1681 : i32 to index
      %get3A_1683 = arith.constant 0 : index
      %get3A_1684 = vector.load %arg14[%get3A_1682, %get3A_1683] : memref<512x512xf32, #tpu.memory_space<vmem>>, vector<1x512xf32>
      %add3A_1685 = arith.constant 3 : i32
      %add3A_1686 = arith.addi %mul3A_1669, %add3A_1685 : i32
      %get3A_1687 = arith.index_cast %add3A_1686 : i32 to index
      %get3A_1688 = arith.constant 0 : index
      %get3A_1689 = vector.load %arg14[%get3A_1687, %get3A_1688] : memref<512x512xf32, #tpu.memory_space<vmem>>, vector<1x512xf32>
      %concatenate3A_1690 = tpu.concatenate %get3A_1674, %get3A_1679, %get3A_1684, %get3A_1689 in 0 : vector<1x512xf32>, vector<1x512xf32>, vector<1x512xf32>, vector<1x512xf32> -> vector<4x512xf32>
      %dot_general3A_1691 = arith.constant dense<0.000000e+00> : vector<4x64xf32>
      %dot_general3A_1692 = tpu.matmul %concatenate3A_1690, %get3A_1662, %dot_general3A_1691 {dimension_numbers = #tpu.dot_dimension_numbers<[1], [1], [0], [0], [0, 0, 1, 0], [], []>, transpose_lhs_hint = false} : vector<4x512xf32>, vector<64x512xf32>, vector<4x64xf32> -> vector<4x64xf32>
      %add3A_1693 = arith.constant 0 : i32
      %add3A_1694 = arith.addi %mul3A_1659, %add3A_1693 : i32
      %get3A_1695 = arith.index_cast %add3A_1694 : i32 to index
      %get3A_1696 = arith.constant 0 : index
      %get3A_1697 = vector.load %arg15[%get3A_1695, %get3A_1696] : memref<64x512xf32, #tpu.memory_space<vmem>>, vector<1x512xf32>
      %add3A_1698 = arith.constant 1 : i32
      %add3A_1699 = arith.addi %mul3A_1659, %add3A_1698 : i32
      %get3A_1700 = arith.index_cast %add3A_1699 : i32 to index
      %get3A_1701 = arith.constant 0 : index
      %get3A_1702 = vector.load %arg15[%get3A_1700, %get3A_1701] : memref<64x512xf32, #tpu.memory_space<vmem>>, vector<1x512xf32>
      %add3A_1703 = arith.constant 2 : i32
      %add3A_1704 = arith.addi %mul3A_1659, %add3A_1703 : i32
      %get3A_1705 = arith.index_cast %add3A_1704 : i32 to index
      %get3A_1706 = arith.constant 0 : index
      %get3A_1707 = vector.load %arg15[%get3A_1705, %get3A_1706] : memref<64x512xf32, #tpu.memory_space<vmem>>, vector<1x512xf32>
      %add3A_1708 = arith.constant 3 : i32
      %add3A_1709 = arith.addi %mul3A_1659, %add3A_1708 : i32
      %get3A_1710 = arith.index_cast %add3A_1709 : i32 to index
      %get3A_1711 = arith.constant 0 : index
      %get3A_1712 = vector.load %arg15[%get3A_1710, %get3A_1711] : memref<64x512xf32, #tpu.memory_space<vmem>>, vector<1x512xf32>
      %concatenate3A_1713 = tpu.concatenate %get3A_1697, %get3A_1702, %get3A_1707, %get3A_1712 in 0 : vector<1x512xf32>, vector<1x512xf32>, vector<1x512xf32>, vector<1x512xf32> -> vector<4x512xf32>
      %mul3A_1714 = arith.constant 4 : i32
      %mul3A_1715 = arith.muli %mul3A_1714, %scan3A_1648 : i32
      %add3A_1716 = arith.constant 0 : i32
      %add3A_1717 = arith.addi %mul3A_1715, %add3A_1716 : i32
      %get3A_1718 = arith.index_cast %add3A_1717 : i32 to index
      %get3A_1719 = arith.constant 0 : index
      %get3A_1720 = vector.load %arg13[%get3A_1718, %get3A_1719] : memref<512x512xf32, #tpu.memory_space<vmem>>, vector<1x512xf32>
      %add3A_1721 = arith.constant 1 : i32
      %add3A_1722 = arith.addi %mul3A_1715, %add3A_1721 : i32
      %get3A_1723 = arith.index_cast %add3A_1722 : i32 to index
      %get3A_1724 = arith.constant 0 : index
      %get3A_1725 = vector.load %arg13[%get3A_1723, %get3A_1724] : memref<512x512xf32, #tpu.memory_space<vmem>>, vector<1x512xf32>
      %add3A_1726 = arith.constant 2 : i32
      %add3A_1727 = arith.addi %mul3A_1715, %add3A_1726 : i32
      %get3A_1728 = arith.index_cast %add3A_1727 : i32 to index
      %get3A_1729 = arith.constant 0 : index
      %get3A_1730 = vector.load %arg13[%get3A_1728, %get3A_1729] : memref<512x512xf32, #tpu.memory_space<vmem>>, vector<1x512xf32>
      %add3A_1731 = arith.constant 3 : i32
      %add3A_1732 = arith.addi %mul3A_1715, %add3A_1731 : i32
      %get3A_1733 = arith.index_cast %add3A_1732 : i32 to index
      %get3A_1734 = arith.constant 0 : index
      %get3A_1735 = vector.load %arg13[%get3A_1733, %get3A_1734] : memref<512x512xf32, #tpu.memory_space<vmem>>, vector<1x512xf32>
      %concatenate3A_1736 = tpu.concatenate %get3A_1720, %get3A_1725, %get3A_1730, %get3A_1735 in 0 : vector<1x512xf32>, vector<1x512xf32>, vector<1x512xf32>, vector<1x512xf32> -> vector<4x512xf32>
      %mul3A_1737 = arith.constant 4 : i32
      %mul3A_1738 = arith.muli %mul3A_1737, %scan3A_1648 : i32
      %add3A_1739 = arith.constant 0 : i32
      %add3A_1740 = arith.addi %mul3A_1738, %add3A_1739 : i32
      %get3A_1741 = arith.index_cast %add3A_1740 : i32 to index
      %get3A_1742 = arith.constant 0 : index
      %get3A_1743 = vector.load %arg3[%get3A_1741, %get3A_1742] : memref<512x1xf32, #tpu.memory_space<vmem>>, vector<1x1xf32>
      %add3A_1744 = arith.constant 1 : i32
      %add3A_1745 = arith.addi %mul3A_1738, %add3A_1744 : i32
      %get3A_1746 = arith.index_cast %add3A_1745 : i32 to index
      %get3A_1747 = arith.constant 0 : index
      %get3A_1748 = vector.load %arg3[%get3A_1746, %get3A_1747] : memref<512x1xf32, #tpu.memory_space<vmem>>, vector<1x1xf32>
      %add3A_1749 = arith.constant 2 : i32
      %add3A_1750 = arith.addi %mul3A_1738, %add3A_1749 : i32
      %get3A_1751 = arith.index_cast %add3A_1750 : i32 to index
      %get3A_1752 = arith.constant 0 : index
      %get3A_1753 = vector.load %arg3[%get3A_1751, %get3A_1752] : memref<512x1xf32, #tpu.memory_space<vmem>>, vector<1x1xf32>
      %add3A_1754 = arith.constant 3 : i32
      %add3A_1755 = arith.addi %mul3A_1738, %add3A_1754 : i32
      %get3A_1756 = arith.index_cast %add3A_1755 : i32 to index
      %get3A_1757 = arith.constant 0 : index
      %get3A_1758 = vector.load %arg3[%get3A_1756, %get3A_1757] : memref<512x1xf32, #tpu.memory_space<vmem>>, vector<1x1xf32>
      %concatenate3A_1759 = tpu.concatenate %get3A_1743, %get3A_1748, %get3A_1753, %get3A_1758 in 0 : vector<1x1xf32>, vector<1x1xf32>, vector<1x1xf32>, vector<1x1xf32> -> vector<4x1xf32>
      %add3A_1760 = arith.constant 4 : i32
      %add3A_1761 = arith.addi %mul3A_1659, %add3A_1760 : i32
      %min3A_1762 = arith.constant 60 : i32
      %min3A_1763 = arith.minsi %add3A_1761, %min3A_1762 : i32
      %add3A_1764 = arith.constant 0 : i32
      %add3A_1765 = arith.addi %min3A_1763, %add3A_1764 : i32
      %get3A_1766 = arith.index_cast %add3A_1765 : i32 to index
      %get3A_1767 = arith.constant 0 : index
      %get3A_1768 = vector.load %arg16[%get3A_1766, %get3A_1767] : memref<64x3xf32, #tpu.memory_space<vmem>>, vector<1x3xf32>
      %add3A_1769 = arith.constant 1 : i32
      %add3A_1770 = arith.addi %min3A_1763, %add3A_1769 : i32
      %get3A_1771 = arith.index_cast %add3A_1770 : i32 to index
      %get3A_1772 = arith.constant 0 : index
      %get3A_1773 = vector.load %arg16[%get3A_1771, %get3A_1772] : memref<64x3xf32, #tpu.memory_space<vmem>>, vector<1x3xf32>
      %add3A_1774 = arith.constant 2 : i32
      %add3A_1775 = arith.addi %min3A_1763, %add3A_1774 : i32
      %get3A_1776 = arith.index_cast %add3A_1775 : i32 to index
      %get3A_1777 = arith.constant 0 : index
      %get3A_1778 = vector.load %arg16[%get3A_1776, %get3A_1777] : memref<64x3xf32, #tpu.memory_space<vmem>>, vector<1x3xf32>
      %add3A_1779 = arith.constant 3 : i32
      %add3A_1780 = arith.addi %min3A_1763, %add3A_1779 : i32
      %get3A_1781 = arith.index_cast %add3A_1780 : i32 to index
      %get3A_1782 = arith.constant 0 : index
      %get3A_1783 = vector.load %arg16[%get3A_1781, %get3A_1782] : memref<64x3xf32, #tpu.memory_space<vmem>>, vector<1x3xf32>
      %concatenate3A_1784 = tpu.concatenate %get3A_1768, %get3A_1773, %get3A_1778, %get3A_1783 in 0 : vector<1x3xf32>, vector<1x3xf32>, vector<1x3xf32>, vector<1x3xf32> -> vector<4x3xf32>
      %slice3A_1785 = vector.extract_strided_slice %scan3A_1654 {offsets = [0, 0], sizes = [4, 1], strides = [1, 1]} : vector<4x3xf32> to vector<4x1xf32>
      %slice3A_1786 = vector.extract_strided_slice %scan3A_1654 {offsets = [0, 1], sizes = [4, 1], strides = [1, 1]} : vector<4x3xf32> to vector<4x1xf32>
      %slice3A_1787 = vector.extract_strided_slice %scan3A_1654 {offsets = [0, 2], sizes = [4, 1], strides = [1, 1]} : vector<4x3xf32> to vector<4x1xf32>
      %mul3A_1788 = arith.mulf %scan3A_1655, %scan3A_1650 : vector<4x512xf32>
      %reduce_sum3A_1789 = arith.constant dense<0.000000e+00> : vector<4xf32>
      %reduce_sum3A_1790 = vector.multi_reduction <add>, %mul3A_1788, %reduce_sum3A_1789 [1] : vector<4x512xf32> to vector<4xf32>
      %broadcast_in_dim3A_1791 = vector.shape_cast %reduce_sum3A_1790 : vector<4xf32> to vector<4x1xf32>
      %gt3A = arith.constant 32 : i32
      %gt3A_1792 = arith.cmpi sgt, %scan3A_1648, %gt3A : i32
      %jit3A_1793 = arith.constant 0xFF800000 : f32
      %broadcast_in_dim3A_1794 = vector.broadcast %jit3A_1793 : f32 to vector<4x1xf32>
      %select_n3A_1795 = arith.select %gt3A_1792, %broadcast_in_dim3A_1791, %broadcast_in_dim3A_1794 : vector<4x1xf32>
      %max3A_1796 = arith.maximumf %scan3A_1651, %select_n3A_1795 : vector<4x1xf32>
      %max3A_1797 = arith.maximumf %max3A_1796, %slice3A_1786 : vector<4x1xf32>
      %sub3A_1798 = arith.subf %slice3A_1786, %max3A_1797 : vector<4x1xf32>
      %exp3A_1799 = math.exp %sub3A_1798 : vector<4x1xf32>
      %sub3A_1800 = arith.subf %scan3A_1651, %max3A_1797 : vector<4x1xf32>
      %exp3A_1801 = math.exp %sub3A_1800 : vector<4x1xf32>
      %sub3A_1802 = arith.subf %select_n3A_1795, %max3A_1797 : vector<4x1xf32>
      %exp3A_1803 = math.exp %sub3A_1802 : vector<4x1xf32>
      %mul3A_1804 = vector.broadcast %exp3A_1799 : vector<4x1xf32> to vector<4x512xf32>
      %mul3A_1805 = arith.mulf %mul3A_1804, %concatenate3A_1713 : vector<4x512xf32>
      %mul3A_1806 = vector.broadcast %exp3A_1801 : vector<4x1xf32> to vector<4x512xf32>
      %mul3A_1807 = arith.mulf %mul3A_1806, %dot_general3A_1664 : vector<4x512xf32>
      %add3A_1808 = arith.addf %mul3A_1805, %mul3A_1807 : vector<4x512xf32>
      %mul3A_1809 = vector.broadcast %exp3A_1803 : vector<4x1xf32> to vector<4x512xf32>
      %mul3A_1810 = arith.mulf %mul3A_1809, %scan3A_1650 : vector<4x512xf32>
      %add3A_1811 = arith.addf %add3A_1808, %mul3A_1810 : vector<4x512xf32>
      %mul3A_1812 = arith.mulf %exp3A_1799, %slice3A_1787 : vector<4x1xf32>
      %mul3A_1813 = arith.mulf %exp3A_1801, %scan3A_1652 : vector<4x1xf32>
      %add3A_1814 = arith.addf %mul3A_1812, %mul3A_1813 : vector<4x1xf32>
      %add3A_1815 = arith.addf %add3A_1814, %exp3A_1803 : vector<4x1xf32>
      %div3A_1816 = vector.broadcast %add3A_1815 : vector<4x1xf32> to vector<4x512xf32>
      %div3A_1817 = arith.divf %add3A_1811, %div3A_1816 : vector<4x512xf32>
      %tanh3A = math.tanh %div3A_1817 : vector<4x512xf32>
      %mul3A_1818 = arith.mulf %scan3A_1649, %concatenate3A_1759 : vector<4x1xf32>
      %ge3A_1819 = arith.constant 0.000000e+00 : f32
      %ge3A_1820 = vector.broadcast %ge3A_1819 : f32 to vector<4x1xf32>
      %ge3A_1821 = arith.cmpf oge, %slice3A_1785, %ge3A_1820 : vector<4x1xf32>
      %broadcast_in_dim3A_1822 = vector.shape_cast %ge3A_1821 : vector<4x1xi1> to vector<4x1xi1>
      %broadcast_in_dim3A_1823 = vector.broadcast %broadcast_in_dim3A_1822 : vector<4x1xi1> to vector<4x512xi1>
      %select_n3A_1824 = arith.select %broadcast_in_dim3A_1823, %tanh3A, %concatenate3A_1736 : vector<4x512xi1>, vector<4x512xf32>
      %gt3A_1825 = arith.constant 0.000000e+00 : f32
      %gt3A_1826 = vector.broadcast %gt3A_1825 : f32 to vector<4x1xf32>
      %gt3A_1827 = arith.cmpf ogt, %mul3A_1818, %gt3A_1826 : vector<4x1xf32>
      %eq3A_1828 = vector.broadcast %scan3A_1648 : i32 to vector<4x1xi32>
      %eq3A_1829 = arith.cmpi eq, %broadcast_in_dim3A_89, %eq3A_1828 : vector<4x1xi32>
      %jit3A_1830 = arith.constant 0.000000e+00 : f32
      %broadcast_in_dim3A_1831 = vector.shape_cast %eq3A_1829 : vector<4x1xi1> to vector<4x1xi1>
      %broadcast_in_dim3A_1832 = vector.broadcast %broadcast_in_dim3A_1831 : vector<4x1xi1> to vector<4x512xi1>
      %broadcast_in_dim3A_1833 = vector.broadcast %jit3A_1830 : f32 to vector<4x512xf32>
      %select_n3A_1834 = arith.select %broadcast_in_dim3A_1832, %concatenate3A_1736, %broadcast_in_dim3A_1833 : vector<4x512xi1>, vector<4x512xf32>
      %broadcast_in_dim3A_1835 = vector.shape_cast %gt3A_1827 : vector<4x1xi1> to vector<4x1xi1>
      %broadcast_in_dim3A_1836 = vector.broadcast %broadcast_in_dim3A_1835 : vector<4x1xi1> to vector<4x512xi1>
      %select_n3A_1837 = arith.select %broadcast_in_dim3A_1836, %select_n3A_1824, %select_n3A_1834 : vector<4x512xi1>, vector<4x512xf32>
      %slice3A_1838 = vector.extract_strided_slice %select_n3A_1837 {offsets = [0, 0], sizes = [1, 512], strides = [1, 1]} : vector<4x512xf32> to vector<1x512xf32>
      %mul3A_1839 = arith.constant 4 : i32
      %mul3A_1840 = arith.muli %mul3A_1839, %scan3A_1648 : i32
      %add3A_1841 = arith.constant 0 : i32
      %add3A_1842 = arith.addi %mul3A_1840, %add3A_1841 : i32
      %swap3A_1843 = arith.index_cast %add3A_1842 : i32 to index
      %swap3A_1844 = arith.constant 0 : index
      %swap3A_1845 = vector.load %arg12[%swap3A_1843, %swap3A_1844] : memref<512x512xf32, #tpu.memory_space<vmem>>, vector<1x512xf32>
      tpu.vector_store %arg12[%swap3A_1843, %swap3A_1844], %slice3A_1838 {strides = array<i32>} : memref<512x512xf32, #tpu.memory_space<vmem>>, vector<1x512xf32>,
      %slice3A_1846 = vector.extract_strided_slice %select_n3A_1837 {offsets = [1, 0], sizes = [1, 512], strides = [1, 1]} : vector<4x512xf32> to vector<1x512xf32>
      %mul3A_1847 = arith.constant 4 : i32
      %mul3A_1848 = arith.muli %mul3A_1847, %scan3A_1648 : i32
      %add3A_1849 = arith.constant 1 : i32
      %add3A_1850 = arith.addi %mul3A_1848, %add3A_1849 : i32
      %swap3A_1851 = arith.index_cast %add3A_1850 : i32 to index
      %swap3A_1852 = arith.constant 0 : index
      %swap3A_1853 = vector.load %arg12[%swap3A_1851, %swap3A_1852] : memref<512x512xf32, #tpu.memory_space<vmem>>, vector<1x512xf32>
      tpu.vector_store %arg12[%swap3A_1851, %swap3A_1852], %slice3A_1846 {strides = array<i32>} : memref<512x512xf32, #tpu.memory_space<vmem>>, vector<1x512xf32>,
      %slice3A_1854 = vector.extract_strided_slice %select_n3A_1837 {offsets = [2, 0], sizes = [1, 512], strides = [1, 1]} : vector<4x512xf32> to vector<1x512xf32>
      %mul3A_1855 = arith.constant 4 : i32
      %mul3A_1856 = arith.muli %mul3A_1855, %scan3A_1648 : i32
      %add3A_1857 = arith.constant 2 : i32
      %add3A_1858 = arith.addi %mul3A_1856, %add3A_1857 : i32
      %swap3A_1859 = arith.index_cast %add3A_1858 : i32 to index
      %swap3A_1860 = arith.constant 0 : index
      %swap3A_1861 = vector.load %arg12[%swap3A_1859, %swap3A_1860] : memref<512x512xf32, #tpu.memory_space<vmem>>, vector<1x512xf32>
      tpu.vector_store %arg12[%swap3A_1859, %swap3A_1860], %slice3A_1854 {strides = array<i32>} : memref<512x512xf32, #tpu.memory_space<vmem>>, vector<1x512xf32>,
      %slice3A_1862 = vector.extract_strided_slice %select_n3A_1837 {offsets = [3, 0], sizes = [1, 512], strides = [1, 1]} : vector<4x512xf32> to vector<1x512xf32>
      %mul3A_1863 = arith.constant 4 : i32
      %mul3A_1864 = arith.muli %mul3A_1863, %scan3A_1648 : i32
      %add3A_1865 = arith.constant 3 : i32
      %add3A_1866 = arith.addi %mul3A_1864, %add3A_1865 : i32
      %swap3A_1867 = arith.index_cast %add3A_1866 : i32 to index
      %swap3A_1868 = arith.constant 0 : index
      %swap3A_1869 = vector.load %arg12[%swap3A_1867, %swap3A_1868] : memref<512x512xf32, #tpu.memory_space<vmem>>, vector<1x512xf32>
      tpu.vector_store %arg12[%swap3A_1867, %swap3A_1868], %slice3A_1862 {strides = array<i32>} : memref<512x512xf32, #tpu.memory_space<vmem>>, vector<1x512xf32>,
      %slice3A_1870 = vector.extract_strided_slice %concatenate3A_1784 {offsets = [0, 0], sizes = [4, 1], strides = [1, 1]} : vector<4x3xf32> to vector<4x1xf32>
      %eq3A_1871 = vector.broadcast %select_n3A_617 : vector<1x64xi32> to vector<4x64xi32>
      %eq3A_1872 = vector.broadcast %iota3A_151 : vector<4x1xi32> to vector<4x64xi32>
      %eq3A_1873 = arith.cmpi eq, %eq3A_1871, %eq3A_1872 : vector<4x64xi32>
      %ge3A_1874 = vector.broadcast %convert_element_type3A_595 : vector<1x64xf32> to vector<4x64xf32>
      %ge3A_1875 = vector.broadcast %slice3A_1870 : vector<4x1xf32> to vector<4x64xf32>
      %ge3A_1876 = arith.cmpf oge, %ge3A_1874, %ge3A_1875 : vector<4x64xf32>
      %and3A_1877 = arith.andi %eq3A_1873, %ge3A_1876 : vector<4x64xi1>
      %lt3A_1878 = vector.broadcast %scan3A_1648 : i32 to vector<1x64xi32>
      %lt3A_1879 = arith.cmpi slt, %add3A_594, %lt3A_1878 : vector<1x64xi32>
      %and3A_1880 = vector.broadcast %lt3A_1879 : vector<1x64xi1> to vector<4x64xi1>
      %and3A_1881 = arith.andi %and3A_1877, %and3A_1880 : vector<4x64xi1>
      %jit3A_1882 = arith.constant 0xFF800000 : f32
      %broadcast_in_dim3A_1883 = vector.broadcast %jit3A_1882 : f32 to vector<4x64xf32>
      %select_n3A_1884 = arith.select %and3A_1881, %dot_general3A_1692, %broadcast_in_dim3A_1883 : vector<4x64xi1>, vector<4x64xf32>
      %reduce_max3A_1885 = arith.constant dense<0xFF800000> : vector<4xf32>
      %reduce_max3A_1886 = vector.multi_reduction <maximumf>, %select_n3A_1884, %reduce_max3A_1885 [1] : vector<4x64xf32> to vector<4xf32>
      %broadcast_in_dim3A_1887 = vector.shape_cast %reduce_max3A_1886 : vector<4xf32> to vector<4x1xf32>
      %sub3A_1888 = vector.broadcast %broadcast_in_dim3A_1887 : vector<4x1xf32> to vector<4x64xf32>
      %sub3A_1889 = arith.subf %dot_general3A_1692, %sub3A_1888 : vector<4x64xf32>
      %exp3A_1890 = math.exp %sub3A_1889 : vector<4x64xf32>
      %jit3A_1891 = arith.constant 0.000000e+00 : f32
      %broadcast_in_dim3A_1892 = vector.broadcast %jit3A_1891 : f32 to vector<4x64xf32>
      %select_n3A_1893 = arith.select %and3A_1881, %exp3A_1890, %broadcast_in_dim3A_1892 : vector<4x64xi1>, vector<4x64xf32>
      %reduce_sum3A_1894 = arith.constant dense<0.000000e+00> : vector<4xf32>
      %reduce_sum3A_1895 = vector.multi_reduction <add>, %select_n3A_1893, %reduce_sum3A_1894 [1] : vector<4x64xf32> to vector<4xf32>
      %broadcast_in_dim3A_1896 = vector.shape_cast %reduce_sum3A_1895 : vector<4xf32> to vector<4x1xf32>
      scf.yield %mul3A_1818, %select_n3A_1837, %broadcast_in_dim3A_1887, %broadcast_in_dim3A_1896, %select_n3A_1893, %concatenate3A_1784, %concatenate3A_1690 : vector<4x1xf32>, vector<4x512xf32>, vector<4x1xf32>, vector<4x1xf32>, vector<4x64xf32>, vector<4x3xf32>, vector<4x512xf32>
    }
    %scan3A_655 = arith.constant 16 : i32
    %get3A_656 = arith.constant 192 : index
    %get3A_657 = arith.constant 0 : index
    %get3A_658 = vector.load %arg1[%get3A_656, %get3A_657] : memref<512x1xf32, #tpu.memory_space<vmem>>, vector<64x1xf32>
    %get3A_659 = arith.constant 0 : index
    %get3A_660 = arith.constant 0 : index
    %get3A_661 = vector.load %arg12[%get3A_659, %get3A_660] : memref<512x512xf32, #tpu.memory_space<vmem>>, vector<192x512xf32>
    %get3A_662 = arith.constant 192 : index
    %get3A_663 = arith.constant 0 : index
    %get3A_664 = vector.load %arg14[%get3A_662, %get3A_663] : memref<512x512xf32, #tpu.memory_space<vmem>>, vector<64x512xf32>
    %dot_general3A_665 = arith.constant dense<0.000000e+00> : vector<64x192xf32>
    %dot_general3A_666 = tpu.matmul %get3A_664, %get3A_661, %dot_general3A_665 {dimension_numbers = #tpu.dot_dimension_numbers<[1], [1], [0], [0], [0, 0, 1, 0], [], []>, transpose_lhs_hint = false} : vector<64x512xf32>, vector<192x512xf32>, vector<64x192xf32> -> vector<64x192xf32>
    %iota3A_667 = tpu.iota {dimensions = array<i32: 1>} : vector<1x192xi32>
    %jit3A_668 = arith.constant 4 : i32
    %eq3A_669 = arith.constant 0 : i32
    %eq3A_670 = arith.cmpi eq, %jit3A_668, %eq3A_669 : i32
    %jit3A_671 = arith.constant 1 : i32
    %select_n3A_672 = arith.select %eq3A_670, %jit3A_671, %jit3A_668 : i32
    %rem3A_673 = vector.broadcast %select_n3A_672 : i32 to vector<1x192xi32>
    %rem3A_674 = arith.remsi %iota3A_667, %rem3A_673 : vector<1x192xi32>
    %ne3A_675 = arith.constant 0 : i32
    %ne3A_676 = vector.broadcast %ne3A_675 : i32 to vector<1x192xi32>
    %ne3A_677 = arith.cmpi ne, %rem3A_674, %ne3A_676 : vector<1x192xi32>
    %lt3A_678 = arith.constant 0 : i32
    %lt3A_679 = vector.broadcast %lt3A_678 : i32 to vector<1x192xi32>
    %lt3A_680 = arith.cmpi slt, %rem3A_674, %lt3A_679 : vector<1x192xi32>
    %lt3A_681 = arith.constant 0 : i32
    %lt3A_682 = arith.cmpi slt, %select_n3A_672, %lt3A_681 : i32
    %ne3A_683 = vector.broadcast %lt3A_682 : i1 to vector<1x192xi1>
    %ne3A_684 = vector.broadcast %ne3A_683 : vector<1x192xi1> to vector<1x192xi1>
    %ne3A_685 = arith.xori %lt3A_680, %ne3A_684 : vector<1x192xi1>
    %and3A_686 = arith.andi %ne3A_685, %ne3A_677 : vector<1x192xi1>
    %add3A_687 = vector.broadcast %select_n3A_672 : i32 to vector<1x192xi32>
    %add3A_688 = arith.addi %rem3A_674, %add3A_687 : vector<1x192xi32>
    %select_n3A_689 = arith.select %and3A_686, %add3A_688, %rem3A_674 : vector<1x192xi1>, vector<1x192xi32>
    %slice3A_690 = vector.extract_strided_slice %select_n3A_74 {offsets = [192, 0], sizes = [64, 1], strides = [1, 1]} : vector<512x1xi32> to vector<64x1xi32>
    %eq3A_691 = vector.broadcast %select_n3A_689 : vector<1x192xi32> to vector<64x192xi32>
    %eq3A_692 = vector.broadcast %slice3A_690 : vector<64x1xi32> to vector<64x192xi32>
    %eq3A_693 = arith.cmpi eq, %eq3A_691, %eq3A_692 : vector<64x192xi32>
    %jit3A_694 = arith.constant 4 : i32
    %div3A_695 = vector.broadcast %jit3A_694 : i32 to vector<1x192xi32>
    %div3A_696 = arith.divsi %iota3A_667, %div3A_695 : vector<1x192xi32>
    %sign3A_697 = arith.constant 0 : i32
    %sign3A_698 = vector.broadcast %sign3A_697 : i32 to vector<1x192xi32>
    %sign3A_699 = arith.cmpi sgt, %iota3A_667, %sign3A_698 : vector<1x192xi32>
    %sign3A_700 = arith.extui %sign3A_699 : vector<1x192xi1> to vector<1x192xi32>
    %sign3A_701 = arith.constant 0 : i32
    %sign3A_702 = vector.broadcast %sign3A_701 : i32 to vector<1x192xi32>
    %sign3A_703 = arith.cmpi slt, %iota3A_667, %sign3A_702 : vector<1x192xi32>
    %sign3A_704 = arith.extui %sign3A_703 : vector<1x192xi1> to vector<1x192xi32>
    %sign3A_705 = arith.subi %sign3A_700, %sign3A_704 : vector<1x192xi32>
    %sign3A_706 = arith.constant 0 : i32
    %sign3A_707 = arith.cmpi sgt, %jit3A_694, %sign3A_706 : i32
    %sign3A_708 = arith.extui %sign3A_707 : i1 to i32
    %sign3A_709 = arith.constant 0 : i32
    %sign3A_710 = arith.cmpi slt, %jit3A_694, %sign3A_709 : i32
    %sign3A_711 = arith.extui %sign3A_710 : i1 to i32
    %sign3A_712 = arith.subi %sign3A_708, %sign3A_711 : i32
    %ne3A_713 = vector.broadcast %sign3A_712 : i32 to vector<1x192xi32>
    %ne3A_714 = arith.cmpi ne, %sign3A_705, %ne3A_713 : vector<1x192xi32>
    %rem3A_715 = vector.broadcast %jit3A_694 : i32 to vector<1x192xi32>
    %rem3A_716 = arith.remsi %iota3A_667, %rem3A_715 : vector<1x192xi32>
    %ne3A_717 = arith.constant 0 : i32
    %ne3A_718 = vector.broadcast %ne3A_717 : i32 to vector<1x192xi32>
    %ne3A_719 = arith.cmpi ne, %rem3A_716, %ne3A_718 : vector<1x192xi32>
    %and3A_720 = arith.andi %ne3A_714, %ne3A_719 : vector<1x192xi1>
    %sub3A_721 = arith.constant 1 : i32
    %sub3A_722 = vector.broadcast %sub3A_721 : i32 to vector<1x192xi32>
    %sub3A_723 = arith.subi %div3A_696, %sub3A_722 : vector<1x192xi32>
    %select_n3A_724 = arith.select %and3A_720, %sub3A_723, %div3A_696 : vector<1x192xi1>, vector<1x192xi32>
    %convert_element_type3A_725 = arith.sitofp %select_n3A_724 : vector<1x192xi32> to vector<1x192xf32>
    %ge3A_726 = vector.broadcast %convert_element_type3A_725 : vector<1x192xf32> to vector<64x192xf32>
    %ge3A_727 = vector.broadcast %get3A_658 : vector<64x1xf32> to vector<64x192xf32>
    %ge3A_728 = arith.cmpf oge, %ge3A_726, %ge3A_727 : vector<64x192xf32>
    %and3A_729 = arith.andi %eq3A_693, %ge3A_728 : vector<64x192xi1>
    %jit3A_730 = arith.constant 0xFF800000 : f32
    %broadcast_in_dim3A_731 = vector.broadcast %jit3A_730 : f32 to vector<64x192xf32>
    %select_n3A_732 = arith.select %and3A_729, %dot_general3A_666, %broadcast_in_dim3A_731 : vector<64x192xi1>, vector<64x192xf32>
    %reduce_max3A_733 = arith.constant dense<0xFF800000> : vector<64xf32>
    %reduce_max3A_734 = vector.multi_reduction <maximumf>, %select_n3A_732, %reduce_max3A_733 [1] : vector<64x192xf32> to vector<64xf32>
    %broadcast_in_dim3A_735 = vector.shape_cast %reduce_max3A_734 : vector<64xf32> to vector<64x1xf32>
    %sub3A_736 = vector.broadcast %broadcast_in_dim3A_735 : vector<64x1xf32> to vector<64x192xf32>
    %sub3A_737 = arith.subf %dot_general3A_666, %sub3A_736 : vector<64x192xf32>
    %exp3A_738 = math.exp %sub3A_737 : vector<64x192xf32>
    %jit3A_739 = arith.constant 0.000000e+00 : f32
    %broadcast_in_dim3A_740 = vector.broadcast %jit3A_739 : f32 to vector<64x192xf32>
    %select_n3A_741 = arith.select %and3A_729, %exp3A_738, %broadcast_in_dim3A_740 : vector<64x192xi1>, vector<64x192xf32>
    %reduce_sum3A_742 = arith.constant dense<0.000000e+00> : vector<64xf32>
    %reduce_sum3A_743 = vector.multi_reduction <add>, %select_n3A_741, %reduce_sum3A_742 [1] : vector<64x192xf32> to vector<64xf32>
    %broadcast_in_dim3A_744 = vector.shape_cast %reduce_sum3A_743 : vector<64xf32> to vector<64x1xf32>
    %concatenate3A_745 = tpu.concatenate %get3A_658, %broadcast_in_dim3A_735, %broadcast_in_dim3A_744 in 1 : vector<64x1xf32>, vector<64x1xf32>, vector<64x1xf32> -> vector<64x3xf32>
    %swap3A_746 = arith.constant 0 : index
    %swap3A_747 = arith.constant 0 : index
    %swap3A_748 = vector.load %arg16[%swap3A_746, %swap3A_747] : memref<64x3xf32, #tpu.memory_space<vmem>>, vector<64x3xf32>
    tpu.vector_store %arg16[%swap3A_746, %swap3A_747], %concatenate3A_745 {strides = array<i32>} : memref<64x3xf32, #tpu.memory_space<vmem>>, vector<64x3xf32>,
    %dot_general3A_749 = arith.constant dense<0.000000e+00> : vector<64x512xf32>
    %dot_general3A_750 = tpu.matmul %select_n3A_741, %get3A_661, %dot_general3A_749 {dimension_numbers = #tpu.dot_dimension_numbers<[1], [0], [0], [1], [0, 0, 1, 1], [], []>, transpose_lhs_hint = false} : vector<64x192xf32>, vector<192x512xf32>, vector<64x512xf32> -> vector<64x512xf32>
    %swap3A_751 = arith.constant 0 : index
    %swap3A_752 = arith.constant 0 : index
    %swap3A_753 = vector.load %arg15[%swap3A_751, %swap3A_752] : memref<64x512xf32, #tpu.memory_space<vmem>>, vector<64x512xf32>
    tpu.vector_store %arg15[%swap3A_751, %swap3A_752], %dot_general3A_750 {strides = array<i32>} : memref<64x512xf32, #tpu.memory_space<vmem>>, vector<64x512xf32>,
    %jit3A_754 = arith.constant 4 : i32
    %div3A_755 = vector.broadcast %jit3A_754 : i32 to vector<1x64xi32>
    %div3A_756 = arith.divsi %iota3A_150, %div3A_755 : vector<1x64xi32>
    %sign3A_757 = arith.constant 0 : i32
    %sign3A_758 = vector.broadcast %sign3A_757 : i32 to vector<1x64xi32>
    %sign3A_759 = arith.cmpi sgt, %iota3A_150, %sign3A_758 : vector<1x64xi32>
    %sign3A_760 = arith.extui %sign3A_759 : vector<1x64xi1> to vector<1x64xi32>
    %sign3A_761 = arith.constant 0 : i32
    %sign3A_762 = vector.broadcast %sign3A_761 : i32 to vector<1x64xi32>
    %sign3A_763 = arith.cmpi slt, %iota3A_150, %sign3A_762 : vector<1x64xi32>
    %sign3A_764 = arith.extui %sign3A_763 : vector<1x64xi1> to vector<1x64xi32>
    %sign3A_765 = arith.subi %sign3A_760, %sign3A_764 : vector<1x64xi32>
    %sign3A_766 = arith.constant 0 : i32
    %sign3A_767 = arith.cmpi sgt, %jit3A_754, %sign3A_766 : i32
    %sign3A_768 = arith.extui %sign3A_767 : i1 to i32
    %sign3A_769 = arith.constant 0 : i32
    %sign3A_770 = arith.cmpi slt, %jit3A_754, %sign3A_769 : i32
    %sign3A_771 = arith.extui %sign3A_770 : i1 to i32
    %sign3A_772 = arith.subi %sign3A_768, %sign3A_771 : i32
    %ne3A_773 = vector.broadcast %sign3A_772 : i32 to vector<1x64xi32>
    %ne3A_774 = arith.cmpi ne, %sign3A_765, %ne3A_773 : vector<1x64xi32>
    %rem3A_775 = vector.broadcast %jit3A_754 : i32 to vector<1x64xi32>
    %rem3A_776 = arith.remsi %iota3A_150, %rem3A_775 : vector<1x64xi32>
    %ne3A_777 = arith.constant 0 : i32
    %ne3A_778 = vector.broadcast %ne3A_777 : i32 to vector<1x64xi32>
    %ne3A_779 = arith.cmpi ne, %rem3A_776, %ne3A_778 : vector<1x64xi32>
    %and3A_780 = arith.andi %ne3A_774, %ne3A_779 : vector<1x64xi1>
    %sub3A_781 = arith.constant 1 : i32
    %sub3A_782 = vector.broadcast %sub3A_781 : i32 to vector<1x64xi32>
    %sub3A_783 = arith.subi %div3A_756, %sub3A_782 : vector<1x64xi32>
    %select_n3A_784 = arith.select %and3A_780, %sub3A_783, %div3A_756 : vector<1x64xi1>, vector<1x64xi32>
    %add3A_785 = arith.constant 48 : i32
    %add3A_786 = vector.broadcast %add3A_785 : i32 to vector<1x64xi32>
    %add3A_787 = arith.addi %select_n3A_784, %add3A_786 : vector<1x64xi32>
    %convert_element_type3A_788 = arith.sitofp %add3A_787 : vector<1x64xi32> to vector<1x64xf32>
    %jit3A_789 = arith.constant 4 : i32
    %eq3A_790 = arith.constant 0 : i32
    %eq3A_791 = arith.cmpi eq, %jit3A_789, %eq3A_790 : i32
    %jit3A_792 = arith.constant 1 : i32
    %select_n3A_793 = arith.select %eq3A_791, %jit3A_792, %jit3A_789 : i32
    %rem3A_794 = vector.broadcast %select_n3A_793 : i32 to vector<1x64xi32>
    %rem3A_795 = arith.remsi %iota3A_150, %rem3A_794 : vector<1x64xi32>
    %ne3A_796 = arith.constant 0 : i32
    %ne3A_797 = vector.broadcast %ne3A_796 : i32 to vector<1x64xi32>
    %ne3A_798 = arith.cmpi ne, %rem3A_795, %ne3A_797 : vector<1x64xi32>
    %lt3A_799 = arith.constant 0 : i32
    %lt3A_800 = vector.broadcast %lt3A_799 : i32 to vector<1x64xi32>
    %lt3A_801 = arith.cmpi slt, %rem3A_795, %lt3A_800 : vector<1x64xi32>
    %lt3A_802 = arith.constant 0 : i32
    %lt3A_803 = arith.cmpi slt, %select_n3A_793, %lt3A_802 : i32
    %ne3A_804 = vector.broadcast %lt3A_803 : i1 to vector<1x64xi1>
    %ne3A_805 = vector.broadcast %ne3A_804 : vector<1x64xi1> to vector<1x64xi1>
    %ne3A_806 = arith.xori %lt3A_801, %ne3A_805 : vector<1x64xi1>
    %and3A_807 = arith.andi %ne3A_806, %ne3A_798 : vector<1x64xi1>
    %add3A_808 = vector.broadcast %select_n3A_793 : i32 to vector<1x64xi32>
    %add3A_809 = arith.addi %rem3A_795, %add3A_808 : vector<1x64xi32>
    %select_n3A_810 = arith.select %and3A_807, %add3A_809, %rem3A_795 : vector<1x64xi1>, vector<1x64xi32>
    %broadcast_in_dim3A_811 = arith.constant 0xFF800000 : f32
    %broadcast_in_dim3A_812 = vector.broadcast %broadcast_in_dim3A_811 : f32 to vector<4x1xf32>
    %broadcast_in_dim3A_813 = arith.constant 0.000000e+00 : f32
    %broadcast_in_dim3A_814 = vector.broadcast %broadcast_in_dim3A_813 : f32 to vector<4x1xf32>
    %broadcast_in_dim3A_815 = arith.constant 0.000000e+00 : f32
    %broadcast_in_dim3A_816 = vector.broadcast %broadcast_in_dim3A_815 : f32 to vector<4x64xf32>
    %get3A_817 = arith.constant 0 : index
    %get3A_818 = arith.constant 0 : index
    %get3A_819 = vector.load %arg16[%get3A_817, %get3A_818] : memref<64x3xf32, #tpu.memory_space<vmem>>, vector<1x3xf32>
    %get3A_820 = arith.constant 1 : index
    %get3A_821 = arith.constant 0 : index
    %get3A_822 = vector.load %arg16[%get3A_820, %get3A_821] : memref<64x3xf32, #tpu.memory_space<vmem>>, vector<1x3xf32>
    %get3A_823 = arith.constant 2 : index
    %get3A_824 = arith.constant 0 : index
    %get3A_825 = vector.load %arg16[%get3A_823, %get3A_824] : memref<64x3xf32, #tpu.memory_space<vmem>>, vector<1x3xf32>
    %get3A_826 = arith.constant 3 : index
    %get3A_827 = arith.constant 0 : index
    %get3A_828 = vector.load %arg16[%get3A_826, %get3A_827] : memref<64x3xf32, #tpu.memory_space<vmem>>, vector<1x3xf32>
    %concatenate3A_829 = tpu.concatenate %get3A_819, %get3A_822, %get3A_825, %get3A_828 in 0 : vector<1x3xf32>, vector<1x3xf32>, vector<1x3xf32>, vector<1x3xf32> -> vector<4x3xf32>
    %get3A_830 = arith.constant 192 : index
    %get3A_831 = arith.constant 0 : index
    %get3A_832 = vector.load %arg14[%get3A_830, %get3A_831] : memref<512x512xf32, #tpu.memory_space<vmem>>, vector<1x512xf32>
    %get3A_833 = arith.constant 193 : index
    %get3A_834 = arith.constant 0 : index
    %get3A_835 = vector.load %arg14[%get3A_833, %get3A_834] : memref<512x512xf32, #tpu.memory_space<vmem>>, vector<1x512xf32>
    %get3A_836 = arith.constant 194 : index
    %get3A_837 = arith.constant 0 : index
    %get3A_838 = vector.load %arg14[%get3A_836, %get3A_837] : memref<512x512xf32, #tpu.memory_space<vmem>>, vector<1x512xf32>
    %get3A_839 = arith.constant 195 : index
    %get3A_840 = arith.constant 0 : index
    %get3A_841 = vector.load %arg14[%get3A_839, %get3A_840] : memref<512x512xf32, #tpu.memory_space<vmem>>, vector<1x512xf32>
    %concatenate3A_842 = tpu.concatenate %get3A_832, %get3A_835, %get3A_838, %get3A_841 in 0 : vector<1x512xf32>, vector<1x512xf32>, vector<1x512xf32>, vector<1x512xf32> -> vector<4x512xf32>
    %scan3A_843 = arith.constant 48 : i32
    %scan3A_844 = arith.constant 16 : i32
    %scan3A_845 = arith.addi %scan3A_843, %scan3A_844 : i32
    %scan3A_846 = arith.constant 1 : i32
    %scan3A_847:7 = scf.for %scan3A_1648 = %scan3A_843 to %scan3A_845 step %scan3A_846 iter_args(%scan3A_1649 = %scan3A_654#0, %scan3A_1650 = %scan3A_654#1, %scan3A_1651 = %broadcast_in_dim3A_812, %scan3A_1652 = %broadcast_in_dim3A_814, %scan3A_1653 = %broadcast_in_dim3A_816, %scan3A_1654 = %concatenate3A_829, %scan3A_1655 = %concatenate3A_842) -> (vector<4x1xf32>, vector<4x512xf32>, vector<4x1xf32>, vector<4x1xf32>, vector<4x64xf32>, vector<4x3xf32>, vector<4x512xf32>)  : i32 {
      %sub3A_1656 = arith.constant 48 : i32
      %sub3A_1657 = arith.subi %scan3A_1648, %sub3A_1656 : i32
      %mul3A_1658 = arith.constant 4 : i32
      %mul3A_1659 = arith.muli %sub3A_1657, %mul3A_1658 : i32
      %get3A_1660 = arith.constant 192 : index
      %get3A_1661 = arith.constant 0 : index
      %get3A_1662 = vector.load %arg12[%get3A_1660, %get3A_1661] : memref<512x512xf32, #tpu.memory_space<vmem>>, vector<64x512xf32>
      %dot_general3A_1663 = arith.constant dense<0.000000e+00> : vector<4x512xf32>
      %dot_general3A_1664 = tpu.matmul %scan3A_1653, %get3A_1662, %dot_general3A_1663 {dimension_numbers = #tpu.dot_dimension_numbers<[1], [0], [0], [1], [0, 0, 1, 1], [], []>, transpose_lhs_hint = false} : vector<4x64xf32>, vector<64x512xf32>, vector<4x512xf32> -> vector<4x512xf32>
      %add3A_1665 = arith.constant 1 : i32
      %add3A_1666 = arith.addi %scan3A_1648, %add3A_1665 : i32
      %min3A = arith.constant 127 : i32
      %min3A_1667 = arith.minsi %add3A_1666, %min3A : i32
      %mul3A_1668 = arith.constant 4 : i32
      %mul3A_1669 = arith.muli %mul3A_1668, %min3A_1667 : i32
      %add3A_1670 = arith.constant 0 : i32
      %add3A_1671 = arith.addi %mul3A_1669, %add3A_1670 : i32
      %get3A_1672 = arith.index_cast %add3A_1671 : i32 to index
      %get3A_1673 = arith.constant 0 : index
      %get3A_1674 = vector.load %arg14[%get3A_1672, %get3A_1673] : memref<512x512xf32, #tpu.memory_space<vmem>>, vector<1x512xf32>
      %add3A_1675 = arith.constant 1 : i32
      %add3A_1676 = arith.addi %mul3A_1669, %add3A_1675 : i32
      %get3A_1677 = arith.index_cast %add3A_1676 : i32 to index
      %get3A_1678 = arith.constant 0 : index
      %get3A_1679 = vector.load %arg14[%get3A_1677, %get3A_1678] : memref<512x512xf32, #tpu.memory_space<vmem>>, vector<1x512xf32>
      %add3A_1680 = arith.constant 2 : i32
      %add3A_1681 = arith.addi %mul3A_1669, %add3A_1680 : i32
      %get3A_1682 = arith.index_cast %add3A_1681 : i32 to index
      %get3A_1683 = arith.constant 0 : index
      %get3A_1684 = vector.load %arg14[%get3A_1682, %get3A_1683] : memref<512x512xf32, #tpu.memory_space<vmem>>, vector<1x512xf32>
      %add3A_1685 = arith.constant 3 : i32
      %add3A_1686 = arith.addi %mul3A_1669, %add3A_1685 : i32
      %get3A_1687 = arith.index_cast %add3A_1686 : i32 to index
      %get3A_1688 = arith.constant 0 : index
      %get3A_1689 = vector.load %arg14[%get3A_1687, %get3A_1688] : memref<512x512xf32, #tpu.memory_space<vmem>>, vector<1x512xf32>
      %concatenate3A_1690 = tpu.concatenate %get3A_1674, %get3A_1679, %get3A_1684, %get3A_1689 in 0 : vector<1x512xf32>, vector<1x512xf32>, vector<1x512xf32>, vector<1x512xf32> -> vector<4x512xf32>
      %dot_general3A_1691 = arith.constant dense<0.000000e+00> : vector<4x64xf32>
      %dot_general3A_1692 = tpu.matmul %concatenate3A_1690, %get3A_1662, %dot_general3A_1691 {dimension_numbers = #tpu.dot_dimension_numbers<[1], [1], [0], [0], [0, 0, 1, 0], [], []>, transpose_lhs_hint = false} : vector<4x512xf32>, vector<64x512xf32>, vector<4x64xf32> -> vector<4x64xf32>
      %add3A_1693 = arith.constant 0 : i32
      %add3A_1694 = arith.addi %mul3A_1659, %add3A_1693 : i32
      %get3A_1695 = arith.index_cast %add3A_1694 : i32 to index
      %get3A_1696 = arith.constant 0 : index
      %get3A_1697 = vector.load %arg15[%get3A_1695, %get3A_1696] : memref<64x512xf32, #tpu.memory_space<vmem>>, vector<1x512xf32>
      %add3A_1698 = arith.constant 1 : i32
      %add3A_1699 = arith.addi %mul3A_1659, %add3A_1698 : i32
      %get3A_1700 = arith.index_cast %add3A_1699 : i32 to index
      %get3A_1701 = arith.constant 0 : index
      %get3A_1702 = vector.load %arg15[%get3A_1700, %get3A_1701] : memref<64x512xf32, #tpu.memory_space<vmem>>, vector<1x512xf32>
      %add3A_1703 = arith.constant 2 : i32
      %add3A_1704 = arith.addi %mul3A_1659, %add3A_1703 : i32
      %get3A_1705 = arith.index_cast %add3A_1704 : i32 to index
      %get3A_1706 = arith.constant 0 : index
      %get3A_1707 = vector.load %arg15[%get3A_1705, %get3A_1706] : memref<64x512xf32, #tpu.memory_space<vmem>>, vector<1x512xf32>
      %add3A_1708 = arith.constant 3 : i32
      %add3A_1709 = arith.addi %mul3A_1659, %add3A_1708 : i32
      %get3A_1710 = arith.index_cast %add3A_1709 : i32 to index
      %get3A_1711 = arith.constant 0 : index
      %get3A_1712 = vector.load %arg15[%get3A_1710, %get3A_1711] : memref<64x512xf32, #tpu.memory_space<vmem>>, vector<1x512xf32>
      %concatenate3A_1713 = tpu.concatenate %get3A_1697, %get3A_1702, %get3A_1707, %get3A_1712 in 0 : vector<1x512xf32>, vector<1x512xf32>, vector<1x512xf32>, vector<1x512xf32> -> vector<4x512xf32>
      %mul3A_1714 = arith.constant 4 : i32
      %mul3A_1715 = arith.muli %mul3A_1714, %scan3A_1648 : i32
      %add3A_1716 = arith.constant 0 : i32
      %add3A_1717 = arith.addi %mul3A_1715, %add3A_1716 : i32
      %get3A_1718 = arith.index_cast %add3A_1717 : i32 to index
      %get3A_1719 = arith.constant 0 : index
      %get3A_1720 = vector.load %arg13[%get3A_1718, %get3A_1719] : memref<512x512xf32, #tpu.memory_space<vmem>>, vector<1x512xf32>
      %add3A_1721 = arith.constant 1 : i32
      %add3A_1722 = arith.addi %mul3A_1715, %add3A_1721 : i32
      %get3A_1723 = arith.index_cast %add3A_1722 : i32 to index
      %get3A_1724 = arith.constant 0 : index
      %get3A_1725 = vector.load %arg13[%get3A_1723, %get3A_1724] : memref<512x512xf32, #tpu.memory_space<vmem>>, vector<1x512xf32>
      %add3A_1726 = arith.constant 2 : i32
      %add3A_1727 = arith.addi %mul3A_1715, %add3A_1726 : i32
      %get3A_1728 = arith.index_cast %add3A_1727 : i32 to index
      %get3A_1729 = arith.constant 0 : index
      %get3A_1730 = vector.load %arg13[%get3A_1728, %get3A_1729] : memref<512x512xf32, #tpu.memory_space<vmem>>, vector<1x512xf32>
      %add3A_1731 = arith.constant 3 : i32
      %add3A_1732 = arith.addi %mul3A_1715, %add3A_1731 : i32
      %get3A_1733 = arith.index_cast %add3A_1732 : i32 to index
      %get3A_1734 = arith.constant 0 : index
      %get3A_1735 = vector.load %arg13[%get3A_1733, %get3A_1734] : memref<512x512xf32, #tpu.memory_space<vmem>>, vector<1x512xf32>
      %concatenate3A_1736 = tpu.concatenate %get3A_1720, %get3A_1725, %get3A_1730, %get3A_1735 in 0 : vector<1x512xf32>, vector<1x512xf32>, vector<1x512xf32>, vector<1x512xf32> -> vector<4x512xf32>
      %mul3A_1737 = arith.constant 4 : i32
      %mul3A_1738 = arith.muli %mul3A_1737, %scan3A_1648 : i32
      %add3A_1739 = arith.constant 0 : i32
      %add3A_1740 = arith.addi %mul3A_1738, %add3A_1739 : i32
      %get3A_1741 = arith.index_cast %add3A_1740 : i32 to index
      %get3A_1742 = arith.constant 0 : index
      %get3A_1743 = vector.load %arg3[%get3A_1741, %get3A_1742] : memref<512x1xf32, #tpu.memory_space<vmem>>, vector<1x1xf32>
      %add3A_1744 = arith.constant 1 : i32
      %add3A_1745 = arith.addi %mul3A_1738, %add3A_1744 : i32
      %get3A_1746 = arith.index_cast %add3A_1745 : i32 to index
      %get3A_1747 = arith.constant 0 : index
      %get3A_1748 = vector.load %arg3[%get3A_1746, %get3A_1747] : memref<512x1xf32, #tpu.memory_space<vmem>>, vector<1x1xf32>
      %add3A_1749 = arith.constant 2 : i32
      %add3A_1750 = arith.addi %mul3A_1738, %add3A_1749 : i32
      %get3A_1751 = arith.index_cast %add3A_1750 : i32 to index
      %get3A_1752 = arith.constant 0 : index
      %get3A_1753 = vector.load %arg3[%get3A_1751, %get3A_1752] : memref<512x1xf32, #tpu.memory_space<vmem>>, vector<1x1xf32>
      %add3A_1754 = arith.constant 3 : i32
      %add3A_1755 = arith.addi %mul3A_1738, %add3A_1754 : i32
      %get3A_1756 = arith.index_cast %add3A_1755 : i32 to index
      %get3A_1757 = arith.constant 0 : index
      %get3A_1758 = vector.load %arg3[%get3A_1756, %get3A_1757] : memref<512x1xf32, #tpu.memory_space<vmem>>, vector<1x1xf32>
      %concatenate3A_1759 = tpu.concatenate %get3A_1743, %get3A_1748, %get3A_1753, %get3A_1758 in 0 : vector<1x1xf32>, vector<1x1xf32>, vector<1x1xf32>, vector<1x1xf32> -> vector<4x1xf32>
      %add3A_1760 = arith.constant 4 : i32
      %add3A_1761 = arith.addi %mul3A_1659, %add3A_1760 : i32
      %min3A_1762 = arith.constant 60 : i32
      %min3A_1763 = arith.minsi %add3A_1761, %min3A_1762 : i32
      %add3A_1764 = arith.constant 0 : i32
      %add3A_1765 = arith.addi %min3A_1763, %add3A_1764 : i32
      %get3A_1766 = arith.index_cast %add3A_1765 : i32 to index
      %get3A_1767 = arith.constant 0 : index
      %get3A_1768 = vector.load %arg16[%get3A_1766, %get3A_1767] : memref<64x3xf32, #tpu.memory_space<vmem>>, vector<1x3xf32>
      %add3A_1769 = arith.constant 1 : i32
      %add3A_1770 = arith.addi %min3A_1763, %add3A_1769 : i32
      %get3A_1771 = arith.index_cast %add3A_1770 : i32 to index
      %get3A_1772 = arith.constant 0 : index
      %get3A_1773 = vector.load %arg16[%get3A_1771, %get3A_1772] : memref<64x3xf32, #tpu.memory_space<vmem>>, vector<1x3xf32>
      %add3A_1774 = arith.constant 2 : i32
      %add3A_1775 = arith.addi %min3A_1763, %add3A_1774 : i32
      %get3A_1776 = arith.index_cast %add3A_1775 : i32 to index
      %get3A_1777 = arith.constant 0 : index
      %get3A_1778 = vector.load %arg16[%get3A_1776, %get3A_1777] : memref<64x3xf32, #tpu.memory_space<vmem>>, vector<1x3xf32>
      %add3A_1779 = arith.constant 3 : i32
      %add3A_1780 = arith.addi %min3A_1763, %add3A_1779 : i32
      %get3A_1781 = arith.index_cast %add3A_1780 : i32 to index
      %get3A_1782 = arith.constant 0 : index
      %get3A_1783 = vector.load %arg16[%get3A_1781, %get3A_1782] : memref<64x3xf32, #tpu.memory_space<vmem>>, vector<1x3xf32>
      %concatenate3A_1784 = tpu.concatenate %get3A_1768, %get3A_1773, %get3A_1778, %get3A_1783 in 0 : vector<1x3xf32>, vector<1x3xf32>, vector<1x3xf32>, vector<1x3xf32> -> vector<4x3xf32>
      %slice3A_1785 = vector.extract_strided_slice %scan3A_1654 {offsets = [0, 0], sizes = [4, 1], strides = [1, 1]} : vector<4x3xf32> to vector<4x1xf32>
      %slice3A_1786 = vector.extract_strided_slice %scan3A_1654 {offsets = [0, 1], sizes = [4, 1], strides = [1, 1]} : vector<4x3xf32> to vector<4x1xf32>
      %slice3A_1787 = vector.extract_strided_slice %scan3A_1654 {offsets = [0, 2], sizes = [4, 1], strides = [1, 1]} : vector<4x3xf32> to vector<4x1xf32>
      %mul3A_1788 = arith.mulf %scan3A_1655, %scan3A_1650 : vector<4x512xf32>
      %reduce_sum3A_1789 = arith.constant dense<0.000000e+00> : vector<4xf32>
      %reduce_sum3A_1790 = vector.multi_reduction <add>, %mul3A_1788, %reduce_sum3A_1789 [1] : vector<4x512xf32> to vector<4xf32>
      %broadcast_in_dim3A_1791 = vector.shape_cast %reduce_sum3A_1790 : vector<4xf32> to vector<4x1xf32>
      %gt3A = arith.constant 48 : i32
      %gt3A_1792 = arith.cmpi sgt, %scan3A_1648, %gt3A : i32
      %jit3A_1793 = arith.constant 0xFF800000 : f32
      %broadcast_in_dim3A_1794 = vector.broadcast %jit3A_1793 : f32 to vector<4x1xf32>
      %select_n3A_1795 = arith.select %gt3A_1792, %broadcast_in_dim3A_1791, %broadcast_in_dim3A_1794 : vector<4x1xf32>
      %max3A_1796 = arith.maximumf %scan3A_1651, %select_n3A_1795 : vector<4x1xf32>
      %max3A_1797 = arith.maximumf %max3A_1796, %slice3A_1786 : vector<4x1xf32>
      %sub3A_1798 = arith.subf %slice3A_1786, %max3A_1797 : vector<4x1xf32>
      %exp3A_1799 = math.exp %sub3A_1798 : vector<4x1xf32>
      %sub3A_1800 = arith.subf %scan3A_1651, %max3A_1797 : vector<4x1xf32>
      %exp3A_1801 = math.exp %sub3A_1800 : vector<4x1xf32>
      %sub3A_1802 = arith.subf %select_n3A_1795, %max3A_1797 : vector<4x1xf32>
      %exp3A_1803 = math.exp %sub3A_1802 : vector<4x1xf32>
      %mul3A_1804 = vector.broadcast %exp3A_1799 : vector<4x1xf32> to vector<4x512xf32>
      %mul3A_1805 = arith.mulf %mul3A_1804, %concatenate3A_1713 : vector<4x512xf32>
      %mul3A_1806 = vector.broadcast %exp3A_1801 : vector<4x1xf32> to vector<4x512xf32>
      %mul3A_1807 = arith.mulf %mul3A_1806, %dot_general3A_1664 : vector<4x512xf32>
      %add3A_1808 = arith.addf %mul3A_1805, %mul3A_1807 : vector<4x512xf32>
      %mul3A_1809 = vector.broadcast %exp3A_1803 : vector<4x1xf32> to vector<4x512xf32>
      %mul3A_1810 = arith.mulf %mul3A_1809, %scan3A_1650 : vector<4x512xf32>
      %add3A_1811 = arith.addf %add3A_1808, %mul3A_1810 : vector<4x512xf32>
      %mul3A_1812 = arith.mulf %exp3A_1799, %slice3A_1787 : vector<4x1xf32>
      %mul3A_1813 = arith.mulf %exp3A_1801, %scan3A_1652 : vector<4x1xf32>
      %add3A_1814 = arith.addf %mul3A_1812, %mul3A_1813 : vector<4x1xf32>
      %add3A_1815 = arith.addf %add3A_1814, %exp3A_1803 : vector<4x1xf32>
      %div3A_1816 = vector.broadcast %add3A_1815 : vector<4x1xf32> to vector<4x512xf32>
      %div3A_1817 = arith.divf %add3A_1811, %div3A_1816 : vector<4x512xf32>
      %tanh3A = math.tanh %div3A_1817 : vector<4x512xf32>
      %mul3A_1818 = arith.mulf %scan3A_1649, %concatenate3A_1759 : vector<4x1xf32>
      %ge3A_1819 = arith.constant 0.000000e+00 : f32
      %ge3A_1820 = vector.broadcast %ge3A_1819 : f32 to vector<4x1xf32>
      %ge3A_1821 = arith.cmpf oge, %slice3A_1785, %ge3A_1820 : vector<4x1xf32>
      %broadcast_in_dim3A_1822 = vector.shape_cast %ge3A_1821 : vector<4x1xi1> to vector<4x1xi1>
      %broadcast_in_dim3A_1823 = vector.broadcast %broadcast_in_dim3A_1822 : vector<4x1xi1> to vector<4x512xi1>
      %select_n3A_1824 = arith.select %broadcast_in_dim3A_1823, %tanh3A, %concatenate3A_1736 : vector<4x512xi1>, vector<4x512xf32>
      %gt3A_1825 = arith.constant 0.000000e+00 : f32
      %gt3A_1826 = vector.broadcast %gt3A_1825 : f32 to vector<4x1xf32>
      %gt3A_1827 = arith.cmpf ogt, %mul3A_1818, %gt3A_1826 : vector<4x1xf32>
      %eq3A_1828 = vector.broadcast %scan3A_1648 : i32 to vector<4x1xi32>
      %eq3A_1829 = arith.cmpi eq, %broadcast_in_dim3A_89, %eq3A_1828 : vector<4x1xi32>
      %jit3A_1830 = arith.constant 0.000000e+00 : f32
      %broadcast_in_dim3A_1831 = vector.shape_cast %eq3A_1829 : vector<4x1xi1> to vector<4x1xi1>
      %broadcast_in_dim3A_1832 = vector.broadcast %broadcast_in_dim3A_1831 : vector<4x1xi1> to vector<4x512xi1>
      %broadcast_in_dim3A_1833 = vector.broadcast %jit3A_1830 : f32 to vector<4x512xf32>
      %select_n3A_1834 = arith.select %broadcast_in_dim3A_1832, %concatenate3A_1736, %broadcast_in_dim3A_1833 : vector<4x512xi1>, vector<4x512xf32>
      %broadcast_in_dim3A_1835 = vector.shape_cast %gt3A_1827 : vector<4x1xi1> to vector<4x1xi1>
      %broadcast_in_dim3A_1836 = vector.broadcast %broadcast_in_dim3A_1835 : vector<4x1xi1> to vector<4x512xi1>
      %select_n3A_1837 = arith.select %broadcast_in_dim3A_1836, %select_n3A_1824, %select_n3A_1834 : vector<4x512xi1>, vector<4x512xf32>
      %slice3A_1838 = vector.extract_strided_slice %select_n3A_1837 {offsets = [0, 0], sizes = [1, 512], strides = [1, 1]} : vector<4x512xf32> to vector<1x512xf32>
      %mul3A_1839 = arith.constant 4 : i32
      %mul3A_1840 = arith.muli %mul3A_1839, %scan3A_1648 : i32
      %add3A_1841 = arith.constant 0 : i32
      %add3A_1842 = arith.addi %mul3A_1840, %add3A_1841 : i32
      %swap3A_1843 = arith.index_cast %add3A_1842 : i32 to index
      %swap3A_1844 = arith.constant 0 : index
      %swap3A_1845 = vector.load %arg12[%swap3A_1843, %swap3A_1844] : memref<512x512xf32, #tpu.memory_space<vmem>>, vector<1x512xf32>
      tpu.vector_store %arg12[%swap3A_1843, %swap3A_1844], %slice3A_1838 {strides = array<i32>} : memref<512x512xf32, #tpu.memory_space<vmem>>, vector<1x512xf32>,
      %slice3A_1846 = vector.extract_strided_slice %select_n3A_1837 {offsets = [1, 0], sizes = [1, 512], strides = [1, 1]} : vector<4x512xf32> to vector<1x512xf32>
      %mul3A_1847 = arith.constant 4 : i32
      %mul3A_1848 = arith.muli %mul3A_1847, %scan3A_1648 : i32
      %add3A_1849 = arith.constant 1 : i32
      %add3A_1850 = arith.addi %mul3A_1848, %add3A_1849 : i32
      %swap3A_1851 = arith.index_cast %add3A_1850 : i32 to index
      %swap3A_1852 = arith.constant 0 : index
      %swap3A_1853 = vector.load %arg12[%swap3A_1851, %swap3A_1852] : memref<512x512xf32, #tpu.memory_space<vmem>>, vector<1x512xf32>
      tpu.vector_store %arg12[%swap3A_1851, %swap3A_1852], %slice3A_1846 {strides = array<i32>} : memref<512x512xf32, #tpu.memory_space<vmem>>, vector<1x512xf32>,
      %slice3A_1854 = vector.extract_strided_slice %select_n3A_1837 {offsets = [2, 0], sizes = [1, 512], strides = [1, 1]} : vector<4x512xf32> to vector<1x512xf32>
      %mul3A_1855 = arith.constant 4 : i32
      %mul3A_1856 = arith.muli %mul3A_1855, %scan3A_1648 : i32
      %add3A_1857 = arith.constant 2 : i32
      %add3A_1858 = arith.addi %mul3A_1856, %add3A_1857 : i32
      %swap3A_1859 = arith.index_cast %add3A_1858 : i32 to index
      %swap3A_1860 = arith.constant 0 : index
      %swap3A_1861 = vector.load %arg12[%swap3A_1859, %swap3A_1860] : memref<512x512xf32, #tpu.memory_space<vmem>>, vector<1x512xf32>
      tpu.vector_store %arg12[%swap3A_1859, %swap3A_1860], %slice3A_1854 {strides = array<i32>} : memref<512x512xf32, #tpu.memory_space<vmem>>, vector<1x512xf32>,
      %slice3A_1862 = vector.extract_strided_slice %select_n3A_1837 {offsets = [3, 0], sizes = [1, 512], strides = [1, 1]} : vector<4x512xf32> to vector<1x512xf32>
      %mul3A_1863 = arith.constant 4 : i32
      %mul3A_1864 = arith.muli %mul3A_1863, %scan3A_1648 : i32
      %add3A_1865 = arith.constant 3 : i32
      %add3A_1866 = arith.addi %mul3A_1864, %add3A_1865 : i32
      %swap3A_1867 = arith.index_cast %add3A_1866 : i32 to index
      %swap3A_1868 = arith.constant 0 : index
      %swap3A_1869 = vector.load %arg12[%swap3A_1867, %swap3A_1868] : memref<512x512xf32, #tpu.memory_space<vmem>>, vector<1x512xf32>
      tpu.vector_store %arg12[%swap3A_1867, %swap3A_1868], %slice3A_1862 {strides = array<i32>} : memref<512x512xf32, #tpu.memory_space<vmem>>, vector<1x512xf32>,
      %slice3A_1870 = vector.extract_strided_slice %concatenate3A_1784 {offsets = [0, 0], sizes = [4, 1], strides = [1, 1]} : vector<4x3xf32> to vector<4x1xf32>
      %eq3A_1871 = vector.broadcast %select_n3A_810 : vector<1x64xi32> to vector<4x64xi32>
      %eq3A_1872 = vector.broadcast %iota3A_151 : vector<4x1xi32> to vector<4x64xi32>
      %eq3A_1873 = arith.cmpi eq, %eq3A_1871, %eq3A_1872 : vector<4x64xi32>
      %ge3A_1874 = vector.broadcast %convert_element_type3A_788 : vector<1x64xf32> to vector<4x64xf32>
      %ge3A_1875 = vector.broadcast %slice3A_1870 : vector<4x1xf32> to vector<4x64xf32>
      %ge3A_1876 = arith.cmpf oge, %ge3A_1874, %ge3A_1875 : vector<4x64xf32>
      %and3A_1877 = arith.andi %eq3A_1873, %ge3A_1876 : vector<4x64xi1>
      %lt3A_1878 = vector.broadcast %scan3A_1648 : i32 to vector<1x64xi32>
      %lt3A_1879 = arith.cmpi slt, %add3A_787, %lt3A_1878 : vector<1x64xi32>
      %and3A_1880 = vector.broadcast %lt3A_1879 : vector<1x64xi1> to vector<4x64xi1>
      %and3A_1881 = arith.andi %and3A_1877, %and3A_1880 : vector<4x64xi1>
      %jit3A_1882 = arith.constant 0xFF800000 : f32
      %broadcast_in_dim3A_1883 = vector.broadcast %jit3A_1882 : f32 to vector<4x64xf32>
      %select_n3A_1884 = arith.select %and3A_1881, %dot_general3A_1692, %broadcast_in_dim3A_1883 : vector<4x64xi1>, vector<4x64xf32>
      %reduce_max3A_1885 = arith.constant dense<0xFF800000> : vector<4xf32>
      %reduce_max3A_1886 = vector.multi_reduction <maximumf>, %select_n3A_1884, %reduce_max3A_1885 [1] : vector<4x64xf32> to vector<4xf32>
      %broadcast_in_dim3A_1887 = vector.shape_cast %reduce_max3A_1886 : vector<4xf32> to vector<4x1xf32>
      %sub3A_1888 = vector.broadcast %broadcast_in_dim3A_1887 : vector<4x1xf32> to vector<4x64xf32>
      %sub3A_1889 = arith.subf %dot_general3A_1692, %sub3A_1888 : vector<4x64xf32>
      %exp3A_1890 = math.exp %sub3A_1889 : vector<4x64xf32>
      %jit3A_1891 = arith.constant 0.000000e+00 : f32
      %broadcast_in_dim3A_1892 = vector.broadcast %jit3A_1891 : f32 to vector<4x64xf32>
      %select_n3A_1893 = arith.select %and3A_1881, %exp3A_1890, %broadcast_in_dim3A_1892 : vector<4x64xi1>, vector<4x64xf32>
      %reduce_sum3A_1894 = arith.constant dense<0.000000e+00> : vector<4xf32>
      %reduce_sum3A_1895 = vector.multi_reduction <add>, %select_n3A_1893, %reduce_sum3A_1894 [1] : vector<4x64xf32> to vector<4xf32>
      %broadcast_in_dim3A_1896 = vector.shape_cast %reduce_sum3A_1895 : vector<4xf32> to vector<4x1xf32>
      scf.yield %mul3A_1818, %select_n3A_1837, %broadcast_in_dim3A_1887, %broadcast_in_dim3A_1896, %select_n3A_1893, %concatenate3A_1784, %concatenate3A_1690 : vector<4x1xf32>, vector<4x512xf32>, vector<4x1xf32>, vector<4x1xf32>, vector<4x64xf32>, vector<4x3xf32>, vector<4x512xf32>
    }
    %scan3A_848 = arith.constant 16 : i32
    %get3A_849 = arith.constant 256 : index
    %get3A_850 = arith.constant 0 : index
    %get3A_851 = vector.load %arg1[%get3A_849, %get3A_850] : memref<512x1xf32, #tpu.memory_space<vmem>>, vector<64x1xf32>
    %get3A_852 = arith.constant 0 : index
    %get3A_853 = arith.constant 0 : index
    %get3A_854 = vector.load %arg12[%get3A_852, %get3A_853] : memref<512x512xf32, #tpu.memory_space<vmem>>, vector<256x512xf32>
    %get3A_855 = arith.constant 256 : index
    %get3A_856 = arith.constant 0 : index
    %get3A_857 = vector.load %arg14[%get3A_855, %get3A_856] : memref<512x512xf32, #tpu.memory_space<vmem>>, vector<64x512xf32>
    %dot_general3A_858 = arith.constant dense<0.000000e+00> : vector<64x256xf32>
    %dot_general3A_859 = tpu.matmul %get3A_857, %get3A_854, %dot_general3A_858 {dimension_numbers = #tpu.dot_dimension_numbers<[1], [1], [0], [0], [0, 0, 1, 0], [], []>, transpose_lhs_hint = false} : vector<64x512xf32>, vector<256x512xf32>, vector<64x256xf32> -> vector<64x256xf32>
    %iota3A_860 = tpu.iota {dimensions = array<i32: 1>} : vector<1x256xi32>
    %jit3A_861 = arith.constant 4 : i32
    %eq3A_862 = arith.constant 0 : i32
    %eq3A_863 = arith.cmpi eq, %jit3A_861, %eq3A_862 : i32
    %jit3A_864 = arith.constant 1 : i32
    %select_n3A_865 = arith.select %eq3A_863, %jit3A_864, %jit3A_861 : i32
    %rem3A_866 = vector.broadcast %select_n3A_865 : i32 to vector<1x256xi32>
    %rem3A_867 = arith.remsi %iota3A_860, %rem3A_866 : vector<1x256xi32>
    %ne3A_868 = arith.constant 0 : i32
    %ne3A_869 = vector.broadcast %ne3A_868 : i32 to vector<1x256xi32>
    %ne3A_870 = arith.cmpi ne, %rem3A_867, %ne3A_869 : vector<1x256xi32>
    %lt3A_871 = arith.constant 0 : i32
    %lt3A_872 = vector.broadcast %lt3A_871 : i32 to vector<1x256xi32>
    %lt3A_873 = arith.cmpi slt, %rem3A_867, %lt3A_872 : vector<1x256xi32>
    %lt3A_874 = arith.constant 0 : i32
    %lt3A_875 = arith.cmpi slt, %select_n3A_865, %lt3A_874 : i32
    %ne3A_876 = vector.broadcast %lt3A_875 : i1 to vector<1x256xi1>
    %ne3A_877 = vector.broadcast %ne3A_876 : vector<1x256xi1> to vector<1x256xi1>
    %ne3A_878 = arith.xori %lt3A_873, %ne3A_877 : vector<1x256xi1>
    %and3A_879 = arith.andi %ne3A_878, %ne3A_870 : vector<1x256xi1>
    %add3A_880 = vector.broadcast %select_n3A_865 : i32 to vector<1x256xi32>
    %add3A_881 = arith.addi %rem3A_867, %add3A_880 : vector<1x256xi32>
    %select_n3A_882 = arith.select %and3A_879, %add3A_881, %rem3A_867 : vector<1x256xi1>, vector<1x256xi32>
    %slice3A_883 = vector.extract_strided_slice %select_n3A_74 {offsets = [256, 0], sizes = [64, 1], strides = [1, 1]} : vector<512x1xi32> to vector<64x1xi32>
    %eq3A_884 = vector.broadcast %select_n3A_882 : vector<1x256xi32> to vector<64x256xi32>
    %eq3A_885 = vector.broadcast %slice3A_883 : vector<64x1xi32> to vector<64x256xi32>
    %eq3A_886 = arith.cmpi eq, %eq3A_884, %eq3A_885 : vector<64x256xi32>
    %jit3A_887 = arith.constant 4 : i32
    %div3A_888 = vector.broadcast %jit3A_887 : i32 to vector<1x256xi32>
    %div3A_889 = arith.divsi %iota3A_860, %div3A_888 : vector<1x256xi32>
    %sign3A_890 = arith.constant 0 : i32
    %sign3A_891 = vector.broadcast %sign3A_890 : i32 to vector<1x256xi32>
    %sign3A_892 = arith.cmpi sgt, %iota3A_860, %sign3A_891 : vector<1x256xi32>
    %sign3A_893 = arith.extui %sign3A_892 : vector<1x256xi1> to vector<1x256xi32>
    %sign3A_894 = arith.constant 0 : i32
    %sign3A_895 = vector.broadcast %sign3A_894 : i32 to vector<1x256xi32>
    %sign3A_896 = arith.cmpi slt, %iota3A_860, %sign3A_895 : vector<1x256xi32>
    %sign3A_897 = arith.extui %sign3A_896 : vector<1x256xi1> to vector<1x256xi32>
    %sign3A_898 = arith.subi %sign3A_893, %sign3A_897 : vector<1x256xi32>
    %sign3A_899 = arith.constant 0 : i32
    %sign3A_900 = arith.cmpi sgt, %jit3A_887, %sign3A_899 : i32
    %sign3A_901 = arith.extui %sign3A_900 : i1 to i32
    %sign3A_902 = arith.constant 0 : i32
    %sign3A_903 = arith.cmpi slt, %jit3A_887, %sign3A_902 : i32
    %sign3A_904 = arith.extui %sign3A_903 : i1 to i32
    %sign3A_905 = arith.subi %sign3A_901, %sign3A_904 : i32
    %ne3A_906 = vector.broadcast %sign3A_905 : i32 to vector<1x256xi32>
    %ne3A_907 = arith.cmpi ne, %sign3A_898, %ne3A_906 : vector<1x256xi32>
    %rem3A_908 = vector.broadcast %jit3A_887 : i32 to vector<1x256xi32>
    %rem3A_909 = arith.remsi %iota3A_860, %rem3A_908 : vector<1x256xi32>
    %ne3A_910 = arith.constant 0 : i32
    %ne3A_911 = vector.broadcast %ne3A_910 : i32 to vector<1x256xi32>
    %ne3A_912 = arith.cmpi ne, %rem3A_909, %ne3A_911 : vector<1x256xi32>
    %and3A_913 = arith.andi %ne3A_907, %ne3A_912 : vector<1x256xi1>
    %sub3A_914 = arith.constant 1 : i32
    %sub3A_915 = vector.broadcast %sub3A_914 : i32 to vector<1x256xi32>
    %sub3A_916 = arith.subi %div3A_889, %sub3A_915 : vector<1x256xi32>
    %select_n3A_917 = arith.select %and3A_913, %sub3A_916, %div3A_889 : vector<1x256xi1>, vector<1x256xi32>
    %convert_element_type3A_918 = arith.sitofp %select_n3A_917 : vector<1x256xi32> to vector<1x256xf32>
    %ge3A_919 = vector.broadcast %convert_element_type3A_918 : vector<1x256xf32> to vector<64x256xf32>
    %ge3A_920 = vector.broadcast %get3A_851 : vector<64x1xf32> to vector<64x256xf32>
    %ge3A_921 = arith.cmpf oge, %ge3A_919, %ge3A_920 : vector<64x256xf32>
    %and3A_922 = arith.andi %eq3A_886, %ge3A_921 : vector<64x256xi1>
    %jit3A_923 = arith.constant 0xFF800000 : f32
    %broadcast_in_dim3A_924 = vector.broadcast %jit3A_923 : f32 to vector<64x256xf32>
    %select_n3A_925 = arith.select %and3A_922, %dot_general3A_859, %broadcast_in_dim3A_924 : vector<64x256xi1>, vector<64x256xf32>
    %reduce_max3A_926 = arith.constant dense<0xFF800000> : vector<64xf32>
    %reduce_max3A_927 = vector.multi_reduction <maximumf>, %select_n3A_925, %reduce_max3A_926 [1] : vector<64x256xf32> to vector<64xf32>
    %broadcast_in_dim3A_928 = vector.shape_cast %reduce_max3A_927 : vector<64xf32> to vector<64x1xf32>
    %sub3A_929 = vector.broadcast %broadcast_in_dim3A_928 : vector<64x1xf32> to vector<64x256xf32>
    %sub3A_930 = arith.subf %dot_general3A_859, %sub3A_929 : vector<64x256xf32>
    %exp3A_931 = math.exp %sub3A_930 : vector<64x256xf32>
    %jit3A_932 = arith.constant 0.000000e+00 : f32
    %broadcast_in_dim3A_933 = vector.broadcast %jit3A_932 : f32 to vector<64x256xf32>
    %select_n3A_934 = arith.select %and3A_922, %exp3A_931, %broadcast_in_dim3A_933 : vector<64x256xi1>, vector<64x256xf32>
    %reduce_sum3A_935 = arith.constant dense<0.000000e+00> : vector<64xf32>
    %reduce_sum3A_936 = vector.multi_reduction <add>, %select_n3A_934, %reduce_sum3A_935 [1] : vector<64x256xf32> to vector<64xf32>
    %broadcast_in_dim3A_937 = vector.shape_cast %reduce_sum3A_936 : vector<64xf32> to vector<64x1xf32>
    %concatenate3A_938 = tpu.concatenate %get3A_851, %broadcast_in_dim3A_928, %broadcast_in_dim3A_937 in 1 : vector<64x1xf32>, vector<64x1xf32>, vector<64x1xf32> -> vector<64x3xf32>
    %swap3A_939 = arith.constant 0 : index
    %swap3A_940 = arith.constant 0 : index
    %swap3A_941 = vector.load %arg16[%swap3A_939, %swap3A_940] : memref<64x3xf32, #tpu.memory_space<vmem>>, vector<64x3xf32>
    tpu.vector_store %arg16[%swap3A_939, %swap3A_940], %concatenate3A_938 {strides = array<i32>} : memref<64x3xf32, #tpu.memory_space<vmem>>, vector<64x3xf32>,
    %dot_general3A_942 = arith.constant dense<0.000000e+00> : vector<64x512xf32>
    %dot_general3A_943 = tpu.matmul %select_n3A_934, %get3A_854, %dot_general3A_942 {dimension_numbers = #tpu.dot_dimension_numbers<[1], [0], [0], [1], [0, 0, 1, 1], [], []>, transpose_lhs_hint = false} : vector<64x256xf32>, vector<256x512xf32>, vector<64x512xf32> -> vector<64x512xf32>
    %swap3A_944 = arith.constant 0 : index
    %swap3A_945 = arith.constant 0 : index
    %swap3A_946 = vector.load %arg15[%swap3A_944, %swap3A_945] : memref<64x512xf32, #tpu.memory_space<vmem>>, vector<64x512xf32>
    tpu.vector_store %arg15[%swap3A_944, %swap3A_945], %dot_general3A_943 {strides = array<i32>} : memref<64x512xf32, #tpu.memory_space<vmem>>, vector<64x512xf32>,
    %jit3A_947 = arith.constant 4 : i32
    %div3A_948 = vector.broadcast %jit3A_947 : i32 to vector<1x64xi32>
    %div3A_949 = arith.divsi %iota3A_150, %div3A_948 : vector<1x64xi32>
    %sign3A_950 = arith.constant 0 : i32
    %sign3A_951 = vector.broadcast %sign3A_950 : i32 to vector<1x64xi32>
    %sign3A_952 = arith.cmpi sgt, %iota3A_150, %sign3A_951 : vector<1x64xi32>
    %sign3A_953 = arith.extui %sign3A_952 : vector<1x64xi1> to vector<1x64xi32>
    %sign3A_954 = arith.constant 0 : i32
    %sign3A_955 = vector.broadcast %sign3A_954 : i32 to vector<1x64xi32>
    %sign3A_956 = arith.cmpi slt, %iota3A_150, %sign3A_955 : vector<1x64xi32>
    %sign3A_957 = arith.extui %sign3A_956 : vector<1x64xi1> to vector<1x64xi32>
    %sign3A_958 = arith.subi %sign3A_953, %sign3A_957 : vector<1x64xi32>
    %sign3A_959 = arith.constant 0 : i32
    %sign3A_960 = arith.cmpi sgt, %jit3A_947, %sign3A_959 : i32
    %sign3A_961 = arith.extui %sign3A_960 : i1 to i32
    %sign3A_962 = arith.constant 0 : i32
    %sign3A_963 = arith.cmpi slt, %jit3A_947, %sign3A_962 : i32
    %sign3A_964 = arith.extui %sign3A_963 : i1 to i32
    %sign3A_965 = arith.subi %sign3A_961, %sign3A_964 : i32
    %ne3A_966 = vector.broadcast %sign3A_965 : i32 to vector<1x64xi32>
    %ne3A_967 = arith.cmpi ne, %sign3A_958, %ne3A_966 : vector<1x64xi32>
    %rem3A_968 = vector.broadcast %jit3A_947 : i32 to vector<1x64xi32>
    %rem3A_969 = arith.remsi %iota3A_150, %rem3A_968 : vector<1x64xi32>
    %ne3A_970 = arith.constant 0 : i32
    %ne3A_971 = vector.broadcast %ne3A_970 : i32 to vector<1x64xi32>
    %ne3A_972 = arith.cmpi ne, %rem3A_969, %ne3A_971 : vector<1x64xi32>
    %and3A_973 = arith.andi %ne3A_967, %ne3A_972 : vector<1x64xi1>
    %sub3A_974 = arith.constant 1 : i32
    %sub3A_975 = vector.broadcast %sub3A_974 : i32 to vector<1x64xi32>
    %sub3A_976 = arith.subi %div3A_949, %sub3A_975 : vector<1x64xi32>
    %select_n3A_977 = arith.select %and3A_973, %sub3A_976, %div3A_949 : vector<1x64xi1>, vector<1x64xi32>
    %add3A_978 = arith.constant 64 : i32
    %add3A_979 = vector.broadcast %add3A_978 : i32 to vector<1x64xi32>
    %add3A_980 = arith.addi %select_n3A_977, %add3A_979 : vector<1x64xi32>
    %convert_element_type3A_981 = arith.sitofp %add3A_980 : vector<1x64xi32> to vector<1x64xf32>
    %jit3A_982 = arith.constant 4 : i32
    %eq3A_983 = arith.constant 0 : i32
    %eq3A_984 = arith.cmpi eq, %jit3A_982, %eq3A_983 : i32
    %jit3A_985 = arith.constant 1 : i32
    %select_n3A_986 = arith.select %eq3A_984, %jit3A_985, %jit3A_982 : i32
    %rem3A_987 = vector.broadcast %select_n3A_986 : i32 to vector<1x64xi32>
    %rem3A_988 = arith.remsi %iota3A_150, %rem3A_987 : vector<1x64xi32>
    %ne3A_989 = arith.constant 0 : i32
    %ne3A_990 = vector.broadcast %ne3A_989 : i32 to vector<1x64xi32>
    %ne3A_991 = arith.cmpi ne, %rem3A_988, %ne3A_990 : vector<1x64xi32>
    %lt3A_992 = arith.constant 0 : i32
    %lt3A_993 = vector.broadcast %lt3A_992 : i32 to vector<1x64xi32>
    %lt3A_994 = arith.cmpi slt, %rem3A_988, %lt3A_993 : vector<1x64xi32>
    %lt3A_995 = arith.constant 0 : i32
    %lt3A_996 = arith.cmpi slt, %select_n3A_986, %lt3A_995 : i32
    %ne3A_997 = vector.broadcast %lt3A_996 : i1 to vector<1x64xi1>
    %ne3A_998 = vector.broadcast %ne3A_997 : vector<1x64xi1> to vector<1x64xi1>
    %ne3A_999 = arith.xori %lt3A_994, %ne3A_998 : vector<1x64xi1>
    %and3A_1000 = arith.andi %ne3A_999, %ne3A_991 : vector<1x64xi1>
    %add3A_1001 = vector.broadcast %select_n3A_986 : i32 to vector<1x64xi32>
    %add3A_1002 = arith.addi %rem3A_988, %add3A_1001 : vector<1x64xi32>
    %select_n3A_1003 = arith.select %and3A_1000, %add3A_1002, %rem3A_988 : vector<1x64xi1>, vector<1x64xi32>
    %broadcast_in_dim3A_1004 = arith.constant 0xFF800000 : f32
    %broadcast_in_dim3A_1005 = vector.broadcast %broadcast_in_dim3A_1004 : f32 to vector<4x1xf32>
    %broadcast_in_dim3A_1006 = arith.constant 0.000000e+00 : f32
    %broadcast_in_dim3A_1007 = vector.broadcast %broadcast_in_dim3A_1006 : f32 to vector<4x1xf32>
    %broadcast_in_dim3A_1008 = arith.constant 0.000000e+00 : f32
    %broadcast_in_dim3A_1009 = vector.broadcast %broadcast_in_dim3A_1008 : f32 to vector<4x64xf32>
    %get3A_1010 = arith.constant 0 : index
    %get3A_1011 = arith.constant 0 : index
    %get3A_1012 = vector.load %arg16[%get3A_1010, %get3A_1011] : memref<64x3xf32, #tpu.memory_space<vmem>>, vector<1x3xf32>
    %get3A_1013 = arith.constant 1 : index
    %get3A_1014 = arith.constant 0 : index
    %get3A_1015 = vector.load %arg16[%get3A_1013, %get3A_1014] : memref<64x3xf32, #tpu.memory_space<vmem>>, vector<1x3xf32>
    %get3A_1016 = arith.constant 2 : index
    %get3A_1017 = arith.constant 0 : index
    %get3A_1018 = vector.load %arg16[%get3A_1016, %get3A_1017] : memref<64x3xf32, #tpu.memory_space<vmem>>, vector<1x3xf32>
    %get3A_1019 = arith.constant 3 : index
    %get3A_1020 = arith.constant 0 : index
    %get3A_1021 = vector.load %arg16[%get3A_1019, %get3A_1020] : memref<64x3xf32, #tpu.memory_space<vmem>>, vector<1x3xf32>
    %concatenate3A_1022 = tpu.concatenate %get3A_1012, %get3A_1015, %get3A_1018, %get3A_1021 in 0 : vector<1x3xf32>, vector<1x3xf32>, vector<1x3xf32>, vector<1x3xf32> -> vector<4x3xf32>
    %get3A_1023 = arith.constant 256 : index
    %get3A_1024 = arith.constant 0 : index
    %get3A_1025 = vector.load %arg14[%get3A_1023, %get3A_1024] : memref<512x512xf32, #tpu.memory_space<vmem>>, vector<1x512xf32>
    %get3A_1026 = arith.constant 257 : index
    %get3A_1027 = arith.constant 0 : index
    %get3A_1028 = vector.load %arg14[%get3A_1026, %get3A_1027] : memref<512x512xf32, #tpu.memory_space<vmem>>, vector<1x512xf32>
    %get3A_1029 = arith.constant 258 : index
    %get3A_1030 = arith.constant 0 : index
    %get3A_1031 = vector.load %arg14[%get3A_1029, %get3A_1030] : memref<512x512xf32, #tpu.memory_space<vmem>>, vector<1x512xf32>
    %get3A_1032 = arith.constant 259 : index
    %get3A_1033 = arith.constant 0 : index
    %get3A_1034 = vector.load %arg14[%get3A_1032, %get3A_1033] : memref<512x512xf32, #tpu.memory_space<vmem>>, vector<1x512xf32>
    %concatenate3A_1035 = tpu.concatenate %get3A_1025, %get3A_1028, %get3A_1031, %get3A_1034 in 0 : vector<1x512xf32>, vector<1x512xf32>, vector<1x512xf32>, vector<1x512xf32> -> vector<4x512xf32>
    %scan3A_1036 = arith.constant 64 : i32
    %scan3A_1037 = arith.constant 16 : i32
    %scan3A_1038 = arith.addi %scan3A_1036, %scan3A_1037 : i32
    %scan3A_1039 = arith.constant 1 : i32
    %scan3A_1040:7 = scf.for %scan3A_1648 = %scan3A_1036 to %scan3A_1038 step %scan3A_1039 iter_args(%scan3A_1649 = %scan3A_847#0, %scan3A_1650 = %scan3A_847#1, %scan3A_1651 = %broadcast_in_dim3A_1005, %scan3A_1652 = %broadcast_in_dim3A_1007, %scan3A_1653 = %broadcast_in_dim3A_1009, %scan3A_1654 = %concatenate3A_1022, %scan3A_1655 = %concatenate3A_1035) -> (vector<4x1xf32>, vector<4x512xf32>, vector<4x1xf32>, vector<4x1xf32>, vector<4x64xf32>, vector<4x3xf32>, vector<4x512xf32>)  : i32 {
      %sub3A_1656 = arith.constant 64 : i32
      %sub3A_1657 = arith.subi %scan3A_1648, %sub3A_1656 : i32
      %mul3A_1658 = arith.constant 4 : i32
      %mul3A_1659 = arith.muli %sub3A_1657, %mul3A_1658 : i32
      %get3A_1660 = arith.constant 256 : index
      %get3A_1661 = arith.constant 0 : index
      %get3A_1662 = vector.load %arg12[%get3A_1660, %get3A_1661] : memref<512x512xf32, #tpu.memory_space<vmem>>, vector<64x512xf32>
      %dot_general3A_1663 = arith.constant dense<0.000000e+00> : vector<4x512xf32>
      %dot_general3A_1664 = tpu.matmul %scan3A_1653, %get3A_1662, %dot_general3A_1663 {dimension_numbers = #tpu.dot_dimension_numbers<[1], [0], [0], [1], [0, 0, 1, 1], [], []>, transpose_lhs_hint = false} : vector<4x64xf32>, vector<64x512xf32>, vector<4x512xf32> -> vector<4x512xf32>
      %add3A_1665 = arith.constant 1 : i32
      %add3A_1666 = arith.addi %scan3A_1648, %add3A_1665 : i32
      %min3A = arith.constant 127 : i32
      %min3A_1667 = arith.minsi %add3A_1666, %min3A : i32
      %mul3A_1668 = arith.constant 4 : i32
      %mul3A_1669 = arith.muli %mul3A_1668, %min3A_1667 : i32
      %add3A_1670 = arith.constant 0 : i32
      %add3A_1671 = arith.addi %mul3A_1669, %add3A_1670 : i32
      %get3A_1672 = arith.index_cast %add3A_1671 : i32 to index
      %get3A_1673 = arith.constant 0 : index
      %get3A_1674 = vector.load %arg14[%get3A_1672, %get3A_1673] : memref<512x512xf32, #tpu.memory_space<vmem>>, vector<1x512xf32>
      %add3A_1675 = arith.constant 1 : i32
      %add3A_1676 = arith.addi %mul3A_1669, %add3A_1675 : i32
      %get3A_1677 = arith.index_cast %add3A_1676 : i32 to index
      %get3A_1678 = arith.constant 0 : index
      %get3A_1679 = vector.load %arg14[%get3A_1677, %get3A_1678] : memref<512x512xf32, #tpu.memory_space<vmem>>, vector<1x512xf32>
      %add3A_1680 = arith.constant 2 : i32
      %add3A_1681 = arith.addi %mul3A_1669, %add3A_1680 : i32
      %get3A_1682 = arith.index_cast %add3A_1681 : i32 to index
      %get3A_1683 = arith.constant 0 : index
      %get3A_1684 = vector.load %arg14[%get3A_1682, %get3A_1683] : memref<512x512xf32, #tpu.memory_space<vmem>>, vector<1x512xf32>
      %add3A_1685 = arith.constant 3 : i32
      %add3A_1686 = arith.addi %mul3A_1669, %add3A_1685 : i32
      %get3A_1687 = arith.index_cast %add3A_1686 : i32 to index
      %get3A_1688 = arith.constant 0 : index
      %get3A_1689 = vector.load %arg14[%get3A_1687, %get3A_1688] : memref<512x512xf32, #tpu.memory_space<vmem>>, vector<1x512xf32>
      %concatenate3A_1690 = tpu.concatenate %get3A_1674, %get3A_1679, %get3A_1684, %get3A_1689 in 0 : vector<1x512xf32>, vector<1x512xf32>, vector<1x512xf32>, vector<1x512xf32> -> vector<4x512xf32>
      %dot_general3A_1691 = arith.constant dense<0.000000e+00> : vector<4x64xf32>
      %dot_general3A_1692 = tpu.matmul %concatenate3A_1690, %get3A_1662, %dot_general3A_1691 {dimension_numbers = #tpu.dot_dimension_numbers<[1], [1], [0], [0], [0, 0, 1, 0], [], []>, transpose_lhs_hint = false} : vector<4x512xf32>, vector<64x512xf32>, vector<4x64xf32> -> vector<4x64xf32>
      %add3A_1693 = arith.constant 0 : i32
      %add3A_1694 = arith.addi %mul3A_1659, %add3A_1693 : i32
      %get3A_1695 = arith.index_cast %add3A_1694 : i32 to index
      %get3A_1696 = arith.constant 0 : index
      %get3A_1697 = vector.load %arg15[%get3A_1695, %get3A_1696] : memref<64x512xf32, #tpu.memory_space<vmem>>, vector<1x512xf32>
      %add3A_1698 = arith.constant 1 : i32
      %add3A_1699 = arith.addi %mul3A_1659, %add3A_1698 : i32
      %get3A_1700 = arith.index_cast %add3A_1699 : i32 to index
      %get3A_1701 = arith.constant 0 : index
      %get3A_1702 = vector.load %arg15[%get3A_1700, %get3A_1701] : memref<64x512xf32, #tpu.memory_space<vmem>>, vector<1x512xf32>
      %add3A_1703 = arith.constant 2 : i32
      %add3A_1704 = arith.addi %mul3A_1659, %add3A_1703 : i32
      %get3A_1705 = arith.index_cast %add3A_1704 : i32 to index
      %get3A_1706 = arith.constant 0 : index
      %get3A_1707 = vector.load %arg15[%get3A_1705, %get3A_1706] : memref<64x512xf32, #tpu.memory_space<vmem>>, vector<1x512xf32>
      %add3A_1708 = arith.constant 3 : i32
      %add3A_1709 = arith.addi %mul3A_1659, %add3A_1708 : i32
      %get3A_1710 = arith.index_cast %add3A_1709 : i32 to index
      %get3A_1711 = arith.constant 0 : index
      %get3A_1712 = vector.load %arg15[%get3A_1710, %get3A_1711] : memref<64x512xf32, #tpu.memory_space<vmem>>, vector<1x512xf32>
      %concatenate3A_1713 = tpu.concatenate %get3A_1697, %get3A_1702, %get3A_1707, %get3A_1712 in 0 : vector<1x512xf32>, vector<1x512xf32>, vector<1x512xf32>, vector<1x512xf32> -> vector<4x512xf32>
      %mul3A_1714 = arith.constant 4 : i32
      %mul3A_1715 = arith.muli %mul3A_1714, %scan3A_1648 : i32
      %add3A_1716 = arith.constant 0 : i32
      %add3A_1717 = arith.addi %mul3A_1715, %add3A_1716 : i32
      %get3A_1718 = arith.index_cast %add3A_1717 : i32 to index
      %get3A_1719 = arith.constant 0 : index
      %get3A_1720 = vector.load %arg13[%get3A_1718, %get3A_1719] : memref<512x512xf32, #tpu.memory_space<vmem>>, vector<1x512xf32>
      %add3A_1721 = arith.constant 1 : i32
      %add3A_1722 = arith.addi %mul3A_1715, %add3A_1721 : i32
      %get3A_1723 = arith.index_cast %add3A_1722 : i32 to index
      %get3A_1724 = arith.constant 0 : index
      %get3A_1725 = vector.load %arg13[%get3A_1723, %get3A_1724] : memref<512x512xf32, #tpu.memory_space<vmem>>, vector<1x512xf32>
      %add3A_1726 = arith.constant 2 : i32
      %add3A_1727 = arith.addi %mul3A_1715, %add3A_1726 : i32
      %get3A_1728 = arith.index_cast %add3A_1727 : i32 to index
      %get3A_1729 = arith.constant 0 : index
      %get3A_1730 = vector.load %arg13[%get3A_1728, %get3A_1729] : memref<512x512xf32, #tpu.memory_space<vmem>>, vector<1x512xf32>
      %add3A_1731 = arith.constant 3 : i32
      %add3A_1732 = arith.addi %mul3A_1715, %add3A_1731 : i32
      %get3A_1733 = arith.index_cast %add3A_1732 : i32 to index
      %get3A_1734 = arith.constant 0 : index
      %get3A_1735 = vector.load %arg13[%get3A_1733, %get3A_1734] : memref<512x512xf32, #tpu.memory_space<vmem>>, vector<1x512xf32>
      %concatenate3A_1736 = tpu.concatenate %get3A_1720, %get3A_1725, %get3A_1730, %get3A_1735 in 0 : vector<1x512xf32>, vector<1x512xf32>, vector<1x512xf32>, vector<1x512xf32> -> vector<4x512xf32>
      %mul3A_1737 = arith.constant 4 : i32
      %mul3A_1738 = arith.muli %mul3A_1737, %scan3A_1648 : i32
      %add3A_1739 = arith.constant 0 : i32
      %add3A_1740 = arith.addi %mul3A_1738, %add3A_1739 : i32
      %get3A_1741 = arith.index_cast %add3A_1740 : i32 to index
      %get3A_1742 = arith.constant 0 : index
      %get3A_1743 = vector.load %arg3[%get3A_1741, %get3A_1742] : memref<512x1xf32, #tpu.memory_space<vmem>>, vector<1x1xf32>
      %add3A_1744 = arith.constant 1 : i32
      %add3A_1745 = arith.addi %mul3A_1738, %add3A_1744 : i32
      %get3A_1746 = arith.index_cast %add3A_1745 : i32 to index
      %get3A_1747 = arith.constant 0 : index
      %get3A_1748 = vector.load %arg3[%get3A_1746, %get3A_1747] : memref<512x1xf32, #tpu.memory_space<vmem>>, vector<1x1xf32>
      %add3A_1749 = arith.constant 2 : i32
      %add3A_1750 = arith.addi %mul3A_1738, %add3A_1749 : i32
      %get3A_1751 = arith.index_cast %add3A_1750 : i32 to index
      %get3A_1752 = arith.constant 0 : index
      %get3A_1753 = vector.load %arg3[%get3A_1751, %get3A_1752] : memref<512x1xf32, #tpu.memory_space<vmem>>, vector<1x1xf32>
      %add3A_1754 = arith.constant 3 : i32
      %add3A_1755 = arith.addi %mul3A_1738, %add3A_1754 : i32
      %get3A_1756 = arith.index_cast %add3A_1755 : i32 to index
      %get3A_1757 = arith.constant 0 : index
      %get3A_1758 = vector.load %arg3[%get3A_1756, %get3A_1757] : memref<512x1xf32, #tpu.memory_space<vmem>>, vector<1x1xf32>
      %concatenate3A_1759 = tpu.concatenate %get3A_1743, %get3A_1748, %get3A_1753, %get3A_1758 in 0 : vector<1x1xf32>, vector<1x1xf32>, vector<1x1xf32>, vector<1x1xf32> -> vector<4x1xf32>
      %add3A_1760 = arith.constant 4 : i32
      %add3A_1761 = arith.addi %mul3A_1659, %add3A_1760 : i32
      %min3A_1762 = arith.constant 60 : i32
      %min3A_1763 = arith.minsi %add3A_1761, %min3A_1762 : i32
      %add3A_1764 = arith.constant 0 : i32
      %add3A_1765 = arith.addi %min3A_1763, %add3A_1764 : i32
      %get3A_1766 = arith.index_cast %add3A_1765 : i32 to index
      %get3A_1767 = arith.constant 0 : index
      %get3A_1768 = vector.load %arg16[%get3A_1766, %get3A_1767] : memref<64x3xf32, #tpu.memory_space<vmem>>, vector<1x3xf32>
      %add3A_1769 = arith.constant 1 : i32
      %add3A_1770 = arith.addi %min3A_1763, %add3A_1769 : i32
      %get3A_1771 = arith.index_cast %add3A_1770 : i32 to index
      %get3A_1772 = arith.constant 0 : index
      %get3A_1773 = vector.load %arg16[%get3A_1771, %get3A_1772] : memref<64x3xf32, #tpu.memory_space<vmem>>, vector<1x3xf32>
      %add3A_1774 = arith.constant 2 : i32
      %add3A_1775 = arith.addi %min3A_1763, %add3A_1774 : i32
      %get3A_1776 = arith.index_cast %add3A_1775 : i32 to index
      %get3A_1777 = arith.constant 0 : index
      %get3A_1778 = vector.load %arg16[%get3A_1776, %get3A_1777] : memref<64x3xf32, #tpu.memory_space<vmem>>, vector<1x3xf32>
      %add3A_1779 = arith.constant 3 : i32
      %add3A_1780 = arith.addi %min3A_1763, %add3A_1779 : i32
      %get3A_1781 = arith.index_cast %add3A_1780 : i32 to index
      %get3A_1782 = arith.constant 0 : index
      %get3A_1783 = vector.load %arg16[%get3A_1781, %get3A_1782] : memref<64x3xf32, #tpu.memory_space<vmem>>, vector<1x3xf32>
      %concatenate3A_1784 = tpu.concatenate %get3A_1768, %get3A_1773, %get3A_1778, %get3A_1783 in 0 : vector<1x3xf32>, vector<1x3xf32>, vector<1x3xf32>, vector<1x3xf32> -> vector<4x3xf32>
      %slice3A_1785 = vector.extract_strided_slice %scan3A_1654 {offsets = [0, 0], sizes = [4, 1], strides = [1, 1]} : vector<4x3xf32> to vector<4x1xf32>
      %slice3A_1786 = vector.extract_strided_slice %scan3A_1654 {offsets = [0, 1], sizes = [4, 1], strides = [1, 1]} : vector<4x3xf32> to vector<4x1xf32>
      %slice3A_1787 = vector.extract_strided_slice %scan3A_1654 {offsets = [0, 2], sizes = [4, 1], strides = [1, 1]} : vector<4x3xf32> to vector<4x1xf32>
      %mul3A_1788 = arith.mulf %scan3A_1655, %scan3A_1650 : vector<4x512xf32>
      %reduce_sum3A_1789 = arith.constant dense<0.000000e+00> : vector<4xf32>
      %reduce_sum3A_1790 = vector.multi_reduction <add>, %mul3A_1788, %reduce_sum3A_1789 [1] : vector<4x512xf32> to vector<4xf32>
      %broadcast_in_dim3A_1791 = vector.shape_cast %reduce_sum3A_1790 : vector<4xf32> to vector<4x1xf32>
      %gt3A = arith.constant 64 : i32
      %gt3A_1792 = arith.cmpi sgt, %scan3A_1648, %gt3A : i32
      %jit3A_1793 = arith.constant 0xFF800000 : f32
      %broadcast_in_dim3A_1794 = vector.broadcast %jit3A_1793 : f32 to vector<4x1xf32>
      %select_n3A_1795 = arith.select %gt3A_1792, %broadcast_in_dim3A_1791, %broadcast_in_dim3A_1794 : vector<4x1xf32>
      %max3A_1796 = arith.maximumf %scan3A_1651, %select_n3A_1795 : vector<4x1xf32>
      %max3A_1797 = arith.maximumf %max3A_1796, %slice3A_1786 : vector<4x1xf32>
      %sub3A_1798 = arith.subf %slice3A_1786, %max3A_1797 : vector<4x1xf32>
      %exp3A_1799 = math.exp %sub3A_1798 : vector<4x1xf32>
      %sub3A_1800 = arith.subf %scan3A_1651, %max3A_1797 : vector<4x1xf32>
      %exp3A_1801 = math.exp %sub3A_1800 : vector<4x1xf32>
      %sub3A_1802 = arith.subf %select_n3A_1795, %max3A_1797 : vector<4x1xf32>
      %exp3A_1803 = math.exp %sub3A_1802 : vector<4x1xf32>
      %mul3A_1804 = vector.broadcast %exp3A_1799 : vector<4x1xf32> to vector<4x512xf32>
      %mul3A_1805 = arith.mulf %mul3A_1804, %concatenate3A_1713 : vector<4x512xf32>
      %mul3A_1806 = vector.broadcast %exp3A_1801 : vector<4x1xf32> to vector<4x512xf32>
      %mul3A_1807 = arith.mulf %mul3A_1806, %dot_general3A_1664 : vector<4x512xf32>
      %add3A_1808 = arith.addf %mul3A_1805, %mul3A_1807 : vector<4x512xf32>
      %mul3A_1809 = vector.broadcast %exp3A_1803 : vector<4x1xf32> to vector<4x512xf32>
      %mul3A_1810 = arith.mulf %mul3A_1809, %scan3A_1650 : vector<4x512xf32>
      %add3A_1811 = arith.addf %add3A_1808, %mul3A_1810 : vector<4x512xf32>
      %mul3A_1812 = arith.mulf %exp3A_1799, %slice3A_1787 : vector<4x1xf32>
      %mul3A_1813 = arith.mulf %exp3A_1801, %scan3A_1652 : vector<4x1xf32>
      %add3A_1814 = arith.addf %mul3A_1812, %mul3A_1813 : vector<4x1xf32>
      %add3A_1815 = arith.addf %add3A_1814, %exp3A_1803 : vector<4x1xf32>
      %div3A_1816 = vector.broadcast %add3A_1815 : vector<4x1xf32> to vector<4x512xf32>
      %div3A_1817 = arith.divf %add3A_1811, %div3A_1816 : vector<4x512xf32>
      %tanh3A = math.tanh %div3A_1817 : vector<4x512xf32>
      %mul3A_1818 = arith.mulf %scan3A_1649, %concatenate3A_1759 : vector<4x1xf32>
      %ge3A_1819 = arith.constant 0.000000e+00 : f32
      %ge3A_1820 = vector.broadcast %ge3A_1819 : f32 to vector<4x1xf32>
      %ge3A_1821 = arith.cmpf oge, %slice3A_1785, %ge3A_1820 : vector<4x1xf32>
      %broadcast_in_dim3A_1822 = vector.shape_cast %ge3A_1821 : vector<4x1xi1> to vector<4x1xi1>
      %broadcast_in_dim3A_1823 = vector.broadcast %broadcast_in_dim3A_1822 : vector<4x1xi1> to vector<4x512xi1>
      %select_n3A_1824 = arith.select %broadcast_in_dim3A_1823, %tanh3A, %concatenate3A_1736 : vector<4x512xi1>, vector<4x512xf32>
      %gt3A_1825 = arith.constant 0.000000e+00 : f32
      %gt3A_1826 = vector.broadcast %gt3A_1825 : f32 to vector<4x1xf32>
      %gt3A_1827 = arith.cmpf ogt, %mul3A_1818, %gt3A_1826 : vector<4x1xf32>
      %eq3A_1828 = vector.broadcast %scan3A_1648 : i32 to vector<4x1xi32>
      %eq3A_1829 = arith.cmpi eq, %broadcast_in_dim3A_89, %eq3A_1828 : vector<4x1xi32>
      %jit3A_1830 = arith.constant 0.000000e+00 : f32
      %broadcast_in_dim3A_1831 = vector.shape_cast %eq3A_1829 : vector<4x1xi1> to vector<4x1xi1>
      %broadcast_in_dim3A_1832 = vector.broadcast %broadcast_in_dim3A_1831 : vector<4x1xi1> to vector<4x512xi1>
      %broadcast_in_dim3A_1833 = vector.broadcast %jit3A_1830 : f32 to vector<4x512xf32>
      %select_n3A_1834 = arith.select %broadcast_in_dim3A_1832, %concatenate3A_1736, %broadcast_in_dim3A_1833 : vector<4x512xi1>, vector<4x512xf32>
      %broadcast_in_dim3A_1835 = vector.shape_cast %gt3A_1827 : vector<4x1xi1> to vector<4x1xi1>
      %broadcast_in_dim3A_1836 = vector.broadcast %broadcast_in_dim3A_1835 : vector<4x1xi1> to vector<4x512xi1>
      %select_n3A_1837 = arith.select %broadcast_in_dim3A_1836, %select_n3A_1824, %select_n3A_1834 : vector<4x512xi1>, vector<4x512xf32>
      %slice3A_1838 = vector.extract_strided_slice %select_n3A_1837 {offsets = [0, 0], sizes = [1, 512], strides = [1, 1]} : vector<4x512xf32> to vector<1x512xf32>
      %mul3A_1839 = arith.constant 4 : i32
      %mul3A_1840 = arith.muli %mul3A_1839, %scan3A_1648 : i32
      %add3A_1841 = arith.constant 0 : i32
      %add3A_1842 = arith.addi %mul3A_1840, %add3A_1841 : i32
      %swap3A_1843 = arith.index_cast %add3A_1842 : i32 to index
      %swap3A_1844 = arith.constant 0 : index
      %swap3A_1845 = vector.load %arg12[%swap3A_1843, %swap3A_1844] : memref<512x512xf32, #tpu.memory_space<vmem>>, vector<1x512xf32>
      tpu.vector_store %arg12[%swap3A_1843, %swap3A_1844], %slice3A_1838 {strides = array<i32>} : memref<512x512xf32, #tpu.memory_space<vmem>>, vector<1x512xf32>,
      %slice3A_1846 = vector.extract_strided_slice %select_n3A_1837 {offsets = [1, 0], sizes = [1, 512], strides = [1, 1]} : vector<4x512xf32> to vector<1x512xf32>
      %mul3A_1847 = arith.constant 4 : i32
      %mul3A_1848 = arith.muli %mul3A_1847, %scan3A_1648 : i32
      %add3A_1849 = arith.constant 1 : i32
      %add3A_1850 = arith.addi %mul3A_1848, %add3A_1849 : i32
      %swap3A_1851 = arith.index_cast %add3A_1850 : i32 to index
      %swap3A_1852 = arith.constant 0 : index
      %swap3A_1853 = vector.load %arg12[%swap3A_1851, %swap3A_1852] : memref<512x512xf32, #tpu.memory_space<vmem>>, vector<1x512xf32>
      tpu.vector_store %arg12[%swap3A_1851, %swap3A_1852], %slice3A_1846 {strides = array<i32>} : memref<512x512xf32, #tpu.memory_space<vmem>>, vector<1x512xf32>,
      %slice3A_1854 = vector.extract_strided_slice %select_n3A_1837 {offsets = [2, 0], sizes = [1, 512], strides = [1, 1]} : vector<4x512xf32> to vector<1x512xf32>
      %mul3A_1855 = arith.constant 4 : i32
      %mul3A_1856 = arith.muli %mul3A_1855, %scan3A_1648 : i32
      %add3A_1857 = arith.constant 2 : i32
      %add3A_1858 = arith.addi %mul3A_1856, %add3A_1857 : i32
      %swap3A_1859 = arith.index_cast %add3A_1858 : i32 to index
      %swap3A_1860 = arith.constant 0 : index
      %swap3A_1861 = vector.load %arg12[%swap3A_1859, %swap3A_1860] : memref<512x512xf32, #tpu.memory_space<vmem>>, vector<1x512xf32>
      tpu.vector_store %arg12[%swap3A_1859, %swap3A_1860], %slice3A_1854 {strides = array<i32>} : memref<512x512xf32, #tpu.memory_space<vmem>>, vector<1x512xf32>,
      %slice3A_1862 = vector.extract_strided_slice %select_n3A_1837 {offsets = [3, 0], sizes = [1, 512], strides = [1, 1]} : vector<4x512xf32> to vector<1x512xf32>
      %mul3A_1863 = arith.constant 4 : i32
      %mul3A_1864 = arith.muli %mul3A_1863, %scan3A_1648 : i32
      %add3A_1865 = arith.constant 3 : i32
      %add3A_1866 = arith.addi %mul3A_1864, %add3A_1865 : i32
      %swap3A_1867 = arith.index_cast %add3A_1866 : i32 to index
      %swap3A_1868 = arith.constant 0 : index
      %swap3A_1869 = vector.load %arg12[%swap3A_1867, %swap3A_1868] : memref<512x512xf32, #tpu.memory_space<vmem>>, vector<1x512xf32>
      tpu.vector_store %arg12[%swap3A_1867, %swap3A_1868], %slice3A_1862 {strides = array<i32>} : memref<512x512xf32, #tpu.memory_space<vmem>>, vector<1x512xf32>,
      %slice3A_1870 = vector.extract_strided_slice %concatenate3A_1784 {offsets = [0, 0], sizes = [4, 1], strides = [1, 1]} : vector<4x3xf32> to vector<4x1xf32>
      %eq3A_1871 = vector.broadcast %select_n3A_1003 : vector<1x64xi32> to vector<4x64xi32>
      %eq3A_1872 = vector.broadcast %iota3A_151 : vector<4x1xi32> to vector<4x64xi32>
      %eq3A_1873 = arith.cmpi eq, %eq3A_1871, %eq3A_1872 : vector<4x64xi32>
      %ge3A_1874 = vector.broadcast %convert_element_type3A_981 : vector<1x64xf32> to vector<4x64xf32>
      %ge3A_1875 = vector.broadcast %slice3A_1870 : vector<4x1xf32> to vector<4x64xf32>
      %ge3A_1876 = arith.cmpf oge, %ge3A_1874, %ge3A_1875 : vector<4x64xf32>
      %and3A_1877 = arith.andi %eq3A_1873, %ge3A_1876 : vector<4x64xi1>
      %lt3A_1878 = vector.broadcast %scan3A_1648 : i32 to vector<1x64xi32>
      %lt3A_1879 = arith.cmpi slt, %add3A_980, %lt3A_1878 : vector<1x64xi32>
      %and3A_1880 = vector.broadcast %lt3A_1879 : vector<1x64xi1> to vector<4x64xi1>
      %and3A_1881 = arith.andi %and3A_1877, %and3A_1880 : vector<4x64xi1>
      %jit3A_1882 = arith.constant 0xFF800000 : f32
      %broadcast_in_dim3A_1883 = vector.broadcast %jit3A_1882 : f32 to vector<4x64xf32>
      %select_n3A_1884 = arith.select %and3A_1881, %dot_general3A_1692, %broadcast_in_dim3A_1883 : vector<4x64xi1>, vector<4x64xf32>
      %reduce_max3A_1885 = arith.constant dense<0xFF800000> : vector<4xf32>
      %reduce_max3A_1886 = vector.multi_reduction <maximumf>, %select_n3A_1884, %reduce_max3A_1885 [1] : vector<4x64xf32> to vector<4xf32>
      %broadcast_in_dim3A_1887 = vector.shape_cast %reduce_max3A_1886 : vector<4xf32> to vector<4x1xf32>
      %sub3A_1888 = vector.broadcast %broadcast_in_dim3A_1887 : vector<4x1xf32> to vector<4x64xf32>
      %sub3A_1889 = arith.subf %dot_general3A_1692, %sub3A_1888 : vector<4x64xf32>
      %exp3A_1890 = math.exp %sub3A_1889 : vector<4x64xf32>
      %jit3A_1891 = arith.constant 0.000000e+00 : f32
      %broadcast_in_dim3A_1892 = vector.broadcast %jit3A_1891 : f32 to vector<4x64xf32>
      %select_n3A_1893 = arith.select %and3A_1881, %exp3A_1890, %broadcast_in_dim3A_1892 : vector<4x64xi1>, vector<4x64xf32>
      %reduce_sum3A_1894 = arith.constant dense<0.000000e+00> : vector<4xf32>
      %reduce_sum3A_1895 = vector.multi_reduction <add>, %select_n3A_1893, %reduce_sum3A_1894 [1] : vector<4x64xf32> to vector<4xf32>
      %broadcast_in_dim3A_1896 = vector.shape_cast %reduce_sum3A_1895 : vector<4xf32> to vector<4x1xf32>
      scf.yield %mul3A_1818, %select_n3A_1837, %broadcast_in_dim3A_1887, %broadcast_in_dim3A_1896, %select_n3A_1893, %concatenate3A_1784, %concatenate3A_1690 : vector<4x1xf32>, vector<4x512xf32>, vector<4x1xf32>, vector<4x1xf32>, vector<4x64xf32>, vector<4x3xf32>, vector<4x512xf32>
    }
    %scan3A_1041 = arith.constant 16 : i32
    %get3A_1042 = arith.constant 320 : index
    %get3A_1043 = arith.constant 0 : index
    %get3A_1044 = vector.load %arg1[%get3A_1042, %get3A_1043] : memref<512x1xf32, #tpu.memory_space<vmem>>, vector<64x1xf32>
    %get3A_1045 = arith.constant 0 : index
    %get3A_1046 = arith.constant 0 : index
    %get3A_1047 = vector.load %arg12[%get3A_1045, %get3A_1046] : memref<512x512xf32, #tpu.memory_space<vmem>>, vector<320x512xf32>
    %get3A_1048 = arith.constant 320 : index
    %get3A_1049 = arith.constant 0 : index
    %get3A_1050 = vector.load %arg14[%get3A_1048, %get3A_1049] : memref<512x512xf32, #tpu.memory_space<vmem>>, vector<64x512xf32>
    %dot_general3A_1051 = arith.constant dense<0.000000e+00> : vector<64x320xf32>
    %dot_general3A_1052 = tpu.matmul %get3A_1050, %get3A_1047, %dot_general3A_1051 {dimension_numbers = #tpu.dot_dimension_numbers<[1], [1], [0], [0], [0, 0, 1, 0], [], []>, transpose_lhs_hint = false} : vector<64x512xf32>, vector<320x512xf32>, vector<64x320xf32> -> vector<64x320xf32>
    %iota3A_1053 = tpu.iota {dimensions = array<i32: 1>} : vector<1x320xi32>
    %jit3A_1054 = arith.constant 4 : i32
    %eq3A_1055 = arith.constant 0 : i32
    %eq3A_1056 = arith.cmpi eq, %jit3A_1054, %eq3A_1055 : i32
    %jit3A_1057 = arith.constant 1 : i32
    %select_n3A_1058 = arith.select %eq3A_1056, %jit3A_1057, %jit3A_1054 : i32
    %rem3A_1059 = vector.broadcast %select_n3A_1058 : i32 to vector<1x320xi32>
    %rem3A_1060 = arith.remsi %iota3A_1053, %rem3A_1059 : vector<1x320xi32>
    %ne3A_1061 = arith.constant 0 : i32
    %ne3A_1062 = vector.broadcast %ne3A_1061 : i32 to vector<1x320xi32>
    %ne3A_1063 = arith.cmpi ne, %rem3A_1060, %ne3A_1062 : vector<1x320xi32>
    %lt3A_1064 = arith.constant 0 : i32
    %lt3A_1065 = vector.broadcast %lt3A_1064 : i32 to vector<1x320xi32>
    %lt3A_1066 = arith.cmpi slt, %rem3A_1060, %lt3A_1065 : vector<1x320xi32>
    %lt3A_1067 = arith.constant 0 : i32
    %lt3A_1068 = arith.cmpi slt, %select_n3A_1058, %lt3A_1067 : i32
    %ne3A_1069 = vector.broadcast %lt3A_1068 : i1 to vector<1x320xi1>
    %ne3A_1070 = vector.broadcast %ne3A_1069 : vector<1x320xi1> to vector<1x320xi1>
    %ne3A_1071 = arith.xori %lt3A_1066, %ne3A_1070 : vector<1x320xi1>
    %and3A_1072 = arith.andi %ne3A_1071, %ne3A_1063 : vector<1x320xi1>
    %add3A_1073 = vector.broadcast %select_n3A_1058 : i32 to vector<1x320xi32>
    %add3A_1074 = arith.addi %rem3A_1060, %add3A_1073 : vector<1x320xi32>
    %select_n3A_1075 = arith.select %and3A_1072, %add3A_1074, %rem3A_1060 : vector<1x320xi1>, vector<1x320xi32>
    %slice3A_1076 = vector.extract_strided_slice %select_n3A_74 {offsets = [320, 0], sizes = [64, 1], strides = [1, 1]} : vector<512x1xi32> to vector<64x1xi32>
    %eq3A_1077 = vector.broadcast %select_n3A_1075 : vector<1x320xi32> to vector<64x320xi32>
    %eq3A_1078 = vector.broadcast %slice3A_1076 : vector<64x1xi32> to vector<64x320xi32>
    %eq3A_1079 = arith.cmpi eq, %eq3A_1077, %eq3A_1078 : vector<64x320xi32>
    %jit3A_1080 = arith.constant 4 : i32
    %div3A_1081 = vector.broadcast %jit3A_1080 : i32 to vector<1x320xi32>
    %div3A_1082 = arith.divsi %iota3A_1053, %div3A_1081 : vector<1x320xi32>
    %sign3A_1083 = arith.constant 0 : i32
    %sign3A_1084 = vector.broadcast %sign3A_1083 : i32 to vector<1x320xi32>
    %sign3A_1085 = arith.cmpi sgt, %iota3A_1053, %sign3A_1084 : vector<1x320xi32>
    %sign3A_1086 = arith.extui %sign3A_1085 : vector<1x320xi1> to vector<1x320xi32>
    %sign3A_1087 = arith.constant 0 : i32
    %sign3A_1088 = vector.broadcast %sign3A_1087 : i32 to vector<1x320xi32>
    %sign3A_1089 = arith.cmpi slt, %iota3A_1053, %sign3A_1088 : vector<1x320xi32>
    %sign3A_1090 = arith.extui %sign3A_1089 : vector<1x320xi1> to vector<1x320xi32>
    %sign3A_1091 = arith.subi %sign3A_1086, %sign3A_1090 : vector<1x320xi32>
    %sign3A_1092 = arith.constant 0 : i32
    %sign3A_1093 = arith.cmpi sgt, %jit3A_1080, %sign3A_1092 : i32
    %sign3A_1094 = arith.extui %sign3A_1093 : i1 to i32
    %sign3A_1095 = arith.constant 0 : i32
    %sign3A_1096 = arith.cmpi slt, %jit3A_1080, %sign3A_1095 : i32
    %sign3A_1097 = arith.extui %sign3A_1096 : i1 to i32
    %sign3A_1098 = arith.subi %sign3A_1094, %sign3A_1097 : i32
    %ne3A_1099 = vector.broadcast %sign3A_1098 : i32 to vector<1x320xi32>
    %ne3A_1100 = arith.cmpi ne, %sign3A_1091, %ne3A_1099 : vector<1x320xi32>
    %rem3A_1101 = vector.broadcast %jit3A_1080 : i32 to vector<1x320xi32>
    %rem3A_1102 = arith.remsi %iota3A_1053, %rem3A_1101 : vector<1x320xi32>
    %ne3A_1103 = arith.constant 0 : i32
    %ne3A_1104 = vector.broadcast %ne3A_1103 : i32 to vector<1x320xi32>
    %ne3A_1105 = arith.cmpi ne, %rem3A_1102, %ne3A_1104 : vector<1x320xi32>
    %and3A_1106 = arith.andi %ne3A_1100, %ne3A_1105 : vector<1x320xi1>
    %sub3A_1107 = arith.constant 1 : i32
    %sub3A_1108 = vector.broadcast %sub3A_1107 : i32 to vector<1x320xi32>
    %sub3A_1109 = arith.subi %div3A_1082, %sub3A_1108 : vector<1x320xi32>
    %select_n3A_1110 = arith.select %and3A_1106, %sub3A_1109, %div3A_1082 : vector<1x320xi1>, vector<1x320xi32>
    %convert_element_type3A_1111 = arith.sitofp %select_n3A_1110 : vector<1x320xi32> to vector<1x320xf32>
    %ge3A_1112 = vector.broadcast %convert_element_type3A_1111 : vector<1x320xf32> to vector<64x320xf32>
    %ge3A_1113 = vector.broadcast %get3A_1044 : vector<64x1xf32> to vector<64x320xf32>
    %ge3A_1114 = arith.cmpf oge, %ge3A_1112, %ge3A_1113 : vector<64x320xf32>
    %and3A_1115 = arith.andi %eq3A_1079, %ge3A_1114 : vector<64x320xi1>
    %jit3A_1116 = arith.constant 0xFF800000 : f32
    %broadcast_in_dim3A_1117 = vector.broadcast %jit3A_1116 : f32 to vector<64x320xf32>
    %select_n3A_1118 = arith.select %and3A_1115, %dot_general3A_1052, %broadcast_in_dim3A_1117 : vector<64x320xi1>, vector<64x320xf32>
    %reduce_max3A_1119 = arith.constant dense<0xFF800000> : vector<64xf32>
    %reduce_max3A_1120 = vector.multi_reduction <maximumf>, %select_n3A_1118, %reduce_max3A_1119 [1] : vector<64x320xf32> to vector<64xf32>
    %broadcast_in_dim3A_1121 = vector.shape_cast %reduce_max3A_1120 : vector<64xf32> to vector<64x1xf32>
    %sub3A_1122 = vector.broadcast %broadcast_in_dim3A_1121 : vector<64x1xf32> to vector<64x320xf32>
    %sub3A_1123 = arith.subf %dot_general3A_1052, %sub3A_1122 : vector<64x320xf32>
    %exp3A_1124 = math.exp %sub3A_1123 : vector<64x320xf32>
    %jit3A_1125 = arith.constant 0.000000e+00 : f32
    %broadcast_in_dim3A_1126 = vector.broadcast %jit3A_1125 : f32 to vector<64x320xf32>
    %select_n3A_1127 = arith.select %and3A_1115, %exp3A_1124, %broadcast_in_dim3A_1126 : vector<64x320xi1>, vector<64x320xf32>
    %reduce_sum3A_1128 = arith.constant dense<0.000000e+00> : vector<64xf32>
    %reduce_sum3A_1129 = vector.multi_reduction <add>, %select_n3A_1127, %reduce_sum3A_1128 [1] : vector<64x320xf32> to vector<64xf32>
    %broadcast_in_dim3A_1130 = vector.shape_cast %reduce_sum3A_1129 : vector<64xf32> to vector<64x1xf32>
    %concatenate3A_1131 = tpu.concatenate %get3A_1044, %broadcast_in_dim3A_1121, %broadcast_in_dim3A_1130 in 1 : vector<64x1xf32>, vector<64x1xf32>, vector<64x1xf32> -> vector<64x3xf32>
    %swap3A_1132 = arith.constant 0 : index
    %swap3A_1133 = arith.constant 0 : index
    %swap3A_1134 = vector.load %arg16[%swap3A_1132, %swap3A_1133] : memref<64x3xf32, #tpu.memory_space<vmem>>, vector<64x3xf32>
    tpu.vector_store %arg16[%swap3A_1132, %swap3A_1133], %concatenate3A_1131 {strides = array<i32>} : memref<64x3xf32, #tpu.memory_space<vmem>>, vector<64x3xf32>,
    %dot_general3A_1135 = arith.constant dense<0.000000e+00> : vector<64x512xf32>
    %dot_general3A_1136 = tpu.matmul %select_n3A_1127, %get3A_1047, %dot_general3A_1135 {dimension_numbers = #tpu.dot_dimension_numbers<[1], [0], [0], [1], [0, 0, 1, 1], [], []>, transpose_lhs_hint = false} : vector<64x320xf32>, vector<320x512xf32>, vector<64x512xf32> -> vector<64x512xf32>
    %swap3A_1137 = arith.constant 0 : index
    %swap3A_1138 = arith.constant 0 : index
    %swap3A_1139 = vector.load %arg15[%swap3A_1137, %swap3A_1138] : memref<64x512xf32, #tpu.memory_space<vmem>>, vector<64x512xf32>
    tpu.vector_store %arg15[%swap3A_1137, %swap3A_1138], %dot_general3A_1136 {strides = array<i32>} : memref<64x512xf32, #tpu.memory_space<vmem>>, vector<64x512xf32>,
    %jit3A_1140 = arith.constant 4 : i32
    %div3A_1141 = vector.broadcast %jit3A_1140 : i32 to vector<1x64xi32>
    %div3A_1142 = arith.divsi %iota3A_150, %div3A_1141 : vector<1x64xi32>
    %sign3A_1143 = arith.constant 0 : i32
    %sign3A_1144 = vector.broadcast %sign3A_1143 : i32 to vector<1x64xi32>
    %sign3A_1145 = arith.cmpi sgt, %iota3A_150, %sign3A_1144 : vector<1x64xi32>
    %sign3A_1146 = arith.extui %sign3A_1145 : vector<1x64xi1> to vector<1x64xi32>
    %sign3A_1147 = arith.constant 0 : i32
    %sign3A_1148 = vector.broadcast %sign3A_1147 : i32 to vector<1x64xi32>
    %sign3A_1149 = arith.cmpi slt, %iota3A_150, %sign3A_1148 : vector<1x64xi32>
    %sign3A_1150 = arith.extui %sign3A_1149 : vector<1x64xi1> to vector<1x64xi32>
    %sign3A_1151 = arith.subi %sign3A_1146, %sign3A_1150 : vector<1x64xi32>
    %sign3A_1152 = arith.constant 0 : i32
    %sign3A_1153 = arith.cmpi sgt, %jit3A_1140, %sign3A_1152 : i32
    %sign3A_1154 = arith.extui %sign3A_1153 : i1 to i32
    %sign3A_1155 = arith.constant 0 : i32
    %sign3A_1156 = arith.cmpi slt, %jit3A_1140, %sign3A_1155 : i32
    %sign3A_1157 = arith.extui %sign3A_1156 : i1 to i32
    %sign3A_1158 = arith.subi %sign3A_1154, %sign3A_1157 : i32
    %ne3A_1159 = vector.broadcast %sign3A_1158 : i32 to vector<1x64xi32>
    %ne3A_1160 = arith.cmpi ne, %sign3A_1151, %ne3A_1159 : vector<1x64xi32>
    %rem3A_1161 = vector.broadcast %jit3A_1140 : i32 to vector<1x64xi32>
    %rem3A_1162 = arith.remsi %iota3A_150, %rem3A_1161 : vector<1x64xi32>
    %ne3A_1163 = arith.constant 0 : i32
    %ne3A_1164 = vector.broadcast %ne3A_1163 : i32 to vector<1x64xi32>
    %ne3A_1165 = arith.cmpi ne, %rem3A_1162, %ne3A_1164 : vector<1x64xi32>
    %and3A_1166 = arith.andi %ne3A_1160, %ne3A_1165 : vector<1x64xi1>
    %sub3A_1167 = arith.constant 1 : i32
    %sub3A_1168 = vector.broadcast %sub3A_1167 : i32 to vector<1x64xi32>
    %sub3A_1169 = arith.subi %div3A_1142, %sub3A_1168 : vector<1x64xi32>
    %select_n3A_1170 = arith.select %and3A_1166, %sub3A_1169, %div3A_1142 : vector<1x64xi1>, vector<1x64xi32>
    %add3A_1171 = arith.constant 80 : i32
    %add3A_1172 = vector.broadcast %add3A_1171 : i32 to vector<1x64xi32>
    %add3A_1173 = arith.addi %select_n3A_1170, %add3A_1172 : vector<1x64xi32>
    %convert_element_type3A_1174 = arith.sitofp %add3A_1173 : vector<1x64xi32> to vector<1x64xf32>
    %jit3A_1175 = arith.constant 4 : i32
    %eq3A_1176 = arith.constant 0 : i32
    %eq3A_1177 = arith.cmpi eq, %jit3A_1175, %eq3A_1176 : i32
    %jit3A_1178 = arith.constant 1 : i32
    %select_n3A_1179 = arith.select %eq3A_1177, %jit3A_1178, %jit3A_1175 : i32
    %rem3A_1180 = vector.broadcast %select_n3A_1179 : i32 to vector<1x64xi32>
    %rem3A_1181 = arith.remsi %iota3A_150, %rem3A_1180 : vector<1x64xi32>
    %ne3A_1182 = arith.constant 0 : i32
    %ne3A_1183 = vector.broadcast %ne3A_1182 : i32 to vector<1x64xi32>
    %ne3A_1184 = arith.cmpi ne, %rem3A_1181, %ne3A_1183 : vector<1x64xi32>
    %lt3A_1185 = arith.constant 0 : i32
    %lt3A_1186 = vector.broadcast %lt3A_1185 : i32 to vector<1x64xi32>
    %lt3A_1187 = arith.cmpi slt, %rem3A_1181, %lt3A_1186 : vector<1x64xi32>
    %lt3A_1188 = arith.constant 0 : i32
    %lt3A_1189 = arith.cmpi slt, %select_n3A_1179, %lt3A_1188 : i32
    %ne3A_1190 = vector.broadcast %lt3A_1189 : i1 to vector<1x64xi1>
    %ne3A_1191 = vector.broadcast %ne3A_1190 : vector<1x64xi1> to vector<1x64xi1>
    %ne3A_1192 = arith.xori %lt3A_1187, %ne3A_1191 : vector<1x64xi1>
    %and3A_1193 = arith.andi %ne3A_1192, %ne3A_1184 : vector<1x64xi1>
    %add3A_1194 = vector.broadcast %select_n3A_1179 : i32 to vector<1x64xi32>
    %add3A_1195 = arith.addi %rem3A_1181, %add3A_1194 : vector<1x64xi32>
    %select_n3A_1196 = arith.select %and3A_1193, %add3A_1195, %rem3A_1181 : vector<1x64xi1>, vector<1x64xi32>
    %broadcast_in_dim3A_1197 = arith.constant 0xFF800000 : f32
    %broadcast_in_dim3A_1198 = vector.broadcast %broadcast_in_dim3A_1197 : f32 to vector<4x1xf32>
    %broadcast_in_dim3A_1199 = arith.constant 0.000000e+00 : f32
    %broadcast_in_dim3A_1200 = vector.broadcast %broadcast_in_dim3A_1199 : f32 to vector<4x1xf32>
    %broadcast_in_dim3A_1201 = arith.constant 0.000000e+00 : f32
    %broadcast_in_dim3A_1202 = vector.broadcast %broadcast_in_dim3A_1201 : f32 to vector<4x64xf32>
    %get3A_1203 = arith.constant 0 : index
    %get3A_1204 = arith.constant 0 : index
    %get3A_1205 = vector.load %arg16[%get3A_1203, %get3A_1204] : memref<64x3xf32, #tpu.memory_space<vmem>>, vector<1x3xf32>
    %get3A_1206 = arith.constant 1 : index
    %get3A_1207 = arith.constant 0 : index
    %get3A_1208 = vector.load %arg16[%get3A_1206, %get3A_1207] : memref<64x3xf32, #tpu.memory_space<vmem>>, vector<1x3xf32>
    %get3A_1209 = arith.constant 2 : index
    %get3A_1210 = arith.constant 0 : index
    %get3A_1211 = vector.load %arg16[%get3A_1209, %get3A_1210] : memref<64x3xf32, #tpu.memory_space<vmem>>, vector<1x3xf32>
    %get3A_1212 = arith.constant 3 : index
    %get3A_1213 = arith.constant 0 : index
    %get3A_1214 = vector.load %arg16[%get3A_1212, %get3A_1213] : memref<64x3xf32, #tpu.memory_space<vmem>>, vector<1x3xf32>
    %concatenate3A_1215 = tpu.concatenate %get3A_1205, %get3A_1208, %get3A_1211, %get3A_1214 in 0 : vector<1x3xf32>, vector<1x3xf32>, vector<1x3xf32>, vector<1x3xf32> -> vector<4x3xf32>
    %get3A_1216 = arith.constant 320 : index
    %get3A_1217 = arith.constant 0 : index
    %get3A_1218 = vector.load %arg14[%get3A_1216, %get3A_1217] : memref<512x512xf32, #tpu.memory_space<vmem>>, vector<1x512xf32>
    %get3A_1219 = arith.constant 321 : index
    %get3A_1220 = arith.constant 0 : index
    %get3A_1221 = vector.load %arg14[%get3A_1219, %get3A_1220] : memref<512x512xf32, #tpu.memory_space<vmem>>, vector<1x512xf32>
    %get3A_1222 = arith.constant 322 : index
    %get3A_1223 = arith.constant 0 : index
    %get3A_1224 = vector.load %arg14[%get3A_1222, %get3A_1223] : memref<512x512xf32, #tpu.memory_space<vmem>>, vector<1x512xf32>
    %get3A_1225 = arith.constant 323 : index
    %get3A_1226 = arith.constant 0 : index
    %get3A_1227 = vector.load %arg14[%get3A_1225, %get3A_1226] : memref<512x512xf32, #tpu.memory_space<vmem>>, vector<1x512xf32>
    %concatenate3A_1228 = tpu.concatenate %get3A_1218, %get3A_1221, %get3A_1224, %get3A_1227 in 0 : vector<1x512xf32>, vector<1x512xf32>, vector<1x512xf32>, vector<1x512xf32> -> vector<4x512xf32>
    %scan3A_1229 = arith.constant 80 : i32
    %scan3A_1230 = arith.constant 16 : i32
    %scan3A_1231 = arith.addi %scan3A_1229, %scan3A_1230 : i32
    %scan3A_1232 = arith.constant 1 : i32
    %scan3A_1233:7 = scf.for %scan3A_1648 = %scan3A_1229 to %scan3A_1231 step %scan3A_1232 iter_args(%scan3A_1649 = %scan3A_1040#0, %scan3A_1650 = %scan3A_1040#1, %scan3A_1651 = %broadcast_in_dim3A_1198, %scan3A_1652 = %broadcast_in_dim3A_1200, %scan3A_1653 = %broadcast_in_dim3A_1202, %scan3A_1654 = %concatenate3A_1215, %scan3A_1655 = %concatenate3A_1228) -> (vector<4x1xf32>, vector<4x512xf32>, vector<4x1xf32>, vector<4x1xf32>, vector<4x64xf32>, vector<4x3xf32>, vector<4x512xf32>)  : i32 {
      %sub3A_1656 = arith.constant 80 : i32
      %sub3A_1657 = arith.subi %scan3A_1648, %sub3A_1656 : i32
      %mul3A_1658 = arith.constant 4 : i32
      %mul3A_1659 = arith.muli %sub3A_1657, %mul3A_1658 : i32
      %get3A_1660 = arith.constant 320 : index
      %get3A_1661 = arith.constant 0 : index
      %get3A_1662 = vector.load %arg12[%get3A_1660, %get3A_1661] : memref<512x512xf32, #tpu.memory_space<vmem>>, vector<64x512xf32>
      %dot_general3A_1663 = arith.constant dense<0.000000e+00> : vector<4x512xf32>
      %dot_general3A_1664 = tpu.matmul %scan3A_1653, %get3A_1662, %dot_general3A_1663 {dimension_numbers = #tpu.dot_dimension_numbers<[1], [0], [0], [1], [0, 0, 1, 1], [], []>, transpose_lhs_hint = false} : vector<4x64xf32>, vector<64x512xf32>, vector<4x512xf32> -> vector<4x512xf32>
      %add3A_1665 = arith.constant 1 : i32
      %add3A_1666 = arith.addi %scan3A_1648, %add3A_1665 : i32
      %min3A = arith.constant 127 : i32
      %min3A_1667 = arith.minsi %add3A_1666, %min3A : i32
      %mul3A_1668 = arith.constant 4 : i32
      %mul3A_1669 = arith.muli %mul3A_1668, %min3A_1667 : i32
      %add3A_1670 = arith.constant 0 : i32
      %add3A_1671 = arith.addi %mul3A_1669, %add3A_1670 : i32
      %get3A_1672 = arith.index_cast %add3A_1671 : i32 to index
      %get3A_1673 = arith.constant 0 : index
      %get3A_1674 = vector.load %arg14[%get3A_1672, %get3A_1673] : memref<512x512xf32, #tpu.memory_space<vmem>>, vector<1x512xf32>
      %add3A_1675 = arith.constant 1 : i32
      %add3A_1676 = arith.addi %mul3A_1669, %add3A_1675 : i32
      %get3A_1677 = arith.index_cast %add3A_1676 : i32 to index
      %get3A_1678 = arith.constant 0 : index
      %get3A_1679 = vector.load %arg14[%get3A_1677, %get3A_1678] : memref<512x512xf32, #tpu.memory_space<vmem>>, vector<1x512xf32>
      %add3A_1680 = arith.constant 2 : i32
      %add3A_1681 = arith.addi %mul3A_1669, %add3A_1680 : i32
      %get3A_1682 = arith.index_cast %add3A_1681 : i32 to index
      %get3A_1683 = arith.constant 0 : index
      %get3A_1684 = vector.load %arg14[%get3A_1682, %get3A_1683] : memref<512x512xf32, #tpu.memory_space<vmem>>, vector<1x512xf32>
      %add3A_1685 = arith.constant 3 : i32
      %add3A_1686 = arith.addi %mul3A_1669, %add3A_1685 : i32
      %get3A_1687 = arith.index_cast %add3A_1686 : i32 to index
      %get3A_1688 = arith.constant 0 : index
      %get3A_1689 = vector.load %arg14[%get3A_1687, %get3A_1688] : memref<512x512xf32, #tpu.memory_space<vmem>>, vector<1x512xf32>
      %concatenate3A_1690 = tpu.concatenate %get3A_1674, %get3A_1679, %get3A_1684, %get3A_1689 in 0 : vector<1x512xf32>, vector<1x512xf32>, vector<1x512xf32>, vector<1x512xf32> -> vector<4x512xf32>
      %dot_general3A_1691 = arith.constant dense<0.000000e+00> : vector<4x64xf32>
      %dot_general3A_1692 = tpu.matmul %concatenate3A_1690, %get3A_1662, %dot_general3A_1691 {dimension_numbers = #tpu.dot_dimension_numbers<[1], [1], [0], [0], [0, 0, 1, 0], [], []>, transpose_lhs_hint = false} : vector<4x512xf32>, vector<64x512xf32>, vector<4x64xf32> -> vector<4x64xf32>
      %add3A_1693 = arith.constant 0 : i32
      %add3A_1694 = arith.addi %mul3A_1659, %add3A_1693 : i32
      %get3A_1695 = arith.index_cast %add3A_1694 : i32 to index
      %get3A_1696 = arith.constant 0 : index
      %get3A_1697 = vector.load %arg15[%get3A_1695, %get3A_1696] : memref<64x512xf32, #tpu.memory_space<vmem>>, vector<1x512xf32>
      %add3A_1698 = arith.constant 1 : i32
      %add3A_1699 = arith.addi %mul3A_1659, %add3A_1698 : i32
      %get3A_1700 = arith.index_cast %add3A_1699 : i32 to index
      %get3A_1701 = arith.constant 0 : index
      %get3A_1702 = vector.load %arg15[%get3A_1700, %get3A_1701] : memref<64x512xf32, #tpu.memory_space<vmem>>, vector<1x512xf32>
      %add3A_1703 = arith.constant 2 : i32
      %add3A_1704 = arith.addi %mul3A_1659, %add3A_1703 : i32
      %get3A_1705 = arith.index_cast %add3A_1704 : i32 to index
      %get3A_1706 = arith.constant 0 : index
      %get3A_1707 = vector.load %arg15[%get3A_1705, %get3A_1706] : memref<64x512xf32, #tpu.memory_space<vmem>>, vector<1x512xf32>
      %add3A_1708 = arith.constant 3 : i32
      %add3A_1709 = arith.addi %mul3A_1659, %add3A_1708 : i32
      %get3A_1710 = arith.index_cast %add3A_1709 : i32 to index
      %get3A_1711 = arith.constant 0 : index
      %get3A_1712 = vector.load %arg15[%get3A_1710, %get3A_1711] : memref<64x512xf32, #tpu.memory_space<vmem>>, vector<1x512xf32>
      %concatenate3A_1713 = tpu.concatenate %get3A_1697, %get3A_1702, %get3A_1707, %get3A_1712 in 0 : vector<1x512xf32>, vector<1x512xf32>, vector<1x512xf32>, vector<1x512xf32> -> vector<4x512xf32>
      %mul3A_1714 = arith.constant 4 : i32
      %mul3A_1715 = arith.muli %mul3A_1714, %scan3A_1648 : i32
      %add3A_1716 = arith.constant 0 : i32
      %add3A_1717 = arith.addi %mul3A_1715, %add3A_1716 : i32
      %get3A_1718 = arith.index_cast %add3A_1717 : i32 to index
      %get3A_1719 = arith.constant 0 : index
      %get3A_1720 = vector.load %arg13[%get3A_1718, %get3A_1719] : memref<512x512xf32, #tpu.memory_space<vmem>>, vector<1x512xf32>
      %add3A_1721 = arith.constant 1 : i32
      %add3A_1722 = arith.addi %mul3A_1715, %add3A_1721 : i32
      %get3A_1723 = arith.index_cast %add3A_1722 : i32 to index
      %get3A_1724 = arith.constant 0 : index
      %get3A_1725 = vector.load %arg13[%get3A_1723, %get3A_1724] : memref<512x512xf32, #tpu.memory_space<vmem>>, vector<1x512xf32>
      %add3A_1726 = arith.constant 2 : i32
      %add3A_1727 = arith.addi %mul3A_1715, %add3A_1726 : i32
      %get3A_1728 = arith.index_cast %add3A_1727 : i32 to index
      %get3A_1729 = arith.constant 0 : index
      %get3A_1730 = vector.load %arg13[%get3A_1728, %get3A_1729] : memref<512x512xf32, #tpu.memory_space<vmem>>, vector<1x512xf32>
      %add3A_1731 = arith.constant 3 : i32
      %add3A_1732 = arith.addi %mul3A_1715, %add3A_1731 : i32
      %get3A_1733 = arith.index_cast %add3A_1732 : i32 to index
      %get3A_1734 = arith.constant 0 : index
      %get3A_1735 = vector.load %arg13[%get3A_1733, %get3A_1734] : memref<512x512xf32, #tpu.memory_space<vmem>>, vector<1x512xf32>
      %concatenate3A_1736 = tpu.concatenate %get3A_1720, %get3A_1725, %get3A_1730, %get3A_1735 in 0 : vector<1x512xf32>, vector<1x512xf32>, vector<1x512xf32>, vector<1x512xf32> -> vector<4x512xf32>
      %mul3A_1737 = arith.constant 4 : i32
      %mul3A_1738 = arith.muli %mul3A_1737, %scan3A_1648 : i32
      %add3A_1739 = arith.constant 0 : i32
      %add3A_1740 = arith.addi %mul3A_1738, %add3A_1739 : i32
      %get3A_1741 = arith.index_cast %add3A_1740 : i32 to index
      %get3A_1742 = arith.constant 0 : index
      %get3A_1743 = vector.load %arg3[%get3A_1741, %get3A_1742] : memref<512x1xf32, #tpu.memory_space<vmem>>, vector<1x1xf32>
      %add3A_1744 = arith.constant 1 : i32
      %add3A_1745 = arith.addi %mul3A_1738, %add3A_1744 : i32
      %get3A_1746 = arith.index_cast %add3A_1745 : i32 to index
      %get3A_1747 = arith.constant 0 : index
      %get3A_1748 = vector.load %arg3[%get3A_1746, %get3A_1747] : memref<512x1xf32, #tpu.memory_space<vmem>>, vector<1x1xf32>
      %add3A_1749 = arith.constant 2 : i32
      %add3A_1750 = arith.addi %mul3A_1738, %add3A_1749 : i32
      %get3A_1751 = arith.index_cast %add3A_1750 : i32 to index
      %get3A_1752 = arith.constant 0 : index
      %get3A_1753 = vector.load %arg3[%get3A_1751, %get3A_1752] : memref<512x1xf32, #tpu.memory_space<vmem>>, vector<1x1xf32>
      %add3A_1754 = arith.constant 3 : i32
      %add3A_1755 = arith.addi %mul3A_1738, %add3A_1754 : i32
      %get3A_1756 = arith.index_cast %add3A_1755 : i32 to index
      %get3A_1757 = arith.constant 0 : index
      %get3A_1758 = vector.load %arg3[%get3A_1756, %get3A_1757] : memref<512x1xf32, #tpu.memory_space<vmem>>, vector<1x1xf32>
      %concatenate3A_1759 = tpu.concatenate %get3A_1743, %get3A_1748, %get3A_1753, %get3A_1758 in 0 : vector<1x1xf32>, vector<1x1xf32>, vector<1x1xf32>, vector<1x1xf32> -> vector<4x1xf32>
      %add3A_1760 = arith.constant 4 : i32
      %add3A_1761 = arith.addi %mul3A_1659, %add3A_1760 : i32
      %min3A_1762 = arith.constant 60 : i32
      %min3A_1763 = arith.minsi %add3A_1761, %min3A_1762 : i32
      %add3A_1764 = arith.constant 0 : i32
      %add3A_1765 = arith.addi %min3A_1763, %add3A_1764 : i32
      %get3A_1766 = arith.index_cast %add3A_1765 : i32 to index
      %get3A_1767 = arith.constant 0 : index
      %get3A_1768 = vector.load %arg16[%get3A_1766, %get3A_1767] : memref<64x3xf32, #tpu.memory_space<vmem>>, vector<1x3xf32>
      %add3A_1769 = arith.constant 1 : i32
      %add3A_1770 = arith.addi %min3A_1763, %add3A_1769 : i32
      %get3A_1771 = arith.index_cast %add3A_1770 : i32 to index
      %get3A_1772 = arith.constant 0 : index
      %get3A_1773 = vector.load %arg16[%get3A_1771, %get3A_1772] : memref<64x3xf32, #tpu.memory_space<vmem>>, vector<1x3xf32>
      %add3A_1774 = arith.constant 2 : i32
      %add3A_1775 = arith.addi %min3A_1763, %add3A_1774 : i32
      %get3A_1776 = arith.index_cast %add3A_1775 : i32 to index
      %get3A_1777 = arith.constant 0 : index
      %get3A_1778 = vector.load %arg16[%get3A_1776, %get3A_1777] : memref<64x3xf32, #tpu.memory_space<vmem>>, vector<1x3xf32>
      %add3A_1779 = arith.constant 3 : i32
      %add3A_1780 = arith.addi %min3A_1763, %add3A_1779 : i32
      %get3A_1781 = arith.index_cast %add3A_1780 : i32 to index
      %get3A_1782 = arith.constant 0 : index
      %get3A_1783 = vector.load %arg16[%get3A_1781, %get3A_1782] : memref<64x3xf32, #tpu.memory_space<vmem>>, vector<1x3xf32>
      %concatenate3A_1784 = tpu.concatenate %get3A_1768, %get3A_1773, %get3A_1778, %get3A_1783 in 0 : vector<1x3xf32>, vector<1x3xf32>, vector<1x3xf32>, vector<1x3xf32> -> vector<4x3xf32>
      %slice3A_1785 = vector.extract_strided_slice %scan3A_1654 {offsets = [0, 0], sizes = [4, 1], strides = [1, 1]} : vector<4x3xf32> to vector<4x1xf32>
      %slice3A_1786 = vector.extract_strided_slice %scan3A_1654 {offsets = [0, 1], sizes = [4, 1], strides = [1, 1]} : vector<4x3xf32> to vector<4x1xf32>
      %slice3A_1787 = vector.extract_strided_slice %scan3A_1654 {offsets = [0, 2], sizes = [4, 1], strides = [1, 1]} : vector<4x3xf32> to vector<4x1xf32>
      %mul3A_1788 = arith.mulf %scan3A_1655, %scan3A_1650 : vector<4x512xf32>
      %reduce_sum3A_1789 = arith.constant dense<0.000000e+00> : vector<4xf32>
      %reduce_sum3A_1790 = vector.multi_reduction <add>, %mul3A_1788, %reduce_sum3A_1789 [1] : vector<4x512xf32> to vector<4xf32>
      %broadcast_in_dim3A_1791 = vector.shape_cast %reduce_sum3A_1790 : vector<4xf32> to vector<4x1xf32>
      %gt3A = arith.constant 80 : i32
      %gt3A_1792 = arith.cmpi sgt, %scan3A_1648, %gt3A : i32
      %jit3A_1793 = arith.constant 0xFF800000 : f32
      %broadcast_in_dim3A_1794 = vector.broadcast %jit3A_1793 : f32 to vector<4x1xf32>
      %select_n3A_1795 = arith.select %gt3A_1792, %broadcast_in_dim3A_1791, %broadcast_in_dim3A_1794 : vector<4x1xf32>
      %max3A_1796 = arith.maximumf %scan3A_1651, %select_n3A_1795 : vector<4x1xf32>
      %max3A_1797 = arith.maximumf %max3A_1796, %slice3A_1786 : vector<4x1xf32>
      %sub3A_1798 = arith.subf %slice3A_1786, %max3A_1797 : vector<4x1xf32>
      %exp3A_1799 = math.exp %sub3A_1798 : vector<4x1xf32>
      %sub3A_1800 = arith.subf %scan3A_1651, %max3A_1797 : vector<4x1xf32>
      %exp3A_1801 = math.exp %sub3A_1800 : vector<4x1xf32>
      %sub3A_1802 = arith.subf %select_n3A_1795, %max3A_1797 : vector<4x1xf32>
      %exp3A_1803 = math.exp %sub3A_1802 : vector<4x1xf32>
      %mul3A_1804 = vector.broadcast %exp3A_1799 : vector<4x1xf32> to vector<4x512xf32>
      %mul3A_1805 = arith.mulf %mul3A_1804, %concatenate3A_1713 : vector<4x512xf32>
      %mul3A_1806 = vector.broadcast %exp3A_1801 : vector<4x1xf32> to vector<4x512xf32>
      %mul3A_1807 = arith.mulf %mul3A_1806, %dot_general3A_1664 : vector<4x512xf32>
      %add3A_1808 = arith.addf %mul3A_1805, %mul3A_1807 : vector<4x512xf32>
      %mul3A_1809 = vector.broadcast %exp3A_1803 : vector<4x1xf32> to vector<4x512xf32>
      %mul3A_1810 = arith.mulf %mul3A_1809, %scan3A_1650 : vector<4x512xf32>
      %add3A_1811 = arith.addf %add3A_1808, %mul3A_1810 : vector<4x512xf32>
      %mul3A_1812 = arith.mulf %exp3A_1799, %slice3A_1787 : vector<4x1xf32>
      %mul3A_1813 = arith.mulf %exp3A_1801, %scan3A_1652 : vector<4x1xf32>
      %add3A_1814 = arith.addf %mul3A_1812, %mul3A_1813 : vector<4x1xf32>
      %add3A_1815 = arith.addf %add3A_1814, %exp3A_1803 : vector<4x1xf32>
      %div3A_1816 = vector.broadcast %add3A_1815 : vector<4x1xf32> to vector<4x512xf32>
      %div3A_1817 = arith.divf %add3A_1811, %div3A_1816 : vector<4x512xf32>
      %tanh3A = math.tanh %div3A_1817 : vector<4x512xf32>
      %mul3A_1818 = arith.mulf %scan3A_1649, %concatenate3A_1759 : vector<4x1xf32>
      %ge3A_1819 = arith.constant 0.000000e+00 : f32
      %ge3A_1820 = vector.broadcast %ge3A_1819 : f32 to vector<4x1xf32>
      %ge3A_1821 = arith.cmpf oge, %slice3A_1785, %ge3A_1820 : vector<4x1xf32>
      %broadcast_in_dim3A_1822 = vector.shape_cast %ge3A_1821 : vector<4x1xi1> to vector<4x1xi1>
      %broadcast_in_dim3A_1823 = vector.broadcast %broadcast_in_dim3A_1822 : vector<4x1xi1> to vector<4x512xi1>
      %select_n3A_1824 = arith.select %broadcast_in_dim3A_1823, %tanh3A, %concatenate3A_1736 : vector<4x512xi1>, vector<4x512xf32>
      %gt3A_1825 = arith.constant 0.000000e+00 : f32
      %gt3A_1826 = vector.broadcast %gt3A_1825 : f32 to vector<4x1xf32>
      %gt3A_1827 = arith.cmpf ogt, %mul3A_1818, %gt3A_1826 : vector<4x1xf32>
      %eq3A_1828 = vector.broadcast %scan3A_1648 : i32 to vector<4x1xi32>
      %eq3A_1829 = arith.cmpi eq, %broadcast_in_dim3A_89, %eq3A_1828 : vector<4x1xi32>
      %jit3A_1830 = arith.constant 0.000000e+00 : f32
      %broadcast_in_dim3A_1831 = vector.shape_cast %eq3A_1829 : vector<4x1xi1> to vector<4x1xi1>
      %broadcast_in_dim3A_1832 = vector.broadcast %broadcast_in_dim3A_1831 : vector<4x1xi1> to vector<4x512xi1>
      %broadcast_in_dim3A_1833 = vector.broadcast %jit3A_1830 : f32 to vector<4x512xf32>
      %select_n3A_1834 = arith.select %broadcast_in_dim3A_1832, %concatenate3A_1736, %broadcast_in_dim3A_1833 : vector<4x512xi1>, vector<4x512xf32>
      %broadcast_in_dim3A_1835 = vector.shape_cast %gt3A_1827 : vector<4x1xi1> to vector<4x1xi1>
      %broadcast_in_dim3A_1836 = vector.broadcast %broadcast_in_dim3A_1835 : vector<4x1xi1> to vector<4x512xi1>
      %select_n3A_1837 = arith.select %broadcast_in_dim3A_1836, %select_n3A_1824, %select_n3A_1834 : vector<4x512xi1>, vector<4x512xf32>
      %slice3A_1838 = vector.extract_strided_slice %select_n3A_1837 {offsets = [0, 0], sizes = [1, 512], strides = [1, 1]} : vector<4x512xf32> to vector<1x512xf32>
      %mul3A_1839 = arith.constant 4 : i32
      %mul3A_1840 = arith.muli %mul3A_1839, %scan3A_1648 : i32
      %add3A_1841 = arith.constant 0 : i32
      %add3A_1842 = arith.addi %mul3A_1840, %add3A_1841 : i32
      %swap3A_1843 = arith.index_cast %add3A_1842 : i32 to index
      %swap3A_1844 = arith.constant 0 : index
      %swap3A_1845 = vector.load %arg12[%swap3A_1843, %swap3A_1844] : memref<512x512xf32, #tpu.memory_space<vmem>>, vector<1x512xf32>
      tpu.vector_store %arg12[%swap3A_1843, %swap3A_1844], %slice3A_1838 {strides = array<i32>} : memref<512x512xf32, #tpu.memory_space<vmem>>, vector<1x512xf32>,
      %slice3A_1846 = vector.extract_strided_slice %select_n3A_1837 {offsets = [1, 0], sizes = [1, 512], strides = [1, 1]} : vector<4x512xf32> to vector<1x512xf32>
      %mul3A_1847 = arith.constant 4 : i32
      %mul3A_1848 = arith.muli %mul3A_1847, %scan3A_1648 : i32
      %add3A_1849 = arith.constant 1 : i32
      %add3A_1850 = arith.addi %mul3A_1848, %add3A_1849 : i32
      %swap3A_1851 = arith.index_cast %add3A_1850 : i32 to index
      %swap3A_1852 = arith.constant 0 : index
      %swap3A_1853 = vector.load %arg12[%swap3A_1851, %swap3A_1852] : memref<512x512xf32, #tpu.memory_space<vmem>>, vector<1x512xf32>
      tpu.vector_store %arg12[%swap3A_1851, %swap3A_1852], %slice3A_1846 {strides = array<i32>} : memref<512x512xf32, #tpu.memory_space<vmem>>, vector<1x512xf32>,
      %slice3A_1854 = vector.extract_strided_slice %select_n3A_1837 {offsets = [2, 0], sizes = [1, 512], strides = [1, 1]} : vector<4x512xf32> to vector<1x512xf32>
      %mul3A_1855 = arith.constant 4 : i32
      %mul3A_1856 = arith.muli %mul3A_1855, %scan3A_1648 : i32
      %add3A_1857 = arith.constant 2 : i32
      %add3A_1858 = arith.addi %mul3A_1856, %add3A_1857 : i32
      %swap3A_1859 = arith.index_cast %add3A_1858 : i32 to index
      %swap3A_1860 = arith.constant 0 : index
      %swap3A_1861 = vector.load %arg12[%swap3A_1859, %swap3A_1860] : memref<512x512xf32, #tpu.memory_space<vmem>>, vector<1x512xf32>
      tpu.vector_store %arg12[%swap3A_1859, %swap3A_1860], %slice3A_1854 {strides = array<i32>} : memref<512x512xf32, #tpu.memory_space<vmem>>, vector<1x512xf32>,
      %slice3A_1862 = vector.extract_strided_slice %select_n3A_1837 {offsets = [3, 0], sizes = [1, 512], strides = [1, 1]} : vector<4x512xf32> to vector<1x512xf32>
      %mul3A_1863 = arith.constant 4 : i32
      %mul3A_1864 = arith.muli %mul3A_1863, %scan3A_1648 : i32
      %add3A_1865 = arith.constant 3 : i32
      %add3A_1866 = arith.addi %mul3A_1864, %add3A_1865 : i32
      %swap3A_1867 = arith.index_cast %add3A_1866 : i32 to index
      %swap3A_1868 = arith.constant 0 : index
      %swap3A_1869 = vector.load %arg12[%swap3A_1867, %swap3A_1868] : memref<512x512xf32, #tpu.memory_space<vmem>>, vector<1x512xf32>
      tpu.vector_store %arg12[%swap3A_1867, %swap3A_1868], %slice3A_1862 {strides = array<i32>} : memref<512x512xf32, #tpu.memory_space<vmem>>, vector<1x512xf32>,
      %slice3A_1870 = vector.extract_strided_slice %concatenate3A_1784 {offsets = [0, 0], sizes = [4, 1], strides = [1, 1]} : vector<4x3xf32> to vector<4x1xf32>
      %eq3A_1871 = vector.broadcast %select_n3A_1196 : vector<1x64xi32> to vector<4x64xi32>
      %eq3A_1872 = vector.broadcast %iota3A_151 : vector<4x1xi32> to vector<4x64xi32>
      %eq3A_1873 = arith.cmpi eq, %eq3A_1871, %eq3A_1872 : vector<4x64xi32>
      %ge3A_1874 = vector.broadcast %convert_element_type3A_1174 : vector<1x64xf32> to vector<4x64xf32>
      %ge3A_1875 = vector.broadcast %slice3A_1870 : vector<4x1xf32> to vector<4x64xf32>
      %ge3A_1876 = arith.cmpf oge, %ge3A_1874, %ge3A_1875 : vector<4x64xf32>
      %and3A_1877 = arith.andi %eq3A_1873, %ge3A_1876 : vector<4x64xi1>
      %lt3A_1878 = vector.broadcast %scan3A_1648 : i32 to vector<1x64xi32>
      %lt3A_1879 = arith.cmpi slt, %add3A_1173, %lt3A_1878 : vector<1x64xi32>
      %and3A_1880 = vector.broadcast %lt3A_1879 : vector<1x64xi1> to vector<4x64xi1>
      %and3A_1881 = arith.andi %and3A_1877, %and3A_1880 : vector<4x64xi1>
      %jit3A_1882 = arith.constant 0xFF800000 : f32
      %broadcast_in_dim3A_1883 = vector.broadcast %jit3A_1882 : f32 to vector<4x64xf32>
      %select_n3A_1884 = arith.select %and3A_1881, %dot_general3A_1692, %broadcast_in_dim3A_1883 : vector<4x64xi1>, vector<4x64xf32>
      %reduce_max3A_1885 = arith.constant dense<0xFF800000> : vector<4xf32>
      %reduce_max3A_1886 = vector.multi_reduction <maximumf>, %select_n3A_1884, %reduce_max3A_1885 [1] : vector<4x64xf32> to vector<4xf32>
      %broadcast_in_dim3A_1887 = vector.shape_cast %reduce_max3A_1886 : vector<4xf32> to vector<4x1xf32>
      %sub3A_1888 = vector.broadcast %broadcast_in_dim3A_1887 : vector<4x1xf32> to vector<4x64xf32>
      %sub3A_1889 = arith.subf %dot_general3A_1692, %sub3A_1888 : vector<4x64xf32>
      %exp3A_1890 = math.exp %sub3A_1889 : vector<4x64xf32>
      %jit3A_1891 = arith.constant 0.000000e+00 : f32
      %broadcast_in_dim3A_1892 = vector.broadcast %jit3A_1891 : f32 to vector<4x64xf32>
      %select_n3A_1893 = arith.select %and3A_1881, %exp3A_1890, %broadcast_in_dim3A_1892 : vector<4x64xi1>, vector<4x64xf32>
      %reduce_sum3A_1894 = arith.constant dense<0.000000e+00> : vector<4xf32>
      %reduce_sum3A_1895 = vector.multi_reduction <add>, %select_n3A_1893, %reduce_sum3A_1894 [1] : vector<4x64xf32> to vector<4xf32>
      %broadcast_in_dim3A_1896 = vector.shape_cast %reduce_sum3A_1895 : vector<4xf32> to vector<4x1xf32>
      scf.yield %mul3A_1818, %select_n3A_1837, %broadcast_in_dim3A_1887, %broadcast_in_dim3A_1896, %select_n3A_1893, %concatenate3A_1784, %concatenate3A_1690 : vector<4x1xf32>, vector<4x512xf32>, vector<4x1xf32>, vector<4x1xf32>, vector<4x64xf32>, vector<4x3xf32>, vector<4x512xf32>
    }
    %scan3A_1234 = arith.constant 16 : i32
    %get3A_1235 = arith.constant 384 : index
    %get3A_1236 = arith.constant 0 : index
    %get3A_1237 = vector.load %arg1[%get3A_1235, %get3A_1236] : memref<512x1xf32, #tpu.memory_space<vmem>>, vector<64x1xf32>
    %get3A_1238 = arith.constant 0 : index
    %get3A_1239 = arith.constant 0 : index
    %get3A_1240 = vector.load %arg12[%get3A_1238, %get3A_1239] : memref<512x512xf32, #tpu.memory_space<vmem>>, vector<384x512xf32>
    %get3A_1241 = arith.constant 384 : index
    %get3A_1242 = arith.constant 0 : index
    %get3A_1243 = vector.load %arg14[%get3A_1241, %get3A_1242] : memref<512x512xf32, #tpu.memory_space<vmem>>, vector<64x512xf32>
    %dot_general3A_1244 = arith.constant dense<0.000000e+00> : vector<64x384xf32>
    %dot_general3A_1245 = tpu.matmul %get3A_1243, %get3A_1240, %dot_general3A_1244 {dimension_numbers = #tpu.dot_dimension_numbers<[1], [1], [0], [0], [0, 0, 1, 0], [], []>, transpose_lhs_hint = false} : vector<64x512xf32>, vector<384x512xf32>, vector<64x384xf32> -> vector<64x384xf32>
    %iota3A_1246 = tpu.iota {dimensions = array<i32: 1>} : vector<1x384xi32>
    %jit3A_1247 = arith.constant 4 : i32
    %eq3A_1248 = arith.constant 0 : i32
    %eq3A_1249 = arith.cmpi eq, %jit3A_1247, %eq3A_1248 : i32
    %jit3A_1250 = arith.constant 1 : i32
    %select_n3A_1251 = arith.select %eq3A_1249, %jit3A_1250, %jit3A_1247 : i32
    %rem3A_1252 = vector.broadcast %select_n3A_1251 : i32 to vector<1x384xi32>
    %rem3A_1253 = arith.remsi %iota3A_1246, %rem3A_1252 : vector<1x384xi32>
    %ne3A_1254 = arith.constant 0 : i32
    %ne3A_1255 = vector.broadcast %ne3A_1254 : i32 to vector<1x384xi32>
    %ne3A_1256 = arith.cmpi ne, %rem3A_1253, %ne3A_1255 : vector<1x384xi32>
    %lt3A_1257 = arith.constant 0 : i32
    %lt3A_1258 = vector.broadcast %lt3A_1257 : i32 to vector<1x384xi32>
    %lt3A_1259 = arith.cmpi slt, %rem3A_1253, %lt3A_1258 : vector<1x384xi32>
    %lt3A_1260 = arith.constant 0 : i32
    %lt3A_1261 = arith.cmpi slt, %select_n3A_1251, %lt3A_1260 : i32
    %ne3A_1262 = vector.broadcast %lt3A_1261 : i1 to vector<1x384xi1>
    %ne3A_1263 = vector.broadcast %ne3A_1262 : vector<1x384xi1> to vector<1x384xi1>
    %ne3A_1264 = arith.xori %lt3A_1259, %ne3A_1263 : vector<1x384xi1>
    %and3A_1265 = arith.andi %ne3A_1264, %ne3A_1256 : vector<1x384xi1>
    %add3A_1266 = vector.broadcast %select_n3A_1251 : i32 to vector<1x384xi32>
    %add3A_1267 = arith.addi %rem3A_1253, %add3A_1266 : vector<1x384xi32>
    %select_n3A_1268 = arith.select %and3A_1265, %add3A_1267, %rem3A_1253 : vector<1x384xi1>, vector<1x384xi32>
    %slice3A_1269 = vector.extract_strided_slice %select_n3A_74 {offsets = [384, 0], sizes = [64, 1], strides = [1, 1]} : vector<512x1xi32> to vector<64x1xi32>
    %eq3A_1270 = vector.broadcast %select_n3A_1268 : vector<1x384xi32> to vector<64x384xi32>
    %eq3A_1271 = vector.broadcast %slice3A_1269 : vector<64x1xi32> to vector<64x384xi32>
    %eq3A_1272 = arith.cmpi eq, %eq3A_1270, %eq3A_1271 : vector<64x384xi32>
    %jit3A_1273 = arith.constant 4 : i32
    %div3A_1274 = vector.broadcast %jit3A_1273 : i32 to vector<1x384xi32>
    %div3A_1275 = arith.divsi %iota3A_1246, %div3A_1274 : vector<1x384xi32>
    %sign3A_1276 = arith.constant 0 : i32
    %sign3A_1277 = vector.broadcast %sign3A_1276 : i32 to vector<1x384xi32>
    %sign3A_1278 = arith.cmpi sgt, %iota3A_1246, %sign3A_1277 : vector<1x384xi32>
    %sign3A_1279 = arith.extui %sign3A_1278 : vector<1x384xi1> to vector<1x384xi32>
    %sign3A_1280 = arith.constant 0 : i32
    %sign3A_1281 = vector.broadcast %sign3A_1280 : i32 to vector<1x384xi32>
    %sign3A_1282 = arith.cmpi slt, %iota3A_1246, %sign3A_1281 : vector<1x384xi32>
    %sign3A_1283 = arith.extui %sign3A_1282 : vector<1x384xi1> to vector<1x384xi32>
    %sign3A_1284 = arith.subi %sign3A_1279, %sign3A_1283 : vector<1x384xi32>
    %sign3A_1285 = arith.constant 0 : i32
    %sign3A_1286 = arith.cmpi sgt, %jit3A_1273, %sign3A_1285 : i32
    %sign3A_1287 = arith.extui %sign3A_1286 : i1 to i32
    %sign3A_1288 = arith.constant 0 : i32
    %sign3A_1289 = arith.cmpi slt, %jit3A_1273, %sign3A_1288 : i32
    %sign3A_1290 = arith.extui %sign3A_1289 : i1 to i32
    %sign3A_1291 = arith.subi %sign3A_1287, %sign3A_1290 : i32
    %ne3A_1292 = vector.broadcast %sign3A_1291 : i32 to vector<1x384xi32>
    %ne3A_1293 = arith.cmpi ne, %sign3A_1284, %ne3A_1292 : vector<1x384xi32>
    %rem3A_1294 = vector.broadcast %jit3A_1273 : i32 to vector<1x384xi32>
    %rem3A_1295 = arith.remsi %iota3A_1246, %rem3A_1294 : vector<1x384xi32>
    %ne3A_1296 = arith.constant 0 : i32
    %ne3A_1297 = vector.broadcast %ne3A_1296 : i32 to vector<1x384xi32>
    %ne3A_1298 = arith.cmpi ne, %rem3A_1295, %ne3A_1297 : vector<1x384xi32>
    %and3A_1299 = arith.andi %ne3A_1293, %ne3A_1298 : vector<1x384xi1>
    %sub3A_1300 = arith.constant 1 : i32
    %sub3A_1301 = vector.broadcast %sub3A_1300 : i32 to vector<1x384xi32>
    %sub3A_1302 = arith.subi %div3A_1275, %sub3A_1301 : vector<1x384xi32>
    %select_n3A_1303 = arith.select %and3A_1299, %sub3A_1302, %div3A_1275 : vector<1x384xi1>, vector<1x384xi32>
    %convert_element_type3A_1304 = arith.sitofp %select_n3A_1303 : vector<1x384xi32> to vector<1x384xf32>
    %ge3A_1305 = vector.broadcast %convert_element_type3A_1304 : vector<1x384xf32> to vector<64x384xf32>
    %ge3A_1306 = vector.broadcast %get3A_1237 : vector<64x1xf32> to vector<64x384xf32>
    %ge3A_1307 = arith.cmpf oge, %ge3A_1305, %ge3A_1306 : vector<64x384xf32>
    %and3A_1308 = arith.andi %eq3A_1272, %ge3A_1307 : vector<64x384xi1>
    %jit3A_1309 = arith.constant 0xFF800000 : f32
    %broadcast_in_dim3A_1310 = vector.broadcast %jit3A_1309 : f32 to vector<64x384xf32>
    %select_n3A_1311 = arith.select %and3A_1308, %dot_general3A_1245, %broadcast_in_dim3A_1310 : vector<64x384xi1>, vector<64x384xf32>
    %reduce_max3A_1312 = arith.constant dense<0xFF800000> : vector<64xf32>
    %reduce_max3A_1313 = vector.multi_reduction <maximumf>, %select_n3A_1311, %reduce_max3A_1312 [1] : vector<64x384xf32> to vector<64xf32>
    %broadcast_in_dim3A_1314 = vector.shape_cast %reduce_max3A_1313 : vector<64xf32> to vector<64x1xf32>
    %sub3A_1315 = vector.broadcast %broadcast_in_dim3A_1314 : vector<64x1xf32> to vector<64x384xf32>
    %sub3A_1316 = arith.subf %dot_general3A_1245, %sub3A_1315 : vector<64x384xf32>
    %exp3A_1317 = math.exp %sub3A_1316 : vector<64x384xf32>
    %jit3A_1318 = arith.constant 0.000000e+00 : f32
    %broadcast_in_dim3A_1319 = vector.broadcast %jit3A_1318 : f32 to vector<64x384xf32>
    %select_n3A_1320 = arith.select %and3A_1308, %exp3A_1317, %broadcast_in_dim3A_1319 : vector<64x384xi1>, vector<64x384xf32>
    %reduce_sum3A_1321 = arith.constant dense<0.000000e+00> : vector<64xf32>
    %reduce_sum3A_1322 = vector.multi_reduction <add>, %select_n3A_1320, %reduce_sum3A_1321 [1] : vector<64x384xf32> to vector<64xf32>
    %broadcast_in_dim3A_1323 = vector.shape_cast %reduce_sum3A_1322 : vector<64xf32> to vector<64x1xf32>
    %concatenate3A_1324 = tpu.concatenate %get3A_1237, %broadcast_in_dim3A_1314, %broadcast_in_dim3A_1323 in 1 : vector<64x1xf32>, vector<64x1xf32>, vector<64x1xf32> -> vector<64x3xf32>
    %swap3A_1325 = arith.constant 0 : index
    %swap3A_1326 = arith.constant 0 : index
    %swap3A_1327 = vector.load %arg16[%swap3A_1325, %swap3A_1326] : memref<64x3xf32, #tpu.memory_space<vmem>>, vector<64x3xf32>
    tpu.vector_store %arg16[%swap3A_1325, %swap3A_1326], %concatenate3A_1324 {strides = array<i32>} : memref<64x3xf32, #tpu.memory_space<vmem>>, vector<64x3xf32>,
    %dot_general3A_1328 = arith.constant dense<0.000000e+00> : vector<64x512xf32>
    %dot_general3A_1329 = tpu.matmul %select_n3A_1320, %get3A_1240, %dot_general3A_1328 {dimension_numbers = #tpu.dot_dimension_numbers<[1], [0], [0], [1], [0, 0, 1, 1], [], []>, transpose_lhs_hint = false} : vector<64x384xf32>, vector<384x512xf32>, vector<64x512xf32> -> vector<64x512xf32>
    %swap3A_1330 = arith.constant 0 : index
    %swap3A_1331 = arith.constant 0 : index
    %swap3A_1332 = vector.load %arg15[%swap3A_1330, %swap3A_1331] : memref<64x512xf32, #tpu.memory_space<vmem>>, vector<64x512xf32>
    tpu.vector_store %arg15[%swap3A_1330, %swap3A_1331], %dot_general3A_1329 {strides = array<i32>} : memref<64x512xf32, #tpu.memory_space<vmem>>, vector<64x512xf32>,
    %jit3A_1333 = arith.constant 4 : i32
    %div3A_1334 = vector.broadcast %jit3A_1333 : i32 to vector<1x64xi32>
    %div3A_1335 = arith.divsi %iota3A_150, %div3A_1334 : vector<1x64xi32>
    %sign3A_1336 = arith.constant 0 : i32
    %sign3A_1337 = vector.broadcast %sign3A_1336 : i32 to vector<1x64xi32>
    %sign3A_1338 = arith.cmpi sgt, %iota3A_150, %sign3A_1337 : vector<1x64xi32>
    %sign3A_1339 = arith.extui %sign3A_1338 : vector<1x64xi1> to vector<1x64xi32>
    %sign3A_1340 = arith.constant 0 : i32
    %sign3A_1341 = vector.broadcast %sign3A_1340 : i32 to vector<1x64xi32>
    %sign3A_1342 = arith.cmpi slt, %iota3A_150, %sign3A_1341 : vector<1x64xi32>
    %sign3A_1343 = arith.extui %sign3A_1342 : vector<1x64xi1> to vector<1x64xi32>
    %sign3A_1344 = arith.subi %sign3A_1339, %sign3A_1343 : vector<1x64xi32>
    %sign3A_1345 = arith.constant 0 : i32
    %sign3A_1346 = arith.cmpi sgt, %jit3A_1333, %sign3A_1345 : i32
    %sign3A_1347 = arith.extui %sign3A_1346 : i1 to i32
    %sign3A_1348 = arith.constant 0 : i32
    %sign3A_1349 = arith.cmpi slt, %jit3A_1333, %sign3A_1348 : i32
    %sign3A_1350 = arith.extui %sign3A_1349 : i1 to i32
    %sign3A_1351 = arith.subi %sign3A_1347, %sign3A_1350 : i32
    %ne3A_1352 = vector.broadcast %sign3A_1351 : i32 to vector<1x64xi32>
    %ne3A_1353 = arith.cmpi ne, %sign3A_1344, %ne3A_1352 : vector<1x64xi32>
    %rem3A_1354 = vector.broadcast %jit3A_1333 : i32 to vector<1x64xi32>
    %rem3A_1355 = arith.remsi %iota3A_150, %rem3A_1354 : vector<1x64xi32>
    %ne3A_1356 = arith.constant 0 : i32
    %ne3A_1357 = vector.broadcast %ne3A_1356 : i32 to vector<1x64xi32>
    %ne3A_1358 = arith.cmpi ne, %rem3A_1355, %ne3A_1357 : vector<1x64xi32>
    %and3A_1359 = arith.andi %ne3A_1353, %ne3A_1358 : vector<1x64xi1>
    %sub3A_1360 = arith.constant 1 : i32
    %sub3A_1361 = vector.broadcast %sub3A_1360 : i32 to vector<1x64xi32>
    %sub3A_1362 = arith.subi %div3A_1335, %sub3A_1361 : vector<1x64xi32>
    %select_n3A_1363 = arith.select %and3A_1359, %sub3A_1362, %div3A_1335 : vector<1x64xi1>, vector<1x64xi32>
    %add3A_1364 = arith.constant 96 : i32
    %add3A_1365 = vector.broadcast %add3A_1364 : i32 to vector<1x64xi32>
    %add3A_1366 = arith.addi %select_n3A_1363, %add3A_1365 : vector<1x64xi32>
    %convert_element_type3A_1367 = arith.sitofp %add3A_1366 : vector<1x64xi32> to vector<1x64xf32>
    %jit3A_1368 = arith.constant 4 : i32
    %eq3A_1369 = arith.constant 0 : i32
    %eq3A_1370 = arith.cmpi eq, %jit3A_1368, %eq3A_1369 : i32
    %jit3A_1371 = arith.constant 1 : i32
    %select_n3A_1372 = arith.select %eq3A_1370, %jit3A_1371, %jit3A_1368 : i32
    %rem3A_1373 = vector.broadcast %select_n3A_1372 : i32 to vector<1x64xi32>
    %rem3A_1374 = arith.remsi %iota3A_150, %rem3A_1373 : vector<1x64xi32>
    %ne3A_1375 = arith.constant 0 : i32
    %ne3A_1376 = vector.broadcast %ne3A_1375 : i32 to vector<1x64xi32>
    %ne3A_1377 = arith.cmpi ne, %rem3A_1374, %ne3A_1376 : vector<1x64xi32>
    %lt3A_1378 = arith.constant 0 : i32
    %lt3A_1379 = vector.broadcast %lt3A_1378 : i32 to vector<1x64xi32>
    %lt3A_1380 = arith.cmpi slt, %rem3A_1374, %lt3A_1379 : vector<1x64xi32>
    %lt3A_1381 = arith.constant 0 : i32
    %lt3A_1382 = arith.cmpi slt, %select_n3A_1372, %lt3A_1381 : i32
    %ne3A_1383 = vector.broadcast %lt3A_1382 : i1 to vector<1x64xi1>
    %ne3A_1384 = vector.broadcast %ne3A_1383 : vector<1x64xi1> to vector<1x64xi1>
    %ne3A_1385 = arith.xori %lt3A_1380, %ne3A_1384 : vector<1x64xi1>
    %and3A_1386 = arith.andi %ne3A_1385, %ne3A_1377 : vector<1x64xi1>
    %add3A_1387 = vector.broadcast %select_n3A_1372 : i32 to vector<1x64xi32>
    %add3A_1388 = arith.addi %rem3A_1374, %add3A_1387 : vector<1x64xi32>
    %select_n3A_1389 = arith.select %and3A_1386, %add3A_1388, %rem3A_1374 : vector<1x64xi1>, vector<1x64xi32>
    %broadcast_in_dim3A_1390 = arith.constant 0xFF800000 : f32
    %broadcast_in_dim3A_1391 = vector.broadcast %broadcast_in_dim3A_1390 : f32 to vector<4x1xf32>
    %broadcast_in_dim3A_1392 = arith.constant 0.000000e+00 : f32
    %broadcast_in_dim3A_1393 = vector.broadcast %broadcast_in_dim3A_1392 : f32 to vector<4x1xf32>
    %broadcast_in_dim3A_1394 = arith.constant 0.000000e+00 : f32
    %broadcast_in_dim3A_1395 = vector.broadcast %broadcast_in_dim3A_1394 : f32 to vector<4x64xf32>
    %get3A_1396 = arith.constant 0 : index
    %get3A_1397 = arith.constant 0 : index
    %get3A_1398 = vector.load %arg16[%get3A_1396, %get3A_1397] : memref<64x3xf32, #tpu.memory_space<vmem>>, vector<1x3xf32>
    %get3A_1399 = arith.constant 1 : index
    %get3A_1400 = arith.constant 0 : index
    %get3A_1401 = vector.load %arg16[%get3A_1399, %get3A_1400] : memref<64x3xf32, #tpu.memory_space<vmem>>, vector<1x3xf32>
    %get3A_1402 = arith.constant 2 : index
    %get3A_1403 = arith.constant 0 : index
    %get3A_1404 = vector.load %arg16[%get3A_1402, %get3A_1403] : memref<64x3xf32, #tpu.memory_space<vmem>>, vector<1x3xf32>
    %get3A_1405 = arith.constant 3 : index
    %get3A_1406 = arith.constant 0 : index
    %get3A_1407 = vector.load %arg16[%get3A_1405, %get3A_1406] : memref<64x3xf32, #tpu.memory_space<vmem>>, vector<1x3xf32>
    %concatenate3A_1408 = tpu.concatenate %get3A_1398, %get3A_1401, %get3A_1404, %get3A_1407 in 0 : vector<1x3xf32>, vector<1x3xf32>, vector<1x3xf32>, vector<1x3xf32> -> vector<4x3xf32>
    %get3A_1409 = arith.constant 384 : index
    %get3A_1410 = arith.constant 0 : index
    %get3A_1411 = vector.load %arg14[%get3A_1409, %get3A_1410] : memref<512x512xf32, #tpu.memory_space<vmem>>, vector<1x512xf32>
    %get3A_1412 = arith.constant 385 : index
    %get3A_1413 = arith.constant 0 : index
    %get3A_1414 = vector.load %arg14[%get3A_1412, %get3A_1413] : memref<512x512xf32, #tpu.memory_space<vmem>>, vector<1x512xf32>
    %get3A_1415 = arith.constant 386 : index
    %get3A_1416 = arith.constant 0 : index
    %get3A_1417 = vector.load %arg14[%get3A_1415, %get3A_1416] : memref<512x512xf32, #tpu.memory_space<vmem>>, vector<1x512xf32>
    %get3A_1418 = arith.constant 387 : index
    %get3A_1419 = arith.constant 0 : index
    %get3A_1420 = vector.load %arg14[%get3A_1418, %get3A_1419] : memref<512x512xf32, #tpu.memory_space<vmem>>, vector<1x512xf32>
    %concatenate3A_1421 = tpu.concatenate %get3A_1411, %get3A_1414, %get3A_1417, %get3A_1420 in 0 : vector<1x512xf32>, vector<1x512xf32>, vector<1x512xf32>, vector<1x512xf32> -> vector<4x512xf32>
    %scan3A_1422 = arith.constant 96 : i32
    %scan3A_1423 = arith.constant 16 : i32
    %scan3A_1424 = arith.addi %scan3A_1422, %scan3A_1423 : i32
    %scan3A_1425 = arith.constant 1 : i32
    %scan3A_1426:7 = scf.for %scan3A_1648 = %scan3A_1422 to %scan3A_1424 step %scan3A_1425 iter_args(%scan3A_1649 = %scan3A_1233#0, %scan3A_1650 = %scan3A_1233#1, %scan3A_1651 = %broadcast_in_dim3A_1391, %scan3A_1652 = %broadcast_in_dim3A_1393, %scan3A_1653 = %broadcast_in_dim3A_1395, %scan3A_1654 = %concatenate3A_1408, %scan3A_1655 = %concatenate3A_1421) -> (vector<4x1xf32>, vector<4x512xf32>, vector<4x1xf32>, vector<4x1xf32>, vector<4x64xf32>, vector<4x3xf32>, vector<4x512xf32>)  : i32 {
      %sub3A_1656 = arith.constant 96 : i32
      %sub3A_1657 = arith.subi %scan3A_1648, %sub3A_1656 : i32
      %mul3A_1658 = arith.constant 4 : i32
      %mul3A_1659 = arith.muli %sub3A_1657, %mul3A_1658 : i32
      %get3A_1660 = arith.constant 384 : index
      %get3A_1661 = arith.constant 0 : index
      %get3A_1662 = vector.load %arg12[%get3A_1660, %get3A_1661] : memref<512x512xf32, #tpu.memory_space<vmem>>, vector<64x512xf32>
      %dot_general3A_1663 = arith.constant dense<0.000000e+00> : vector<4x512xf32>
      %dot_general3A_1664 = tpu.matmul %scan3A_1653, %get3A_1662, %dot_general3A_1663 {dimension_numbers = #tpu.dot_dimension_numbers<[1], [0], [0], [1], [0, 0, 1, 1], [], []>, transpose_lhs_hint = false} : vector<4x64xf32>, vector<64x512xf32>, vector<4x512xf32> -> vector<4x512xf32>
      %add3A_1665 = arith.constant 1 : i32
      %add3A_1666 = arith.addi %scan3A_1648, %add3A_1665 : i32
      %min3A = arith.constant 127 : i32
      %min3A_1667 = arith.minsi %add3A_1666, %min3A : i32
      %mul3A_1668 = arith.constant 4 : i32
      %mul3A_1669 = arith.muli %mul3A_1668, %min3A_1667 : i32
      %add3A_1670 = arith.constant 0 : i32
      %add3A_1671 = arith.addi %mul3A_1669, %add3A_1670 : i32
      %get3A_1672 = arith.index_cast %add3A_1671 : i32 to index
      %get3A_1673 = arith.constant 0 : index
      %get3A_1674 = vector.load %arg14[%get3A_1672, %get3A_1673] : memref<512x512xf32, #tpu.memory_space<vmem>>, vector<1x512xf32>
      %add3A_1675 = arith.constant 1 : i32
      %add3A_1676 = arith.addi %mul3A_1669, %add3A_1675 : i32
      %get3A_1677 = arith.index_cast %add3A_1676 : i32 to index
      %get3A_1678 = arith.constant 0 : index
      %get3A_1679 = vector.load %arg14[%get3A_1677, %get3A_1678] : memref<512x512xf32, #tpu.memory_space<vmem>>, vector<1x512xf32>
      %add3A_1680 = arith.constant 2 : i32
      %add3A_1681 = arith.addi %mul3A_1669, %add3A_1680 : i32
      %get3A_1682 = arith.index_cast %add3A_1681 : i32 to index
      %get3A_1683 = arith.constant 0 : index
      %get3A_1684 = vector.load %arg14[%get3A_1682, %get3A_1683] : memref<512x512xf32, #tpu.memory_space<vmem>>, vector<1x512xf32>
      %add3A_1685 = arith.constant 3 : i32
      %add3A_1686 = arith.addi %mul3A_1669, %add3A_1685 : i32
      %get3A_1687 = arith.index_cast %add3A_1686 : i32 to index
      %get3A_1688 = arith.constant 0 : index
      %get3A_1689 = vector.load %arg14[%get3A_1687, %get3A_1688] : memref<512x512xf32, #tpu.memory_space<vmem>>, vector<1x512xf32>
      %concatenate3A_1690 = tpu.concatenate %get3A_1674, %get3A_1679, %get3A_1684, %get3A_1689 in 0 : vector<1x512xf32>, vector<1x512xf32>, vector<1x512xf32>, vector<1x512xf32> -> vector<4x512xf32>
      %dot_general3A_1691 = arith.constant dense<0.000000e+00> : vector<4x64xf32>
      %dot_general3A_1692 = tpu.matmul %concatenate3A_1690, %get3A_1662, %dot_general3A_1691 {dimension_numbers = #tpu.dot_dimension_numbers<[1], [1], [0], [0], [0, 0, 1, 0], [], []>, transpose_lhs_hint = false} : vector<4x512xf32>, vector<64x512xf32>, vector<4x64xf32> -> vector<4x64xf32>
      %add3A_1693 = arith.constant 0 : i32
      %add3A_1694 = arith.addi %mul3A_1659, %add3A_1693 : i32
      %get3A_1695 = arith.index_cast %add3A_1694 : i32 to index
      %get3A_1696 = arith.constant 0 : index
      %get3A_1697 = vector.load %arg15[%get3A_1695, %get3A_1696] : memref<64x512xf32, #tpu.memory_space<vmem>>, vector<1x512xf32>
      %add3A_1698 = arith.constant 1 : i32
      %add3A_1699 = arith.addi %mul3A_1659, %add3A_1698 : i32
      %get3A_1700 = arith.index_cast %add3A_1699 : i32 to index
      %get3A_1701 = arith.constant 0 : index
      %get3A_1702 = vector.load %arg15[%get3A_1700, %get3A_1701] : memref<64x512xf32, #tpu.memory_space<vmem>>, vector<1x512xf32>
      %add3A_1703 = arith.constant 2 : i32
      %add3A_1704 = arith.addi %mul3A_1659, %add3A_1703 : i32
      %get3A_1705 = arith.index_cast %add3A_1704 : i32 to index
      %get3A_1706 = arith.constant 0 : index
      %get3A_1707 = vector.load %arg15[%get3A_1705, %get3A_1706] : memref<64x512xf32, #tpu.memory_space<vmem>>, vector<1x512xf32>
      %add3A_1708 = arith.constant 3 : i32
      %add3A_1709 = arith.addi %mul3A_1659, %add3A_1708 : i32
      %get3A_1710 = arith.index_cast %add3A_1709 : i32 to index
      %get3A_1711 = arith.constant 0 : index
      %get3A_1712 = vector.load %arg15[%get3A_1710, %get3A_1711] : memref<64x512xf32, #tpu.memory_space<vmem>>, vector<1x512xf32>
      %concatenate3A_1713 = tpu.concatenate %get3A_1697, %get3A_1702, %get3A_1707, %get3A_1712 in 0 : vector<1x512xf32>, vector<1x512xf32>, vector<1x512xf32>, vector<1x512xf32> -> vector<4x512xf32>
      %mul3A_1714 = arith.constant 4 : i32
      %mul3A_1715 = arith.muli %mul3A_1714, %scan3A_1648 : i32
      %add3A_1716 = arith.constant 0 : i32
      %add3A_1717 = arith.addi %mul3A_1715, %add3A_1716 : i32
      %get3A_1718 = arith.index_cast %add3A_1717 : i32 to index
      %get3A_1719 = arith.constant 0 : index
      %get3A_1720 = vector.load %arg13[%get3A_1718, %get3A_1719] : memref<512x512xf32, #tpu.memory_space<vmem>>, vector<1x512xf32>
      %add3A_1721 = arith.constant 1 : i32
      %add3A_1722 = arith.addi %mul3A_1715, %add3A_1721 : i32
      %get3A_1723 = arith.index_cast %add3A_1722 : i32 to index
      %get3A_1724 = arith.constant 0 : index
      %get3A_1725 = vector.load %arg13[%get3A_1723, %get3A_1724] : memref<512x512xf32, #tpu.memory_space<vmem>>, vector<1x512xf32>
      %add3A_1726 = arith.constant 2 : i32
      %add3A_1727 = arith.addi %mul3A_1715, %add3A_1726 : i32
      %get3A_1728 = arith.index_cast %add3A_1727 : i32 to index
      %get3A_1729 = arith.constant 0 : index
      %get3A_1730 = vector.load %arg13[%get3A_1728, %get3A_1729] : memref<512x512xf32, #tpu.memory_space<vmem>>, vector<1x512xf32>
      %add3A_1731 = arith.constant 3 : i32
      %add3A_1732 = arith.addi %mul3A_1715, %add3A_1731 : i32
      %get3A_1733 = arith.index_cast %add3A_1732 : i32 to index
      %get3A_1734 = arith.constant 0 : index
      %get3A_1735 = vector.load %arg13[%get3A_1733, %get3A_1734] : memref<512x512xf32, #tpu.memory_space<vmem>>, vector<1x512xf32>
      %concatenate3A_1736 = tpu.concatenate %get3A_1720, %get3A_1725, %get3A_1730, %get3A_1735 in 0 : vector<1x512xf32>, vector<1x512xf32>, vector<1x512xf32>, vector<1x512xf32> -> vector<4x512xf32>
      %mul3A_1737 = arith.constant 4 : i32
      %mul3A_1738 = arith.muli %mul3A_1737, %scan3A_1648 : i32
      %add3A_1739 = arith.constant 0 : i32
      %add3A_1740 = arith.addi %mul3A_1738, %add3A_1739 : i32
      %get3A_1741 = arith.index_cast %add3A_1740 : i32 to index
      %get3A_1742 = arith.constant 0 : index
      %get3A_1743 = vector.load %arg3[%get3A_1741, %get3A_1742] : memref<512x1xf32, #tpu.memory_space<vmem>>, vector<1x1xf32>
      %add3A_1744 = arith.constant 1 : i32
      %add3A_1745 = arith.addi %mul3A_1738, %add3A_1744 : i32
      %get3A_1746 = arith.index_cast %add3A_1745 : i32 to index
      %get3A_1747 = arith.constant 0 : index
      %get3A_1748 = vector.load %arg3[%get3A_1746, %get3A_1747] : memref<512x1xf32, #tpu.memory_space<vmem>>, vector<1x1xf32>
      %add3A_1749 = arith.constant 2 : i32
      %add3A_1750 = arith.addi %mul3A_1738, %add3A_1749 : i32
      %get3A_1751 = arith.index_cast %add3A_1750 : i32 to index
      %get3A_1752 = arith.constant 0 : index
      %get3A_1753 = vector.load %arg3[%get3A_1751, %get3A_1752] : memref<512x1xf32, #tpu.memory_space<vmem>>, vector<1x1xf32>
      %add3A_1754 = arith.constant 3 : i32
      %add3A_1755 = arith.addi %mul3A_1738, %add3A_1754 : i32
      %get3A_1756 = arith.index_cast %add3A_1755 : i32 to index
      %get3A_1757 = arith.constant 0 : index
      %get3A_1758 = vector.load %arg3[%get3A_1756, %get3A_1757] : memref<512x1xf32, #tpu.memory_space<vmem>>, vector<1x1xf32>
      %concatenate3A_1759 = tpu.concatenate %get3A_1743, %get3A_1748, %get3A_1753, %get3A_1758 in 0 : vector<1x1xf32>, vector<1x1xf32>, vector<1x1xf32>, vector<1x1xf32> -> vector<4x1xf32>
      %add3A_1760 = arith.constant 4 : i32
      %add3A_1761 = arith.addi %mul3A_1659, %add3A_1760 : i32
      %min3A_1762 = arith.constant 60 : i32
      %min3A_1763 = arith.minsi %add3A_1761, %min3A_1762 : i32
      %add3A_1764 = arith.constant 0 : i32
      %add3A_1765 = arith.addi %min3A_1763, %add3A_1764 : i32
      %get3A_1766 = arith.index_cast %add3A_1765 : i32 to index
      %get3A_1767 = arith.constant 0 : index
      %get3A_1768 = vector.load %arg16[%get3A_1766, %get3A_1767] : memref<64x3xf32, #tpu.memory_space<vmem>>, vector<1x3xf32>
      %add3A_1769 = arith.constant 1 : i32
      %add3A_1770 = arith.addi %min3A_1763, %add3A_1769 : i32
      %get3A_1771 = arith.index_cast %add3A_1770 : i32 to index
      %get3A_1772 = arith.constant 0 : index
      %get3A_1773 = vector.load %arg16[%get3A_1771, %get3A_1772] : memref<64x3xf32, #tpu.memory_space<vmem>>, vector<1x3xf32>
      %add3A_1774 = arith.constant 2 : i32
      %add3A_1775 = arith.addi %min3A_1763, %add3A_1774 : i32
      %get3A_1776 = arith.index_cast %add3A_1775 : i32 to index
      %get3A_1777 = arith.constant 0 : index
      %get3A_1778 = vector.load %arg16[%get3A_1776, %get3A_1777] : memref<64x3xf32, #tpu.memory_space<vmem>>, vector<1x3xf32>
      %add3A_1779 = arith.constant 3 : i32
      %add3A_1780 = arith.addi %min3A_1763, %add3A_1779 : i32
      %get3A_1781 = arith.index_cast %add3A_1780 : i32 to index
      %get3A_1782 = arith.constant 0 : index
      %get3A_1783 = vector.load %arg16[%get3A_1781, %get3A_1782] : memref<64x3xf32, #tpu.memory_space<vmem>>, vector<1x3xf32>
      %concatenate3A_1784 = tpu.concatenate %get3A_1768, %get3A_1773, %get3A_1778, %get3A_1783 in 0 : vector<1x3xf32>, vector<1x3xf32>, vector<1x3xf32>, vector<1x3xf32> -> vector<4x3xf32>
      %slice3A_1785 = vector.extract_strided_slice %scan3A_1654 {offsets = [0, 0], sizes = [4, 1], strides = [1, 1]} : vector<4x3xf32> to vector<4x1xf32>
      %slice3A_1786 = vector.extract_strided_slice %scan3A_1654 {offsets = [0, 1], sizes = [4, 1], strides = [1, 1]} : vector<4x3xf32> to vector<4x1xf32>
      %slice3A_1787 = vector.extract_strided_slice %scan3A_1654 {offsets = [0, 2], sizes = [4, 1], strides = [1, 1]} : vector<4x3xf32> to vector<4x1xf32>
      %mul3A_1788 = arith.mulf %scan3A_1655, %scan3A_1650 : vector<4x512xf32>
      %reduce_sum3A_1789 = arith.constant dense<0.000000e+00> : vector<4xf32>
      %reduce_sum3A_1790 = vector.multi_reduction <add>, %mul3A_1788, %reduce_sum3A_1789 [1] : vector<4x512xf32> to vector<4xf32>
      %broadcast_in_dim3A_1791 = vector.shape_cast %reduce_sum3A_1790 : vector<4xf32> to vector<4x1xf32>
      %gt3A = arith.constant 96 : i32
      %gt3A_1792 = arith.cmpi sgt, %scan3A_1648, %gt3A : i32
      %jit3A_1793 = arith.constant 0xFF800000 : f32
      %broadcast_in_dim3A_1794 = vector.broadcast %jit3A_1793 : f32 to vector<4x1xf32>
      %select_n3A_1795 = arith.select %gt3A_1792, %broadcast_in_dim3A_1791, %broadcast_in_dim3A_1794 : vector<4x1xf32>
      %max3A_1796 = arith.maximumf %scan3A_1651, %select_n3A_1795 : vector<4x1xf32>
      %max3A_1797 = arith.maximumf %max3A_1796, %slice3A_1786 : vector<4x1xf32>
      %sub3A_1798 = arith.subf %slice3A_1786, %max3A_1797 : vector<4x1xf32>
      %exp3A_1799 = math.exp %sub3A_1798 : vector<4x1xf32>
      %sub3A_1800 = arith.subf %scan3A_1651, %max3A_1797 : vector<4x1xf32>
      %exp3A_1801 = math.exp %sub3A_1800 : vector<4x1xf32>
      %sub3A_1802 = arith.subf %select_n3A_1795, %max3A_1797 : vector<4x1xf32>
      %exp3A_1803 = math.exp %sub3A_1802 : vector<4x1xf32>
      %mul3A_1804 = vector.broadcast %exp3A_1799 : vector<4x1xf32> to vector<4x512xf32>
      %mul3A_1805 = arith.mulf %mul3A_1804, %concatenate3A_1713 : vector<4x512xf32>
      %mul3A_1806 = vector.broadcast %exp3A_1801 : vector<4x1xf32> to vector<4x512xf32>
      %mul3A_1807 = arith.mulf %mul3A_1806, %dot_general3A_1664 : vector<4x512xf32>
      %add3A_1808 = arith.addf %mul3A_1805, %mul3A_1807 : vector<4x512xf32>
      %mul3A_1809 = vector.broadcast %exp3A_1803 : vector<4x1xf32> to vector<4x512xf32>
      %mul3A_1810 = arith.mulf %mul3A_1809, %scan3A_1650 : vector<4x512xf32>
      %add3A_1811 = arith.addf %add3A_1808, %mul3A_1810 : vector<4x512xf32>
      %mul3A_1812 = arith.mulf %exp3A_1799, %slice3A_1787 : vector<4x1xf32>
      %mul3A_1813 = arith.mulf %exp3A_1801, %scan3A_1652 : vector<4x1xf32>
      %add3A_1814 = arith.addf %mul3A_1812, %mul3A_1813 : vector<4x1xf32>
      %add3A_1815 = arith.addf %add3A_1814, %exp3A_1803 : vector<4x1xf32>
      %div3A_1816 = vector.broadcast %add3A_1815 : vector<4x1xf32> to vector<4x512xf32>
      %div3A_1817 = arith.divf %add3A_1811, %div3A_1816 : vector<4x512xf32>
      %tanh3A = math.tanh %div3A_1817 : vector<4x512xf32>
      %mul3A_1818 = arith.mulf %scan3A_1649, %concatenate3A_1759 : vector<4x1xf32>
      %ge3A_1819 = arith.constant 0.000000e+00 : f32
      %ge3A_1820 = vector.broadcast %ge3A_1819 : f32 to vector<4x1xf32>
      %ge3A_1821 = arith.cmpf oge, %slice3A_1785, %ge3A_1820 : vector<4x1xf32>
      %broadcast_in_dim3A_1822 = vector.shape_cast %ge3A_1821 : vector<4x1xi1> to vector<4x1xi1>
      %broadcast_in_dim3A_1823 = vector.broadcast %broadcast_in_dim3A_1822 : vector<4x1xi1> to vector<4x512xi1>
      %select_n3A_1824 = arith.select %broadcast_in_dim3A_1823, %tanh3A, %concatenate3A_1736 : vector<4x512xi1>, vector<4x512xf32>
      %gt3A_1825 = arith.constant 0.000000e+00 : f32
      %gt3A_1826 = vector.broadcast %gt3A_1825 : f32 to vector<4x1xf32>
      %gt3A_1827 = arith.cmpf ogt, %mul3A_1818, %gt3A_1826 : vector<4x1xf32>
      %eq3A_1828 = vector.broadcast %scan3A_1648 : i32 to vector<4x1xi32>
      %eq3A_1829 = arith.cmpi eq, %broadcast_in_dim3A_89, %eq3A_1828 : vector<4x1xi32>
      %jit3A_1830 = arith.constant 0.000000e+00 : f32
      %broadcast_in_dim3A_1831 = vector.shape_cast %eq3A_1829 : vector<4x1xi1> to vector<4x1xi1>
      %broadcast_in_dim3A_1832 = vector.broadcast %broadcast_in_dim3A_1831 : vector<4x1xi1> to vector<4x512xi1>
      %broadcast_in_dim3A_1833 = vector.broadcast %jit3A_1830 : f32 to vector<4x512xf32>
      %select_n3A_1834 = arith.select %broadcast_in_dim3A_1832, %concatenate3A_1736, %broadcast_in_dim3A_1833 : vector<4x512xi1>, vector<4x512xf32>
      %broadcast_in_dim3A_1835 = vector.shape_cast %gt3A_1827 : vector<4x1xi1> to vector<4x1xi1>
      %broadcast_in_dim3A_1836 = vector.broadcast %broadcast_in_dim3A_1835 : vector<4x1xi1> to vector<4x512xi1>
      %select_n3A_1837 = arith.select %broadcast_in_dim3A_1836, %select_n3A_1824, %select_n3A_1834 : vector<4x512xi1>, vector<4x512xf32>
      %slice3A_1838 = vector.extract_strided_slice %select_n3A_1837 {offsets = [0, 0], sizes = [1, 512], strides = [1, 1]} : vector<4x512xf32> to vector<1x512xf32>
      %mul3A_1839 = arith.constant 4 : i32
      %mul3A_1840 = arith.muli %mul3A_1839, %scan3A_1648 : i32
      %add3A_1841 = arith.constant 0 : i32
      %add3A_1842 = arith.addi %mul3A_1840, %add3A_1841 : i32
      %swap3A_1843 = arith.index_cast %add3A_1842 : i32 to index
      %swap3A_1844 = arith.constant 0 : index
      %swap3A_1845 = vector.load %arg12[%swap3A_1843, %swap3A_1844] : memref<512x512xf32, #tpu.memory_space<vmem>>, vector<1x512xf32>
      tpu.vector_store %arg12[%swap3A_1843, %swap3A_1844], %slice3A_1838 {strides = array<i32>} : memref<512x512xf32, #tpu.memory_space<vmem>>, vector<1x512xf32>,
      %slice3A_1846 = vector.extract_strided_slice %select_n3A_1837 {offsets = [1, 0], sizes = [1, 512], strides = [1, 1]} : vector<4x512xf32> to vector<1x512xf32>
      %mul3A_1847 = arith.constant 4 : i32
      %mul3A_1848 = arith.muli %mul3A_1847, %scan3A_1648 : i32
      %add3A_1849 = arith.constant 1 : i32
      %add3A_1850 = arith.addi %mul3A_1848, %add3A_1849 : i32
      %swap3A_1851 = arith.index_cast %add3A_1850 : i32 to index
      %swap3A_1852 = arith.constant 0 : index
      %swap3A_1853 = vector.load %arg12[%swap3A_1851, %swap3A_1852] : memref<512x512xf32, #tpu.memory_space<vmem>>, vector<1x512xf32>
      tpu.vector_store %arg12[%swap3A_1851, %swap3A_1852], %slice3A_1846 {strides = array<i32>} : memref<512x512xf32, #tpu.memory_space<vmem>>, vector<1x512xf32>,
      %slice3A_1854 = vector.extract_strided_slice %select_n3A_1837 {offsets = [2, 0], sizes = [1, 512], strides = [1, 1]} : vector<4x512xf32> to vector<1x512xf32>
      %mul3A_1855 = arith.constant 4 : i32
      %mul3A_1856 = arith.muli %mul3A_1855, %scan3A_1648 : i32
      %add3A_1857 = arith.constant 2 : i32
      %add3A_1858 = arith.addi %mul3A_1856, %add3A_1857 : i32
      %swap3A_1859 = arith.index_cast %add3A_1858 : i32 to index
      %swap3A_1860 = arith.constant 0 : index
      %swap3A_1861 = vector.load %arg12[%swap3A_1859, %swap3A_1860] : memref<512x512xf32, #tpu.memory_space<vmem>>, vector<1x512xf32>
      tpu.vector_store %arg12[%swap3A_1859, %swap3A_1860], %slice3A_1854 {strides = array<i32>} : memref<512x512xf32, #tpu.memory_space<vmem>>, vector<1x512xf32>,
      %slice3A_1862 = vector.extract_strided_slice %select_n3A_1837 {offsets = [3, 0], sizes = [1, 512], strides = [1, 1]} : vector<4x512xf32> to vector<1x512xf32>
      %mul3A_1863 = arith.constant 4 : i32
      %mul3A_1864 = arith.muli %mul3A_1863, %scan3A_1648 : i32
      %add3A_1865 = arith.constant 3 : i32
      %add3A_1866 = arith.addi %mul3A_1864, %add3A_1865 : i32
      %swap3A_1867 = arith.index_cast %add3A_1866 : i32 to index
      %swap3A_1868 = arith.constant 0 : index
      %swap3A_1869 = vector.load %arg12[%swap3A_1867, %swap3A_1868] : memref<512x512xf32, #tpu.memory_space<vmem>>, vector<1x512xf32>
      tpu.vector_store %arg12[%swap3A_1867, %swap3A_1868], %slice3A_1862 {strides = array<i32>} : memref<512x512xf32, #tpu.memory_space<vmem>>, vector<1x512xf32>,
      %slice3A_1870 = vector.extract_strided_slice %concatenate3A_1784 {offsets = [0, 0], sizes = [4, 1], strides = [1, 1]} : vector<4x3xf32> to vector<4x1xf32>
      %eq3A_1871 = vector.broadcast %select_n3A_1389 : vector<1x64xi32> to vector<4x64xi32>
      %eq3A_1872 = vector.broadcast %iota3A_151 : vector<4x1xi32> to vector<4x64xi32>
      %eq3A_1873 = arith.cmpi eq, %eq3A_1871, %eq3A_1872 : vector<4x64xi32>
      %ge3A_1874 = vector.broadcast %convert_element_type3A_1367 : vector<1x64xf32> to vector<4x64xf32>
      %ge3A_1875 = vector.broadcast %slice3A_1870 : vector<4x1xf32> to vector<4x64xf32>
      %ge3A_1876 = arith.cmpf oge, %ge3A_1874, %ge3A_1875 : vector<4x64xf32>
      %and3A_1877 = arith.andi %eq3A_1873, %ge3A_1876 : vector<4x64xi1>
      %lt3A_1878 = vector.broadcast %scan3A_1648 : i32 to vector<1x64xi32>
      %lt3A_1879 = arith.cmpi slt, %add3A_1366, %lt3A_1878 : vector<1x64xi32>
      %and3A_1880 = vector.broadcast %lt3A_1879 : vector<1x64xi1> to vector<4x64xi1>
      %and3A_1881 = arith.andi %and3A_1877, %and3A_1880 : vector<4x64xi1>
      %jit3A_1882 = arith.constant 0xFF800000 : f32
      %broadcast_in_dim3A_1883 = vector.broadcast %jit3A_1882 : f32 to vector<4x64xf32>
      %select_n3A_1884 = arith.select %and3A_1881, %dot_general3A_1692, %broadcast_in_dim3A_1883 : vector<4x64xi1>, vector<4x64xf32>
      %reduce_max3A_1885 = arith.constant dense<0xFF800000> : vector<4xf32>
      %reduce_max3A_1886 = vector.multi_reduction <maximumf>, %select_n3A_1884, %reduce_max3A_1885 [1] : vector<4x64xf32> to vector<4xf32>
      %broadcast_in_dim3A_1887 = vector.shape_cast %reduce_max3A_1886 : vector<4xf32> to vector<4x1xf32>
      %sub3A_1888 = vector.broadcast %broadcast_in_dim3A_1887 : vector<4x1xf32> to vector<4x64xf32>
      %sub3A_1889 = arith.subf %dot_general3A_1692, %sub3A_1888 : vector<4x64xf32>
      %exp3A_1890 = math.exp %sub3A_1889 : vector<4x64xf32>
      %jit3A_1891 = arith.constant 0.000000e+00 : f32
      %broadcast_in_dim3A_1892 = vector.broadcast %jit3A_1891 : f32 to vector<4x64xf32>
      %select_n3A_1893 = arith.select %and3A_1881, %exp3A_1890, %broadcast_in_dim3A_1892 : vector<4x64xi1>, vector<4x64xf32>
      %reduce_sum3A_1894 = arith.constant dense<0.000000e+00> : vector<4xf32>
      %reduce_sum3A_1895 = vector.multi_reduction <add>, %select_n3A_1893, %reduce_sum3A_1894 [1] : vector<4x64xf32> to vector<4xf32>
      %broadcast_in_dim3A_1896 = vector.shape_cast %reduce_sum3A_1895 : vector<4xf32> to vector<4x1xf32>
      scf.yield %mul3A_1818, %select_n3A_1837, %broadcast_in_dim3A_1887, %broadcast_in_dim3A_1896, %select_n3A_1893, %concatenate3A_1784, %concatenate3A_1690 : vector<4x1xf32>, vector<4x512xf32>, vector<4x1xf32>, vector<4x1xf32>, vector<4x64xf32>, vector<4x3xf32>, vector<4x512xf32>
    }
    %scan3A_1427 = arith.constant 16 : i32
    %get3A_1428 = arith.constant 448 : index
    %get3A_1429 = arith.constant 0 : index
    %get3A_1430 = vector.load %arg1[%get3A_1428, %get3A_1429] : memref<512x1xf32, #tpu.memory_space<vmem>>, vector<64x1xf32>
    %get3A_1431 = arith.constant 0 : index
    %get3A_1432 = arith.constant 0 : index
    %get3A_1433 = vector.load %arg12[%get3A_1431, %get3A_1432] : memref<512x512xf32, #tpu.memory_space<vmem>>, vector<448x512xf32>
    %get3A_1434 = arith.constant 448 : index
    %get3A_1435 = arith.constant 0 : index
    %get3A_1436 = vector.load %arg14[%get3A_1434, %get3A_1435] : memref<512x512xf32, #tpu.memory_space<vmem>>, vector<64x512xf32>
    %dot_general3A_1437 = arith.constant dense<0.000000e+00> : vector<64x448xf32>
    %dot_general3A_1438 = tpu.matmul %get3A_1436, %get3A_1433, %dot_general3A_1437 {dimension_numbers = #tpu.dot_dimension_numbers<[1], [1], [0], [0], [0, 0, 1, 0], [], []>, transpose_lhs_hint = false} : vector<64x512xf32>, vector<448x512xf32>, vector<64x448xf32> -> vector<64x448xf32>
    %iota3A_1439 = tpu.iota {dimensions = array<i32: 1>} : vector<1x448xi32>
    %jit3A_1440 = arith.constant 4 : i32
    %eq3A_1441 = arith.constant 0 : i32
    %eq3A_1442 = arith.cmpi eq, %jit3A_1440, %eq3A_1441 : i32
    %jit3A_1443 = arith.constant 1 : i32
    %select_n3A_1444 = arith.select %eq3A_1442, %jit3A_1443, %jit3A_1440 : i32
    %rem3A_1445 = vector.broadcast %select_n3A_1444 : i32 to vector<1x448xi32>
    %rem3A_1446 = arith.remsi %iota3A_1439, %rem3A_1445 : vector<1x448xi32>
    %ne3A_1447 = arith.constant 0 : i32
    %ne3A_1448 = vector.broadcast %ne3A_1447 : i32 to vector<1x448xi32>
    %ne3A_1449 = arith.cmpi ne, %rem3A_1446, %ne3A_1448 : vector<1x448xi32>
    %lt3A_1450 = arith.constant 0 : i32
    %lt3A_1451 = vector.broadcast %lt3A_1450 : i32 to vector<1x448xi32>
    %lt3A_1452 = arith.cmpi slt, %rem3A_1446, %lt3A_1451 : vector<1x448xi32>
    %lt3A_1453 = arith.constant 0 : i32
    %lt3A_1454 = arith.cmpi slt, %select_n3A_1444, %lt3A_1453 : i32
    %ne3A_1455 = vector.broadcast %lt3A_1454 : i1 to vector<1x448xi1>
    %ne3A_1456 = vector.broadcast %ne3A_1455 : vector<1x448xi1> to vector<1x448xi1>
    %ne3A_1457 = arith.xori %lt3A_1452, %ne3A_1456 : vector<1x448xi1>
    %and3A_1458 = arith.andi %ne3A_1457, %ne3A_1449 : vector<1x448xi1>
    %add3A_1459 = vector.broadcast %select_n3A_1444 : i32 to vector<1x448xi32>
    %add3A_1460 = arith.addi %rem3A_1446, %add3A_1459 : vector<1x448xi32>
    %select_n3A_1461 = arith.select %and3A_1458, %add3A_1460, %rem3A_1446 : vector<1x448xi1>, vector<1x448xi32>
    %slice3A_1462 = vector.extract_strided_slice %select_n3A_74 {offsets = [448, 0], sizes = [64, 1], strides = [1, 1]} : vector<512x1xi32> to vector<64x1xi32>
    %eq3A_1463 = vector.broadcast %select_n3A_1461 : vector<1x448xi32> to vector<64x448xi32>
    %eq3A_1464 = vector.broadcast %slice3A_1462 : vector<64x1xi32> to vector<64x448xi32>
    %eq3A_1465 = arith.cmpi eq, %eq3A_1463, %eq3A_1464 : vector<64x448xi32>
    %jit3A_1466 = arith.constant 4 : i32
    %div3A_1467 = vector.broadcast %jit3A_1466 : i32 to vector<1x448xi32>
    %div3A_1468 = arith.divsi %iota3A_1439, %div3A_1467 : vector<1x448xi32>
    %sign3A_1469 = arith.constant 0 : i32
    %sign3A_1470 = vector.broadcast %sign3A_1469 : i32 to vector<1x448xi32>
    %sign3A_1471 = arith.cmpi sgt, %iota3A_1439, %sign3A_1470 : vector<1x448xi32>
    %sign3A_1472 = arith.extui %sign3A_1471 : vector<1x448xi1> to vector<1x448xi32>
    %sign3A_1473 = arith.constant 0 : i32
    %sign3A_1474 = vector.broadcast %sign3A_1473 : i32 to vector<1x448xi32>
    %sign3A_1475 = arith.cmpi slt, %iota3A_1439, %sign3A_1474 : vector<1x448xi32>
    %sign3A_1476 = arith.extui %sign3A_1475 : vector<1x448xi1> to vector<1x448xi32>
    %sign3A_1477 = arith.subi %sign3A_1472, %sign3A_1476 : vector<1x448xi32>
    %sign3A_1478 = arith.constant 0 : i32
    %sign3A_1479 = arith.cmpi sgt, %jit3A_1466, %sign3A_1478 : i32
    %sign3A_1480 = arith.extui %sign3A_1479 : i1 to i32
    %sign3A_1481 = arith.constant 0 : i32
    %sign3A_1482 = arith.cmpi slt, %jit3A_1466, %sign3A_1481 : i32
    %sign3A_1483 = arith.extui %sign3A_1482 : i1 to i32
    %sign3A_1484 = arith.subi %sign3A_1480, %sign3A_1483 : i32
    %ne3A_1485 = vector.broadcast %sign3A_1484 : i32 to vector<1x448xi32>
    %ne3A_1486 = arith.cmpi ne, %sign3A_1477, %ne3A_1485 : vector<1x448xi32>
    %rem3A_1487 = vector.broadcast %jit3A_1466 : i32 to vector<1x448xi32>
    %rem3A_1488 = arith.remsi %iota3A_1439, %rem3A_1487 : vector<1x448xi32>
    %ne3A_1489 = arith.constant 0 : i32
    %ne3A_1490 = vector.broadcast %ne3A_1489 : i32 to vector<1x448xi32>
    %ne3A_1491 = arith.cmpi ne, %rem3A_1488, %ne3A_1490 : vector<1x448xi32>
    %and3A_1492 = arith.andi %ne3A_1486, %ne3A_1491 : vector<1x448xi1>
    %sub3A_1493 = arith.constant 1 : i32
    %sub3A_1494 = vector.broadcast %sub3A_1493 : i32 to vector<1x448xi32>
    %sub3A_1495 = arith.subi %div3A_1468, %sub3A_1494 : vector<1x448xi32>
    %select_n3A_1496 = arith.select %and3A_1492, %sub3A_1495, %div3A_1468 : vector<1x448xi1>, vector<1x448xi32>
    %convert_element_type3A_1497 = arith.sitofp %select_n3A_1496 : vector<1x448xi32> to vector<1x448xf32>
    %ge3A_1498 = vector.broadcast %convert_element_type3A_1497 : vector<1x448xf32> to vector<64x448xf32>
    %ge3A_1499 = vector.broadcast %get3A_1430 : vector<64x1xf32> to vector<64x448xf32>
    %ge3A_1500 = arith.cmpf oge, %ge3A_1498, %ge3A_1499 : vector<64x448xf32>
    %and3A_1501 = arith.andi %eq3A_1465, %ge3A_1500 : vector<64x448xi1>
    %jit3A_1502 = arith.constant 0xFF800000 : f32
    %broadcast_in_dim3A_1503 = vector.broadcast %jit3A_1502 : f32 to vector<64x448xf32>
    %select_n3A_1504 = arith.select %and3A_1501, %dot_general3A_1438, %broadcast_in_dim3A_1503 : vector<64x448xi1>, vector<64x448xf32>
    %reduce_max3A_1505 = arith.constant dense<0xFF800000> : vector<64xf32>
    %reduce_max3A_1506 = vector.multi_reduction <maximumf>, %select_n3A_1504, %reduce_max3A_1505 [1] : vector<64x448xf32> to vector<64xf32>
    %broadcast_in_dim3A_1507 = vector.shape_cast %reduce_max3A_1506 : vector<64xf32> to vector<64x1xf32>
    %sub3A_1508 = vector.broadcast %broadcast_in_dim3A_1507 : vector<64x1xf32> to vector<64x448xf32>
    %sub3A_1509 = arith.subf %dot_general3A_1438, %sub3A_1508 : vector<64x448xf32>
    %exp3A_1510 = math.exp %sub3A_1509 : vector<64x448xf32>
    %jit3A_1511 = arith.constant 0.000000e+00 : f32
    %broadcast_in_dim3A_1512 = vector.broadcast %jit3A_1511 : f32 to vector<64x448xf32>
    %select_n3A_1513 = arith.select %and3A_1501, %exp3A_1510, %broadcast_in_dim3A_1512 : vector<64x448xi1>, vector<64x448xf32>
    %reduce_sum3A_1514 = arith.constant dense<0.000000e+00> : vector<64xf32>
    %reduce_sum3A_1515 = vector.multi_reduction <add>, %select_n3A_1513, %reduce_sum3A_1514 [1] : vector<64x448xf32> to vector<64xf32>
    %broadcast_in_dim3A_1516 = vector.shape_cast %reduce_sum3A_1515 : vector<64xf32> to vector<64x1xf32>
    %concatenate3A_1517 = tpu.concatenate %get3A_1430, %broadcast_in_dim3A_1507, %broadcast_in_dim3A_1516 in 1 : vector<64x1xf32>, vector<64x1xf32>, vector<64x1xf32> -> vector<64x3xf32>
    %swap3A_1518 = arith.constant 0 : index
    %swap3A_1519 = arith.constant 0 : index
    %swap3A_1520 = vector.load %arg16[%swap3A_1518, %swap3A_1519] : memref<64x3xf32, #tpu.memory_space<vmem>>, vector<64x3xf32>
    tpu.vector_store %arg16[%swap3A_1518, %swap3A_1519], %concatenate3A_1517 {strides = array<i32>} : memref<64x3xf32, #tpu.memory_space<vmem>>, vector<64x3xf32>,
    %dot_general3A_1521 = arith.constant dense<0.000000e+00> : vector<64x512xf32>
    %dot_general3A_1522 = tpu.matmul %select_n3A_1513, %get3A_1433, %dot_general3A_1521 {dimension_numbers = #tpu.dot_dimension_numbers<[1], [0], [0], [1], [0, 0, 1, 1], [], []>, transpose_lhs_hint = false} : vector<64x448xf32>, vector<448x512xf32>, vector<64x512xf32> -> vector<64x512xf32>
    %swap3A_1523 = arith.constant 0 : index
    %swap3A_1524 = arith.constant 0 : index
    %swap3A_1525 = vector.load %arg15[%swap3A_1523, %swap3A_1524] : memref<64x512xf32, #tpu.memory_space<vmem>>, vector<64x512xf32>
    tpu.vector_store %arg15[%swap3A_1523, %swap3A_1524], %dot_general3A_1522 {strides = array<i32>} : memref<64x512xf32, #tpu.memory_space<vmem>>, vector<64x512xf32>,
    %jit3A_1526 = arith.constant 4 : i32
    %div3A_1527 = vector.broadcast %jit3A_1526 : i32 to vector<1x64xi32>
    %div3A_1528 = arith.divsi %iota3A_150, %div3A_1527 : vector<1x64xi32>
    %sign3A_1529 = arith.constant 0 : i32
    %sign3A_1530 = vector.broadcast %sign3A_1529 : i32 to vector<1x64xi32>
    %sign3A_1531 = arith.cmpi sgt, %iota3A_150, %sign3A_1530 : vector<1x64xi32>
    %sign3A_1532 = arith.extui %sign3A_1531 : vector<1x64xi1> to vector<1x64xi32>
    %sign3A_1533 = arith.constant 0 : i32
    %sign3A_1534 = vector.broadcast %sign3A_1533 : i32 to vector<1x64xi32>
    %sign3A_1535 = arith.cmpi slt, %iota3A_150, %sign3A_1534 : vector<1x64xi32>
    %sign3A_1536 = arith.extui %sign3A_1535 : vector<1x64xi1> to vector<1x64xi32>
    %sign3A_1537 = arith.subi %sign3A_1532, %sign3A_1536 : vector<1x64xi32>
    %sign3A_1538 = arith.constant 0 : i32
    %sign3A_1539 = arith.cmpi sgt, %jit3A_1526, %sign3A_1538 : i32
    %sign3A_1540 = arith.extui %sign3A_1539 : i1 to i32
    %sign3A_1541 = arith.constant 0 : i32
    %sign3A_1542 = arith.cmpi slt, %jit3A_1526, %sign3A_1541 : i32
    %sign3A_1543 = arith.extui %sign3A_1542 : i1 to i32
    %sign3A_1544 = arith.subi %sign3A_1540, %sign3A_1543 : i32
    %ne3A_1545 = vector.broadcast %sign3A_1544 : i32 to vector<1x64xi32>
    %ne3A_1546 = arith.cmpi ne, %sign3A_1537, %ne3A_1545 : vector<1x64xi32>
    %rem3A_1547 = vector.broadcast %jit3A_1526 : i32 to vector<1x64xi32>
    %rem3A_1548 = arith.remsi %iota3A_150, %rem3A_1547 : vector<1x64xi32>
    %ne3A_1549 = arith.constant 0 : i32
    %ne3A_1550 = vector.broadcast %ne3A_1549 : i32 to vector<1x64xi32>
    %ne3A_1551 = arith.cmpi ne, %rem3A_1548, %ne3A_1550 : vector<1x64xi32>
    %and3A_1552 = arith.andi %ne3A_1546, %ne3A_1551 : vector<1x64xi1>
    %sub3A_1553 = arith.constant 1 : i32
    %sub3A_1554 = vector.broadcast %sub3A_1553 : i32 to vector<1x64xi32>
    %sub3A_1555 = arith.subi %div3A_1528, %sub3A_1554 : vector<1x64xi32>
    %select_n3A_1556 = arith.select %and3A_1552, %sub3A_1555, %div3A_1528 : vector<1x64xi1>, vector<1x64xi32>
    %add3A_1557 = arith.constant 112 : i32
    %add3A_1558 = vector.broadcast %add3A_1557 : i32 to vector<1x64xi32>
    %add3A_1559 = arith.addi %select_n3A_1556, %add3A_1558 : vector<1x64xi32>
    %convert_element_type3A_1560 = arith.sitofp %add3A_1559 : vector<1x64xi32> to vector<1x64xf32>
    %jit3A_1561 = arith.constant 4 : i32
    %eq3A_1562 = arith.constant 0 : i32
    %eq3A_1563 = arith.cmpi eq, %jit3A_1561, %eq3A_1562 : i32
    %jit3A_1564 = arith.constant 1 : i32
    %select_n3A_1565 = arith.select %eq3A_1563, %jit3A_1564, %jit3A_1561 : i32
    %rem3A_1566 = vector.broadcast %select_n3A_1565 : i32 to vector<1x64xi32>
    %rem3A_1567 = arith.remsi %iota3A_150, %rem3A_1566 : vector<1x64xi32>
    %ne3A_1568 = arith.constant 0 : i32
    %ne3A_1569 = vector.broadcast %ne3A_1568 : i32 to vector<1x64xi32>
    %ne3A_1570 = arith.cmpi ne, %rem3A_1567, %ne3A_1569 : vector<1x64xi32>
    %lt3A_1571 = arith.constant 0 : i32
    %lt3A_1572 = vector.broadcast %lt3A_1571 : i32 to vector<1x64xi32>
    %lt3A_1573 = arith.cmpi slt, %rem3A_1567, %lt3A_1572 : vector<1x64xi32>
    %lt3A_1574 = arith.constant 0 : i32
    %lt3A_1575 = arith.cmpi slt, %select_n3A_1565, %lt3A_1574 : i32
    %ne3A_1576 = vector.broadcast %lt3A_1575 : i1 to vector<1x64xi1>
    %ne3A_1577 = vector.broadcast %ne3A_1576 : vector<1x64xi1> to vector<1x64xi1>
    %ne3A_1578 = arith.xori %lt3A_1573, %ne3A_1577 : vector<1x64xi1>
    %and3A_1579 = arith.andi %ne3A_1578, %ne3A_1570 : vector<1x64xi1>
    %add3A_1580 = vector.broadcast %select_n3A_1565 : i32 to vector<1x64xi32>
    %add3A_1581 = arith.addi %rem3A_1567, %add3A_1580 : vector<1x64xi32>
    %select_n3A_1582 = arith.select %and3A_1579, %add3A_1581, %rem3A_1567 : vector<1x64xi1>, vector<1x64xi32>
    %broadcast_in_dim3A_1583 = arith.constant 0xFF800000 : f32
    %broadcast_in_dim3A_1584 = vector.broadcast %broadcast_in_dim3A_1583 : f32 to vector<4x1xf32>
    %broadcast_in_dim3A_1585 = arith.constant 0.000000e+00 : f32
    %broadcast_in_dim3A_1586 = vector.broadcast %broadcast_in_dim3A_1585 : f32 to vector<4x1xf32>
    %broadcast_in_dim3A_1587 = arith.constant 0.000000e+00 : f32
    %broadcast_in_dim3A_1588 = vector.broadcast %broadcast_in_dim3A_1587 : f32 to vector<4x64xf32>
    %get3A_1589 = arith.constant 0 : index
    %get3A_1590 = arith.constant 0 : index
    %get3A_1591 = vector.load %arg16[%get3A_1589, %get3A_1590] : memref<64x3xf32, #tpu.memory_space<vmem>>, vector<1x3xf32>
    %get3A_1592 = arith.constant 1 : index
    %get3A_1593 = arith.constant 0 : index
    %get3A_1594 = vector.load %arg16[%get3A_1592, %get3A_1593] : memref<64x3xf32, #tpu.memory_space<vmem>>, vector<1x3xf32>
    %get3A_1595 = arith.constant 2 : index
    %get3A_1596 = arith.constant 0 : index
    %get3A_1597 = vector.load %arg16[%get3A_1595, %get3A_1596] : memref<64x3xf32, #tpu.memory_space<vmem>>, vector<1x3xf32>
    %get3A_1598 = arith.constant 3 : index
    %get3A_1599 = arith.constant 0 : index
    %get3A_1600 = vector.load %arg16[%get3A_1598, %get3A_1599] : memref<64x3xf32, #tpu.memory_space<vmem>>, vector<1x3xf32>
    %concatenate3A_1601 = tpu.concatenate %get3A_1591, %get3A_1594, %get3A_1597, %get3A_1600 in 0 : vector<1x3xf32>, vector<1x3xf32>, vector<1x3xf32>, vector<1x3xf32> -> vector<4x3xf32>
    %get3A_1602 = arith.constant 448 : index
    %get3A_1603 = arith.constant 0 : index
    %get3A_1604 = vector.load %arg14[%get3A_1602, %get3A_1603] : memref<512x512xf32, #tpu.memory_space<vmem>>, vector<1x512xf32>
    %get3A_1605 = arith.constant 449 : index
    %get3A_1606 = arith.constant 0 : index
    %get3A_1607 = vector.load %arg14[%get3A_1605, %get3A_1606] : memref<512x512xf32, #tpu.memory_space<vmem>>, vector<1x512xf32>
    %get3A_1608 = arith.constant 450 : index
    %get3A_1609 = arith.constant 0 : index
    %get3A_1610 = vector.load %arg14[%get3A_1608, %get3A_1609] : memref<512x512xf32, #tpu.memory_space<vmem>>, vector<1x512xf32>
    %get3A_1611 = arith.constant 451 : index
    %get3A_1612 = arith.constant 0 : index
    %get3A_1613 = vector.load %arg14[%get3A_1611, %get3A_1612] : memref<512x512xf32, #tpu.memory_space<vmem>>, vector<1x512xf32>
    %concatenate3A_1614 = tpu.concatenate %get3A_1604, %get3A_1607, %get3A_1610, %get3A_1613 in 0 : vector<1x512xf32>, vector<1x512xf32>, vector<1x512xf32>, vector<1x512xf32> -> vector<4x512xf32>
    %scan3A_1615 = arith.constant 112 : i32
    %scan3A_1616 = arith.constant 16 : i32
    %scan3A_1617 = arith.addi %scan3A_1615, %scan3A_1616 : i32
    %scan3A_1618 = arith.constant 1 : i32
    %scan3A_1619:7 = scf.for %scan3A_1648 = %scan3A_1615 to %scan3A_1617 step %scan3A_1618 iter_args(%scan3A_1649 = %scan3A_1426#0, %scan3A_1650 = %scan3A_1426#1, %scan3A_1651 = %broadcast_in_dim3A_1584, %scan3A_1652 = %broadcast_in_dim3A_1586, %scan3A_1653 = %broadcast_in_dim3A_1588, %scan3A_1654 = %concatenate3A_1601, %scan3A_1655 = %concatenate3A_1614) -> (vector<4x1xf32>, vector<4x512xf32>, vector<4x1xf32>, vector<4x1xf32>, vector<4x64xf32>, vector<4x3xf32>, vector<4x512xf32>)  : i32 {
      %sub3A_1656 = arith.constant 112 : i32
      %sub3A_1657 = arith.subi %scan3A_1648, %sub3A_1656 : i32
      %mul3A_1658 = arith.constant 4 : i32
      %mul3A_1659 = arith.muli %sub3A_1657, %mul3A_1658 : i32
      %get3A_1660 = arith.constant 448 : index
      %get3A_1661 = arith.constant 0 : index
      %get3A_1662 = vector.load %arg12[%get3A_1660, %get3A_1661] : memref<512x512xf32, #tpu.memory_space<vmem>>, vector<64x512xf32>
      %dot_general3A_1663 = arith.constant dense<0.000000e+00> : vector<4x512xf32>
      %dot_general3A_1664 = tpu.matmul %scan3A_1653, %get3A_1662, %dot_general3A_1663 {dimension_numbers = #tpu.dot_dimension_numbers<[1], [0], [0], [1], [0, 0, 1, 1], [], []>, transpose_lhs_hint = false} : vector<4x64xf32>, vector<64x512xf32>, vector<4x512xf32> -> vector<4x512xf32>
      %add3A_1665 = arith.constant 1 : i32
      %add3A_1666 = arith.addi %scan3A_1648, %add3A_1665 : i32
      %min3A = arith.constant 127 : i32
      %min3A_1667 = arith.minsi %add3A_1666, %min3A : i32
      %mul3A_1668 = arith.constant 4 : i32
      %mul3A_1669 = arith.muli %mul3A_1668, %min3A_1667 : i32
      %add3A_1670 = arith.constant 0 : i32
      %add3A_1671 = arith.addi %mul3A_1669, %add3A_1670 : i32
      %get3A_1672 = arith.index_cast %add3A_1671 : i32 to index
      %get3A_1673 = arith.constant 0 : index
      %get3A_1674 = vector.load %arg14[%get3A_1672, %get3A_1673] : memref<512x512xf32, #tpu.memory_space<vmem>>, vector<1x512xf32>
      %add3A_1675 = arith.constant 1 : i32
      %add3A_1676 = arith.addi %mul3A_1669, %add3A_1675 : i32
      %get3A_1677 = arith.index_cast %add3A_1676 : i32 to index
      %get3A_1678 = arith.constant 0 : index
      %get3A_1679 = vector.load %arg14[%get3A_1677, %get3A_1678] : memref<512x512xf32, #tpu.memory_space<vmem>>, vector<1x512xf32>
      %add3A_1680 = arith.constant 2 : i32
      %add3A_1681 = arith.addi %mul3A_1669, %add3A_1680 : i32
      %get3A_1682 = arith.index_cast %add3A_1681 : i32 to index
      %get3A_1683 = arith.constant 0 : index
      %get3A_1684 = vector.load %arg14[%get3A_1682, %get3A_1683] : memref<512x512xf32, #tpu.memory_space<vmem>>, vector<1x512xf32>
      %add3A_1685 = arith.constant 3 : i32
      %add3A_1686 = arith.addi %mul3A_1669, %add3A_1685 : i32
      %get3A_1687 = arith.index_cast %add3A_1686 : i32 to index
      %get3A_1688 = arith.constant 0 : index
      %get3A_1689 = vector.load %arg14[%get3A_1687, %get3A_1688] : memref<512x512xf32, #tpu.memory_space<vmem>>, vector<1x512xf32>
      %concatenate3A_1690 = tpu.concatenate %get3A_1674, %get3A_1679, %get3A_1684, %get3A_1689 in 0 : vector<1x512xf32>, vector<1x512xf32>, vector<1x512xf32>, vector<1x512xf32> -> vector<4x512xf32>
      %dot_general3A_1691 = arith.constant dense<0.000000e+00> : vector<4x64xf32>
      %dot_general3A_1692 = tpu.matmul %concatenate3A_1690, %get3A_1662, %dot_general3A_1691 {dimension_numbers = #tpu.dot_dimension_numbers<[1], [1], [0], [0], [0, 0, 1, 0], [], []>, transpose_lhs_hint = false} : vector<4x512xf32>, vector<64x512xf32>, vector<4x64xf32> -> vector<4x64xf32>
      %add3A_1693 = arith.constant 0 : i32
      %add3A_1694 = arith.addi %mul3A_1659, %add3A_1693 : i32
      %get3A_1695 = arith.index_cast %add3A_1694 : i32 to index
      %get3A_1696 = arith.constant 0 : index
      %get3A_1697 = vector.load %arg15[%get3A_1695, %get3A_1696] : memref<64x512xf32, #tpu.memory_space<vmem>>, vector<1x512xf32>
      %add3A_1698 = arith.constant 1 : i32
      %add3A_1699 = arith.addi %mul3A_1659, %add3A_1698 : i32
      %get3A_1700 = arith.index_cast %add3A_1699 : i32 to index
      %get3A_1701 = arith.constant 0 : index
      %get3A_1702 = vector.load %arg15[%get3A_1700, %get3A_1701] : memref<64x512xf32, #tpu.memory_space<vmem>>, vector<1x512xf32>
      %add3A_1703 = arith.constant 2 : i32
      %add3A_1704 = arith.addi %mul3A_1659, %add3A_1703 : i32
      %get3A_1705 = arith.index_cast %add3A_1704 : i32 to index
      %get3A_1706 = arith.constant 0 : index
      %get3A_1707 = vector.load %arg15[%get3A_1705, %get3A_1706] : memref<64x512xf32, #tpu.memory_space<vmem>>, vector<1x512xf32>
      %add3A_1708 = arith.constant 3 : i32
      %add3A_1709 = arith.addi %mul3A_1659, %add3A_1708 : i32
      %get3A_1710 = arith.index_cast %add3A_1709 : i32 to index
      %get3A_1711 = arith.constant 0 : index
      %get3A_1712 = vector.load %arg15[%get3A_1710, %get3A_1711] : memref<64x512xf32, #tpu.memory_space<vmem>>, vector<1x512xf32>
      %concatenate3A_1713 = tpu.concatenate %get3A_1697, %get3A_1702, %get3A_1707, %get3A_1712 in 0 : vector<1x512xf32>, vector<1x512xf32>, vector<1x512xf32>, vector<1x512xf32> -> vector<4x512xf32>
      %mul3A_1714 = arith.constant 4 : i32
      %mul3A_1715 = arith.muli %mul3A_1714, %scan3A_1648 : i32
      %add3A_1716 = arith.constant 0 : i32
      %add3A_1717 = arith.addi %mul3A_1715, %add3A_1716 : i32
      %get3A_1718 = arith.index_cast %add3A_1717 : i32 to index
      %get3A_1719 = arith.constant 0 : index
      %get3A_1720 = vector.load %arg13[%get3A_1718, %get3A_1719] : memref<512x512xf32, #tpu.memory_space<vmem>>, vector<1x512xf32>
      %add3A_1721 = arith.constant 1 : i32
      %add3A_1722 = arith.addi %mul3A_1715, %add3A_1721 : i32
      %get3A_1723 = arith.index_cast %add3A_1722 : i32 to index
      %get3A_1724 = arith.constant 0 : index
      %get3A_1725 = vector.load %arg13[%get3A_1723, %get3A_1724] : memref<512x512xf32, #tpu.memory_space<vmem>>, vector<1x512xf32>
      %add3A_1726 = arith.constant 2 : i32
      %add3A_1727 = arith.addi %mul3A_1715, %add3A_1726 : i32
      %get3A_1728 = arith.index_cast %add3A_1727 : i32 to index
      %get3A_1729 = arith.constant 0 : index
      %get3A_1730 = vector.load %arg13[%get3A_1728, %get3A_1729] : memref<512x512xf32, #tpu.memory_space<vmem>>, vector<1x512xf32>
      %add3A_1731 = arith.constant 3 : i32
      %add3A_1732 = arith.addi %mul3A_1715, %add3A_1731 : i32
      %get3A_1733 = arith.index_cast %add3A_1732 : i32 to index
      %get3A_1734 = arith.constant 0 : index
      %get3A_1735 = vector.load %arg13[%get3A_1733, %get3A_1734] : memref<512x512xf32, #tpu.memory_space<vmem>>, vector<1x512xf32>
      %concatenate3A_1736 = tpu.concatenate %get3A_1720, %get3A_1725, %get3A_1730, %get3A_1735 in 0 : vector<1x512xf32>, vector<1x512xf32>, vector<1x512xf32>, vector<1x512xf32> -> vector<4x512xf32>
      %mul3A_1737 = arith.constant 4 : i32
      %mul3A_1738 = arith.muli %mul3A_1737, %scan3A_1648 : i32
      %add3A_1739 = arith.constant 0 : i32
      %add3A_1740 = arith.addi %mul3A_1738, %add3A_1739 : i32
      %get3A_1741 = arith.index_cast %add3A_1740 : i32 to index
      %get3A_1742 = arith.constant 0 : index
      %get3A_1743 = vector.load %arg3[%get3A_1741, %get3A_1742] : memref<512x1xf32, #tpu.memory_space<vmem>>, vector<1x1xf32>
      %add3A_1744 = arith.constant 1 : i32
      %add3A_1745 = arith.addi %mul3A_1738, %add3A_1744 : i32
      %get3A_1746 = arith.index_cast %add3A_1745 : i32 to index
      %get3A_1747 = arith.constant 0 : index
      %get3A_1748 = vector.load %arg3[%get3A_1746, %get3A_1747] : memref<512x1xf32, #tpu.memory_space<vmem>>, vector<1x1xf32>
      %add3A_1749 = arith.constant 2 : i32
      %add3A_1750 = arith.addi %mul3A_1738, %add3A_1749 : i32
      %get3A_1751 = arith.index_cast %add3A_1750 : i32 to index
      %get3A_1752 = arith.constant 0 : index
      %get3A_1753 = vector.load %arg3[%get3A_1751, %get3A_1752] : memref<512x1xf32, #tpu.memory_space<vmem>>, vector<1x1xf32>
      %add3A_1754 = arith.constant 3 : i32
      %add3A_1755 = arith.addi %mul3A_1738, %add3A_1754 : i32
      %get3A_1756 = arith.index_cast %add3A_1755 : i32 to index
      %get3A_1757 = arith.constant 0 : index
      %get3A_1758 = vector.load %arg3[%get3A_1756, %get3A_1757] : memref<512x1xf32, #tpu.memory_space<vmem>>, vector<1x1xf32>
      %concatenate3A_1759 = tpu.concatenate %get3A_1743, %get3A_1748, %get3A_1753, %get3A_1758 in 0 : vector<1x1xf32>, vector<1x1xf32>, vector<1x1xf32>, vector<1x1xf32> -> vector<4x1xf32>
      %add3A_1760 = arith.constant 4 : i32
      %add3A_1761 = arith.addi %mul3A_1659, %add3A_1760 : i32
      %min3A_1762 = arith.constant 60 : i32
      %min3A_1763 = arith.minsi %add3A_1761, %min3A_1762 : i32
      %add3A_1764 = arith.constant 0 : i32
      %add3A_1765 = arith.addi %min3A_1763, %add3A_1764 : i32
      %get3A_1766 = arith.index_cast %add3A_1765 : i32 to index
      %get3A_1767 = arith.constant 0 : index
      %get3A_1768 = vector.load %arg16[%get3A_1766, %get3A_1767] : memref<64x3xf32, #tpu.memory_space<vmem>>, vector<1x3xf32>
      %add3A_1769 = arith.constant 1 : i32
      %add3A_1770 = arith.addi %min3A_1763, %add3A_1769 : i32
      %get3A_1771 = arith.index_cast %add3A_1770 : i32 to index
      %get3A_1772 = arith.constant 0 : index
      %get3A_1773 = vector.load %arg16[%get3A_1771, %get3A_1772] : memref<64x3xf32, #tpu.memory_space<vmem>>, vector<1x3xf32>
      %add3A_1774 = arith.constant 2 : i32
      %add3A_1775 = arith.addi %min3A_1763, %add3A_1774 : i32
      %get3A_1776 = arith.index_cast %add3A_1775 : i32 to index
      %get3A_1777 = arith.constant 0 : index
      %get3A_1778 = vector.load %arg16[%get3A_1776, %get3A_1777] : memref<64x3xf32, #tpu.memory_space<vmem>>, vector<1x3xf32>
      %add3A_1779 = arith.constant 3 : i32
      %add3A_1780 = arith.addi %min3A_1763, %add3A_1779 : i32
      %get3A_1781 = arith.index_cast %add3A_1780 : i32 to index
      %get3A_1782 = arith.constant 0 : index
      %get3A_1783 = vector.load %arg16[%get3A_1781, %get3A_1782] : memref<64x3xf32, #tpu.memory_space<vmem>>, vector<1x3xf32>
      %concatenate3A_1784 = tpu.concatenate %get3A_1768, %get3A_1773, %get3A_1778, %get3A_1783 in 0 : vector<1x3xf32>, vector<1x3xf32>, vector<1x3xf32>, vector<1x3xf32> -> vector<4x3xf32>
      %slice3A_1785 = vector.extract_strided_slice %scan3A_1654 {offsets = [0, 0], sizes = [4, 1], strides = [1, 1]} : vector<4x3xf32> to vector<4x1xf32>
      %slice3A_1786 = vector.extract_strided_slice %scan3A_1654 {offsets = [0, 1], sizes = [4, 1], strides = [1, 1]} : vector<4x3xf32> to vector<4x1xf32>
      %slice3A_1787 = vector.extract_strided_slice %scan3A_1654 {offsets = [0, 2], sizes = [4, 1], strides = [1, 1]} : vector<4x3xf32> to vector<4x1xf32>
      %mul3A_1788 = arith.mulf %scan3A_1655, %scan3A_1650 : vector<4x512xf32>
      %reduce_sum3A_1789 = arith.constant dense<0.000000e+00> : vector<4xf32>
      %reduce_sum3A_1790 = vector.multi_reduction <add>, %mul3A_1788, %reduce_sum3A_1789 [1] : vector<4x512xf32> to vector<4xf32>
      %broadcast_in_dim3A_1791 = vector.shape_cast %reduce_sum3A_1790 : vector<4xf32> to vector<4x1xf32>
      %gt3A = arith.constant 112 : i32
      %gt3A_1792 = arith.cmpi sgt, %scan3A_1648, %gt3A : i32
      %jit3A_1793 = arith.constant 0xFF800000 : f32
      %broadcast_in_dim3A_1794 = vector.broadcast %jit3A_1793 : f32 to vector<4x1xf32>
      %select_n3A_1795 = arith.select %gt3A_1792, %broadcast_in_dim3A_1791, %broadcast_in_dim3A_1794 : vector<4x1xf32>
      %max3A_1796 = arith.maximumf %scan3A_1651, %select_n3A_1795 : vector<4x1xf32>
      %max3A_1797 = arith.maximumf %max3A_1796, %slice3A_1786 : vector<4x1xf32>
      %sub3A_1798 = arith.subf %slice3A_1786, %max3A_1797 : vector<4x1xf32>
      %exp3A_1799 = math.exp %sub3A_1798 : vector<4x1xf32>
      %sub3A_1800 = arith.subf %scan3A_1651, %max3A_1797 : vector<4x1xf32>
      %exp3A_1801 = math.exp %sub3A_1800 : vector<4x1xf32>
      %sub3A_1802 = arith.subf %select_n3A_1795, %max3A_1797 : vector<4x1xf32>
      %exp3A_1803 = math.exp %sub3A_1802 : vector<4x1xf32>
      %mul3A_1804 = vector.broadcast %exp3A_1799 : vector<4x1xf32> to vector<4x512xf32>
      %mul3A_1805 = arith.mulf %mul3A_1804, %concatenate3A_1713 : vector<4x512xf32>
      %mul3A_1806 = vector.broadcast %exp3A_1801 : vector<4x1xf32> to vector<4x512xf32>
      %mul3A_1807 = arith.mulf %mul3A_1806, %dot_general3A_1664 : vector<4x512xf32>
      %add3A_1808 = arith.addf %mul3A_1805, %mul3A_1807 : vector<4x512xf32>
      %mul3A_1809 = vector.broadcast %exp3A_1803 : vector<4x1xf32> to vector<4x512xf32>
      %mul3A_1810 = arith.mulf %mul3A_1809, %scan3A_1650 : vector<4x512xf32>
      %add3A_1811 = arith.addf %add3A_1808, %mul3A_1810 : vector<4x512xf32>
      %mul3A_1812 = arith.mulf %exp3A_1799, %slice3A_1787 : vector<4x1xf32>
      %mul3A_1813 = arith.mulf %exp3A_1801, %scan3A_1652 : vector<4x1xf32>
      %add3A_1814 = arith.addf %mul3A_1812, %mul3A_1813 : vector<4x1xf32>
      %add3A_1815 = arith.addf %add3A_1814, %exp3A_1803 : vector<4x1xf32>
      %div3A_1816 = vector.broadcast %add3A_1815 : vector<4x1xf32> to vector<4x512xf32>
      %div3A_1817 = arith.divf %add3A_1811, %div3A_1816 : vector<4x512xf32>
      %tanh3A = math.tanh %div3A_1817 : vector<4x512xf32>
      %mul3A_1818 = arith.mulf %scan3A_1649, %concatenate3A_1759 : vector<4x1xf32>
      %ge3A_1819 = arith.constant 0.000000e+00 : f32
      %ge3A_1820 = vector.broadcast %ge3A_1819 : f32 to vector<4x1xf32>
      %ge3A_1821 = arith.cmpf oge, %slice3A_1785, %ge3A_1820 : vector<4x1xf32>
      %broadcast_in_dim3A_1822 = vector.shape_cast %ge3A_1821 : vector<4x1xi1> to vector<4x1xi1>
      %broadcast_in_dim3A_1823 = vector.broadcast %broadcast_in_dim3A_1822 : vector<4x1xi1> to vector<4x512xi1>
      %select_n3A_1824 = arith.select %broadcast_in_dim3A_1823, %tanh3A, %concatenate3A_1736 : vector<4x512xi1>, vector<4x512xf32>
      %gt3A_1825 = arith.constant 0.000000e+00 : f32
      %gt3A_1826 = vector.broadcast %gt3A_1825 : f32 to vector<4x1xf32>
      %gt3A_1827 = arith.cmpf ogt, %mul3A_1818, %gt3A_1826 : vector<4x1xf32>
      %eq3A_1828 = vector.broadcast %scan3A_1648 : i32 to vector<4x1xi32>
      %eq3A_1829 = arith.cmpi eq, %broadcast_in_dim3A_89, %eq3A_1828 : vector<4x1xi32>
      %jit3A_1830 = arith.constant 0.000000e+00 : f32
      %broadcast_in_dim3A_1831 = vector.shape_cast %eq3A_1829 : vector<4x1xi1> to vector<4x1xi1>
      %broadcast_in_dim3A_1832 = vector.broadcast %broadcast_in_dim3A_1831 : vector<4x1xi1> to vector<4x512xi1>
      %broadcast_in_dim3A_1833 = vector.broadcast %jit3A_1830 : f32 to vector<4x512xf32>
      %select_n3A_1834 = arith.select %broadcast_in_dim3A_1832, %concatenate3A_1736, %broadcast_in_dim3A_1833 : vector<4x512xi1>, vector<4x512xf32>
      %broadcast_in_dim3A_1835 = vector.shape_cast %gt3A_1827 : vector<4x1xi1> to vector<4x1xi1>
      %broadcast_in_dim3A_1836 = vector.broadcast %broadcast_in_dim3A_1835 : vector<4x1xi1> to vector<4x512xi1>
      %select_n3A_1837 = arith.select %broadcast_in_dim3A_1836, %select_n3A_1824, %select_n3A_1834 : vector<4x512xi1>, vector<4x512xf32>
      %slice3A_1838 = vector.extract_strided_slice %select_n3A_1837 {offsets = [0, 0], sizes = [1, 512], strides = [1, 1]} : vector<4x512xf32> to vector<1x512xf32>
      %mul3A_1839 = arith.constant 4 : i32
      %mul3A_1840 = arith.muli %mul3A_1839, %scan3A_1648 : i32
      %add3A_1841 = arith.constant 0 : i32
      %add3A_1842 = arith.addi %mul3A_1840, %add3A_1841 : i32
      %swap3A_1843 = arith.index_cast %add3A_1842 : i32 to index
      %swap3A_1844 = arith.constant 0 : index
      %swap3A_1845 = vector.load %arg12[%swap3A_1843, %swap3A_1844] : memref<512x512xf32, #tpu.memory_space<vmem>>, vector<1x512xf32>
      tpu.vector_store %arg12[%swap3A_1843, %swap3A_1844], %slice3A_1838 {strides = array<i32>} : memref<512x512xf32, #tpu.memory_space<vmem>>, vector<1x512xf32>,
      %slice3A_1846 = vector.extract_strided_slice %select_n3A_1837 {offsets = [1, 0], sizes = [1, 512], strides = [1, 1]} : vector<4x512xf32> to vector<1x512xf32>
      %mul3A_1847 = arith.constant 4 : i32
      %mul3A_1848 = arith.muli %mul3A_1847, %scan3A_1648 : i32
      %add3A_1849 = arith.constant 1 : i32
      %add3A_1850 = arith.addi %mul3A_1848, %add3A_1849 : i32
      %swap3A_1851 = arith.index_cast %add3A_1850 : i32 to index
      %swap3A_1852 = arith.constant 0 : index
      %swap3A_1853 = vector.load %arg12[%swap3A_1851, %swap3A_1852] : memref<512x512xf32, #tpu.memory_space<vmem>>, vector<1x512xf32>
      tpu.vector_store %arg12[%swap3A_1851, %swap3A_1852], %slice3A_1846 {strides = array<i32>} : memref<512x512xf32, #tpu.memory_space<vmem>>, vector<1x512xf32>,
      %slice3A_1854 = vector.extract_strided_slice %select_n3A_1837 {offsets = [2, 0], sizes = [1, 512], strides = [1, 1]} : vector<4x512xf32> to vector<1x512xf32>
      %mul3A_1855 = arith.constant 4 : i32
      %mul3A_1856 = arith.muli %mul3A_1855, %scan3A_1648 : i32
      %add3A_1857 = arith.constant 2 : i32
      %add3A_1858 = arith.addi %mul3A_1856, %add3A_1857 : i32
      %swap3A_1859 = arith.index_cast %add3A_1858 : i32 to index
      %swap3A_1860 = arith.constant 0 : index
      %swap3A_1861 = vector.load %arg12[%swap3A_1859, %swap3A_1860] : memref<512x512xf32, #tpu.memory_space<vmem>>, vector<1x512xf32>
      tpu.vector_store %arg12[%swap3A_1859, %swap3A_1860], %slice3A_1854 {strides = array<i32>} : memref<512x512xf32, #tpu.memory_space<vmem>>, vector<1x512xf32>,
      %slice3A_1862 = vector.extract_strided_slice %select_n3A_1837 {offsets = [3, 0], sizes = [1, 512], strides = [1, 1]} : vector<4x512xf32> to vector<1x512xf32>
      %mul3A_1863 = arith.constant 4 : i32
      %mul3A_1864 = arith.muli %mul3A_1863, %scan3A_1648 : i32
      %add3A_1865 = arith.constant 3 : i32
      %add3A_1866 = arith.addi %mul3A_1864, %add3A_1865 : i32
      %swap3A_1867 = arith.index_cast %add3A_1866 : i32 to index
      %swap3A_1868 = arith.constant 0 : index
      %swap3A_1869 = vector.load %arg12[%swap3A_1867, %swap3A_1868] : memref<512x512xf32, #tpu.memory_space<vmem>>, vector<1x512xf32>
      tpu.vector_store %arg12[%swap3A_1867, %swap3A_1868], %slice3A_1862 {strides = array<i32>} : memref<512x512xf32, #tpu.memory_space<vmem>>, vector<1x512xf32>,
      %slice3A_1870 = vector.extract_strided_slice %concatenate3A_1784 {offsets = [0, 0], sizes = [4, 1], strides = [1, 1]} : vector<4x3xf32> to vector<4x1xf32>
      %eq3A_1871 = vector.broadcast %select_n3A_1582 : vector<1x64xi32> to vector<4x64xi32>
      %eq3A_1872 = vector.broadcast %iota3A_151 : vector<4x1xi32> to vector<4x64xi32>
      %eq3A_1873 = arith.cmpi eq, %eq3A_1871, %eq3A_1872 : vector<4x64xi32>
      %ge3A_1874 = vector.broadcast %convert_element_type3A_1560 : vector<1x64xf32> to vector<4x64xf32>
      %ge3A_1875 = vector.broadcast %slice3A_1870 : vector<4x1xf32> to vector<4x64xf32>
      %ge3A_1876 = arith.cmpf oge, %ge3A_1874, %ge3A_1875 : vector<4x64xf32>
      %and3A_1877 = arith.andi %eq3A_1873, %ge3A_1876 : vector<4x64xi1>
      %lt3A_1878 = vector.broadcast %scan3A_1648 : i32 to vector<1x64xi32>
      %lt3A_1879 = arith.cmpi slt, %add3A_1559, %lt3A_1878 : vector<1x64xi32>
      %and3A_1880 = vector.broadcast %lt3A_1879 : vector<1x64xi1> to vector<4x64xi1>
      %and3A_1881 = arith.andi %and3A_1877, %and3A_1880 : vector<4x64xi1>
      %jit3A_1882 = arith.constant 0xFF800000 : f32
      %broadcast_in_dim3A_1883 = vector.broadcast %jit3A_1882 : f32 to vector<4x64xf32>
      %select_n3A_1884 = arith.select %and3A_1881, %dot_general3A_1692, %broadcast_in_dim3A_1883 : vector<4x64xi1>, vector<4x64xf32>
      %reduce_max3A_1885 = arith.constant dense<0xFF800000> : vector<4xf32>
      %reduce_max3A_1886 = vector.multi_reduction <maximumf>, %select_n3A_1884, %reduce_max3A_1885 [1] : vector<4x64xf32> to vector<4xf32>
      %broadcast_in_dim3A_1887 = vector.shape_cast %reduce_max3A_1886 : vector<4xf32> to vector<4x1xf32>
      %sub3A_1888 = vector.broadcast %broadcast_in_dim3A_1887 : vector<4x1xf32> to vector<4x64xf32>
      %sub3A_1889 = arith.subf %dot_general3A_1692, %sub3A_1888 : vector<4x64xf32>
      %exp3A_1890 = math.exp %sub3A_1889 : vector<4x64xf32>
      %jit3A_1891 = arith.constant 0.000000e+00 : f32
      %broadcast_in_dim3A_1892 = vector.broadcast %jit3A_1891 : f32 to vector<4x64xf32>
      %select_n3A_1893 = arith.select %and3A_1881, %exp3A_1890, %broadcast_in_dim3A_1892 : vector<4x64xi1>, vector<4x64xf32>
      %reduce_sum3A_1894 = arith.constant dense<0.000000e+00> : vector<4xf32>
      %reduce_sum3A_1895 = vector.multi_reduction <add>, %select_n3A_1893, %reduce_sum3A_1894 [1] : vector<4x64xf32> to vector<4xf32>
      %broadcast_in_dim3A_1896 = vector.shape_cast %reduce_sum3A_1895 : vector<4xf32> to vector<4x1xf32>
      scf.yield %mul3A_1818, %select_n3A_1837, %broadcast_in_dim3A_1887, %broadcast_in_dim3A_1896, %select_n3A_1893, %concatenate3A_1784, %concatenate3A_1690 : vector<4x1xf32>, vector<4x512xf32>, vector<4x1xf32>, vector<4x1xf32>, vector<4x64xf32>, vector<4x3xf32>, vector<4x512xf32>
    }
    %scan3A_1620 = arith.constant 16 : i32
    %get3A_1621 = arith.constant 0 : index
    %get3A_1622 = arith.constant 0 : index
    %get3A_1623 = vector.load %arg13[%get3A_1621, %get3A_1622] : memref<512x512xf32, #tpu.memory_space<vmem>>, vector<512x512xf32>
    %get3A_1624 = arith.constant 0 : index
    %get3A_1625 = arith.constant 0 : index
    %get3A_1626 = vector.load %arg9[%get3A_1624, %get3A_1625] : memref<512x512xf32, #tpu.memory_space<vmem>>, vector<512x512xf32>
    %dot_general3A_1627 = arith.constant dense<0.000000e+00> : vector<512x512xf32>
    %dot_general3A_1628 = tpu.matmul %get3A_1623, %get3A_1626, %dot_general3A_1627 {dimension_numbers = #tpu.dot_dimension_numbers<[1], [1], [0], [0], [0, 0, 1, 0], [], []>, transpose_lhs_hint = false} : vector<512x512xf32>, vector<512x512xf32>, vector<512x512xf32> -> vector<512x512xf32>
    %get3A_1629 = arith.constant 0 : index
    %get3A_1630 = arith.constant 0 : index
    %get3A_1631 = vector.load %arg10[%get3A_1629, %get3A_1630] : memref<1x512xf32, #tpu.memory_space<vmem>>, vector<1x512xf32>
    %add3A_1632 = vector.broadcast %get3A_1631 : vector<1x512xf32> to vector<512x512xf32>
    %add3A_1633 = arith.addf %dot_general3A_1628, %add3A_1632 : vector<512x512xf32>
    %get3A_1634 = arith.constant 0 : index
    %get3A_1635 = arith.constant 0 : index
    %get3A_1636 = vector.load %arg12[%get3A_1634, %get3A_1635] : memref<512x512xf32, #tpu.memory_space<vmem>>, vector<512x512xf32>
    %mul3A_1637 = arith.mulf %add3A_1633, %get3A_1636 : vector<512x512xf32>
    %max3A_1638 = arith.constant 0.000000e+00 : f32
    %max3A_1639 = vector.broadcast %max3A_1638 : f32 to vector<512x512xf32>
    %max3A_1640 = arith.maximumf %mul3A_1637, %max3A_1639 : vector<512x512xf32>
    %get3A_1641 = arith.constant 0 : index
    %get3A_1642 = arith.constant 0 : index
    %get3A_1643 = vector.load %arg13[%get3A_1641, %get3A_1642] : memref<512x512xf32, #tpu.memory_space<vmem>>, vector<512x512xf32>
    %add3A_1644 = arith.addf %max3A_1640, %get3A_1643 : vector<512x512xf32>
    %swap3A_1645 = arith.constant 0 : index
    %swap3A_1646 = arith.constant 0 : index
    %swap3A_1647 = vector.load %arg11[%swap3A_1645, %swap3A_1646] : memref<512x512xf32, #tpu.memory_space<vmem>>, vector<512x512xf32>
    tpu.vector_store %arg11[%swap3A_1645, %swap3A_1646], %add3A_1644 {strides = array<i32>} : memref<512x512xf32, #tpu.memory_space<vmem>>, vector<512x512xf32>,
    return
  }
}

</mosaic_0001>

<sc_bundles>
// kernel: kernel.4.cloned.1.call-start
scs
__scs_entry_jumppad:
0x0: {  	(pc) =	sbr.rel $0x88, $3  }
0x1: {  	(tag) =	ssettag $0x0;
	lr =	simm.s32 $0x1  }
0x2: {  	[smem:$0x3F97] =	sst lr;
	_ =	strace $0xD0000000  }
0x3: {  	_ = 	snop  }
0x4: {  	_ = 	snop  }
0x5: {  	_ = 	snop  }
0x6: {  	_ = 	snop  }
0x7: {  	_ = 	snop  }
__scs_overlays_trampoline_lowered:
0x8: {  	[smem:$0x3FA6] =	sst s0  }
0x9: {  	[smem:$0x3FA7] =	sst s1  }
0xa: {  	[smem:$0x3FA8] =	sst s2  }
0xb: {  	[smem:$0x3FA9] =	sst s3  }
0xc: {  	[smem:$0x3FAA] =	sst s4  }
0xd: {  	[smem:$0x3FAB] =	sst s5  }
0xe: {  	[smem:$0x3FAC] =	sst s6  }
0xf: {  	[smem:$0x3FAD] =	sst s7  }
0x10: {  	[smem:$0x3FAE] =	sst s8  }
0x11: {  	[smem:$0x3FAF] =	sst s9;
	s0 =	simm.s32 @!p0 $0x0  }
0x12: {  	s1 =	sld [smem:$0x3F95];
	s0 =	simm.s32 @p0 $0x1  }
0x13: {  	[smem:$0x3FB0] =	sst s0;
	s0 =	simm.s32 @!p1 $0x0  }
0x14: {  	s2 =	sld [smem:$0x3F94];
	s0 =	simm.s32 @p1 $0x1  }
0x15: {  	[smem:$0x3FB1] =	sst s0;
	s0 =	simm.s32 @!p2 $0x0  }
0x16: {  	s3 =	sld [smem:$0x3FDB];
	s0 =	simm.s32 @p2 $0x1  }
0x17: {  	s4 =	simm.s32 $0x1BF5;
	[smem:$0x3FB3] =	sst s0  }
0x18: {  	s0 =	sld [smem:$0x3F96];
	_ =	swait.ge [sflag:s4], $0x0  }
0x19: {  	s7 =	sld [smem:$0x3F97]  }
0x1a: {  	s8 =	sadd.s32 $0xFFFFE003, lr  }
0x1b: {  	s9 =	sadd.s32 $0xFFFFFEF7, lr;
	s5 =	simm.s32 $0xFFFFFFFF;
	p2 =	slt.u32 s8, $0xFFFFF086  }
0x1c: {  	p1 =	slt.u32 s9, $0xF7A;
	s5 =	simm.s32 @!p2 $0x0  }
0x1d: {  	s5 =	simm.s32 @p1 $0x1;
	p0 =	seq.s32 s7, s2  }
0x1e: {  	s7 =	smul.u32 @!p0 $0xF7A, s2;
	p2 =	seq.s32 @!p0 s5, $0x0  }
0x1f: {  	s9 =	smul.u32 $0xF7A, s1;
	s8 =	simm.s32 @!p0 $0x1BF5;
	p2 =	por !p2, p0  }
0x20: {  	[sflag:s8] =	ssyncset.s32 @!p0 $0xFFFFF086;
	s6 =	sadd.s32 @!p0 s3, s7;
	s7 =	simm.s32 @!p0 $0x108  }
0x21: {  	s3 =	sadd.s32 s3, s9;
	s6 =	sadd.s32 @!p0 $0x88, s6;
	s7 =	simm.s32 @p2 $0x1082  }
0x22: {  	[simem:s7], [sflag:s8] =	dma.local @!p0 [hbm:s6], $0xF7A  }
0x23: {  	s9 =	sor.u32 $0xD0000000, s2;
	s6 =	simm.s32 $0x108;
	_ =	swait.ge @!p0 [sflag:s8], $0x0  }
0x24: {  	s3 =	sadd.s32 $0x88, s3;
	s6 =	simm.s32 @!p1 $0x1082;
	[sflag:s4] =	ssyncset.s32 $0xFFFFF086  }
0x25: {  	[simem:s6], [sflag:s4] =	dma.local [hbm:s3], $0xF7A  }
0x26: {  	[smem:$0x3F97] =	sst s1;
	(tag) =	ssettag s2;
	_ =	strace s9  }
0x27: {  	s1 =	sld [smem:$0x3FA7]  }
0x28: {  	s2 =	sld [smem:$0x3FA8]  }
0x29: {  	s4 =	sld [smem:$0x3FAA]  }
0x2a: {  	p0 =	seq.s32 s5, $0x0;
	s5 =	sld [smem:$0x3FAB]  }
0x2b: {  	s6 =	sld [smem:$0x3FAC]  }
0x2c: {  	s7 =	sld [smem:$0x3FAD]  }
0x2d: {  	s3 =	simm.s32 $0x108;
	s8 =	sld [smem:$0x3FAE]  }
0x2e: {  	s3 =	simm.s32 @!p0 $0x1082;
	s9 =	sld [smem:$0x3FAF]  }
0x2f: {  	lr =	sadd.s32 s0, s3;
	s0 =	sld [smem:$0x3FA6]  }
0x30: {  	s3 =	sld [smem:$0x3FA9]  }
0x31: {  	[smem:$0x3FB2] =	sst s10  }
0x32: {  	s10 =	sld [smem:$0x3FB0];
	_ =	sdelay $0x3  }
0x33: {  	p0 =	seq.s32 s10, $0x1;
	s10 =	sld [smem:$0x3FB2];
	_ =	sdelay $0x3  }
0x34: {  	[smem:$0x3FB2] =	sst s10  }
0x35: {  	s10 =	sld [smem:$0x3FB1];
	_ =	sdelay $0x3  }
0x36: {  	p1 =	seq.s32 s10, $0x1;
	s10 =	sld [smem:$0x3FB2];
	_ =	sdelay $0x3  }
0x37: {  	[smem:$0x3FB2] =	sst s10  }
0x38: {  	s10 =	sld [smem:$0x3FB3]  }
0x39: {  	_ = 	snop;
	(pc) =	sbr.ind lr, $3  }
0x3a: {  	_ = 	snop  }
0x3b: {  	_ = 	snop  }
0x3c: {  	p2 =	seq.s32 s10, $0x1;
	s10 =	sld [smem:$0x3FB2]  }
0x3d: {  	_ =	shalt  }
0x3e: {  	_ =	shalt  }
0x3f: {  	_ =	shalt  }
0x40: {  	_ =	shalt  }
0x41: {  	_ =	shalt  }
0x42: {  	_ =	shalt  }
0x43: {  	_ =	shalt  }
0x44: {  	_ =	shalt  }
0x45: {  	_ =	shalt  }
0x46: {  	_ =	shalt  }
0x47: {  	_ =	shalt  }
0x48: {  	_ =	shalt  }
0x49: {  	_ =	shalt  }
0x4a: {  	_ =	shalt  }
0x4b: {  	_ =	shalt  }
0x4c: {  	_ =	shalt  }
0x4d: {  	_ =	shalt  }
0x4e: {  	_ =	shalt  }
0x4f: {  	_ =	shalt  }
0x50: {  	_ =	shalt  }
0x51: {  	_ =	shalt  }
0x52: {  	_ =	shalt  }
0x53: {  	_ =	shalt  }
0x54: {  	_ =	shalt  }
0x55: {  	_ =	shalt  }
0x56: {  	_ =	shalt  }
0x57: {  	_ =	shalt  }
0x58: {  	_ =	shalt  }
0x59: {  	_ =	shalt  }
0x5a: {  	_ =	shalt  }
0x5b: {  	_ =	shalt  }
0x5c: {  	_ =	shalt  }
0x5d: {  	_ =	shalt  }
0x5e: {  	_ =	shalt  }
0x5f: {  	_ =	shalt  }
0x60: {  	_ =	shalt  }
0x61: {  	_ =	shalt  }
0x62: {  	_ =	shalt  }
0x63: {  	_ =	shalt  }
0x64: {  	_ =	shalt  }
0x65: {  	_ =	shalt  }
0x66: {  	_ =	shalt  }
0x67: {  	_ =	shalt  }
0x68: {  	_ =	shalt  }
0x69: {  	_ =	shalt  }
0x6a: {  	_ =	shalt  }
0x6b: {  	_ =	shalt  }
0x6c: {  	_ =	shalt  }
0x6d: {  	_ =	shalt  }
0x6e: {  	_ =	shalt  }
0x6f: {  	_ =	shalt  }
0x70: {  	_ =	shalt  }
0x71: {  	_ =	shalt  }
0x72: {  	_ =	shalt  }
0x73: {  	_ =	shalt  }
0x74: {  	_ =	shalt  }
0x75: {  	_ =	shalt  }
0x76: {  	_ =	shalt  }
0x77: {  	_ =	shalt  }
0x78: {  	_ =	shalt  }
0x79: {  	_ =	shalt  }
0x7a: {  	_ =	shalt  }
0x7b: {  	_ =	shalt  }
0x7c: {  	_ =	shalt  }
0x7d: {  	_ =	shalt  }
0x7e: {  	_ =	shalt  }
0x7f: {  	_ =	shalt  }
0x80: {  	_ =	shalt  }
0x81: {  	_ =	shalt  }
0x82: {  	_ =	shalt  }
0x83: {  	_ =	shalt  }
0x84: {  	_ =	shalt  }
0x85: {  	_ =	shalt  }
0x86: {  	_ =	shalt  }
0x87: {  	_ =	shalt  }
.Lfunc_end0:
.L_simem_size_0:
called_computation_lowered:
.L_overlay_start_0:
0x88: {  	s2 =	sld [smem:$0x3FD9]  }
0x89: {  	s3 =	sld [smem:$0x3FFE];
	_ =	sdelay $0x1  }
0x8a: {  	s1 =	srdreg.scid  }
0x8b: {  	s0 =	sand.u32 $0x1, s1  }
0x8c: {  	s17 =	sshll.u32 s0, $0xA;
	s2 =	sadd.s32 s3, s2  }
0x8d: {  	s2 =	sadd.s32 s2, s17  }
0x8e: {  	[smem:$0x3FBE] =	sst s2  }
0x8f: {  	_ = 	snop  }
0x90: {  	s2 =	sld [smem:$0x3FD0];
	(tm) =	ssettm $0x1  }
0x91: {  	s18 =	sld [smem:$0x3FFB];
	_ =	sdelay $0x3  }
0x92: {  	_ =	strace s18  }
0x93: {  	s3 =	sld [smem:$0x3FFC];
	_ =	sdelay $0x3  }
0x94: {  	_ =	strace s3  }
0x95: {  	s3 =	sld [smem:$0x3FFD];
	_ =	sdelay $0x3  }
0x96: {  	_ =	strace s3  }
0x97: {  	_ =	strace $0x8FFFFFFF  }
0x98: {  	s19 =	sld [smem:$0x3FDB];
	_ =	sdelay $0x1  }
0x99: {  	s4 =	simm.s32 $_scs_section_size  }
0x9a: {  	s5 =	simm.s32 $_size__tile_overlayer_lowered;
	s6 =	simm.s32 $_tile_overlayer_lowered  }
0x9b: {  	s22 =	simm.s32 $0x1BFF;
	s21 =	sshll.u32 s6, $0x1;
	s3 =	sadd.s32 s4, s19  }
0x9c: {  	s7 =	simm.s32 $0x0;
	s20 =	sshll.u32 s5, $0x1;
	s5 =	sadd.s32 s21, s3  }
0x9d: {  	[timem:s7], [sflag:s22] =	dma.local [hbm:s5], s20  }
0x9e: {  	_ =	swait.ge [sflag:s22], s20  }
0x9f: {  	s4 =	ssub.s32 $0x0, s20;
	[sflag:s22] =	ssyncset.done $0x0  }
0xa0: {  	[sflag:s22] =	ssyncadd.s32 s4;
	_ =	sdelay $0x1  }
0xa1: {  	s23 =	simm.s32 $0x1B8B  }
0xa2: {  	_ =	swait.ge [sflag:s23], $0x1  }
0xa3: {  	[sflag:s23] =	ssyncset.done $0x0  }
0xa4: {  	s25 =	simm.s32 $0x1B8E;
	s24 =	sld [smem:$0x3FFE];
	[sflag:s23] =	ssyncadd.s32 $0xFFFFFFFF  }
0xa5: {  	s26 =	simm.s32 $execute0_lowered;
	[smem:$0x3FD2] =	sst s25  }
0xa6: {  	s5 =	sshll.u32 s26, $0x1;
	_ =	strace $0x80000046;
	[dreg:$0x1] =	wrdreg $0xFFFFFFFF  }
0xa7: {  	s28 =	simm.s32 $_size_execute0_lowered;
	s3 =	sadd.s32 s3, s5;
	[dreg:$0x0] =	wrdreg $0x0  }
0xa8: {  	s5 =	sshll.u32 s28, $0x1;
	[dreg:$0x2] =	wrdreg s3  }
0xa9: {  	[dreg:$0x3] =	wrdreg s5  }
0xaa: {  	[dreg:$0x4] =	wrdreg $0xC0  }
0xab: {  	_ =	task [dreg:s7], $0x5FFFF  }
0xac: {  	[dreg:$0x1] =	wrdreg $0xFFFFFFFF  }
0xad: {  	[dreg:$0x0] =	wrdreg $0x60  }
0xae: {  	[dreg:$0x2] =	wrdreg s2  }
0xaf: {  	[dreg:$0x3] =	wrdreg s24  }
0xb0: {  	[dreg:$0x4] =	wrdreg $0x9  }
0xb1: {  	_ =	task.clear_ibuf [dreg:s7], $0x5FFFF;
	_ =	strace $0x90000046  }
0xb2: {  	s29 =	simm.s32 $0x9;
	_ =	strace $0x80000048  }
0xb3: {  	_ =	swait.ge [sflag:s29], $0x1  }
0xb4: {  	[sflag:s29] =	ssyncadd.s32 $0xFFFFFFFF  }
0xb5: {  	_ =	strace $0x90000048  }
0xb6: {  	_ =	sfence  }
0xb7: {  	s30 =	sld [smem:$0x0];
	_ =	sdelay $0x2  }
0xb8: {  	s31 =	sshll.u32 s1, $0xD;
	s1 =	sshrl.u32 s1, $0x2  }
0xb9: {  	s3 =	sand.u32 $0x4000, s31;
	s1 =	sadd.s32 s1, s30  }
0xba: {  	s0 =	sor.u32 s3, s0;
	s1 =	sshll.u32 s1, $0x11  }
0xbb: {  	s0 =	sor.u32 s1, s0  }
0xbc: {  	s0 =	sadd.s32 $0x8F2B, s0  }
0xbd: {  	[sflag:s0] =	ssyncadd.remote.s32 $0x1  }
0xbe: {  	_ =	sfence.sel $0xFFFF  }
0xbf: {  	[dreg:$0x0] =	wrdreg $0xFFFFFFFF;
	(pc) =	sbr.abs _section_cstart, $3  }
0xc0: {  	[dreg:$0x1] =	wrdreg $0xFFFFFFFF  }
0xc1: {  	_ =	task.clear_ibuf [dreg:s7], $0x2FFFF;
	_ =	strace $0x9FFFFFFF  }
0xc2: {  	(tm) =	ssettm $0x7FFFFFFF  }
0xc3: {  	_ =	shalt  }
tec
execute0_lowered:
.L_overlay_start_1:
0x0: {  	(tag) =	ssettag $0x1  }
0x1: {  	s3 =	rddreg [dreg:$0x0]  }
0x2: {  	s4 =	rddreg [dreg:$0x1]  }
0x3: {  	s0 =	rddreg [dreg:$0x2];
	s5 =	srdreg.scid  }
0x4: {  	s1 =	stileid.u32;
	s2 =	simm.s32 $0x0;
	s10 =	simm.s32 $0x800  }
0x5: {  	s11 =	simm.s32 $0x880;
	s12 =	simm.s32 $0x0;
	s5 =	sand.u32 $0x1, s5  }
0x6: {  	s6 =	sshll.u32 s1, $0x1;
	[smem:$0x7FF] =	sst s2;
	s8 =	sshll.u32 s1, $0x9  }
0x7: {  	s6 =	sor.u32 s5, s6;
	_ =	strace $0x80000047;
	s5 =	ssub.s32 $0x2, s5  }
0x8: {  	s8 =	sand.u32 $0x1800, s8;
	s7 =	sshll.u32 s6, $0x1;
	s6 =	sshll.u32 s6, $0x4  }
0x9: {  	s9 =	sshrl.u32 s5, $0x1;
	s3 =	sadd.s32 s3, s8;
	s8 =	simm.s32 $0x400  }
0xa: {  	s6 =	sand.u32 $0x70, s6;
	s7 =	sadd.s32 s7, s4;
	s31 =	ssub.s32 s5, s9  }
0xb: {  	s9 =	simm.s32 $0x1;
	s3 =	sadd.s32 s6, s3;
	s4 =	sadd.s32 $0x1600, s7  }
0xc: {  	s5 =	sadd.s32 $0x1800, s7;
	s6 =	smax.u32 s31, $0x1;
	s7 =	simm.s32 $0x80  }
.LBB2_1:
0xd: {  	[tilespmem:s2], [sflag:$0x1] =	stream.strided.gather [hbm4b:s3+s7], $0x800, s8, s7, $0x38;
	[tilespmem:$0x900] =	vst v63  }
0xe: {  	_ =	swait.ge [sflag:s9], $0x800  }
0xf: {  	[sflag:s9] =	ssyncset.done $0x0  }
0x10: {  	[sflag:s9] =	ssyncadd.s32 $0xFFFFF800  }
0x11: {  	[tilespmem:s10], [sflag:$0x1] =	stream.linear.gather [hbm4b:s4+s2], $0x10, $0x38;
	[tilespmem:$0x900] =	vst v63  }
0x12: {  	_ =	swait.ge [sflag:s9], $0x10  }
0x13: {  	[sflag:s9] =	ssyncset.done $0x0  }
0x14: {  	[sflag:s9] =	ssyncadd.s32 $0xFFFFFFF0  }
0x15: {  	s13 =	simm.s32 $0x0;
	v0 =	vld [tilespmem:$0x800]  }
0x16: {  	v3 =	vld [tilespmem:s13+$0x0];
	_ =	sdelay $0x1  }
0x17: {  	v4 =	vld [tilespmem:s13+$0x10];
	_ =	sdelay $0x1  }
0x18: {  	v1 =	vimm.s32 $0x0  }
0x19: {  	v7 =	vld [tilespmem:s13+$0x20];
	vm0 =	veq.s32 v3, $0x1;
	vm1 =	vgt.s32 v0, v1  }
0x1a: {  	v5 =	vimm.s32 $0xFFFFFFFF;
	vm0 =	vmand vm1, vm0  }
0x1b: {  	v6 =	vor.u32 $0x1, v1;
	v8 =	vnsel vm0, $0xFFFFFFFF, v1;
	vm0 =	veq.s32 v4, $0x1;
	v4 =	vld [tilespmem:s13+$0x30]  }
0x1c: {  	v2 =	vor.u32 $0x3, v1;
	v3 =	vor.u32 $0x2, v1;
	vm1 =	vgt.s32 v0, v6  }
0x1d: {  	vm2 =	vgt.s32 v5, v8;
	vm1 =	vmand vm1, vm0;
	vm0 =	vgt.s32 v0, v3  }
0x1e: {  	s14 =	simm.s32 $0x200;
	s13 =	simm.s32 $0x40;
	v5 =	vsel vm2, v5, v8;
	v6 =	vnsel vm1, $0xFFFFFFFF, v6;
	vm1 =	veq.s32 v7, $0x1  }
.LBB2_2:
0x1f: {  	p0 =	sne.s32 s14, $0x1F00;
	v7 =	vld [tilespmem:s13+$0x0];
	vm2 =	vgt.s32 v5, v6;
	vm0 =	vmand vm0, vm1;
	vm1 =	vgt.s32 v0, v2  }
0x20: {  	v5 =	vsel vm2, v5, v6;
	v3 =	vnsel vm0, $0xFFFFFFFF, v3;
	vm0 =	veq.s32 v4, $0x1  }
0x21: {  	v6 =	vld [tilespmem:s13+$0x10];
	vm2 =	vgt.s32 v5, v3;
	vm0 =	vmand vm1, vm0  }
0x22: {  	v1 =	vadd.s32 $0x4, v1;
	v3 =	vsel vm2, v5, v3;
	v4 =	vnsel vm0, $0xFFFFFFFF, v2  }
0x23: {  	v2 =	vor.u32 $0x3, v1;
	v8 =	vld [tilespmem:s13+$0x20];
	vm0 =	vgt.s32 v3, v4  }
.Ltmp0:
0x24: {  	vm2 =	vgt.s32 v0, v1;
	vm1 =	veq.s32 v7, $0x1;
	v5 =	vsel vm0, v3, v4;
	(pc) =	sbr.rel @p0 .LBB2_2-.Ltmp0, $4  }
0x25: {  	v7 =	vor.u32 $0x1, v1;
	v3 =	vor.u32 $0x2, v1;
	vm0 =	vmand vm2, vm1;
	v4 =	vld [tilespmem:s13+$0x30]  }
0x26: {  	vm1 =	vgt.s32 v0, v7;
	v9 =	vnsel vm0, $0xFFFFFFFF, v1;
	vm0 =	veq.s32 v6, $0x1  }
0x27: {  	vm2 =	vgt.s32 v5, v9;
	vm1 =	vmand vm1, vm0;
	vm0 =	vgt.s32 v0, v3  }
0x28: {  	s13 =	sshra.s32 s14, $0x2;
	s14 =	sadd.s32 $0x100, s14;
	v5 =	vsel vm2, v5, v9;
	v6 =	vnsel vm1, $0xFFFFFFFF, v7;
	vm1 =	veq.s32 v8, $0x1  }
0x29: {  	v7 =	vld [tilespmem:s13+$0x0];
	vm2 =	vgt.s32 v5, v6  }
0x2a: {  	vm0 =	vmand vm0, vm1;
	vm4 =	vgt.s32 v0, v2;
	v1 =	vadd.s32 $0x4, v1  }
0x2b: {  	v54 =	vld [tilespmem:s13+$0x10];
	v5 =	vsel vm2, v5, v6;
	v3 =	vnsel vm0, $0xFFFFFFFF, v3;
	vm5 =	veq.s32 v4, $0x1  }
0x2c: {  	v57 =	vor.u32 $0x3, v1;
	vm7 =	vgt.s32 v0, v1;
	v58 =	vor.u32 $0x1, v1  }
0x2d: {  	v56 =	vld [tilespmem:s13+$0x20];
	v59 =	vor.u32 $0x2, v1;
	vm2 =	vgt.s32 v5, v3;
	vm0 =	vmand vm4, vm5  }
0x2e: {  	v3 =	vsel vm2, v5, v3;
	v55 =	vnsel vm0, $0xFFFFFFFF, v2;
	vm6 =	veq.s32 v7, $0x1  }
0x2f: {  	v8 =	vld [tilespmem:s13+$0x30];
	vm10 =	vgt.s32 v0, v58;
	vm0 =	vgt.s32 v3, v55;
	vm8 =	vmand vm7, vm6  }
0x30: {  	v2 =	vsel vm0, v3, v55;
	vm9 =	veq.s32 v54, $0x1;
	v1 =	vnsel vm8, $0xFFFFFFFF, v1  }
0x31: {  	vm12 =	vgt.s32 v0, v59;
	vm0 =	vmand vm10, vm9;
	vm11 =	vgt.s32 v2, v1  }
0x32: {  	vm13 =	veq.s32 v56, $0x1;
	v60 =	vnsel vm0, $0xFFFFFFFF, v58;
	v1 =	vsel vm11, v2, v1  }
0x33: {  	vm14 =	vgt.s32 v0, v57;
	vm0 =	vmand vm12, vm13;
	vm2 =	vgt.s32 v1, v60  }
0x34: {  	vm15 =	veq.s32 v8, $0x1;
	v62 =	vnsel vm0, $0xFFFFFFFF, v59;
	v61 =	vsel vm2, v1, v60  }
0x35: {  	vm0 =	vmand vm14, vm15;
	vm2 =	vgt.s32 v61, v62  }
0x36: {  	v63 =	vnsel vm0, $0xFFFFFFFF, v57;
	v0 =	vsel vm2, v61, v62  }
0x37: {  	vm0 =	vgt.s32 v0, v63  }
0x38: {  	v0 =	vsel vm0, v0, v63  }
0x39: {  	s12 =	sadd.s32 $0x1, s12;
	v0 =	vcvt.s32.f32 v0  }
0x3a: {  	p0 =	sne.s32 s12, s6  }
.Ltmp1:
0x3b: {  	[tilespmem:$0x880] =	vst v0;
	(pc) =	sbr.rel @p0 .LBB2_1-.Ltmp1, $4  }
0x3c: {  	[hbm4b:s5+s2] =	stream.linear.scatter [tilespmem:s11], [sflag:$0x1], $0x10, $0x38;
	[tilespmem:$0x900] =	vst v63  }
0x3d: {  	_ =	swait.ge [sflag:s9], $0x10  }
0x3e: {  	[sflag:s9] =	ssyncset.done $0x0  }
0x3f: {  	[sflag:s9] =	ssyncadd.s32 $0xFFFFFFF0  }
0x40: {  	_ =	sfence.sel $0x180000  }
0x41: {  	[bflag:$0x0] =	sbarrier.arrive $0xFFFF  }
0x42: {  	p0 =	sne.s32 s1, $0x0;
	_ =	strace $0x90000047  }
0x43: {  	s0 =	sadd.s32 @!p0 $0x100000, s0;
	[bflag:$0x2] =	sbarrier.arrive $0xFFFF  }
0x44: {  	[sflag:s0] =	ssyncadd.tile.s32 @!p0 $0x1;
	_ =	shalt  }
.Lfunc_end2:
_tile_overlayer_lowered:
.L_overlay_start_2:
0x45: {  	(tag) =	ssettag $0x2  }
0x46: {  	s0 =	rddreg [dreg:$0x0];
	s2 =	stileid.u32  }
0x47: {  	s1 =	rddreg [dreg:$0x1];
	p0 =	sne.s32 s2, $0x0  }
0x48: {  	s3 =	rddreg [dreg:$0x2];
	[bflag:$0x3] =	sbarrier.arrive $0xFFFF;
	s2 =	simm.s32 @!p0 $0x1C01  }
0x49: {  	[timem:s3], [sflag:s2] =	dma.local @!p0 [hbm:s0], s1  }
0x4a: {  	s0 =	simm.s32 @!p0 $0x1  }
0x4b: {  	_ =	swait.ge @!p0 [sflag:s0], s1  }
0x4c: {  	s1 =	ssub.s32 @!p0 $0x0, s1;
	[sflag:s0] =	ssyncset.done @!p0 $0x0  }
0x4d: {  	[sflag:s0] =	ssyncadd.s32 @!p0 s1  }
0x4e: {  	[bflag:$0x3] =	sbarrier.arrive $0xFFFF  }
0x4f: {  	_ =	shalt  }

</sc_bundles>
